<compile_context>
chip_gen: v7x
topology: tpu7x:2x2x1
jax: 0.10.2.dev20260603
libtpu: 0.0.44.dev20260713+nightly
codegen_flags: <defaults>
</compile_context>

<pallas_src>
import jax
import jax.numpy as jnp
from jax import lax
from jax.experimental import pallas as pl
from jax.experimental.pallas import tpu as pltpu
from jax.experimental.pallas import tpu_sc as plsc

N_NODES = 100000
H = 128

NC = 2
NS = 16
NW = NC * NS
CHUNK = 64
N_CHUNKS = 1600
N_PAD = CHUNK * N_CHUNKS
NSETS = 2
SLICES = (576, 768, 256)
BLK = 1024


def _sc_gather_body(npw, t_hbm, i0_hbm, i1_hbm, og0, og1,
                    i0v, i1v, bufs, semg, sems):
    cid = lax.axis_index("c")
    sid = lax.axis_index("s")
    wid = sid * NC + cid

    outs = (og0, og1)

    def drain_stores(s):
        for t in range(2):
            pltpu.make_async_copy(
                bufs.at[s, t], outs[t].at[pl.ds(0, CHUNK)],
                sems.at[s]).wait()

    def fire_gathers(s, j):
        return [
            pltpu.async_copy(t_hbm.at[i0v.at[j]], bufs.at[s, 0],
                             semg.at[s]),
            pltpu.async_copy(t_hbm.at[i1v.at[j]], bufs.at[s, 1],
                             semg.at[s]),
        ]

    def fire_stores(s, j):
        base = (wid * npw + j) * CHUNK
        for t in range(2):
            pltpu.async_copy(bufs.at[s, t], outs[t].at[pl.ds(base, CHUNK)],
                             sems.at[s])

    pltpu.sync_copy(i0_hbm.at[wid], i0v)
    pltpu.sync_copy(i1_hbm.at[wid], i1v)

    def group(q, carry):
        gs = []
        for s in range(NSETS):
            j = NSETS * q + s
            pl.when(q > 0)(lambda s=s: drain_stores(s))
            gs.append(fire_gathers(s, j))
        for s in range(NSETS):
            j = NSETS * q + s
            for g in gs[s]:
                g.wait()
            fire_stores(s, j)
        return carry

    lax.fori_loop(0, npw // NSETS, group, 0)
    for s in range(NSETS):
        drain_stores(s)


def _make_sc_gather(n_chunks):
    npw = n_chunks // NW
    assert npw * NW == n_chunks and npw % NSETS == 0
    mesh = plsc.VectorSubcoreMesh(core_axis_name="c", subcore_axis_name="s")
    row = jax.ShapeDtypeStruct((n_chunks * CHUNK, H), jnp.int32)

    def body(*args):
        return _sc_gather_body(npw, *args)

    return pl.kernel(
        body,
        mesh=mesh,
        out_type=(row, row),
        scratch_types=[
            pltpu.VMEM((npw, CHUNK), jnp.int32),
            pltpu.VMEM((npw, CHUNK), jnp.int32),
            pltpu.VMEM((NSETS, 2, CHUNK, H), jnp.int32),
            pltpu.SemaphoreType.DMA((NSETS,)),
            pltpu.SemaphoreType.DMA((NSETS,)),
        ],
    )


PBLK = 2048


def _pack_body(h_ref, c_ref, t_ref):
    def tobf(u):
        return (u + jnp.uint32(0x7FFF) + ((u >> 16) & jnp.uint32(1))) >> 16

    def packhalves(u):
        lo = tobf(u[:, :64])
        hi = tobf(u[:, 64:])
        return lo | (hi << 16)

    uh = lax.bitcast_convert_type(h_ref[...], jnp.uint32)
    uc = lax.bitcast_convert_type(c_ref[...], jnp.uint32)
    t = jnp.concatenate([packhalves(uh), packhalves(uc)], axis=1)
    t_ref[...] = lax.bitcast_convert_type(t, jnp.int32)


def _pack(h, c):
    n = h.shape[0]
    return pl.pallas_call(
        _pack_body,
        grid=(pl.cdiv(n, PBLK),),
        in_specs=[
            pl.BlockSpec((PBLK, H), lambda i: (i, 0)),
            pl.BlockSpec((PBLK, H), lambda i: (i, 0)),
        ],
        out_specs=pl.BlockSpec((PBLK, H), lambda i: (i, 0)),
        out_shape=jax.ShapeDtypeStruct((n, H), jnp.int32),
        compiler_params=pltpu.CompilerParams(
            dimension_semantics=("arbitrary",),
        ),
    )(h, c)


def _unpack(g_ref):
    u = lax.bitcast_convert_type(g_ref[...], jnp.uint32)

    def expand(half):
        lo = lax.bitcast_convert_type(half << 16, jnp.float32)
        hi = lax.bitcast_convert_type(half & jnp.uint32(0xFFFF0000),
                                      jnp.float32)
        return jnp.concatenate([lo, hi], axis=1)

    return expand(u[:, :64]), expand(u[:, 64:])


def _dense_body(x_ref, g0_ref, g1_ref,
                w_ref, u0_ref, u1_ref, b_ref, f0_ref, f1_ref, bf_ref,
                *refs):
    hout_ref, cout_ref = refs[-2:]
    x = x_ref[...]
    h0, c0 = _unpack(g0_ref)
    h1, c1 = _unpack(g1_ref)
    f32 = jnp.float32
    iou = (jnp.dot(x, w_ref[...], preferred_element_type=f32)
           + jnp.dot(h0, u0_ref[...], preferred_element_type=f32)
           + jnp.dot(h1, u1_ref[...], preferred_element_type=f32)
           + b_ref[...])
    fpre = (jnp.dot(h0, f0_ref[...], preferred_element_type=f32)
            + jnp.dot(h1, f1_ref[...], preferred_element_type=f32)
            + bf_ref[...])
    f = jax.nn.sigmoid(fpre)
    c_agg = f[:, :H] * c0 + f[:, H:] * c1
    i = jax.nn.sigmoid(iou[:, :H])
    o = jax.nn.sigmoid(iou[:, H:2 * H])
    u = jnp.tanh(iou[:, 2 * H:])
    c_new = i * u + c_agg
    hout_ref[...] = o * jnp.tanh(c_new)
    cout_ref[...] = c_new


def _dense_slice(x, g0, g1, weights, h_prev, c_prev, blk_off, n_blocks):
    W_iou, Um0, Um1, b_iou, Uf0, Uf1, bf = weights
    n = x.shape[0]
    full = lambda s: pl.BlockSpec(s, lambda i: (0, 0))
    off_spec = pl.BlockSpec((BLK, H), lambda i: (i + blk_off, 0))
    loc_spec = pl.BlockSpec((BLK, H), lambda i: (i, 0))
    in_specs = [
        off_spec, loc_spec, loc_spec,
        full((H, 3 * H)), full((H, 3 * H)), full((H, 3 * H)),
        full((1, 3 * H)),
        full((H, 2 * H)), full((H, 2 * H)), full((1, 2 * H)),
    ]
    args = [x, g0, g1, W_iou, Um0, Um1, b_iou, Uf0, Uf1, bf]
    aliases = {}
    if h_prev is not None:
        in_specs += [pl.BlockSpec(memory_space=pltpu.MemorySpace.HBM),
                     pl.BlockSpec(memory_space=pltpu.MemorySpace.HBM)]
        args += [h_prev, c_prev]
        aliases = {10: 0, 11: 1}
    return pl.pallas_call(
        _dense_body,
        grid=(n_blocks,),
        in_specs=in_specs,
        out_specs=[
            pl.BlockSpec((BLK, H), lambda i: (i + blk_off, 0)),
            pl.BlockSpec((BLK, H), lambda i: (i + blk_off, 0)),
        ],
        out_shape=[
            jax.ShapeDtypeStruct((n, H), jnp.float32),
            jax.ShapeDtypeStruct((n, H), jnp.float32),
        ],
        input_output_aliases=aliases,
        compiler_params=pltpu.CompilerParams(
            dimension_semantics=("arbitrary",),
        ),
    )(*args)


@jax.jit
def _run(x, h, c, idx0, idx1, W_iou, Um0, Um1, b_iou, Uf0, Uf1, bf):
    t = _pack(h, c)
    weights = (W_iou, Um0, Um1, b_iou, Uf0, Uf1, bf)
    n = x.shape[0]

    gathers = []
    off = 0
    for ns in SLICES:
        npw = ns // NW
        i0 = lax.dynamic_slice_in_dim(idx0, off * CHUNK, ns * CHUNK)
        i1 = lax.dynamic_slice_in_dim(idx1, off * CHUNK, ns * CHUNK)
        i0 = i0.reshape(NW, npw, CHUNK)
        i1 = i1.reshape(NW, npw, CHUNK)
        gathers.append(_make_sc_gather(ns)(t, i0, i1))
        off += ns

    h_out = c_out = None
    off = 0
    for k, ns in enumerate(SLICES):
        g0, g1 = gathers[k]
        lo = off * CHUNK
        hi = min((off + ns) * CHUNK, n)
        n_blocks = pl.cdiv(hi - lo, BLK)
        h_out, c_out = _dense_slice(x, g0, g1, weights, h_out, c_out,
                                    lo // BLK, n_blocks)
        off += ns
    return h_out, c_out


def kernel(x, h, c, child_idx, W_iou, Um0_iou, Um1_iou, b_iou, U_f_w, U_f_b):
    idx = child_idx.astype(jnp.int32)
    pad = N_PAD - N_NODES
    idx0 = jnp.pad(idx[:, 0], (0, pad))
    idx1 = jnp.pad(idx[:, 1], (0, pad))
    bf = U_f_b.reshape(1, 2 * H)
    return _run(x, h, c, idx0, idx1,
                W_iou, Um0_iou, Um1_iou, b_iou,
                U_f_w[:H, :], U_f_w[H:, :], bf)

# --- scband reference (transcript-rebuilt; emitter-appended) ---
"""Pipeline reference for scband-tree-lstmcell-56727928046058 (READ-ONLY COPY).

The authoritative reference and input builder live on the scoring server;
editing this copy changes nothing except your own understanding.
"""

import jax, jax.numpy as jnp
import numpy as np

N_NODES = 100000
X_SIZE = 128
H_SIZE = 128
N_CHILD = 2


def setup_inputs(seed: int = 0) -> dict:
    key = jax.random.key(seed)
    ks = jax.random.split(key, 10)
    x = jax.random.normal(ks[0], (N_NODES, X_SIZE), dtype=jnp.float32)
    h = jax.random.normal(ks[1], (N_NODES, H_SIZE), dtype=jnp.float32)
    c = jax.random.normal(ks[2], (N_NODES, H_SIZE), dtype=jnp.float32)
    child_idx = jax.random.randint(ks[3], (N_NODES, N_CHILD), 0, N_NODES, dtype=jnp.int64)
    # learned parameters (no-bias linears stored as [in, out] matrices)
    W_iou = jax.random.normal(ks[4], (X_SIZE, 3 * H_SIZE), dtype=jnp.float32) * 0.05
    Um0_iou = jax.random.normal(ks[5], (H_SIZE, 3 * H_SIZE), dtype=jnp.float32) * 0.05
    Um1_iou = jax.random.normal(ks[6], (H_SIZE, 3 * H_SIZE), dtype=jnp.float32) * 0.05
    b_iou = jnp.zeros((1, 3 * H_SIZE), dtype=jnp.float32)
    U_f_w = jax.random.normal(ks[7], (N_CHILD * H_SIZE, N_CHILD * H_SIZE), dtype=jnp.float32) * 0.05
    U_f_b = jnp.zeros((N_CHILD * H_SIZE,), dtype=jnp.float32)
    return {
        "x": x, "h": h, "c": c, "child_idx": child_idx,
        "W_iou": W_iou, "Um0_iou": Um0_iou, "Um1_iou": Um1_iou,
        "b_iou": b_iou, "U_f_w": U_f_w, "U_f_b": U_f_b,
    }


def reference(x, h, c, child_idx, W_iou, Um0_iou, Um1_iou, b_iou, U_f_w, U_f_b):
    n, h_size = h.shape
    n_child = child_idx.shape[1]
    # message_func + mailbox: gather child states per destination node
    h_ch = jnp.take(h, child_idx, axis=0)  # [n, N, h]
    c_ch = jnp.take(c, child_idx, axis=0)  # [n, N, h]
    # reduce_func: forget gates over concatenated child hidden states
    h_cat = h_ch.reshape(n, n_child * h_size)
    f = jax.nn.sigmoid(h_cat @ U_f_w + U_f_b).reshape(n, n_child, h_size)
    c_agg = jnp.sum(f * c_ch, axis=1)  # [n, h]
    # iou contributions: input projection + per-child-slot projections (Um0, Um1)
    iou = x @ W_iou + h_ch[:, 0, :] @ Um0_iou + h_ch[:, 1, :] @ Um1_iou + b_iou
    # apply_node_func
    i, o, u = jnp.split(iou, 3, axis=1)
    i = jax.nn.sigmoid(i)
    o = jax.nn.sigmoid(o)
    u = jnp.tanh(u)
    c_new = i * u + c_agg
    h_new = o * jnp.tanh(c_new)
    return h_new, c_new

if __name__ == "__main__":
    import jax
    _d = setup_inputs()
    print(jax.jit(kernel)(*tuple(_d.values())))

</pallas_src>

<mosaic_0001>
#map = affine_map<(d0, d1) -> (0, 0)>
#map1 = affine_map<(d0, d1) -> (0, 0, 0)>
module attributes {stable_mosaic.version = 14 : i64} {
  func.func @body(%arg0: i32, %arg1: i32, %arg2: memref<100000x128xi32, #tpu.memory_space<hbm>>, %arg3: memref<32x24x64xi32, #tpu.memory_space<hbm>>, %arg4: memref<32x24x64xi32, #tpu.memory_space<hbm>>, %arg5: memref<49152x128xi32, #tpu.memory_space<hbm>>, %arg6: memref<49152x128xi32, #tpu.memory_space<hbm>>, %arg7: memref<24x64xi32, #tpu.memory_space<vmem>>, %arg8: memref<24x64xi32, #tpu.memory_space<vmem>>, %arg9: memref<2x2x64x128xi32, #tpu.memory_space<vmem>>, %arg10: memref<2x!tpu.dma_semaphore, #tpu.memory_space<semaphore_mem>>, %arg11: memref<2x!tpu.dma_semaphore, #tpu.memory_space<semaphore_mem>>) attributes {dimension_semantics = [#tpu.dimension_semantics<core_parallel>, #tpu.dimension_semantics<subcore_parallel>], iteration_bounds = array<i64: 2, 16>, scalar_prefetch = 0 : i64, scratch_operands = 5 : i64, tpu.core_type = #tpu.core_type<sc_vector_subcore>, window_params = [{transform_indices = #map}, {transform_indices = #map1}, {transform_indices = #map1}, {transform_indices = #map}, {transform_indices = #map}]} {
    %mul3A = arith.constant 2 : i32
    %mul3A_0 = arith.muli %arg1, %mul3A : i32
    %add3A = arith.addi %mul3A_0, %arg0 : i32
    "tpu.region"() ({
      %run_scoped3A = tpu.sem_alloc : memref<!tpu.dma_semaphore, #tpu.memory_space<semaphore_mem>>
      %dma_start3A = arith.constant 0 : i32
      %dma_start3A_81 = arith.constant 0 : i32
      %dma_start3A_82 = tpu.memref_slice %arg3[%add3A, %dma_start3A, %dma_start3A_81] : memref<32x24x64xi32, #tpu.memory_space<hbm>> -> memref<1x24x64xi32, #tpu.memory_space<hbm>>
      %dma_start3A_83 = tpu.memref_squeeze %dma_start3A_82 : memref<1x24x64xi32, #tpu.memory_space<hbm>> -> memref<24x64xi32, #tpu.memory_space<hbm>>
      %dma_start3A_84 = arith.constant 0 : i32
      %dma_start3A_85 = arith.constant 0 : i32
      %dma_start3A_86 = tpu.memref_slice %arg3[%add3A, %dma_start3A_84, %dma_start3A_85] : memref<32x24x64xi32, #tpu.memory_space<hbm>> -> memref<1x24x64xi32, #tpu.memory_space<hbm>>
      %dma_start3A_87 = tpu.memref_squeeze %dma_start3A_86 : memref<1x24x64xi32, #tpu.memory_space<hbm>> -> memref<24x64xi32, #tpu.memory_space<hbm>>
      tpu.enqueue_dma source(%dma_start3A_87 : memref<24x64xi32, #tpu.memory_space<hbm>>) target(%arg7 : memref<24x64xi32, #tpu.memory_space<vmem>>) target_semaphore(%run_scoped3A : memref<!tpu.dma_semaphore, #tpu.memory_space<semaphore_mem>>)
      %dma_wait3A_88 = arith.constant 0 : i32
      %dma_wait3A_89 = arith.constant 0 : i32
      %dma_wait3A_90 = tpu.memref_slice %arg3[%add3A, %dma_wait3A_88, %dma_wait3A_89] : memref<32x24x64xi32, #tpu.memory_space<hbm>> -> memref<1x24x64xi32, #tpu.memory_space<hbm>>
      %dma_wait3A_91 = tpu.memref_squeeze %dma_wait3A_90 : memref<1x24x64xi32, #tpu.memory_space<hbm>> -> memref<24x64xi32, #tpu.memory_space<hbm>>
      %dma_wait3A_92 = arith.constant 0 : i32
      %dma_wait3A_93 = arith.constant 0 : i32
      %dma_wait3A_94 = tpu.memref_slice %arg3[%add3A, %dma_wait3A_92, %dma_wait3A_93] : memref<32x24x64xi32, #tpu.memory_space<hbm>> -> memref<1x24x64xi32, #tpu.memory_space<hbm>>
      %dma_wait3A_95 = tpu.memref_squeeze %dma_wait3A_94 : memref<1x24x64xi32, #tpu.memory_space<hbm>> -> memref<24x64xi32, #tpu.memory_space<hbm>>
      tpu.wait_dma2 semaphore(%run_scoped3A : memref<!tpu.dma_semaphore, #tpu.memory_space<semaphore_mem>>) src(%dma_wait3A_95 : memref<24x64xi32, #tpu.memory_space<hbm>>) dst(%arg7 : memref<24x64xi32, #tpu.memory_space<vmem>>)
      tpu.yield
    }) : () -> ()
    "tpu.region"() ({
      %run_scoped3A = tpu.sem_alloc : memref<!tpu.dma_semaphore, #tpu.memory_space<semaphore_mem>>
      %dma_start3A = arith.constant 0 : i32
      %dma_start3A_81 = arith.constant 0 : i32
      %dma_start3A_82 = tpu.memref_slice %arg4[%add3A, %dma_start3A, %dma_start3A_81] : memref<32x24x64xi32, #tpu.memory_space<hbm>> -> memref<1x24x64xi32, #tpu.memory_space<hbm>>
      %dma_start3A_83 = tpu.memref_squeeze %dma_start3A_82 : memref<1x24x64xi32, #tpu.memory_space<hbm>> -> memref<24x64xi32, #tpu.memory_space<hbm>>
      %dma_start3A_84 = arith.constant 0 : i32
      %dma_start3A_85 = arith.constant 0 : i32
      %dma_start3A_86 = tpu.memref_slice %arg4[%add3A, %dma_start3A_84, %dma_start3A_85] : memref<32x24x64xi32, #tpu.memory_space<hbm>> -> memref<1x24x64xi32, #tpu.memory_space<hbm>>
      %dma_start3A_87 = tpu.memref_squeeze %dma_start3A_86 : memref<1x24x64xi32, #tpu.memory_space<hbm>> -> memref<24x64xi32, #tpu.memory_space<hbm>>
      tpu.enqueue_dma source(%dma_start3A_87 : memref<24x64xi32, #tpu.memory_space<hbm>>) target(%arg8 : memref<24x64xi32, #tpu.memory_space<vmem>>) target_semaphore(%run_scoped3A : memref<!tpu.dma_semaphore, #tpu.memory_space<semaphore_mem>>)
      %dma_wait3A_88 = arith.constant 0 : i32
      %dma_wait3A_89 = arith.constant 0 : i32
      %dma_wait3A_90 = tpu.memref_slice %arg4[%add3A, %dma_wait3A_88, %dma_wait3A_89] : memref<32x24x64xi32, #tpu.memory_space<hbm>> -> memref<1x24x64xi32, #tpu.memory_space<hbm>>
      %dma_wait3A_91 = tpu.memref_squeeze %dma_wait3A_90 : memref<1x24x64xi32, #tpu.memory_space<hbm>> -> memref<24x64xi32, #tpu.memory_space<hbm>>
      %dma_wait3A_92 = arith.constant 0 : i32
      %dma_wait3A_93 = arith.constant 0 : i32
      %dma_wait3A_94 = tpu.memref_slice %arg4[%add3A, %dma_wait3A_92, %dma_wait3A_93] : memref<32x24x64xi32, #tpu.memory_space<hbm>> -> memref<1x24x64xi32, #tpu.memory_space<hbm>>
      %dma_wait3A_95 = tpu.memref_squeeze %dma_wait3A_94 : memref<1x24x64xi32, #tpu.memory_space<hbm>> -> memref<24x64xi32, #tpu.memory_space<hbm>>
      tpu.wait_dma2 semaphore(%run_scoped3A : memref<!tpu.dma_semaphore, #tpu.memory_space<semaphore_mem>>) src(%dma_wait3A_95 : memref<24x64xi32, #tpu.memory_space<hbm>>) dst(%arg8 : memref<24x64xi32, #tpu.memory_space<vmem>>)
      tpu.yield
    }) : () -> ()
    %scan3A = arith.constant 0 : i32
    %scan3A_1 = arith.constant 0 : i32
    %scan3A_2 = arith.constant 12 : i32
    %scan3A_3 = arith.addi %scan3A_1, %scan3A_2 : i32
    %scan3A_4 = arith.constant 1 : i32
    scf.for %scan3A_81 = %scan3A_1 to %scan3A_3 step %scan3A_4  : i32 {
      %mul3A_82 = arith.constant 2 : i32
      %mul3A_83 = arith.muli %mul3A_82, %scan3A_81 : i32
      %add3A_84 = arith.constant 0 : i32
      %add3A_85 = arith.addi %mul3A_83, %add3A_84 : i32
      %gt3A = arith.constant 0 : i32
      %gt3A_86 = arith.cmpi sgt, %scan3A_81, %gt3A : i32
      %convert_element_type3A = arith.extui %gt3A_86 : i1 to i32
      %cond3A = arith.constant 0 : i32
      %cond3A_87 = arith.cmpi ne, %convert_element_type3A, %cond3A : i32
      scf.if %cond3A_87 {
        %dma_wait3A_302 = arith.constant 0 : i32
        %dma_wait3A_303 = arith.constant 0 : i32
        %dma_wait3A_304 = arith.constant 0 : i32
        %dma_wait3A_305 = arith.constant 0 : i32
        %dma_wait3A_306 = arith.constant 0 : i32
        %dma_wait3A_307 = tpu.memref_slice %arg9[%dma_wait3A_302, %dma_wait3A_303, %dma_wait3A_305, %dma_wait3A_306] : memref<2x2x64x128xi32, #tpu.memory_space<vmem>> -> memref<1x1x64x128xi32, #tpu.memory_space<vmem>>
        %dma_wait3A_308 = tpu.memref_squeeze %dma_wait3A_307 : memref<1x1x64x128xi32, #tpu.memory_space<vmem>> -> memref<64x128xi32, #tpu.memory_space<vmem>>
        %dma_wait3A_309 = arith.constant 0 : i32
        %dma_wait3A_310 = arith.constant 0 : i32
        %dma_wait3A_311 = tpu.memref_slice %arg5[%dma_wait3A_309, %dma_wait3A_310] : memref<49152x128xi32, #tpu.memory_space<hbm>> -> memref<64x128xi32, #tpu.memory_space<hbm>>
        %dma_wait3A_312 = tpu.memref_slice %arg11[%dma_wait3A_304] : memref<2x!tpu.dma_semaphore, #tpu.memory_space<semaphore_mem>> -> memref<1x!tpu.dma_semaphore, #tpu.memory_space<semaphore_mem>>
        %dma_wait3A_313 = tpu.memref_squeeze %dma_wait3A_312 : memref<1x!tpu.dma_semaphore, #tpu.memory_space<semaphore_mem>> -> memref<!tpu.dma_semaphore, #tpu.memory_space<semaphore_mem>>
        %dma_wait3A_314 = arith.constant 0 : i32
        %dma_wait3A_315 = arith.constant 0 : i32
        %dma_wait3A_316 = tpu.memref_slice %arg5[%dma_wait3A_314, %dma_wait3A_315] : memref<49152x128xi32, #tpu.memory_space<hbm>> -> memref<64x128xi32, #tpu.memory_space<hbm>>
        %dma_wait3A_317 = arith.constant 0 : i32
        %dma_wait3A_318 = arith.constant 0 : i32
        %dma_wait3A_319 = tpu.memref_slice %arg9[%dma_wait3A_302, %dma_wait3A_303, %dma_wait3A_317, %dma_wait3A_318] : memref<2x2x64x128xi32, #tpu.memory_space<vmem>> -> memref<1x1x64x128xi32, #tpu.memory_space<vmem>>
        %dma_wait3A_320 = tpu.memref_squeeze %dma_wait3A_319 : memref<1x1x64x128xi32, #tpu.memory_space<vmem>> -> memref<64x128xi32, #tpu.memory_space<vmem>>
        tpu.wait_dma2 semaphore(%dma_wait3A_313 : memref<!tpu.dma_semaphore, #tpu.memory_space<semaphore_mem>>) src(%dma_wait3A_320 : memref<64x128xi32, #tpu.memory_space<vmem>>) dst(%dma_wait3A_316 : memref<64x128xi32, #tpu.memory_space<hbm>>)
        %dma_wait3A_321 = arith.constant 0 : i32
        %dma_wait3A_322 = arith.constant 1 : i32
        %dma_wait3A_323 = arith.constant 0 : i32
        %dma_wait3A_324 = arith.constant 0 : i32
        %dma_wait3A_325 = arith.constant 0 : i32
        %dma_wait3A_326 = tpu.memref_slice %arg9[%dma_wait3A_321, %dma_wait3A_322, %dma_wait3A_324, %dma_wait3A_325] : memref<2x2x64x128xi32, #tpu.memory_space<vmem>> -> memref<1x1x64x128xi32, #tpu.memory_space<vmem>>
        %dma_wait3A_327 = tpu.memref_squeeze %dma_wait3A_326 : memref<1x1x64x128xi32, #tpu.memory_space<vmem>> -> memref<64x128xi32, #tpu.memory_space<vmem>>
        %dma_wait3A_328 = arith.constant 0 : i32
        %dma_wait3A_329 = arith.constant 0 : i32
        %dma_wait3A_330 = tpu.memref_slice %arg6[%dma_wait3A_328, %dma_wait3A_329] : memref<49152x128xi32, #tpu.memory_space<hbm>> -> memref<64x128xi32, #tpu.memory_space<hbm>>
        %dma_wait3A_331 = tpu.memref_slice %arg11[%dma_wait3A_323] : memref<2x!tpu.dma_semaphore, #tpu.memory_space<semaphore_mem>> -> memref<1x!tpu.dma_semaphore, #tpu.memory_space<semaphore_mem>>
        %dma_wait3A_332 = tpu.memref_squeeze %dma_wait3A_331 : memref<1x!tpu.dma_semaphore, #tpu.memory_space<semaphore_mem>> -> memref<!tpu.dma_semaphore, #tpu.memory_space<semaphore_mem>>
        %dma_wait3A_333 = arith.constant 0 : i32
        %dma_wait3A_334 = arith.constant 0 : i32
        %dma_wait3A_335 = tpu.memref_slice %arg6[%dma_wait3A_333, %dma_wait3A_334] : memref<49152x128xi32, #tpu.memory_space<hbm>> -> memref<64x128xi32, #tpu.memory_space<hbm>>
        %dma_wait3A_336 = arith.constant 0 : i32
        %dma_wait3A_337 = arith.constant 0 : i32
        %dma_wait3A_338 = tpu.memref_slice %arg9[%dma_wait3A_321, %dma_wait3A_322, %dma_wait3A_336, %dma_wait3A_337] : memref<2x2x64x128xi32, #tpu.memory_space<vmem>> -> memref<1x1x64x128xi32, #tpu.memory_space<vmem>>
        %dma_wait3A_339 = tpu.memref_squeeze %dma_wait3A_338 : memref<1x1x64x128xi32, #tpu.memory_space<vmem>> -> memref<64x128xi32, #tpu.memory_space<vmem>>
        tpu.wait_dma2 semaphore(%dma_wait3A_332 : memref<!tpu.dma_semaphore, #tpu.memory_space<semaphore_mem>>) src(%dma_wait3A_339 : memref<64x128xi32, #tpu.memory_space<vmem>>) dst(%dma_wait3A_335 : memref<64x128xi32, #tpu.memory_space<hbm>>)
      } else {
      }
      %dma_start3A = arith.constant 0 : i32
      %dma_start3A_88 = arith.constant 0 : i32
      %dma_start3A_89 = arith.constant 0 : i32
      %dma_start3A_90 = arith.constant 0 : i32
      %dma_start3A_91 = arith.constant 0 : i32
      %dma_start3A_92 = tpu.memref_slice %arg9[%dma_start3A, %dma_start3A_88, %dma_start3A_90, %dma_start3A_91] : memref<2x2x64x128xi32, #tpu.memory_space<vmem>> -> memref<1x1x64x128xi32, #tpu.memory_space<vmem>>
      %dma_start3A_93 = tpu.memref_squeeze %dma_start3A_92 : memref<1x1x64x128xi32, #tpu.memory_space<vmem>> -> memref<64x128xi32, #tpu.memory_space<vmem>>
      %dma_start3A_94 = arith.constant 0 : i32
      %dma_start3A_95 = tpu.memref_slice %arg7[%add3A_85, %dma_start3A_94] : memref<24x64xi32, #tpu.memory_space<vmem>> -> memref<1x64xi32, #tpu.memory_space<vmem>>
      %dma_start3A_96 = tpu.memref_squeeze %dma_start3A_95 : memref<1x64xi32, #tpu.memory_space<vmem>> -> memref<64xi32, #tpu.memory_space<vmem>>
      %dma_start3A_97 = arith.constant 0 : i32
      %dma_start3A_98 = arith.constant 0 : i32
      %dma_start3A_99 = tpu.memref_slice %arg2[%dma_start3A_97, %dma_start3A_98] : memref<100000x128xi32, #tpu.memory_space<hbm>> -> memref<100000x128xi32, #tpu.memory_space<hbm>>
      %dma_start3A_100 = tpu.memref_slice %arg10[%dma_start3A_89] : memref<2x!tpu.dma_semaphore, #tpu.memory_space<semaphore_mem>> -> memref<1x!tpu.dma_semaphore, #tpu.memory_space<semaphore_mem>>
      %dma_start3A_101 = tpu.memref_squeeze %dma_start3A_100 : memref<1x!tpu.dma_semaphore, #tpu.memory_space<semaphore_mem>> -> memref<!tpu.dma_semaphore, #tpu.memory_space<semaphore_mem>>
      tpu.enqueue_indirect_dma source(%dma_start3A_99 : memref<100000x128xi32, #tpu.memory_space<hbm>>) target(%dma_start3A_93 : memref<64x128xi32, #tpu.memory_space<vmem>>) offsets(%dma_start3A_96 : memref<64xi32, #tpu.memory_space<vmem>>) semaphore(%dma_start3A_101 : memref<!tpu.dma_semaphore, #tpu.memory_space<semaphore_mem>>)
      %dma_start3A_102 = arith.constant 0 : i32
      %dma_start3A_103 = arith.constant 1 : i32
      %dma_start3A_104 = arith.constant 0 : i32
      %dma_start3A_105 = arith.constant 0 : i32
      %dma_start3A_106 = arith.constant 0 : i32
      %dma_start3A_107 = tpu.memref_slice %arg9[%dma_start3A_102, %dma_start3A_103, %dma_start3A_105, %dma_start3A_106] : memref<2x2x64x128xi32, #tpu.memory_space<vmem>> -> memref<1x1x64x128xi32, #tpu.memory_space<vmem>>
      %dma_start3A_108 = tpu.memref_squeeze %dma_start3A_107 : memref<1x1x64x128xi32, #tpu.memory_space<vmem>> -> memref<64x128xi32, #tpu.memory_space<vmem>>
      %dma_start3A_109 = arith.constant 0 : i32
      %dma_start3A_110 = tpu.memref_slice %arg8[%add3A_85, %dma_start3A_109] : memref<24x64xi32, #tpu.memory_space<vmem>> -> memref<1x64xi32, #tpu.memory_space<vmem>>
      %dma_start3A_111 = tpu.memref_squeeze %dma_start3A_110 : memref<1x64xi32, #tpu.memory_space<vmem>> -> memref<64xi32, #tpu.memory_space<vmem>>
      %dma_start3A_112 = arith.constant 0 : i32
      %dma_start3A_113 = arith.constant 0 : i32
      %dma_start3A_114 = tpu.memref_slice %arg2[%dma_start3A_112, %dma_start3A_113] : memref<100000x128xi32, #tpu.memory_space<hbm>> -> memref<100000x128xi32, #tpu.memory_space<hbm>>
      %dma_start3A_115 = tpu.memref_slice %arg10[%dma_start3A_104] : memref<2x!tpu.dma_semaphore, #tpu.memory_space<semaphore_mem>> -> memref<1x!tpu.dma_semaphore, #tpu.memory_space<semaphore_mem>>
      %dma_start3A_116 = tpu.memref_squeeze %dma_start3A_115 : memref<1x!tpu.dma_semaphore, #tpu.memory_space<semaphore_mem>> -> memref<!tpu.dma_semaphore, #tpu.memory_space<semaphore_mem>>
      tpu.enqueue_indirect_dma source(%dma_start3A_114 : memref<100000x128xi32, #tpu.memory_space<hbm>>) target(%dma_start3A_108 : memref<64x128xi32, #tpu.memory_space<vmem>>) offsets(%dma_start3A_111 : memref<64xi32, #tpu.memory_space<vmem>>) semaphore(%dma_start3A_116 : memref<!tpu.dma_semaphore, #tpu.memory_space<semaphore_mem>>)
      %mul3A_117 = arith.constant 2 : i32
      %mul3A_118 = arith.muli %mul3A_117, %scan3A_81 : i32
      %add3A_119 = arith.constant 1 : i32
      %add3A_120 = arith.addi %mul3A_118, %add3A_119 : i32
      %gt3A_121 = arith.constant 0 : i32
      %gt3A_122 = arith.cmpi sgt, %scan3A_81, %gt3A_121 : i32
      %convert_element_type3A_123 = arith.extui %gt3A_122 : i1 to i32
      %cond3A_124 = arith.constant 0 : i32
      %cond3A_125 = arith.cmpi ne, %convert_element_type3A_123, %cond3A_124 : i32
      scf.if %cond3A_125 {
        %dma_wait3A_302 = arith.constant 1 : i32
        %dma_wait3A_303 = arith.constant 0 : i32
        %dma_wait3A_304 = arith.constant 1 : i32
        %dma_wait3A_305 = arith.constant 0 : i32
        %dma_wait3A_306 = arith.constant 0 : i32
        %dma_wait3A_307 = tpu.memref_slice %arg9[%dma_wait3A_302, %dma_wait3A_303, %dma_wait3A_305, %dma_wait3A_306] : memref<2x2x64x128xi32, #tpu.memory_space<vmem>> -> memref<1x1x64x128xi32, #tpu.memory_space<vmem>>
        %dma_wait3A_308 = tpu.memref_squeeze %dma_wait3A_307 : memref<1x1x64x128xi32, #tpu.memory_space<vmem>> -> memref<64x128xi32, #tpu.memory_space<vmem>>
        %dma_wait3A_309 = arith.constant 0 : i32
        %dma_wait3A_310 = arith.constant 0 : i32
        %dma_wait3A_311 = tpu.memref_slice %arg5[%dma_wait3A_309, %dma_wait3A_310] : memref<49152x128xi32, #tpu.memory_space<hbm>> -> memref<64x128xi32, #tpu.memory_space<hbm>>
        %dma_wait3A_312 = tpu.memref_slice %arg11[%dma_wait3A_304] : memref<2x!tpu.dma_semaphore, #tpu.memory_space<semaphore_mem>> -> memref<1x!tpu.dma_semaphore, #tpu.memory_space<semaphore_mem>>
        %dma_wait3A_313 = tpu.memref_squeeze %dma_wait3A_312 : memref<1x!tpu.dma_semaphore, #tpu.memory_space<semaphore_mem>> -> memref<!tpu.dma_semaphore, #tpu.memory_space<semaphore_mem>>
        %dma_wait3A_314 = arith.constant 0 : i32
        %dma_wait3A_315 = arith.constant 0 : i32
        %dma_wait3A_316 = tpu.memref_slice %arg5[%dma_wait3A_314, %dma_wait3A_315] : memref<49152x128xi32, #tpu.memory_space<hbm>> -> memref<64x128xi32, #tpu.memory_space<hbm>>
        %dma_wait3A_317 = arith.constant 0 : i32
        %dma_wait3A_318 = arith.constant 0 : i32
        %dma_wait3A_319 = tpu.memref_slice %arg9[%dma_wait3A_302, %dma_wait3A_303, %dma_wait3A_317, %dma_wait3A_318] : memref<2x2x64x128xi32, #tpu.memory_space<vmem>> -> memref<1x1x64x128xi32, #tpu.memory_space<vmem>>
        %dma_wait3A_320 = tpu.memref_squeeze %dma_wait3A_319 : memref<1x1x64x128xi32, #tpu.memory_space<vmem>> -> memref<64x128xi32, #tpu.memory_space<vmem>>
        tpu.wait_dma2 semaphore(%dma_wait3A_313 : memref<!tpu.dma_semaphore, #tpu.memory_space<semaphore_mem>>) src(%dma_wait3A_320 : memref<64x128xi32, #tpu.memory_space<vmem>>) dst(%dma_wait3A_316 : memref<64x128xi32, #tpu.memory_space<hbm>>)
        %dma_wait3A_321 = arith.constant 1 : i32
        %dma_wait3A_322 = arith.constant 1 : i32
        %dma_wait3A_323 = arith.constant 1 : i32
        %dma_wait3A_324 = arith.constant 0 : i32
        %dma_wait3A_325 = arith.constant 0 : i32
        %dma_wait3A_326 = tpu.memref_slice %arg9[%dma_wait3A_321, %dma_wait3A_322, %dma_wait3A_324, %dma_wait3A_325] : memref<2x2x64x128xi32, #tpu.memory_space<vmem>> -> memref<1x1x64x128xi32, #tpu.memory_space<vmem>>
        %dma_wait3A_327 = tpu.memref_squeeze %dma_wait3A_326 : memref<1x1x64x128xi32, #tpu.memory_space<vmem>> -> memref<64x128xi32, #tpu.memory_space<vmem>>
        %dma_wait3A_328 = arith.constant 0 : i32
        %dma_wait3A_329 = arith.constant 0 : i32
        %dma_wait3A_330 = tpu.memref_slice %arg6[%dma_wait3A_328, %dma_wait3A_329] : memref<49152x128xi32, #tpu.memory_space<hbm>> -> memref<64x128xi32, #tpu.memory_space<hbm>>
        %dma_wait3A_331 = tpu.memref_slice %arg11[%dma_wait3A_323] : memref<2x!tpu.dma_semaphore, #tpu.memory_space<semaphore_mem>> -> memref<1x!tpu.dma_semaphore, #tpu.memory_space<semaphore_mem>>
        %dma_wait3A_332 = tpu.memref_squeeze %dma_wait3A_331 : memref<1x!tpu.dma_semaphore, #tpu.memory_space<semaphore_mem>> -> memref<!tpu.dma_semaphore, #tpu.memory_space<semaphore_mem>>
        %dma_wait3A_333 = arith.constant 0 : i32
        %dma_wait3A_334 = arith.constant 0 : i32
        %dma_wait3A_335 = tpu.memref_slice %arg6[%dma_wait3A_333, %dma_wait3A_334] : memref<49152x128xi32, #tpu.memory_space<hbm>> -> memref<64x128xi32, #tpu.memory_space<hbm>>
        %dma_wait3A_336 = arith.constant 0 : i32
        %dma_wait3A_337 = arith.constant 0 : i32
        %dma_wait3A_338 = tpu.memref_slice %arg9[%dma_wait3A_321, %dma_wait3A_322, %dma_wait3A_336, %dma_wait3A_337] : memref<2x2x64x128xi32, #tpu.memory_space<vmem>> -> memref<1x1x64x128xi32, #tpu.memory_space<vmem>>
        %dma_wait3A_339 = tpu.memref_squeeze %dma_wait3A_338 : memref<1x1x64x128xi32, #tpu.memory_space<vmem>> -> memref<64x128xi32, #tpu.memory_space<vmem>>
        tpu.wait_dma2 semaphore(%dma_wait3A_332 : memref<!tpu.dma_semaphore, #tpu.memory_space<semaphore_mem>>) src(%dma_wait3A_339 : memref<64x128xi32, #tpu.memory_space<vmem>>) dst(%dma_wait3A_335 : memref<64x128xi32, #tpu.memory_space<hbm>>)
      } else {
      }
      %dma_start3A_126 = arith.constant 1 : i32
      %dma_start3A_127 = arith.constant 0 : i32
      %dma_start3A_128 = arith.constant 1 : i32
      %dma_start3A_129 = arith.constant 0 : i32
      %dma_start3A_130 = arith.constant 0 : i32
      %dma_start3A_131 = tpu.memref_slice %arg9[%dma_start3A_126, %dma_start3A_127, %dma_start3A_129, %dma_start3A_130] : memref<2x2x64x128xi32, #tpu.memory_space<vmem>> -> memref<1x1x64x128xi32, #tpu.memory_space<vmem>>
      %dma_start3A_132 = tpu.memref_squeeze %dma_start3A_131 : memref<1x1x64x128xi32, #tpu.memory_space<vmem>> -> memref<64x128xi32, #tpu.memory_space<vmem>>
      %dma_start3A_133 = arith.constant 0 : i32
      %dma_start3A_134 = tpu.memref_slice %arg7[%add3A_120, %dma_start3A_133] : memref<24x64xi32, #tpu.memory_space<vmem>> -> memref<1x64xi32, #tpu.memory_space<vmem>>
      %dma_start3A_135 = tpu.memref_squeeze %dma_start3A_134 : memref<1x64xi32, #tpu.memory_space<vmem>> -> memref<64xi32, #tpu.memory_space<vmem>>
      %dma_start3A_136 = arith.constant 0 : i32
      %dma_start3A_137 = arith.constant 0 : i32
      %dma_start3A_138 = tpu.memref_slice %arg2[%dma_start3A_136, %dma_start3A_137] : memref<100000x128xi32, #tpu.memory_space<hbm>> -> memref<100000x128xi32, #tpu.memory_space<hbm>>
      %dma_start3A_139 = tpu.memref_slice %arg10[%dma_start3A_128] : memref<2x!tpu.dma_semaphore, #tpu.memory_space<semaphore_mem>> -> memref<1x!tpu.dma_semaphore, #tpu.memory_space<semaphore_mem>>
      %dma_start3A_140 = tpu.memref_squeeze %dma_start3A_139 : memref<1x!tpu.dma_semaphore, #tpu.memory_space<semaphore_mem>> -> memref<!tpu.dma_semaphore, #tpu.memory_space<semaphore_mem>>
      tpu.enqueue_indirect_dma source(%dma_start3A_138 : memref<100000x128xi32, #tpu.memory_space<hbm>>) target(%dma_start3A_132 : memref<64x128xi32, #tpu.memory_space<vmem>>) offsets(%dma_start3A_135 : memref<64xi32, #tpu.memory_space<vmem>>) semaphore(%dma_start3A_140 : memref<!tpu.dma_semaphore, #tpu.memory_space<semaphore_mem>>)
      %dma_start3A_141 = arith.constant 1 : i32
      %dma_start3A_142 = arith.constant 1 : i32
      %dma_start3A_143 = arith.constant 1 : i32
      %dma_start3A_144 = arith.constant 0 : i32
      %dma_start3A_145 = arith.constant 0 : i32
      %dma_start3A_146 = tpu.memref_slice %arg9[%dma_start3A_141, %dma_start3A_142, %dma_start3A_144, %dma_start3A_145] : memref<2x2x64x128xi32, #tpu.memory_space<vmem>> -> memref<1x1x64x128xi32, #tpu.memory_space<vmem>>
      %dma_start3A_147 = tpu.memref_squeeze %dma_start3A_146 : memref<1x1x64x128xi32, #tpu.memory_space<vmem>> -> memref<64x128xi32, #tpu.memory_space<vmem>>
      %dma_start3A_148 = arith.constant 0 : i32
      %dma_start3A_149 = tpu.memref_slice %arg8[%add3A_120, %dma_start3A_148] : memref<24x64xi32, #tpu.memory_space<vmem>> -> memref<1x64xi32, #tpu.memory_space<vmem>>
      %dma_start3A_150 = tpu.memref_squeeze %dma_start3A_149 : memref<1x64xi32, #tpu.memory_space<vmem>> -> memref<64xi32, #tpu.memory_space<vmem>>
      %dma_start3A_151 = arith.constant 0 : i32
      %dma_start3A_152 = arith.constant 0 : i32
      %dma_start3A_153 = tpu.memref_slice %arg2[%dma_start3A_151, %dma_start3A_152] : memref<100000x128xi32, #tpu.memory_space<hbm>> -> memref<100000x128xi32, #tpu.memory_space<hbm>>
      %dma_start3A_154 = tpu.memref_slice %arg10[%dma_start3A_143] : memref<2x!tpu.dma_semaphore, #tpu.memory_space<semaphore_mem>> -> memref<1x!tpu.dma_semaphore, #tpu.memory_space<semaphore_mem>>
      %dma_start3A_155 = tpu.memref_squeeze %dma_start3A_154 : memref<1x!tpu.dma_semaphore, #tpu.memory_space<semaphore_mem>> -> memref<!tpu.dma_semaphore, #tpu.memory_space<semaphore_mem>>
      tpu.enqueue_indirect_dma source(%dma_start3A_153 : memref<100000x128xi32, #tpu.memory_space<hbm>>) target(%dma_start3A_147 : memref<64x128xi32, #tpu.memory_space<vmem>>) offsets(%dma_start3A_150 : memref<64xi32, #tpu.memory_space<vmem>>) semaphore(%dma_start3A_155 : memref<!tpu.dma_semaphore, #tpu.memory_space<semaphore_mem>>)
      %mul3A_156 = arith.constant 2 : i32
      %mul3A_157 = arith.muli %mul3A_156, %scan3A_81 : i32
      %add3A_158 = arith.constant 0 : i32
      %add3A_159 = arith.addi %mul3A_157, %add3A_158 : i32
      %dma_wait3A_160 = arith.constant 0 : i32
      %dma_wait3A_161 = arith.constant 0 : i32
      %dma_wait3A_162 = arith.constant 0 : i32
      %dma_wait3A_163 = arith.constant 0 : i32
      %dma_wait3A_164 = arith.constant 0 : i32
      %dma_wait3A_165 = tpu.memref_slice %arg9[%dma_wait3A_160, %dma_wait3A_161, %dma_wait3A_163, %dma_wait3A_164] : memref<2x2x64x128xi32, #tpu.memory_space<vmem>> -> memref<1x1x64x128xi32, #tpu.memory_space<vmem>>
      %dma_wait3A_166 = tpu.memref_squeeze %dma_wait3A_165 : memref<1x1x64x128xi32, #tpu.memory_space<vmem>> -> memref<64x128xi32, #tpu.memory_space<vmem>>
      %dma_wait3A_167 = arith.constant 0 : i32
      %dma_wait3A_168 = tpu.memref_slice %arg7[%add3A_85, %dma_wait3A_167] : memref<24x64xi32, #tpu.memory_space<vmem>> -> memref<1x64xi32, #tpu.memory_space<vmem>>
      %dma_wait3A_169 = tpu.memref_squeeze %dma_wait3A_168 : memref<1x64xi32, #tpu.memory_space<vmem>> -> memref<64xi32, #tpu.memory_space<vmem>>
      %dma_wait3A_170 = arith.constant 0 : i32
      %dma_wait3A_171 = arith.constant 0 : i32
      %dma_wait3A_172 = tpu.memref_slice %arg2[%dma_wait3A_170, %dma_wait3A_171] : memref<100000x128xi32, #tpu.memory_space<hbm>> -> memref<100000x128xi32, #tpu.memory_space<hbm>>
      %dma_wait3A_173 = tpu.memref_slice %arg10[%dma_wait3A_162] : memref<2x!tpu.dma_semaphore, #tpu.memory_space<semaphore_mem>> -> memref<1x!tpu.dma_semaphore, #tpu.memory_space<semaphore_mem>>
      %dma_wait3A_174 = tpu.memref_squeeze %dma_wait3A_173 : memref<1x!tpu.dma_semaphore, #tpu.memory_space<semaphore_mem>> -> memref<!tpu.dma_semaphore, #tpu.memory_space<semaphore_mem>>
      tpu.wait_indirect_dma semaphore(%dma_wait3A_174 : memref<!tpu.dma_semaphore, #tpu.memory_space<semaphore_mem>>) src(%dma_wait3A_172 : memref<100000x128xi32, #tpu.memory_space<hbm>>) dst(%dma_wait3A_166 : memref<64x128xi32, #tpu.memory_space<vmem>>)
      %dma_wait3A_175 = arith.constant 0 : i32
      %dma_wait3A_176 = arith.constant 1 : i32
      %dma_wait3A_177 = arith.constant 0 : i32
      %dma_wait3A_178 = arith.constant 0 : i32
      %dma_wait3A_179 = arith.constant 0 : i32
      %dma_wait3A_180 = tpu.memref_slice %arg9[%dma_wait3A_175, %dma_wait3A_176, %dma_wait3A_178, %dma_wait3A_179] : memref<2x2x64x128xi32, #tpu.memory_space<vmem>> -> memref<1x1x64x128xi32, #tpu.memory_space<vmem>>
      %dma_wait3A_181 = tpu.memref_squeeze %dma_wait3A_180 : memref<1x1x64x128xi32, #tpu.memory_space<vmem>> -> memref<64x128xi32, #tpu.memory_space<vmem>>
      %dma_wait3A_182 = arith.constant 0 : i32
      %dma_wait3A_183 = tpu.memref_slice %arg8[%add3A_85, %dma_wait3A_182] : memref<24x64xi32, #tpu.memory_space<vmem>> -> memref<1x64xi32, #tpu.memory_space<vmem>>
      %dma_wait3A_184 = tpu.memref_squeeze %dma_wait3A_183 : memref<1x64xi32, #tpu.memory_space<vmem>> -> memref<64xi32, #tpu.memory_space<vmem>>
      %dma_wait3A_185 = arith.constant 0 : i32
      %dma_wait3A_186 = arith.constant 0 : i32
      %dma_wait3A_187 = tpu.memref_slice %arg2[%dma_wait3A_185, %dma_wait3A_186] : memref<100000x128xi32, #tpu.memory_space<hbm>> -> memref<100000x128xi32, #tpu.memory_space<hbm>>
      %dma_wait3A_188 = tpu.memref_slice %arg10[%dma_wait3A_177] : memref<2x!tpu.dma_semaphore, #tpu.memory_space<semaphore_mem>> -> memref<1x!tpu.dma_semaphore, #tpu.memory_space<semaphore_mem>>
      %dma_wait3A_189 = tpu.memref_squeeze %dma_wait3A_188 : memref<1x!tpu.dma_semaphore, #tpu.memory_space<semaphore_mem>> -> memref<!tpu.dma_semaphore, #tpu.memory_space<semaphore_mem>>
      tpu.wait_indirect_dma semaphore(%dma_wait3A_189 : memref<!tpu.dma_semaphore, #tpu.memory_space<semaphore_mem>>) src(%dma_wait3A_187 : memref<100000x128xi32, #tpu.memory_space<hbm>>) dst(%dma_wait3A_181 : memref<64x128xi32, #tpu.memory_space<vmem>>)
      %mul3A_190 = arith.constant 24 : i32
      %mul3A_191 = arith.muli %add3A, %mul3A_190 : i32
      %add3A_192 = arith.addi %mul3A_191, %add3A_159 : i32
      %mul3A_193 = arith.constant 64 : i32
      %mul3A_194 = arith.muli %add3A_192, %mul3A_193 : i32
      %dma_start3A_195 = arith.constant 0 : i32
      %dma_start3A_196 = arith.constant 0 : i32
      %dma_start3A_197 = arith.constant 0 : i32
      %dma_start3A_198 = arith.constant 0 : i32
      %dma_start3A_199 = arith.constant 0 : i32
      %dma_start3A_200 = tpu.memref_slice %arg9[%dma_start3A_195, %dma_start3A_196, %dma_start3A_198, %dma_start3A_199] : memref<2x2x64x128xi32, #tpu.memory_space<vmem>> -> memref<1x1x64x128xi32, #tpu.memory_space<vmem>>
      %dma_start3A_201 = tpu.memref_squeeze %dma_start3A_200 : memref<1x1x64x128xi32, #tpu.memory_space<vmem>> -> memref<64x128xi32, #tpu.memory_space<vmem>>
      %dma_start3A_202 = arith.constant 0 : i32
      %dma_start3A_203 = tpu.memref_slice %arg5[%mul3A_194, %dma_start3A_202] : memref<49152x128xi32, #tpu.memory_space<hbm>> -> memref<64x128xi32, #tpu.memory_space<hbm>>
      %dma_start3A_204 = tpu.memref_slice %arg11[%dma_start3A_197] : memref<2x!tpu.dma_semaphore, #tpu.memory_space<semaphore_mem>> -> memref<1x!tpu.dma_semaphore, #tpu.memory_space<semaphore_mem>>
      %dma_start3A_205 = tpu.memref_squeeze %dma_start3A_204 : memref<1x!tpu.dma_semaphore, #tpu.memory_space<semaphore_mem>> -> memref<!tpu.dma_semaphore, #tpu.memory_space<semaphore_mem>>
      %dma_start3A_206 = arith.constant 0 : i32
      %dma_start3A_207 = tpu.memref_slice %arg5[%mul3A_194, %dma_start3A_206] : memref<49152x128xi32, #tpu.memory_space<hbm>> -> memref<64x128xi32, #tpu.memory_space<hbm>>
      %dma_start3A_208 = arith.constant 0 : i32
      %dma_start3A_209 = arith.constant 0 : i32
      %dma_start3A_210 = tpu.memref_slice %arg9[%dma_start3A_195, %dma_start3A_196, %dma_start3A_208, %dma_start3A_209] : memref<2x2x64x128xi32, #tpu.memory_space<vmem>> -> memref<1x1x64x128xi32, #tpu.memory_space<vmem>>
      %dma_start3A_211 = tpu.memref_squeeze %dma_start3A_210 : memref<1x1x64x128xi32, #tpu.memory_space<vmem>> -> memref<64x128xi32, #tpu.memory_space<vmem>>
      tpu.enqueue_dma source(%dma_start3A_211 : memref<64x128xi32, #tpu.memory_space<vmem>>) target(%dma_start3A_207 : memref<64x128xi32, #tpu.memory_space<hbm>>) target_semaphore(%dma_start3A_205 : memref<!tpu.dma_semaphore, #tpu.memory_space<semaphore_mem>>)
      %dma_start3A_212 = arith.constant 0 : i32
      %dma_start3A_213 = arith.constant 1 : i32
      %dma_start3A_214 = arith.constant 0 : i32
      %dma_start3A_215 = arith.constant 0 : i32
      %dma_start3A_216 = arith.constant 0 : i32
      %dma_start3A_217 = tpu.memref_slice %arg9[%dma_start3A_212, %dma_start3A_213, %dma_start3A_215, %dma_start3A_216] : memref<2x2x64x128xi32, #tpu.memory_space<vmem>> -> memref<1x1x64x128xi32, #tpu.memory_space<vmem>>
      %dma_start3A_218 = tpu.memref_squeeze %dma_start3A_217 : memref<1x1x64x128xi32, #tpu.memory_space<vmem>> -> memref<64x128xi32, #tpu.memory_space<vmem>>
      %dma_start3A_219 = arith.constant 0 : i32
      %dma_start3A_220 = tpu.memref_slice %arg6[%mul3A_194, %dma_start3A_219] : memref<49152x128xi32, #tpu.memory_space<hbm>> -> memref<64x128xi32, #tpu.memory_space<hbm>>
      %dma_start3A_221 = tpu.memref_slice %arg11[%dma_start3A_214] : memref<2x!tpu.dma_semaphore, #tpu.memory_space<semaphore_mem>> -> memref<1x!tpu.dma_semaphore, #tpu.memory_space<semaphore_mem>>
      %dma_start3A_222 = tpu.memref_squeeze %dma_start3A_221 : memref<1x!tpu.dma_semaphore, #tpu.memory_space<semaphore_mem>> -> memref<!tpu.dma_semaphore, #tpu.memory_space<semaphore_mem>>
      %dma_start3A_223 = arith.constant 0 : i32
      %dma_start3A_224 = tpu.memref_slice %arg6[%mul3A_194, %dma_start3A_223] : memref<49152x128xi32, #tpu.memory_space<hbm>> -> memref<64x128xi32, #tpu.memory_space<hbm>>
      %dma_start3A_225 = arith.constant 0 : i32
      %dma_start3A_226 = arith.constant 0 : i32
      %dma_start3A_227 = tpu.memref_slice %arg9[%dma_start3A_212, %dma_start3A_213, %dma_start3A_225, %dma_start3A_226] : memref<2x2x64x128xi32, #tpu.memory_space<vmem>> -> memref<1x1x64x128xi32, #tpu.memory_space<vmem>>
      %dma_start3A_228 = tpu.memref_squeeze %dma_start3A_227 : memref<1x1x64x128xi32, #tpu.memory_space<vmem>> -> memref<64x128xi32, #tpu.memory_space<vmem>>
      tpu.enqueue_dma source(%dma_start3A_228 : memref<64x128xi32, #tpu.memory_space<vmem>>) target(%dma_start3A_224 : memref<64x128xi32, #tpu.memory_space<hbm>>) target_semaphore(%dma_start3A_222 : memref<!tpu.dma_semaphore, #tpu.memory_space<semaphore_mem>>)
      %mul3A_229 = arith.constant 2 : i32
      %mul3A_230 = arith.muli %mul3A_229, %scan3A_81 : i32
      %add3A_231 = arith.constant 1 : i32
      %add3A_232 = arith.addi %mul3A_230, %add3A_231 : i32
      %dma_wait3A_233 = arith.constant 1 : i32
      %dma_wait3A_234 = arith.constant 0 : i32
      %dma_wait3A_235 = arith.constant 1 : i32
      %dma_wait3A_236 = arith.constant 0 : i32
      %dma_wait3A_237 = arith.constant 0 : i32
      %dma_wait3A_238 = tpu.memref_slice %arg9[%dma_wait3A_233, %dma_wait3A_234, %dma_wait3A_236, %dma_wait3A_237] : memref<2x2x64x128xi32, #tpu.memory_space<vmem>> -> memref<1x1x64x128xi32, #tpu.memory_space<vmem>>
      %dma_wait3A_239 = tpu.memref_squeeze %dma_wait3A_238 : memref<1x1x64x128xi32, #tpu.memory_space<vmem>> -> memref<64x128xi32, #tpu.memory_space<vmem>>
      %dma_wait3A_240 = arith.constant 0 : i32
      %dma_wait3A_241 = tpu.memref_slice %arg7[%add3A_120, %dma_wait3A_240] : memref<24x64xi32, #tpu.memory_space<vmem>> -> memref<1x64xi32, #tpu.memory_space<vmem>>
      %dma_wait3A_242 = tpu.memref_squeeze %dma_wait3A_241 : memref<1x64xi32, #tpu.memory_space<vmem>> -> memref<64xi32, #tpu.memory_space<vmem>>
      %dma_wait3A_243 = arith.constant 0 : i32
      %dma_wait3A_244 = arith.constant 0 : i32
      %dma_wait3A_245 = tpu.memref_slice %arg2[%dma_wait3A_243, %dma_wait3A_244] : memref<100000x128xi32, #tpu.memory_space<hbm>> -> memref<100000x128xi32, #tpu.memory_space<hbm>>
      %dma_wait3A_246 = tpu.memref_slice %arg10[%dma_wait3A_235] : memref<2x!tpu.dma_semaphore, #tpu.memory_space<semaphore_mem>> -> memref<1x!tpu.dma_semaphore, #tpu.memory_space<semaphore_mem>>
      %dma_wait3A_247 = tpu.memref_squeeze %dma_wait3A_246 : memref<1x!tpu.dma_semaphore, #tpu.memory_space<semaphore_mem>> -> memref<!tpu.dma_semaphore, #tpu.memory_space<semaphore_mem>>
      tpu.wait_indirect_dma semaphore(%dma_wait3A_247 : memref<!tpu.dma_semaphore, #tpu.memory_space<semaphore_mem>>) src(%dma_wait3A_245 : memref<100000x128xi32, #tpu.memory_space<hbm>>) dst(%dma_wait3A_239 : memref<64x128xi32, #tpu.memory_space<vmem>>)
      %dma_wait3A_248 = arith.constant 1 : i32
      %dma_wait3A_249 = arith.constant 1 : i32
      %dma_wait3A_250 = arith.constant 1 : i32
      %dma_wait3A_251 = arith.constant 0 : i32
      %dma_wait3A_252 = arith.constant 0 : i32
      %dma_wait3A_253 = tpu.memref_slice %arg9[%dma_wait3A_248, %dma_wait3A_249, %dma_wait3A_251, %dma_wait3A_252] : memref<2x2x64x128xi32, #tpu.memory_space<vmem>> -> memref<1x1x64x128xi32, #tpu.memory_space<vmem>>
      %dma_wait3A_254 = tpu.memref_squeeze %dma_wait3A_253 : memref<1x1x64x128xi32, #tpu.memory_space<vmem>> -> memref<64x128xi32, #tpu.memory_space<vmem>>
      %dma_wait3A_255 = arith.constant 0 : i32
      %dma_wait3A_256 = tpu.memref_slice %arg8[%add3A_120, %dma_wait3A_255] : memref<24x64xi32, #tpu.memory_space<vmem>> -> memref<1x64xi32, #tpu.memory_space<vmem>>
      %dma_wait3A_257 = tpu.memref_squeeze %dma_wait3A_256 : memref<1x64xi32, #tpu.memory_space<vmem>> -> memref<64xi32, #tpu.memory_space<vmem>>
      %dma_wait3A_258 = arith.constant 0 : i32
      %dma_wait3A_259 = arith.constant 0 : i32
      %dma_wait3A_260 = tpu.memref_slice %arg2[%dma_wait3A_258, %dma_wait3A_259] : memref<100000x128xi32, #tpu.memory_space<hbm>> -> memref<100000x128xi32, #tpu.memory_space<hbm>>
      %dma_wait3A_261 = tpu.memref_slice %arg10[%dma_wait3A_250] : memref<2x!tpu.dma_semaphore, #tpu.memory_space<semaphore_mem>> -> memref<1x!tpu.dma_semaphore, #tpu.memory_space<semaphore_mem>>
      %dma_wait3A_262 = tpu.memref_squeeze %dma_wait3A_261 : memref<1x!tpu.dma_semaphore, #tpu.memory_space<semaphore_mem>> -> memref<!tpu.dma_semaphore, #tpu.memory_space<semaphore_mem>>
      tpu.wait_indirect_dma semaphore(%dma_wait3A_262 : memref<!tpu.dma_semaphore, #tpu.memory_space<semaphore_mem>>) src(%dma_wait3A_260 : memref<100000x128xi32, #tpu.memory_space<hbm>>) dst(%dma_wait3A_254 : memref<64x128xi32, #tpu.memory_space<vmem>>)
      %mul3A_263 = arith.constant 24 : i32
      %mul3A_264 = arith.muli %add3A, %mul3A_263 : i32
      %add3A_265 = arith.addi %mul3A_264, %add3A_232 : i32
      %mul3A_266 = arith.constant 64 : i32
      %mul3A_267 = arith.muli %add3A_265, %mul3A_266 : i32
      %dma_start3A_268 = arith.constant 1 : i32
      %dma_start3A_269 = arith.constant 0 : i32
      %dma_start3A_270 = arith.constant 1 : i32
      %dma_start3A_271 = arith.constant 0 : i32
      %dma_start3A_272 = arith.constant 0 : i32
      %dma_start3A_273 = tpu.memref_slice %arg9[%dma_start3A_268, %dma_start3A_269, %dma_start3A_271, %dma_start3A_272] : memref<2x2x64x128xi32, #tpu.memory_space<vmem>> -> memref<1x1x64x128xi32, #tpu.memory_space<vmem>>
      %dma_start3A_274 = tpu.memref_squeeze %dma_start3A_273 : memref<1x1x64x128xi32, #tpu.memory_space<vmem>> -> memref<64x128xi32, #tpu.memory_space<vmem>>
      %dma_start3A_275 = arith.constant 0 : i32
      %dma_start3A_276 = tpu.memref_slice %arg5[%mul3A_267, %dma_start3A_275] : memref<49152x128xi32, #tpu.memory_space<hbm>> -> memref<64x128xi32, #tpu.memory_space<hbm>>
      %dma_start3A_277 = tpu.memref_slice %arg11[%dma_start3A_270] : memref<2x!tpu.dma_semaphore, #tpu.memory_space<semaphore_mem>> -> memref<1x!tpu.dma_semaphore, #tpu.memory_space<semaphore_mem>>
      %dma_start3A_278 = tpu.memref_squeeze %dma_start3A_277 : memref<1x!tpu.dma_semaphore, #tpu.memory_space<semaphore_mem>> -> memref<!tpu.dma_semaphore, #tpu.memory_space<semaphore_mem>>
      %dma_start3A_279 = arith.constant 0 : i32
      %dma_start3A_280 = tpu.memref_slice %arg5[%mul3A_267, %dma_start3A_279] : memref<49152x128xi32, #tpu.memory_space<hbm>> -> memref<64x128xi32, #tpu.memory_space<hbm>>
      %dma_start3A_281 = arith.constant 0 : i32
      %dma_start3A_282 = arith.constant 0 : i32
      %dma_start3A_283 = tpu.memref_slice %arg9[%dma_start3A_268, %dma_start3A_269, %dma_start3A_281, %dma_start3A_282] : memref<2x2x64x128xi32, #tpu.memory_space<vmem>> -> memref<1x1x64x128xi32, #tpu.memory_space<vmem>>
      %dma_start3A_284 = tpu.memref_squeeze %dma_start3A_283 : memref<1x1x64x128xi32, #tpu.memory_space<vmem>> -> memref<64x128xi32, #tpu.memory_space<vmem>>
      tpu.enqueue_dma source(%dma_start3A_284 : memref<64x128xi32, #tpu.memory_space<vmem>>) target(%dma_start3A_280 : memref<64x128xi32, #tpu.memory_space<hbm>>) target_semaphore(%dma_start3A_278 : memref<!tpu.dma_semaphore, #tpu.memory_space<semaphore_mem>>)
      %dma_start3A_285 = arith.constant 1 : i32
      %dma_start3A_286 = arith.constant 1 : i32
      %dma_start3A_287 = arith.constant 1 : i32
      %dma_start3A_288 = arith.constant 0 : i32
      %dma_start3A_289 = arith.constant 0 : i32
      %dma_start3A_290 = tpu.memref_slice %arg9[%dma_start3A_285, %dma_start3A_286, %dma_start3A_288, %dma_start3A_289] : memref<2x2x64x128xi32, #tpu.memory_space<vmem>> -> memref<1x1x64x128xi32, #tpu.memory_space<vmem>>
      %dma_start3A_291 = tpu.memref_squeeze %dma_start3A_290 : memref<1x1x64x128xi32, #tpu.memory_space<vmem>> -> memref<64x128xi32, #tpu.memory_space<vmem>>
      %dma_start3A_292 = arith.constant 0 : i32
      %dma_start3A_293 = tpu.memref_slice %arg6[%mul3A_267, %dma_start3A_292] : memref<49152x128xi32, #tpu.memory_space<hbm>> -> memref<64x128xi32, #tpu.memory_space<hbm>>
      %dma_start3A_294 = tpu.memref_slice %arg11[%dma_start3A_287] : memref<2x!tpu.dma_semaphore, #tpu.memory_space<semaphore_mem>> -> memref<1x!tpu.dma_semaphore, #tpu.memory_space<semaphore_mem>>
      %dma_start3A_295 = tpu.memref_squeeze %dma_start3A_294 : memref<1x!tpu.dma_semaphore, #tpu.memory_space<semaphore_mem>> -> memref<!tpu.dma_semaphore, #tpu.memory_space<semaphore_mem>>
      %dma_start3A_296 = arith.constant 0 : i32
      %dma_start3A_297 = tpu.memref_slice %arg6[%mul3A_267, %dma_start3A_296] : memref<49152x128xi32, #tpu.memory_space<hbm>> -> memref<64x128xi32, #tpu.memory_space<hbm>>
      %dma_start3A_298 = arith.constant 0 : i32
      %dma_start3A_299 = arith.constant 0 : i32
      %dma_start3A_300 = tpu.memref_slice %arg9[%dma_start3A_285, %dma_start3A_286, %dma_start3A_298, %dma_start3A_299] : memref<2x2x64x128xi32, #tpu.memory_space<vmem>> -> memref<1x1x64x128xi32, #tpu.memory_space<vmem>>
      %dma_start3A_301 = tpu.memref_squeeze %dma_start3A_300 : memref<1x1x64x128xi32, #tpu.memory_space<vmem>> -> memref<64x128xi32, #tpu.memory_space<vmem>>
      tpu.enqueue_dma source(%dma_start3A_301 : memref<64x128xi32, #tpu.memory_space<vmem>>) target(%dma_start3A_297 : memref<64x128xi32, #tpu.memory_space<hbm>>) target_semaphore(%dma_start3A_295 : memref<!tpu.dma_semaphore, #tpu.memory_space<semaphore_mem>>)
    }
    %scan3A_5 = arith.constant 12 : i32
    %dma_wait3A = arith.constant 0 : i32
    %dma_wait3A_6 = arith.constant 0 : i32
    %dma_wait3A_7 = arith.constant 0 : i32
    %dma_wait3A_8 = arith.constant 0 : i32
    %dma_wait3A_9 = arith.constant 0 : i32
    %dma_wait3A_10 = tpu.memref_slice %arg9[%dma_wait3A, %dma_wait3A_6, %dma_wait3A_8, %dma_wait3A_9] : memref<2x2x64x128xi32, #tpu.memory_space<vmem>> -> memref<1x1x64x128xi32, #tpu.memory_space<vmem>>
    %dma_wait3A_11 = tpu.memref_squeeze %dma_wait3A_10 : memref<1x1x64x128xi32, #tpu.memory_space<vmem>> -> memref<64x128xi32, #tpu.memory_space<vmem>>
    %dma_wait3A_12 = arith.constant 0 : i32
    %dma_wait3A_13 = arith.constant 0 : i32
    %dma_wait3A_14 = tpu.memref_slice %arg5[%dma_wait3A_12, %dma_wait3A_13] : memref<49152x128xi32, #tpu.memory_space<hbm>> -> memref<64x128xi32, #tpu.memory_space<hbm>>
    %dma_wait3A_15 = tpu.memref_slice %arg11[%dma_wait3A_7] : memref<2x!tpu.dma_semaphore, #tpu.memory_space<semaphore_mem>> -> memref<1x!tpu.dma_semaphore, #tpu.memory_space<semaphore_mem>>
    %dma_wait3A_16 = tpu.memref_squeeze %dma_wait3A_15 : memref<1x!tpu.dma_semaphore, #tpu.memory_space<semaphore_mem>> -> memref<!tpu.dma_semaphore, #tpu.memory_space<semaphore_mem>>
    %dma_wait3A_17 = arith.constant 0 : i32
    %dma_wait3A_18 = arith.constant 0 : i32
    %dma_wait3A_19 = tpu.memref_slice %arg5[%dma_wait3A_17, %dma_wait3A_18] : memref<49152x128xi32, #tpu.memory_space<hbm>> -> memref<64x128xi32, #tpu.memory_space<hbm>>
    %dma_wait3A_20 = arith.constant 0 : i32
    %dma_wait3A_21 = arith.constant 0 : i32
    %dma_wait3A_22 = tpu.memref_slice %arg9[%dma_wait3A, %dma_wait3A_6, %dma_wait3A_20, %dma_wait3A_21] : memref<2x2x64x128xi32, #tpu.memory_space<vmem>> -> memref<1x1x64x128xi32, #tpu.memory_space<vmem>>
    %dma_wait3A_23 = tpu.memref_squeeze %dma_wait3A_22 : memref<1x1x64x128xi32, #tpu.memory_space<vmem>> -> memref<64x128xi32, #tpu.memory_space<vmem>>
    tpu.wait_dma2 semaphore(%dma_wait3A_16 : memref<!tpu.dma_semaphore, #tpu.memory_space<semaphore_mem>>) src(%dma_wait3A_23 : memref<64x128xi32, #tpu.memory_space<vmem>>) dst(%dma_wait3A_19 : memref<64x128xi32, #tpu.memory_space<hbm>>)
    %dma_wait3A_24 = arith.constant 0 : i32
    %dma_wait3A_25 = arith.constant 1 : i32
    %dma_wait3A_26 = arith.constant 0 : i32
    %dma_wait3A_27 = arith.constant 0 : i32
    %dma_wait3A_28 = arith.constant 0 : i32
    %dma_wait3A_29 = tpu.memref_slice %arg9[%dma_wait3A_24, %dma_wait3A_25, %dma_wait3A_27, %dma_wait3A_28] : memref<2x2x64x128xi32, #tpu.memory_space<vmem>> -> memref<1x1x64x128xi32, #tpu.memory_space<vmem>>
    %dma_wait3A_30 = tpu.memref_squeeze %dma_wait3A_29 : memref<1x1x64x128xi32, #tpu.memory_space<vmem>> -> memref<64x128xi32, #tpu.memory_space<vmem>>
    %dma_wait3A_31 = arith.constant 0 : i32
    %dma_wait3A_32 = arith.constant 0 : i32
    %dma_wait3A_33 = tpu.memref_slice %arg6[%dma_wait3A_31, %dma_wait3A_32] : memref<49152x128xi32, #tpu.memory_space<hbm>> -> memref<64x128xi32, #tpu.memory_space<hbm>>
    %dma_wait3A_34 = tpu.memref_slice %arg11[%dma_wait3A_26] : memref<2x!tpu.dma_semaphore, #tpu.memory_space<semaphore_mem>> -> memref<1x!tpu.dma_semaphore, #tpu.memory_space<semaphore_mem>>
    %dma_wait3A_35 = tpu.memref_squeeze %dma_wait3A_34 : memref<1x!tpu.dma_semaphore, #tpu.memory_space<semaphore_mem>> -> memref<!tpu.dma_semaphore, #tpu.memory_space<semaphore_mem>>
    %dma_wait3A_36 = arith.constant 0 : i32
    %dma_wait3A_37 = arith.constant 0 : i32
    %dma_wait3A_38 = tpu.memref_slice %arg6[%dma_wait3A_36, %dma_wait3A_37] : memref<49152x128xi32, #tpu.memory_space<hbm>> -> memref<64x128xi32, #tpu.memory_space<hbm>>
    %dma_wait3A_39 = arith.constant 0 : i32
    %dma_wait3A_40 = arith.constant 0 : i32
    %dma_wait3A_41 = tpu.memref_slice %arg9[%dma_wait3A_24, %dma_wait3A_25, %dma_wait3A_39, %dma_wait3A_40] : memref<2x2x64x128xi32, #tpu.memory_space<vmem>> -> memref<1x1x64x128xi32, #tpu.memory_space<vmem>>
    %dma_wait3A_42 = tpu.memref_squeeze %dma_wait3A_41 : memref<1x1x64x128xi32, #tpu.memory_space<vmem>> -> memref<64x128xi32, #tpu.memory_space<vmem>>
    tpu.wait_dma2 semaphore(%dma_wait3A_35 : memref<!tpu.dma_semaphore, #tpu.memory_space<semaphore_mem>>) src(%dma_wait3A_42 : memref<64x128xi32, #tpu.memory_space<vmem>>) dst(%dma_wait3A_38 : memref<64x128xi32, #tpu.memory_space<hbm>>)
    %dma_wait3A_43 = arith.constant 1 : i32
    %dma_wait3A_44 = arith.constant 0 : i32
    %dma_wait3A_45 = arith.constant 1 : i32
    %dma_wait3A_46 = arith.constant 0 : i32
    %dma_wait3A_47 = arith.constant 0 : i32
    %dma_wait3A_48 = tpu.memref_slice %arg9[%dma_wait3A_43, %dma_wait3A_44, %dma_wait3A_46, %dma_wait3A_47] : memref<2x2x64x128xi32, #tpu.memory_space<vmem>> -> memref<1x1x64x128xi32, #tpu.memory_space<vmem>>
    %dma_wait3A_49 = tpu.memref_squeeze %dma_wait3A_48 : memref<1x1x64x128xi32, #tpu.memory_space<vmem>> -> memref<64x128xi32, #tpu.memory_space<vmem>>
    %dma_wait3A_50 = arith.constant 0 : i32
    %dma_wait3A_51 = arith.constant 0 : i32
    %dma_wait3A_52 = tpu.memref_slice %arg5[%dma_wait3A_50, %dma_wait3A_51] : memref<49152x128xi32, #tpu.memory_space<hbm>> -> memref<64x128xi32, #tpu.memory_space<hbm>>
    %dma_wait3A_53 = tpu.memref_slice %arg11[%dma_wait3A_45] : memref<2x!tpu.dma_semaphore, #tpu.memory_space<semaphore_mem>> -> memref<1x!tpu.dma_semaphore, #tpu.memory_space<semaphore_mem>>
    %dma_wait3A_54 = tpu.memref_squeeze %dma_wait3A_53 : memref<1x!tpu.dma_semaphore, #tpu.memory_space<semaphore_mem>> -> memref<!tpu.dma_semaphore, #tpu.memory_space<semaphore_mem>>
    %dma_wait3A_55 = arith.constant 0 : i32
    %dma_wait3A_56 = arith.constant 0 : i32
    %dma_wait3A_57 = tpu.memref_slice %arg5[%dma_wait3A_55, %dma_wait3A_56] : memref<49152x128xi32, #tpu.memory_space<hbm>> -> memref<64x128xi32, #tpu.memory_space<hbm>>
    %dma_wait3A_58 = arith.constant 0 : i32
    %dma_wait3A_59 = arith.constant 0 : i32
    %dma_wait3A_60 = tpu.memref_slice %arg9[%dma_wait3A_43, %dma_wait3A_44, %dma_wait3A_58, %dma_wait3A_59] : memref<2x2x64x128xi32, #tpu.memory_space<vmem>> -> memref<1x1x64x128xi32, #tpu.memory_space<vmem>>
    %dma_wait3A_61 = tpu.memref_squeeze %dma_wait3A_60 : memref<1x1x64x128xi32, #tpu.memory_space<vmem>> -> memref<64x128xi32, #tpu.memory_space<vmem>>
    tpu.wait_dma2 semaphore(%dma_wait3A_54 : memref<!tpu.dma_semaphore, #tpu.memory_space<semaphore_mem>>) src(%dma_wait3A_61 : memref<64x128xi32, #tpu.memory_space<vmem>>) dst(%dma_wait3A_57 : memref<64x128xi32, #tpu.memory_space<hbm>>)
    %dma_wait3A_62 = arith.constant 1 : i32
    %dma_wait3A_63 = arith.constant 1 : i32
    %dma_wait3A_64 = arith.constant 1 : i32
    %dma_wait3A_65 = arith.constant 0 : i32
    %dma_wait3A_66 = arith.constant 0 : i32
    %dma_wait3A_67 = tpu.memref_slice %arg9[%dma_wait3A_62, %dma_wait3A_63, %dma_wait3A_65, %dma_wait3A_66] : memref<2x2x64x128xi32, #tpu.memory_space<vmem>> -> memref<1x1x64x128xi32, #tpu.memory_space<vmem>>
    %dma_wait3A_68 = tpu.memref_squeeze %dma_wait3A_67 : memref<1x1x64x128xi32, #tpu.memory_space<vmem>> -> memref<64x128xi32, #tpu.memory_space<vmem>>
    %dma_wait3A_69 = arith.constant 0 : i32
    %dma_wait3A_70 = arith.constant 0 : i32
    %dma_wait3A_71 = tpu.memref_slice %arg6[%dma_wait3A_69, %dma_wait3A_70] : memref<49152x128xi32, #tpu.memory_space<hbm>> -> memref<64x128xi32, #tpu.memory_space<hbm>>
    %dma_wait3A_72 = tpu.memref_slice %arg11[%dma_wait3A_64] : memref<2x!tpu.dma_semaphore, #tpu.memory_space<semaphore_mem>> -> memref<1x!tpu.dma_semaphore, #tpu.memory_space<semaphore_mem>>
    %dma_wait3A_73 = tpu.memref_squeeze %dma_wait3A_72 : memref<1x!tpu.dma_semaphore, #tpu.memory_space<semaphore_mem>> -> memref<!tpu.dma_semaphore, #tpu.memory_space<semaphore_mem>>
    %dma_wait3A_74 = arith.constant 0 : i32
    %dma_wait3A_75 = arith.constant 0 : i32
    %dma_wait3A_76 = tpu.memref_slice %arg6[%dma_wait3A_74, %dma_wait3A_75] : memref<49152x128xi32, #tpu.memory_space<hbm>> -> memref<64x128xi32, #tpu.memory_space<hbm>>
    %dma_wait3A_77 = arith.constant 0 : i32
    %dma_wait3A_78 = arith.constant 0 : i32
    %dma_wait3A_79 = tpu.memref_slice %arg9[%dma_wait3A_62, %dma_wait3A_63, %dma_wait3A_77, %dma_wait3A_78] : memref<2x2x64x128xi32, #tpu.memory_space<vmem>> -> memref<1x1x64x128xi32, #tpu.memory_space<vmem>>
    %dma_wait3A_80 = tpu.memref_squeeze %dma_wait3A_79 : memref<1x1x64x128xi32, #tpu.memory_space<vmem>> -> memref<64x128xi32, #tpu.memory_space<vmem>>
    tpu.wait_dma2 semaphore(%dma_wait3A_73 : memref<!tpu.dma_semaphore, #tpu.memory_space<semaphore_mem>>) src(%dma_wait3A_80 : memref<64x128xi32, #tpu.memory_space<vmem>>) dst(%dma_wait3A_76 : memref<64x128xi32, #tpu.memory_space<hbm>>)
    return
  }
}

#map = affine_map<(d0, d1) -> (0, 0)>
#map1 = affine_map<(d0, d1) -> (0, 0, 0)>
module attributes {stable_mosaic.version = 14 : i64} {
  func.func @body(%arg0: i32, %arg1: i32, %arg2: memref<100000x128xi32, #tpu.memory_space<hbm>>, %arg3: memref<32x18x64xi32, #tpu.memory_space<hbm>>, %arg4: memref<32x18x64xi32, #tpu.memory_space<hbm>>, %arg5: memref<36864x128xi32, #tpu.memory_space<hbm>>, %arg6: memref<36864x128xi32, #tpu.memory_space<hbm>>, %arg7: memref<18x64xi32, #tpu.memory_space<vmem>>, %arg8: memref<18x64xi32, #tpu.memory_space<vmem>>, %arg9: memref<2x2x64x128xi32, #tpu.memory_space<vmem>>, %arg10: memref<2x!tpu.dma_semaphore, #tpu.memory_space<semaphore_mem>>, %arg11: memref<2x!tpu.dma_semaphore, #tpu.memory_space<semaphore_mem>>) attributes {dimension_semantics = [#tpu.dimension_semantics<core_parallel>, #tpu.dimension_semantics<subcore_parallel>], iteration_bounds = array<i64: 2, 16>, scalar_prefetch = 0 : i64, scratch_operands = 5 : i64, tpu.core_type = #tpu.core_type<sc_vector_subcore>, window_params = [{transform_indices = #map}, {transform_indices = #map1}, {transform_indices = #map1}, {transform_indices = #map}, {transform_indices = #map}]} {
    %mul3A = arith.constant 2 : i32
    %mul3A_0 = arith.muli %arg1, %mul3A : i32
    %add3A = arith.addi %mul3A_0, %arg0 : i32
    "tpu.region"() ({
      %run_scoped3A = tpu.sem_alloc : memref<!tpu.dma_semaphore, #tpu.memory_space<semaphore_mem>>
      %dma_start3A = arith.constant 0 : i32
      %dma_start3A_81 = arith.constant 0 : i32
      %dma_start3A_82 = tpu.memref_slice %arg3[%add3A, %dma_start3A, %dma_start3A_81] : memref<32x18x64xi32, #tpu.memory_space<hbm>> -> memref<1x18x64xi32, #tpu.memory_space<hbm>>
      %dma_start3A_83 = tpu.memref_squeeze %dma_start3A_82 : memref<1x18x64xi32, #tpu.memory_space<hbm>> -> memref<18x64xi32, #tpu.memory_space<hbm>>
      %dma_start3A_84 = arith.constant 0 : i32
      %dma_start3A_85 = arith.constant 0 : i32
      %dma_start3A_86 = tpu.memref_slice %arg3[%add3A, %dma_start3A_84, %dma_start3A_85] : memref<32x18x64xi32, #tpu.memory_space<hbm>> -> memref<1x18x64xi32, #tpu.memory_space<hbm>>
      %dma_start3A_87 = tpu.memref_squeeze %dma_start3A_86 : memref<1x18x64xi32, #tpu.memory_space<hbm>> -> memref<18x64xi32, #tpu.memory_space<hbm>>
      tpu.enqueue_dma source(%dma_start3A_87 : memref<18x64xi32, #tpu.memory_space<hbm>>) target(%arg7 : memref<18x64xi32, #tpu.memory_space<vmem>>) target_semaphore(%run_scoped3A : memref<!tpu.dma_semaphore, #tpu.memory_space<semaphore_mem>>)
      %dma_wait3A_88 = arith.constant 0 : i32
      %dma_wait3A_89 = arith.constant 0 : i32
      %dma_wait3A_90 = tpu.memref_slice %arg3[%add3A, %dma_wait3A_88, %dma_wait3A_89] : memref<32x18x64xi32, #tpu.memory_space<hbm>> -> memref<1x18x64xi32, #tpu.memory_space<hbm>>
      %dma_wait3A_91 = tpu.memref_squeeze %dma_wait3A_90 : memref<1x18x64xi32, #tpu.memory_space<hbm>> -> memref<18x64xi32, #tpu.memory_space<hbm>>
      %dma_wait3A_92 = arith.constant 0 : i32
      %dma_wait3A_93 = arith.constant 0 : i32
      %dma_wait3A_94 = tpu.memref_slice %arg3[%add3A, %dma_wait3A_92, %dma_wait3A_93] : memref<32x18x64xi32, #tpu.memory_space<hbm>> -> memref<1x18x64xi32, #tpu.memory_space<hbm>>
      %dma_wait3A_95 = tpu.memref_squeeze %dma_wait3A_94 : memref<1x18x64xi32, #tpu.memory_space<hbm>> -> memref<18x64xi32, #tpu.memory_space<hbm>>
      tpu.wait_dma2 semaphore(%run_scoped3A : memref<!tpu.dma_semaphore, #tpu.memory_space<semaphore_mem>>) src(%dma_wait3A_95 : memref<18x64xi32, #tpu.memory_space<hbm>>) dst(%arg7 : memref<18x64xi32, #tpu.memory_space<vmem>>)
      tpu.yield
    }) : () -> ()
    "tpu.region"() ({
      %run_scoped3A = tpu.sem_alloc : memref<!tpu.dma_semaphore, #tpu.memory_space<semaphore_mem>>
      %dma_start3A = arith.constant 0 : i32
      %dma_start3A_81 = arith.constant 0 : i32
      %dma_start3A_82 = tpu.memref_slice %arg4[%add3A, %dma_start3A, %dma_start3A_81] : memref<32x18x64xi32, #tpu.memory_space<hbm>> -> memref<1x18x64xi32, #tpu.memory_space<hbm>>
      %dma_start3A_83 = tpu.memref_squeeze %dma_start3A_82 : memref<1x18x64xi32, #tpu.memory_space<hbm>> -> memref<18x64xi32, #tpu.memory_space<hbm>>
      %dma_start3A_84 = arith.constant 0 : i32
      %dma_start3A_85 = arith.constant 0 : i32
      %dma_start3A_86 = tpu.memref_slice %arg4[%add3A, %dma_start3A_84, %dma_start3A_85] : memref<32x18x64xi32, #tpu.memory_space<hbm>> -> memref<1x18x64xi32, #tpu.memory_space<hbm>>
      %dma_start3A_87 = tpu.memref_squeeze %dma_start3A_86 : memref<1x18x64xi32, #tpu.memory_space<hbm>> -> memref<18x64xi32, #tpu.memory_space<hbm>>
      tpu.enqueue_dma source(%dma_start3A_87 : memref<18x64xi32, #tpu.memory_space<hbm>>) target(%arg8 : memref<18x64xi32, #tpu.memory_space<vmem>>) target_semaphore(%run_scoped3A : memref<!tpu.dma_semaphore, #tpu.memory_space<semaphore_mem>>)
      %dma_wait3A_88 = arith.constant 0 : i32
      %dma_wait3A_89 = arith.constant 0 : i32
      %dma_wait3A_90 = tpu.memref_slice %arg4[%add3A, %dma_wait3A_88, %dma_wait3A_89] : memref<32x18x64xi32, #tpu.memory_space<hbm>> -> memref<1x18x64xi32, #tpu.memory_space<hbm>>
      %dma_wait3A_91 = tpu.memref_squeeze %dma_wait3A_90 : memref<1x18x64xi32, #tpu.memory_space<hbm>> -> memref<18x64xi32, #tpu.memory_space<hbm>>
      %dma_wait3A_92 = arith.constant 0 : i32
      %dma_wait3A_93 = arith.constant 0 : i32
      %dma_wait3A_94 = tpu.memref_slice %arg4[%add3A, %dma_wait3A_92, %dma_wait3A_93] : memref<32x18x64xi32, #tpu.memory_space<hbm>> -> memref<1x18x64xi32, #tpu.memory_space<hbm>>
      %dma_wait3A_95 = tpu.memref_squeeze %dma_wait3A_94 : memref<1x18x64xi32, #tpu.memory_space<hbm>> -> memref<18x64xi32, #tpu.memory_space<hbm>>
      tpu.wait_dma2 semaphore(%run_scoped3A : memref<!tpu.dma_semaphore, #tpu.memory_space<semaphore_mem>>) src(%dma_wait3A_95 : memref<18x64xi32, #tpu.memory_space<hbm>>) dst(%arg8 : memref<18x64xi32, #tpu.memory_space<vmem>>)
      tpu.yield
    }) : () -> ()
    %scan3A = arith.constant 0 : i32
    %scan3A_1 = arith.constant 0 : i32
    %scan3A_2 = arith.constant 9 : i32
    %scan3A_3 = arith.addi %scan3A_1, %scan3A_2 : i32
    %scan3A_4 = arith.constant 1 : i32
    scf.for %scan3A_81 = %scan3A_1 to %scan3A_3 step %scan3A_4  : i32 {
      %mul3A_82 = arith.constant 2 : i32
      %mul3A_83 = arith.muli %mul3A_82, %scan3A_81 : i32
      %add3A_84 = arith.constant 0 : i32
      %add3A_85 = arith.addi %mul3A_83, %add3A_84 : i32
      %gt3A = arith.constant 0 : i32
      %gt3A_86 = arith.cmpi sgt, %scan3A_81, %gt3A : i32
      %convert_element_type3A = arith.extui %gt3A_86 : i1 to i32
      %cond3A = arith.constant 0 : i32
      %cond3A_87 = arith.cmpi ne, %convert_element_type3A, %cond3A : i32
      scf.if %cond3A_87 {
        %dma_wait3A_302 = arith.constant 0 : i32
        %dma_wait3A_303 = arith.constant 0 : i32
        %dma_wait3A_304 = arith.constant 0 : i32
        %dma_wait3A_305 = arith.constant 0 : i32
        %dma_wait3A_306 = arith.constant 0 : i32
        %dma_wait3A_307 = tpu.memref_slice %arg9[%dma_wait3A_302, %dma_wait3A_303, %dma_wait3A_305, %dma_wait3A_306] : memref<2x2x64x128xi32, #tpu.memory_space<vmem>> -> memref<1x1x64x128xi32, #tpu.memory_space<vmem>>
        %dma_wait3A_308 = tpu.memref_squeeze %dma_wait3A_307 : memref<1x1x64x128xi32, #tpu.memory_space<vmem>> -> memref<64x128xi32, #tpu.memory_space<vmem>>
        %dma_wait3A_309 = arith.constant 0 : i32
        %dma_wait3A_310 = arith.constant 0 : i32
        %dma_wait3A_311 = tpu.memref_slice %arg5[%dma_wait3A_309, %dma_wait3A_310] : memref<36864x128xi32, #tpu.memory_space<hbm>> -> memref<64x128xi32, #tpu.memory_space<hbm>>
        %dma_wait3A_312 = tpu.memref_slice %arg11[%dma_wait3A_304] : memref<2x!tpu.dma_semaphore, #tpu.memory_space<semaphore_mem>> -> memref<1x!tpu.dma_semaphore, #tpu.memory_space<semaphore_mem>>
        %dma_wait3A_313 = tpu.memref_squeeze %dma_wait3A_312 : memref<1x!tpu.dma_semaphore, #tpu.memory_space<semaphore_mem>> -> memref<!tpu.dma_semaphore, #tpu.memory_space<semaphore_mem>>
        %dma_wait3A_314 = arith.constant 0 : i32
        %dma_wait3A_315 = arith.constant 0 : i32
        %dma_wait3A_316 = tpu.memref_slice %arg5[%dma_wait3A_314, %dma_wait3A_315] : memref<36864x128xi32, #tpu.memory_space<hbm>> -> memref<64x128xi32, #tpu.memory_space<hbm>>
        %dma_wait3A_317 = arith.constant 0 : i32
        %dma_wait3A_318 = arith.constant 0 : i32
        %dma_wait3A_319 = tpu.memref_slice %arg9[%dma_wait3A_302, %dma_wait3A_303, %dma_wait3A_317, %dma_wait3A_318] : memref<2x2x64x128xi32, #tpu.memory_space<vmem>> -> memref<1x1x64x128xi32, #tpu.memory_space<vmem>>
        %dma_wait3A_320 = tpu.memref_squeeze %dma_wait3A_319 : memref<1x1x64x128xi32, #tpu.memory_space<vmem>> -> memref<64x128xi32, #tpu.memory_space<vmem>>
        tpu.wait_dma2 semaphore(%dma_wait3A_313 : memref<!tpu.dma_semaphore, #tpu.memory_space<semaphore_mem>>) src(%dma_wait3A_320 : memref<64x128xi32, #tpu.memory_space<vmem>>) dst(%dma_wait3A_316 : memref<64x128xi32, #tpu.memory_space<hbm>>)
        %dma_wait3A_321 = arith.constant 0 : i32
        %dma_wait3A_322 = arith.constant 1 : i32
        %dma_wait3A_323 = arith.constant 0 : i32
        %dma_wait3A_324 = arith.constant 0 : i32
        %dma_wait3A_325 = arith.constant 0 : i32
        %dma_wait3A_326 = tpu.memref_slice %arg9[%dma_wait3A_321, %dma_wait3A_322, %dma_wait3A_324, %dma_wait3A_325] : memref<2x2x64x128xi32, #tpu.memory_space<vmem>> -> memref<1x1x64x128xi32, #tpu.memory_space<vmem>>
        %dma_wait3A_327 = tpu.memref_squeeze %dma_wait3A_326 : memref<1x1x64x128xi32, #tpu.memory_space<vmem>> -> memref<64x128xi32, #tpu.memory_space<vmem>>
        %dma_wait3A_328 = arith.constant 0 : i32
        %dma_wait3A_329 = arith.constant 0 : i32
        %dma_wait3A_330 = tpu.memref_slice %arg6[%dma_wait3A_328, %dma_wait3A_329] : memref<36864x128xi32, #tpu.memory_space<hbm>> -> memref<64x128xi32, #tpu.memory_space<hbm>>
        %dma_wait3A_331 = tpu.memref_slice %arg11[%dma_wait3A_323] : memref<2x!tpu.dma_semaphore, #tpu.memory_space<semaphore_mem>> -> memref<1x!tpu.dma_semaphore, #tpu.memory_space<semaphore_mem>>
        %dma_wait3A_332 = tpu.memref_squeeze %dma_wait3A_331 : memref<1x!tpu.dma_semaphore, #tpu.memory_space<semaphore_mem>> -> memref<!tpu.dma_semaphore, #tpu.memory_space<semaphore_mem>>
        %dma_wait3A_333 = arith.constant 0 : i32
        %dma_wait3A_334 = arith.constant 0 : i32
        %dma_wait3A_335 = tpu.memref_slice %arg6[%dma_wait3A_333, %dma_wait3A_334] : memref<36864x128xi32, #tpu.memory_space<hbm>> -> memref<64x128xi32, #tpu.memory_space<hbm>>
        %dma_wait3A_336 = arith.constant 0 : i32
        %dma_wait3A_337 = arith.constant 0 : i32
        %dma_wait3A_338 = tpu.memref_slice %arg9[%dma_wait3A_321, %dma_wait3A_322, %dma_wait3A_336, %dma_wait3A_337] : memref<2x2x64x128xi32, #tpu.memory_space<vmem>> -> memref<1x1x64x128xi32, #tpu.memory_space<vmem>>
        %dma_wait3A_339 = tpu.memref_squeeze %dma_wait3A_338 : memref<1x1x64x128xi32, #tpu.memory_space<vmem>> -> memref<64x128xi32, #tpu.memory_space<vmem>>
        tpu.wait_dma2 semaphore(%dma_wait3A_332 : memref<!tpu.dma_semaphore, #tpu.memory_space<semaphore_mem>>) src(%dma_wait3A_339 : memref<64x128xi32, #tpu.memory_space<vmem>>) dst(%dma_wait3A_335 : memref<64x128xi32, #tpu.memory_space<hbm>>)
      } else {
      }
      %dma_start3A = arith.constant 0 : i32
      %dma_start3A_88 = arith.constant 0 : i32
      %dma_start3A_89 = arith.constant 0 : i32
      %dma_start3A_90 = arith.constant 0 : i32
      %dma_start3A_91 = arith.constant 0 : i32
      %dma_start3A_92 = tpu.memref_slice %arg9[%dma_start3A, %dma_start3A_88, %dma_start3A_90, %dma_start3A_91] : memref<2x2x64x128xi32, #tpu.memory_space<vmem>> -> memref<1x1x64x128xi32, #tpu.memory_space<vmem>>
      %dma_start3A_93 = tpu.memref_squeeze %dma_start3A_92 : memref<1x1x64x128xi32, #tpu.memory_space<vmem>> -> memref<64x128xi32, #tpu.memory_space<vmem>>
      %dma_start3A_94 = arith.constant 0 : i32
      %dma_start3A_95 = tpu.memref_slice %arg7[%add3A_85, %dma_start3A_94] : memref<18x64xi32, #tpu.memory_space<vmem>> -> memref<1x64xi32, #tpu.memory_space<vmem>>
      %dma_start3A_96 = tpu.memref_squeeze %dma_start3A_95 : memref<1x64xi32, #tpu.memory_space<vmem>> -> memref<64xi32, #tpu.memory_space<vmem>>
      %dma_start3A_97 = arith.constant 0 : i32
      %dma_start3A_98 = arith.constant 0 : i32
      %dma_start3A_99 = tpu.memref_slice %arg2[%dma_start3A_97, %dma_start3A_98] : memref<100000x128xi32, #tpu.memory_space<hbm>> -> memref<100000x128xi32, #tpu.memory_space<hbm>>
      %dma_start3A_100 = tpu.memref_slice %arg10[%dma_start3A_89] : memref<2x!tpu.dma_semaphore, #tpu.memory_space<semaphore_mem>> -> memref<1x!tpu.dma_semaphore, #tpu.memory_space<semaphore_mem>>
      %dma_start3A_101 = tpu.memref_squeeze %dma_start3A_100 : memref<1x!tpu.dma_semaphore, #tpu.memory_space<semaphore_mem>> -> memref<!tpu.dma_semaphore, #tpu.memory_space<semaphore_mem>>
      tpu.enqueue_indirect_dma source(%dma_start3A_99 : memref<100000x128xi32, #tpu.memory_space<hbm>>) target(%dma_start3A_93 : memref<64x128xi32, #tpu.memory_space<vmem>>) offsets(%dma_start3A_96 : memref<64xi32, #tpu.memory_space<vmem>>) semaphore(%dma_start3A_101 : memref<!tpu.dma_semaphore, #tpu.memory_space<semaphore_mem>>)
      %dma_start3A_102 = arith.constant 0 : i32
      %dma_start3A_103 = arith.constant 1 : i32
      %dma_start3A_104 = arith.constant 0 : i32
      %dma_start3A_105 = arith.constant 0 : i32
      %dma_start3A_106 = arith.constant 0 : i32
      %dma_start3A_107 = tpu.memref_slice %arg9[%dma_start3A_102, %dma_start3A_103, %dma_start3A_105, %dma_start3A_106] : memref<2x2x64x128xi32, #tpu.memory_space<vmem>> -> memref<1x1x64x128xi32, #tpu.memory_space<vmem>>
      %dma_start3A_108 = tpu.memref_squeeze %dma_start3A_107 : memref<1x1x64x128xi32, #tpu.memory_space<vmem>> -> memref<64x128xi32, #tpu.memory_space<vmem>>
      %dma_start3A_109 = arith.constant 0 : i32
      %dma_start3A_110 = tpu.memref_slice %arg8[%add3A_85, %dma_start3A_109] : memref<18x64xi32, #tpu.memory_space<vmem>> -> memref<1x64xi32, #tpu.memory_space<vmem>>
      %dma_start3A_111 = tpu.memref_squeeze %dma_start3A_110 : memref<1x64xi32, #tpu.memory_space<vmem>> -> memref<64xi32, #tpu.memory_space<vmem>>
      %dma_start3A_112 = arith.constant 0 : i32
      %dma_start3A_113 = arith.constant 0 : i32
      %dma_start3A_114 = tpu.memref_slice %arg2[%dma_start3A_112, %dma_start3A_113] : memref<100000x128xi32, #tpu.memory_space<hbm>> -> memref<100000x128xi32, #tpu.memory_space<hbm>>
      %dma_start3A_115 = tpu.memref_slice %arg10[%dma_start3A_104] : memref<2x!tpu.dma_semaphore, #tpu.memory_space<semaphore_mem>> -> memref<1x!tpu.dma_semaphore, #tpu.memory_space<semaphore_mem>>
      %dma_start3A_116 = tpu.memref_squeeze %dma_start3A_115 : memref<1x!tpu.dma_semaphore, #tpu.memory_space<semaphore_mem>> -> memref<!tpu.dma_semaphore, #tpu.memory_space<semaphore_mem>>
      tpu.enqueue_indirect_dma source(%dma_start3A_114 : memref<100000x128xi32, #tpu.memory_space<hbm>>) target(%dma_start3A_108 : memref<64x128xi32, #tpu.memory_space<vmem>>) offsets(%dma_start3A_111 : memref<64xi32, #tpu.memory_space<vmem>>) semaphore(%dma_start3A_116 : memref<!tpu.dma_semaphore, #tpu.memory_space<semaphore_mem>>)
      %mul3A_117 = arith.constant 2 : i32
      %mul3A_118 = arith.muli %mul3A_117, %scan3A_81 : i32
      %add3A_119 = arith.constant 1 : i32
      %add3A_120 = arith.addi %mul3A_118, %add3A_119 : i32
      %gt3A_121 = arith.constant 0 : i32
      %gt3A_122 = arith.cmpi sgt, %scan3A_81, %gt3A_121 : i32
      %convert_element_type3A_123 = arith.extui %gt3A_122 : i1 to i32
      %cond3A_124 = arith.constant 0 : i32
      %cond3A_125 = arith.cmpi ne, %convert_element_type3A_123, %cond3A_124 : i32
      scf.if %cond3A_125 {
        %dma_wait3A_302 = arith.constant 1 : i32
        %dma_wait3A_303 = arith.constant 0 : i32
        %dma_wait3A_304 = arith.constant 1 : i32
        %dma_wait3A_305 = arith.constant 0 : i32
        %dma_wait3A_306 = arith.constant 0 : i32
        %dma_wait3A_307 = tpu.memref_slice %arg9[%dma_wait3A_302, %dma_wait3A_303, %dma_wait3A_305, %dma_wait3A_306] : memref<2x2x64x128xi32, #tpu.memory_space<vmem>> -> memref<1x1x64x128xi32, #tpu.memory_space<vmem>>
        %dma_wait3A_308 = tpu.memref_squeeze %dma_wait3A_307 : memref<1x1x64x128xi32, #tpu.memory_space<vmem>> -> memref<64x128xi32, #tpu.memory_space<vmem>>
        %dma_wait3A_309 = arith.constant 0 : i32
        %dma_wait3A_310 = arith.constant 0 : i32
        %dma_wait3A_311 = tpu.memref_slice %arg5[%dma_wait3A_309, %dma_wait3A_310] : memref<36864x128xi32, #tpu.memory_space<hbm>> -> memref<64x128xi32, #tpu.memory_space<hbm>>
        %dma_wait3A_312 = tpu.memref_slice %arg11[%dma_wait3A_304] : memref<2x!tpu.dma_semaphore, #tpu.memory_space<semaphore_mem>> -> memref<1x!tpu.dma_semaphore, #tpu.memory_space<semaphore_mem>>
        %dma_wait3A_313 = tpu.memref_squeeze %dma_wait3A_312 : memref<1x!tpu.dma_semaphore, #tpu.memory_space<semaphore_mem>> -> memref<!tpu.dma_semaphore, #tpu.memory_space<semaphore_mem>>
        %dma_wait3A_314 = arith.constant 0 : i32
        %dma_wait3A_315 = arith.constant 0 : i32
        %dma_wait3A_316 = tpu.memref_slice %arg5[%dma_wait3A_314, %dma_wait3A_315] : memref<36864x128xi32, #tpu.memory_space<hbm>> -> memref<64x128xi32, #tpu.memory_space<hbm>>
        %dma_wait3A_317 = arith.constant 0 : i32
        %dma_wait3A_318 = arith.constant 0 : i32
        %dma_wait3A_319 = tpu.memref_slice %arg9[%dma_wait3A_302, %dma_wait3A_303, %dma_wait3A_317, %dma_wait3A_318] : memref<2x2x64x128xi32, #tpu.memory_space<vmem>> -> memref<1x1x64x128xi32, #tpu.memory_space<vmem>>
        %dma_wait3A_320 = tpu.memref_squeeze %dma_wait3A_319 : memref<1x1x64x128xi32, #tpu.memory_space<vmem>> -> memref<64x128xi32, #tpu.memory_space<vmem>>
        tpu.wait_dma2 semaphore(%dma_wait3A_313 : memref<!tpu.dma_semaphore, #tpu.memory_space<semaphore_mem>>) src(%dma_wait3A_320 : memref<64x128xi32, #tpu.memory_space<vmem>>) dst(%dma_wait3A_316 : memref<64x128xi32, #tpu.memory_space<hbm>>)
        %dma_wait3A_321 = arith.constant 1 : i32
        %dma_wait3A_322 = arith.constant 1 : i32
        %dma_wait3A_323 = arith.constant 1 : i32
        %dma_wait3A_324 = arith.constant 0 : i32
        %dma_wait3A_325 = arith.constant 0 : i32
        %dma_wait3A_326 = tpu.memref_slice %arg9[%dma_wait3A_321, %dma_wait3A_322, %dma_wait3A_324, %dma_wait3A_325] : memref<2x2x64x128xi32, #tpu.memory_space<vmem>> -> memref<1x1x64x128xi32, #tpu.memory_space<vmem>>
        %dma_wait3A_327 = tpu.memref_squeeze %dma_wait3A_326 : memref<1x1x64x128xi32, #tpu.memory_space<vmem>> -> memref<64x128xi32, #tpu.memory_space<vmem>>
        %dma_wait3A_328 = arith.constant 0 : i32
        %dma_wait3A_329 = arith.constant 0 : i32
        %dma_wait3A_330 = tpu.memref_slice %arg6[%dma_wait3A_328, %dma_wait3A_329] : memref<36864x128xi32, #tpu.memory_space<hbm>> -> memref<64x128xi32, #tpu.memory_space<hbm>>
        %dma_wait3A_331 = tpu.memref_slice %arg11[%dma_wait3A_323] : memref<2x!tpu.dma_semaphore, #tpu.memory_space<semaphore_mem>> -> memref<1x!tpu.dma_semaphore, #tpu.memory_space<semaphore_mem>>
        %dma_wait3A_332 = tpu.memref_squeeze %dma_wait3A_331 : memref<1x!tpu.dma_semaphore, #tpu.memory_space<semaphore_mem>> -> memref<!tpu.dma_semaphore, #tpu.memory_space<semaphore_mem>>
        %dma_wait3A_333 = arith.constant 0 : i32
        %dma_wait3A_334 = arith.constant 0 : i32
        %dma_wait3A_335 = tpu.memref_slice %arg6[%dma_wait3A_333, %dma_wait3A_334] : memref<36864x128xi32, #tpu.memory_space<hbm>> -> memref<64x128xi32, #tpu.memory_space<hbm>>
        %dma_wait3A_336 = arith.constant 0 : i32
        %dma_wait3A_337 = arith.constant 0 : i32
        %dma_wait3A_338 = tpu.memref_slice %arg9[%dma_wait3A_321, %dma_wait3A_322, %dma_wait3A_336, %dma_wait3A_337] : memref<2x2x64x128xi32, #tpu.memory_space<vmem>> -> memref<1x1x64x128xi32, #tpu.memory_space<vmem>>
        %dma_wait3A_339 = tpu.memref_squeeze %dma_wait3A_338 : memref<1x1x64x128xi32, #tpu.memory_space<vmem>> -> memref<64x128xi32, #tpu.memory_space<vmem>>
        tpu.wait_dma2 semaphore(%dma_wait3A_332 : memref<!tpu.dma_semaphore, #tpu.memory_space<semaphore_mem>>) src(%dma_wait3A_339 : memref<64x128xi32, #tpu.memory_space<vmem>>) dst(%dma_wait3A_335 : memref<64x128xi32, #tpu.memory_space<hbm>>)
      } else {
      }
      %dma_start3A_126 = arith.constant 1 : i32
      %dma_start3A_127 = arith.constant 0 : i32
      %dma_start3A_128 = arith.constant 1 : i32
      %dma_start3A_129 = arith.constant 0 : i32
      %dma_start3A_130 = arith.constant 0 : i32
      %dma_start3A_131 = tpu.memref_slice %arg9[%dma_start3A_126, %dma_start3A_127, %dma_start3A_129, %dma_start3A_130] : memref<2x2x64x128xi32, #tpu.memory_space<vmem>> -> memref<1x1x64x128xi32, #tpu.memory_space<vmem>>
      %dma_start3A_132 = tpu.memref_squeeze %dma_start3A_131 : memref<1x1x64x128xi32, #tpu.memory_space<vmem>> -> memref<64x128xi32, #tpu.memory_space<vmem>>
      %dma_start3A_133 = arith.constant 0 : i32
      %dma_start3A_134 = tpu.memref_slice %arg7[%add3A_120, %dma_start3A_133] : memref<18x64xi32, #tpu.memory_space<vmem>> -> memref<1x64xi32, #tpu.memory_space<vmem>>
      %dma_start3A_135 = tpu.memref_squeeze %dma_start3A_134 : memref<1x64xi32, #tpu.memory_space<vmem>> -> memref<64xi32, #tpu.memory_space<vmem>>
      %dma_start3A_136 = arith.constant 0 : i32
      %dma_start3A_137 = arith.constant 0 : i32
      %dma_start3A_138 = tpu.memref_slice %arg2[%dma_start3A_136, %dma_start3A_137] : memref<100000x128xi32, #tpu.memory_space<hbm>> -> memref<100000x128xi32, #tpu.memory_space<hbm>>
      %dma_start3A_139 = tpu.memref_slice %arg10[%dma_start3A_128] : memref<2x!tpu.dma_semaphore, #tpu.memory_space<semaphore_mem>> -> memref<1x!tpu.dma_semaphore, #tpu.memory_space<semaphore_mem>>
      %dma_start3A_140 = tpu.memref_squeeze %dma_start3A_139 : memref<1x!tpu.dma_semaphore, #tpu.memory_space<semaphore_mem>> -> memref<!tpu.dma_semaphore, #tpu.memory_space<semaphore_mem>>
      tpu.enqueue_indirect_dma source(%dma_start3A_138 : memref<100000x128xi32, #tpu.memory_space<hbm>>) target(%dma_start3A_132 : memref<64x128xi32, #tpu.memory_space<vmem>>) offsets(%dma_start3A_135 : memref<64xi32, #tpu.memory_space<vmem>>) semaphore(%dma_start3A_140 : memref<!tpu.dma_semaphore, #tpu.memory_space<semaphore_mem>>)
      %dma_start3A_141 = arith.constant 1 : i32
      %dma_start3A_142 = arith.constant 1 : i32
      %dma_start3A_143 = arith.constant 1 : i32
      %dma_start3A_144 = arith.constant 0 : i32
      %dma_start3A_145 = arith.constant 0 : i32
      %dma_start3A_146 = tpu.memref_slice %arg9[%dma_start3A_141, %dma_start3A_142, %dma_start3A_144, %dma_start3A_145] : memref<2x2x64x128xi32, #tpu.memory_space<vmem>> -> memref<1x1x64x128xi32, #tpu.memory_space<vmem>>
      %dma_start3A_147 = tpu.memref_squeeze %dma_start3A_146 : memref<1x1x64x128xi32, #tpu.memory_space<vmem>> -> memref<64x128xi32, #tpu.memory_space<vmem>>
      %dma_start3A_148 = arith.constant 0 : i32
      %dma_start3A_149 = tpu.memref_slice %arg8[%add3A_120, %dma_start3A_148] : memref<18x64xi32, #tpu.memory_space<vmem>> -> memref<1x64xi32, #tpu.memory_space<vmem>>
      %dma_start3A_150 = tpu.memref_squeeze %dma_start3A_149 : memref<1x64xi32, #tpu.memory_space<vmem>> -> memref<64xi32, #tpu.memory_space<vmem>>
      %dma_start3A_151 = arith.constant 0 : i32
      %dma_start3A_152 = arith.constant 0 : i32
      %dma_start3A_153 = tpu.memref_slice %arg2[%dma_start3A_151, %dma_start3A_152] : memref<100000x128xi32, #tpu.memory_space<hbm>> -> memref<100000x128xi32, #tpu.memory_space<hbm>>
      %dma_start3A_154 = tpu.memref_slice %arg10[%dma_start3A_143] : memref<2x!tpu.dma_semaphore, #tpu.memory_space<semaphore_mem>> -> memref<1x!tpu.dma_semaphore, #tpu.memory_space<semaphore_mem>>
      %dma_start3A_155 = tpu.memref_squeeze %dma_start3A_154 : memref<1x!tpu.dma_semaphore, #tpu.memory_space<semaphore_mem>> -> memref<!tpu.dma_semaphore, #tpu.memory_space<semaphore_mem>>
      tpu.enqueue_indirect_dma source(%dma_start3A_153 : memref<100000x128xi32, #tpu.memory_space<hbm>>) target(%dma_start3A_147 : memref<64x128xi32, #tpu.memory_space<vmem>>) offsets(%dma_start3A_150 : memref<64xi32, #tpu.memory_space<vmem>>) semaphore(%dma_start3A_155 : memref<!tpu.dma_semaphore, #tpu.memory_space<semaphore_mem>>)
      %mul3A_156 = arith.constant 2 : i32
      %mul3A_157 = arith.muli %mul3A_156, %scan3A_81 : i32
      %add3A_158 = arith.constant 0 : i32
      %add3A_159 = arith.addi %mul3A_157, %add3A_158 : i32
      %dma_wait3A_160 = arith.constant 0 : i32
      %dma_wait3A_161 = arith.constant 0 : i32
      %dma_wait3A_162 = arith.constant 0 : i32
      %dma_wait3A_163 = arith.constant 0 : i32
      %dma_wait3A_164 = arith.constant 0 : i32
      %dma_wait3A_165 = tpu.memref_slice %arg9[%dma_wait3A_160, %dma_wait3A_161, %dma_wait3A_163, %dma_wait3A_164] : memref<2x2x64x128xi32, #tpu.memory_space<vmem>> -> memref<1x1x64x128xi32, #tpu.memory_space<vmem>>
      %dma_wait3A_166 = tpu.memref_squeeze %dma_wait3A_165 : memref<1x1x64x128xi32, #tpu.memory_space<vmem>> -> memref<64x128xi32, #tpu.memory_space<vmem>>
      %dma_wait3A_167 = arith.constant 0 : i32
      %dma_wait3A_168 = tpu.memref_slice %arg7[%add3A_85, %dma_wait3A_167] : memref<18x64xi32, #tpu.memory_space<vmem>> -> memref<1x64xi32, #tpu.memory_space<vmem>>
      %dma_wait3A_169 = tpu.memref_squeeze %dma_wait3A_168 : memref<1x64xi32, #tpu.memory_space<vmem>> -> memref<64xi32, #tpu.memory_space<vmem>>
      %dma_wait3A_170 = arith.constant 0 : i32
      %dma_wait3A_171 = arith.constant 0 : i32
      %dma_wait3A_172 = tpu.memref_slice %arg2[%dma_wait3A_170, %dma_wait3A_171] : memref<100000x128xi32, #tpu.memory_space<hbm>> -> memref<100000x128xi32, #tpu.memory_space<hbm>>
      %dma_wait3A_173 = tpu.memref_slice %arg10[%dma_wait3A_162] : memref<2x!tpu.dma_semaphore, #tpu.memory_space<semaphore_mem>> -> memref<1x!tpu.dma_semaphore, #tpu.memory_space<semaphore_mem>>
      %dma_wait3A_174 = tpu.memref_squeeze %dma_wait3A_173 : memref<1x!tpu.dma_semaphore, #tpu.memory_space<semaphore_mem>> -> memref<!tpu.dma_semaphore, #tpu.memory_space<semaphore_mem>>
      tpu.wait_indirect_dma semaphore(%dma_wait3A_174 : memref<!tpu.dma_semaphore, #tpu.memory_space<semaphore_mem>>) src(%dma_wait3A_172 : memref<100000x128xi32, #tpu.memory_space<hbm>>) dst(%dma_wait3A_166 : memref<64x128xi32, #tpu.memory_space<vmem>>)
      %dma_wait3A_175 = arith.constant 0 : i32
      %dma_wait3A_176 = arith.constant 1 : i32
      %dma_wait3A_177 = arith.constant 0 : i32
      %dma_wait3A_178 = arith.constant 0 : i32
      %dma_wait3A_179 = arith.constant 0 : i32
      %dma_wait3A_180 = tpu.memref_slice %arg9[%dma_wait3A_175, %dma_wait3A_176, %dma_wait3A_178, %dma_wait3A_179] : memref<2x2x64x128xi32, #tpu.memory_space<vmem>> -> memref<1x1x64x128xi32, #tpu.memory_space<vmem>>
      %dma_wait3A_181 = tpu.memref_squeeze %dma_wait3A_180 : memref<1x1x64x128xi32, #tpu.memory_space<vmem>> -> memref<64x128xi32, #tpu.memory_space<vmem>>
      %dma_wait3A_182 = arith.constant 0 : i32
      %dma_wait3A_183 = tpu.memref_slice %arg8[%add3A_85, %dma_wait3A_182] : memref<18x64xi32, #tpu.memory_space<vmem>> -> memref<1x64xi32, #tpu.memory_space<vmem>>
      %dma_wait3A_184 = tpu.memref_squeeze %dma_wait3A_183 : memref<1x64xi32, #tpu.memory_space<vmem>> -> memref<64xi32, #tpu.memory_space<vmem>>
      %dma_wait3A_185 = arith.constant 0 : i32
      %dma_wait3A_186 = arith.constant 0 : i32
      %dma_wait3A_187 = tpu.memref_slice %arg2[%dma_wait3A_185, %dma_wait3A_186] : memref<100000x128xi32, #tpu.memory_space<hbm>> -> memref<100000x128xi32, #tpu.memory_space<hbm>>
      %dma_wait3A_188 = tpu.memref_slice %arg10[%dma_wait3A_177] : memref<2x!tpu.dma_semaphore, #tpu.memory_space<semaphore_mem>> -> memref<1x!tpu.dma_semaphore, #tpu.memory_space<semaphore_mem>>
      %dma_wait3A_189 = tpu.memref_squeeze %dma_wait3A_188 : memref<1x!tpu.dma_semaphore, #tpu.memory_space<semaphore_mem>> -> memref<!tpu.dma_semaphore, #tpu.memory_space<semaphore_mem>>
      tpu.wait_indirect_dma semaphore(%dma_wait3A_189 : memref<!tpu.dma_semaphore, #tpu.memory_space<semaphore_mem>>) src(%dma_wait3A_187 : memref<100000x128xi32, #tpu.memory_space<hbm>>) dst(%dma_wait3A_181 : memref<64x128xi32, #tpu.memory_space<vmem>>)
      %mul3A_190 = arith.constant 18 : i32
      %mul3A_191 = arith.muli %add3A, %mul3A_190 : i32
      %add3A_192 = arith.addi %mul3A_191, %add3A_159 : i32
      %mul3A_193 = arith.constant 64 : i32
      %mul3A_194 = arith.muli %add3A_192, %mul3A_193 : i32
      %dma_start3A_195 = arith.constant 0 : i32
      %dma_start3A_196 = arith.constant 0 : i32
      %dma_start3A_197 = arith.constant 0 : i32
      %dma_start3A_198 = arith.constant 0 : i32
      %dma_start3A_199 = arith.constant 0 : i32
      %dma_start3A_200 = tpu.memref_slice %arg9[%dma_start3A_195, %dma_start3A_196, %dma_start3A_198, %dma_start3A_199] : memref<2x2x64x128xi32, #tpu.memory_space<vmem>> -> memref<1x1x64x128xi32, #tpu.memory_space<vmem>>
      %dma_start3A_201 = tpu.memref_squeeze %dma_start3A_200 : memref<1x1x64x128xi32, #tpu.memory_space<vmem>> -> memref<64x128xi32, #tpu.memory_space<vmem>>
      %dma_start3A_202 = arith.constant 0 : i32
      %dma_start3A_203 = tpu.memref_slice %arg5[%mul3A_194, %dma_start3A_202] : memref<36864x128xi32, #tpu.memory_space<hbm>> -> memref<64x128xi32, #tpu.memory_space<hbm>>
      %dma_start3A_204 = tpu.memref_slice %arg11[%dma_start3A_197] : memref<2x!tpu.dma_semaphore, #tpu.memory_space<semaphore_mem>> -> memref<1x!tpu.dma_semaphore, #tpu.memory_space<semaphore_mem>>
      %dma_start3A_205 = tpu.memref_squeeze %dma_start3A_204 : memref<1x!tpu.dma_semaphore, #tpu.memory_space<semaphore_mem>> -> memref<!tpu.dma_semaphore, #tpu.memory_space<semaphore_mem>>
      %dma_start3A_206 = arith.constant 0 : i32
      %dma_start3A_207 = tpu.memref_slice %arg5[%mul3A_194, %dma_start3A_206] : memref<36864x128xi32, #tpu.memory_space<hbm>> -> memref<64x128xi32, #tpu.memory_space<hbm>>
      %dma_start3A_208 = arith.constant 0 : i32
      %dma_start3A_209 = arith.constant 0 : i32
      %dma_start3A_210 = tpu.memref_slice %arg9[%dma_start3A_195, %dma_start3A_196, %dma_start3A_208, %dma_start3A_209] : memref<2x2x64x128xi32, #tpu.memory_space<vmem>> -> memref<1x1x64x128xi32, #tpu.memory_space<vmem>>
      %dma_start3A_211 = tpu.memref_squeeze %dma_start3A_210 : memref<1x1x64x128xi32, #tpu.memory_space<vmem>> -> memref<64x128xi32, #tpu.memory_space<vmem>>
      tpu.enqueue_dma source(%dma_start3A_211 : memref<64x128xi32, #tpu.memory_space<vmem>>) target(%dma_start3A_207 : memref<64x128xi32, #tpu.memory_space<hbm>>) target_semaphore(%dma_start3A_205 : memref<!tpu.dma_semaphore, #tpu.memory_space<semaphore_mem>>)
      %dma_start3A_212 = arith.constant 0 : i32
      %dma_start3A_213 = arith.constant 1 : i32
      %dma_start3A_214 = arith.constant 0 : i32
      %dma_start3A_215 = arith.constant 0 : i32
      %dma_start3A_216 = arith.constant 0 : i32
      %dma_start3A_217 = tpu.memref_slice %arg9[%dma_start3A_212, %dma_start3A_213, %dma_start3A_215, %dma_start3A_216] : memref<2x2x64x128xi32, #tpu.memory_space<vmem>> -> memref<1x1x64x128xi32, #tpu.memory_space<vmem>>
      %dma_start3A_218 = tpu.memref_squeeze %dma_start3A_217 : memref<1x1x64x128xi32, #tpu.memory_space<vmem>> -> memref<64x128xi32, #tpu.memory_space<vmem>>
      %dma_start3A_219 = arith.constant 0 : i32
      %dma_start3A_220 = tpu.memref_slice %arg6[%mul3A_194, %dma_start3A_219] : memref<36864x128xi32, #tpu.memory_space<hbm>> -> memref<64x128xi32, #tpu.memory_space<hbm>>
      %dma_start3A_221 = tpu.memref_slice %arg11[%dma_start3A_214] : memref<2x!tpu.dma_semaphore, #tpu.memory_space<semaphore_mem>> -> memref<1x!tpu.dma_semaphore, #tpu.memory_space<semaphore_mem>>
      %dma_start3A_222 = tpu.memref_squeeze %dma_start3A_221 : memref<1x!tpu.dma_semaphore, #tpu.memory_space<semaphore_mem>> -> memref<!tpu.dma_semaphore, #tpu.memory_space<semaphore_mem>>
      %dma_start3A_223 = arith.constant 0 : i32
      %dma_start3A_224 = tpu.memref_slice %arg6[%mul3A_194, %dma_start3A_223] : memref<36864x128xi32, #tpu.memory_space<hbm>> -> memref<64x128xi32, #tpu.memory_space<hbm>>
      %dma_start3A_225 = arith.constant 0 : i32
      %dma_start3A_226 = arith.constant 0 : i32
      %dma_start3A_227 = tpu.memref_slice %arg9[%dma_start3A_212, %dma_start3A_213, %dma_start3A_225, %dma_start3A_226] : memref<2x2x64x128xi32, #tpu.memory_space<vmem>> -> memref<1x1x64x128xi32, #tpu.memory_space<vmem>>
      %dma_start3A_228 = tpu.memref_squeeze %dma_start3A_227 : memref<1x1x64x128xi32, #tpu.memory_space<vmem>> -> memref<64x128xi32, #tpu.memory_space<vmem>>
      tpu.enqueue_dma source(%dma_start3A_228 : memref<64x128xi32, #tpu.memory_space<vmem>>) target(%dma_start3A_224 : memref<64x128xi32, #tpu.memory_space<hbm>>) target_semaphore(%dma_start3A_222 : memref<!tpu.dma_semaphore, #tpu.memory_space<semaphore_mem>>)
      %mul3A_229 = arith.constant 2 : i32
      %mul3A_230 = arith.muli %mul3A_229, %scan3A_81 : i32
      %add3A_231 = arith.constant 1 : i32
      %add3A_232 = arith.addi %mul3A_230, %add3A_231 : i32
      %dma_wait3A_233 = arith.constant 1 : i32
      %dma_wait3A_234 = arith.constant 0 : i32
      %dma_wait3A_235 = arith.constant 1 : i32
      %dma_wait3A_236 = arith.constant 0 : i32
      %dma_wait3A_237 = arith.constant 0 : i32
      %dma_wait3A_238 = tpu.memref_slice %arg9[%dma_wait3A_233, %dma_wait3A_234, %dma_wait3A_236, %dma_wait3A_237] : memref<2x2x64x128xi32, #tpu.memory_space<vmem>> -> memref<1x1x64x128xi32, #tpu.memory_space<vmem>>
      %dma_wait3A_239 = tpu.memref_squeeze %dma_wait3A_238 : memref<1x1x64x128xi32, #tpu.memory_space<vmem>> -> memref<64x128xi32, #tpu.memory_space<vmem>>
      %dma_wait3A_240 = arith.constant 0 : i32
      %dma_wait3A_241 = tpu.memref_slice %arg7[%add3A_120, %dma_wait3A_240] : memref<18x64xi32, #tpu.memory_space<vmem>> -> memref<1x64xi32, #tpu.memory_space<vmem>>
      %dma_wait3A_242 = tpu.memref_squeeze %dma_wait3A_241 : memref<1x64xi32, #tpu.memory_space<vmem>> -> memref<64xi32, #tpu.memory_space<vmem>>
      %dma_wait3A_243 = arith.constant 0 : i32
      %dma_wait3A_244 = arith.constant 0 : i32
      %dma_wait3A_245 = tpu.memref_slice %arg2[%dma_wait3A_243, %dma_wait3A_244] : memref<100000x128xi32, #tpu.memory_space<hbm>> -> memref<100000x128xi32, #tpu.memory_space<hbm>>
      %dma_wait3A_246 = tpu.memref_slice %arg10[%dma_wait3A_235] : memref<2x!tpu.dma_semaphore, #tpu.memory_space<semaphore_mem>> -> memref<1x!tpu.dma_semaphore, #tpu.memory_space<semaphore_mem>>
      %dma_wait3A_247 = tpu.memref_squeeze %dma_wait3A_246 : memref<1x!tpu.dma_semaphore, #tpu.memory_space<semaphore_mem>> -> memref<!tpu.dma_semaphore, #tpu.memory_space<semaphore_mem>>
      tpu.wait_indirect_dma semaphore(%dma_wait3A_247 : memref<!tpu.dma_semaphore, #tpu.memory_space<semaphore_mem>>) src(%dma_wait3A_245 : memref<100000x128xi32, #tpu.memory_space<hbm>>) dst(%dma_wait3A_239 : memref<64x128xi32, #tpu.memory_space<vmem>>)
      %dma_wait3A_248 = arith.constant 1 : i32
      %dma_wait3A_249 = arith.constant 1 : i32
      %dma_wait3A_250 = arith.constant 1 : i32
      %dma_wait3A_251 = arith.constant 0 : i32
      %dma_wait3A_252 = arith.constant 0 : i32
      %dma_wait3A_253 = tpu.memref_slice %arg9[%dma_wait3A_248, %dma_wait3A_249, %dma_wait3A_251, %dma_wait3A_252] : memref<2x2x64x128xi32, #tpu.memory_space<vmem>> -> memref<1x1x64x128xi32, #tpu.memory_space<vmem>>
      %dma_wait3A_254 = tpu.memref_squeeze %dma_wait3A_253 : memref<1x1x64x128xi32, #tpu.memory_space<vmem>> -> memref<64x128xi32, #tpu.memory_space<vmem>>
      %dma_wait3A_255 = arith.constant 0 : i32
      %dma_wait3A_256 = tpu.memref_slice %arg8[%add3A_120, %dma_wait3A_255] : memref<18x64xi32, #tpu.memory_space<vmem>> -> memref<1x64xi32, #tpu.memory_space<vmem>>
      %dma_wait3A_257 = tpu.memref_squeeze %dma_wait3A_256 : memref<1x64xi32, #tpu.memory_space<vmem>> -> memref<64xi32, #tpu.memory_space<vmem>>
      %dma_wait3A_258 = arith.constant 0 : i32
      %dma_wait3A_259 = arith.constant 0 : i32
      %dma_wait3A_260 = tpu.memref_slice %arg2[%dma_wait3A_258, %dma_wait3A_259] : memref<100000x128xi32, #tpu.memory_space<hbm>> -> memref<100000x128xi32, #tpu.memory_space<hbm>>
      %dma_wait3A_261 = tpu.memref_slice %arg10[%dma_wait3A_250] : memref<2x!tpu.dma_semaphore, #tpu.memory_space<semaphore_mem>> -> memref<1x!tpu.dma_semaphore, #tpu.memory_space<semaphore_mem>>
      %dma_wait3A_262 = tpu.memref_squeeze %dma_wait3A_261 : memref<1x!tpu.dma_semaphore, #tpu.memory_space<semaphore_mem>> -> memref<!tpu.dma_semaphore, #tpu.memory_space<semaphore_mem>>
      tpu.wait_indirect_dma semaphore(%dma_wait3A_262 : memref<!tpu.dma_semaphore, #tpu.memory_space<semaphore_mem>>) src(%dma_wait3A_260 : memref<100000x128xi32, #tpu.memory_space<hbm>>) dst(%dma_wait3A_254 : memref<64x128xi32, #tpu.memory_space<vmem>>)
      %mul3A_263 = arith.constant 18 : i32
      %mul3A_264 = arith.muli %add3A, %mul3A_263 : i32
      %add3A_265 = arith.addi %mul3A_264, %add3A_232 : i32
      %mul3A_266 = arith.constant 64 : i32
      %mul3A_267 = arith.muli %add3A_265, %mul3A_266 : i32
      %dma_start3A_268 = arith.constant 1 : i32
      %dma_start3A_269 = arith.constant 0 : i32
      %dma_start3A_270 = arith.constant 1 : i32
      %dma_start3A_271 = arith.constant 0 : i32
      %dma_start3A_272 = arith.constant 0 : i32
      %dma_start3A_273 = tpu.memref_slice %arg9[%dma_start3A_268, %dma_start3A_269, %dma_start3A_271, %dma_start3A_272] : memref<2x2x64x128xi32, #tpu.memory_space<vmem>> -> memref<1x1x64x128xi32, #tpu.memory_space<vmem>>
      %dma_start3A_274 = tpu.memref_squeeze %dma_start3A_273 : memref<1x1x64x128xi32, #tpu.memory_space<vmem>> -> memref<64x128xi32, #tpu.memory_space<vmem>>
      %dma_start3A_275 = arith.constant 0 : i32
      %dma_start3A_276 = tpu.memref_slice %arg5[%mul3A_267, %dma_start3A_275] : memref<36864x128xi32, #tpu.memory_space<hbm>> -> memref<64x128xi32, #tpu.memory_space<hbm>>
      %dma_start3A_277 = tpu.memref_slice %arg11[%dma_start3A_270] : memref<2x!tpu.dma_semaphore, #tpu.memory_space<semaphore_mem>> -> memref<1x!tpu.dma_semaphore, #tpu.memory_space<semaphore_mem>>
      %dma_start3A_278 = tpu.memref_squeeze %dma_start3A_277 : memref<1x!tpu.dma_semaphore, #tpu.memory_space<semaphore_mem>> -> memref<!tpu.dma_semaphore, #tpu.memory_space<semaphore_mem>>
      %dma_start3A_279 = arith.constant 0 : i32
      %dma_start3A_280 = tpu.memref_slice %arg5[%mul3A_267, %dma_start3A_279] : memref<36864x128xi32, #tpu.memory_space<hbm>> -> memref<64x128xi32, #tpu.memory_space<hbm>>
      %dma_start3A_281 = arith.constant 0 : i32
      %dma_start3A_282 = arith.constant 0 : i32
      %dma_start3A_283 = tpu.memref_slice %arg9[%dma_start3A_268, %dma_start3A_269, %dma_start3A_281, %dma_start3A_282] : memref<2x2x64x128xi32, #tpu.memory_space<vmem>> -> memref<1x1x64x128xi32, #tpu.memory_space<vmem>>
      %dma_start3A_284 = tpu.memref_squeeze %dma_start3A_283 : memref<1x1x64x128xi32, #tpu.memory_space<vmem>> -> memref<64x128xi32, #tpu.memory_space<vmem>>
      tpu.enqueue_dma source(%dma_start3A_284 : memref<64x128xi32, #tpu.memory_space<vmem>>) target(%dma_start3A_280 : memref<64x128xi32, #tpu.memory_space<hbm>>) target_semaphore(%dma_start3A_278 : memref<!tpu.dma_semaphore, #tpu.memory_space<semaphore_mem>>)
      %dma_start3A_285 = arith.constant 1 : i32
      %dma_start3A_286 = arith.constant 1 : i32
      %dma_start3A_287 = arith.constant 1 : i32
      %dma_start3A_288 = arith.constant 0 : i32
      %dma_start3A_289 = arith.constant 0 : i32
      %dma_start3A_290 = tpu.memref_slice %arg9[%dma_start3A_285, %dma_start3A_286, %dma_start3A_288, %dma_start3A_289] : memref<2x2x64x128xi32, #tpu.memory_space<vmem>> -> memref<1x1x64x128xi32, #tpu.memory_space<vmem>>
      %dma_start3A_291 = tpu.memref_squeeze %dma_start3A_290 : memref<1x1x64x128xi32, #tpu.memory_space<vmem>> -> memref<64x128xi32, #tpu.memory_space<vmem>>
      %dma_start3A_292 = arith.constant 0 : i32
      %dma_start3A_293 = tpu.memref_slice %arg6[%mul3A_267, %dma_start3A_292] : memref<36864x128xi32, #tpu.memory_space<hbm>> -> memref<64x128xi32, #tpu.memory_space<hbm>>
      %dma_start3A_294 = tpu.memref_slice %arg11[%dma_start3A_287] : memref<2x!tpu.dma_semaphore, #tpu.memory_space<semaphore_mem>> -> memref<1x!tpu.dma_semaphore, #tpu.memory_space<semaphore_mem>>
      %dma_start3A_295 = tpu.memref_squeeze %dma_start3A_294 : memref<1x!tpu.dma_semaphore, #tpu.memory_space<semaphore_mem>> -> memref<!tpu.dma_semaphore, #tpu.memory_space<semaphore_mem>>
      %dma_start3A_296 = arith.constant 0 : i32
      %dma_start3A_297 = tpu.memref_slice %arg6[%mul3A_267, %dma_start3A_296] : memref<36864x128xi32, #tpu.memory_space<hbm>> -> memref<64x128xi32, #tpu.memory_space<hbm>>
      %dma_start3A_298 = arith.constant 0 : i32
      %dma_start3A_299 = arith.constant 0 : i32
      %dma_start3A_300 = tpu.memref_slice %arg9[%dma_start3A_285, %dma_start3A_286, %dma_start3A_298, %dma_start3A_299] : memref<2x2x64x128xi32, #tpu.memory_space<vmem>> -> memref<1x1x64x128xi32, #tpu.memory_space<vmem>>
      %dma_start3A_301 = tpu.memref_squeeze %dma_start3A_300 : memref<1x1x64x128xi32, #tpu.memory_space<vmem>> -> memref<64x128xi32, #tpu.memory_space<vmem>>
      tpu.enqueue_dma source(%dma_start3A_301 : memref<64x128xi32, #tpu.memory_space<vmem>>) target(%dma_start3A_297 : memref<64x128xi32, #tpu.memory_space<hbm>>) target_semaphore(%dma_start3A_295 : memref<!tpu.dma_semaphore, #tpu.memory_space<semaphore_mem>>)
    }
    %scan3A_5 = arith.constant 9 : i32
    %dma_wait3A = arith.constant 0 : i32
    %dma_wait3A_6 = arith.constant 0 : i32
    %dma_wait3A_7 = arith.constant 0 : i32
    %dma_wait3A_8 = arith.constant 0 : i32
    %dma_wait3A_9 = arith.constant 0 : i32
    %dma_wait3A_10 = tpu.memref_slice %arg9[%dma_wait3A, %dma_wait3A_6, %dma_wait3A_8, %dma_wait3A_9] : memref<2x2x64x128xi32, #tpu.memory_space<vmem>> -> memref<1x1x64x128xi32, #tpu.memory_space<vmem>>
    %dma_wait3A_11 = tpu.memref_squeeze %dma_wait3A_10 : memref<1x1x64x128xi32, #tpu.memory_space<vmem>> -> memref<64x128xi32, #tpu.memory_space<vmem>>
    %dma_wait3A_12 = arith.constant 0 : i32
    %dma_wait3A_13 = arith.constant 0 : i32
    %dma_wait3A_14 = tpu.memref_slice %arg5[%dma_wait3A_12, %dma_wait3A_13] : memref<36864x128xi32, #tpu.memory_space<hbm>> -> memref<64x128xi32, #tpu.memory_space<hbm>>
    %dma_wait3A_15 = tpu.memref_slice %arg11[%dma_wait3A_7] : memref<2x!tpu.dma_semaphore, #tpu.memory_space<semaphore_mem>> -> memref<1x!tpu.dma_semaphore, #tpu.memory_space<semaphore_mem>>
    %dma_wait3A_16 = tpu.memref_squeeze %dma_wait3A_15 : memref<1x!tpu.dma_semaphore, #tpu.memory_space<semaphore_mem>> -> memref<!tpu.dma_semaphore, #tpu.memory_space<semaphore_mem>>
    %dma_wait3A_17 = arith.constant 0 : i32
    %dma_wait3A_18 = arith.constant 0 : i32
    %dma_wait3A_19 = tpu.memref_slice %arg5[%dma_wait3A_17, %dma_wait3A_18] : memref<36864x128xi32, #tpu.memory_space<hbm>> -> memref<64x128xi32, #tpu.memory_space<hbm>>
    %dma_wait3A_20 = arith.constant 0 : i32
    %dma_wait3A_21 = arith.constant 0 : i32
    %dma_wait3A_22 = tpu.memref_slice %arg9[%dma_wait3A, %dma_wait3A_6, %dma_wait3A_20, %dma_wait3A_21] : memref<2x2x64x128xi32, #tpu.memory_space<vmem>> -> memref<1x1x64x128xi32, #tpu.memory_space<vmem>>
    %dma_wait3A_23 = tpu.memref_squeeze %dma_wait3A_22 : memref<1x1x64x128xi32, #tpu.memory_space<vmem>> -> memref<64x128xi32, #tpu.memory_space<vmem>>
    tpu.wait_dma2 semaphore(%dma_wait3A_16 : memref<!tpu.dma_semaphore, #tpu.memory_space<semaphore_mem>>) src(%dma_wait3A_23 : memref<64x128xi32, #tpu.memory_space<vmem>>) dst(%dma_wait3A_19 : memref<64x128xi32, #tpu.memory_space<hbm>>)
    %dma_wait3A_24 = arith.constant 0 : i32
    %dma_wait3A_25 = arith.constant 1 : i32
    %dma_wait3A_26 = arith.constant 0 : i32
    %dma_wait3A_27 = arith.constant 0 : i32
    %dma_wait3A_28 = arith.constant 0 : i32
    %dma_wait3A_29 = tpu.memref_slice %arg9[%dma_wait3A_24, %dma_wait3A_25, %dma_wait3A_27, %dma_wait3A_28] : memref<2x2x64x128xi32, #tpu.memory_space<vmem>> -> memref<1x1x64x128xi32, #tpu.memory_space<vmem>>
    %dma_wait3A_30 = tpu.memref_squeeze %dma_wait3A_29 : memref<1x1x64x128xi32, #tpu.memory_space<vmem>> -> memref<64x128xi32, #tpu.memory_space<vmem>>
    %dma_wait3A_31 = arith.constant 0 : i32
    %dma_wait3A_32 = arith.constant 0 : i32
    %dma_wait3A_33 = tpu.memref_slice %arg6[%dma_wait3A_31, %dma_wait3A_32] : memref<36864x128xi32, #tpu.memory_space<hbm>> -> memref<64x128xi32, #tpu.memory_space<hbm>>
    %dma_wait3A_34 = tpu.memref_slice %arg11[%dma_wait3A_26] : memref<2x!tpu.dma_semaphore, #tpu.memory_space<semaphore_mem>> -> memref<1x!tpu.dma_semaphore, #tpu.memory_space<semaphore_mem>>
    %dma_wait3A_35 = tpu.memref_squeeze %dma_wait3A_34 : memref<1x!tpu.dma_semaphore, #tpu.memory_space<semaphore_mem>> -> memref<!tpu.dma_semaphore, #tpu.memory_space<semaphore_mem>>
    %dma_wait3A_36 = arith.constant 0 : i32
    %dma_wait3A_37 = arith.constant 0 : i32
    %dma_wait3A_38 = tpu.memref_slice %arg6[%dma_wait3A_36, %dma_wait3A_37] : memref<36864x128xi32, #tpu.memory_space<hbm>> -> memref<64x128xi32, #tpu.memory_space<hbm>>
    %dma_wait3A_39 = arith.constant 0 : i32
    %dma_wait3A_40 = arith.constant 0 : i32
    %dma_wait3A_41 = tpu.memref_slice %arg9[%dma_wait3A_24, %dma_wait3A_25, %dma_wait3A_39, %dma_wait3A_40] : memref<2x2x64x128xi32, #tpu.memory_space<vmem>> -> memref<1x1x64x128xi32, #tpu.memory_space<vmem>>
    %dma_wait3A_42 = tpu.memref_squeeze %dma_wait3A_41 : memref<1x1x64x128xi32, #tpu.memory_space<vmem>> -> memref<64x128xi32, #tpu.memory_space<vmem>>
    tpu.wait_dma2 semaphore(%dma_wait3A_35 : memref<!tpu.dma_semaphore, #tpu.memory_space<semaphore_mem>>) src(%dma_wait3A_42 : memref<64x128xi32, #tpu.memory_space<vmem>>) dst(%dma_wait3A_38 : memref<64x128xi32, #tpu.memory_space<hbm>>)
    %dma_wait3A_43 = arith.constant 1 : i32
    %dma_wait3A_44 = arith.constant 0 : i32
    %dma_wait3A_45 = arith.constant 1 : i32
    %dma_wait3A_46 = arith.constant 0 : i32
    %dma_wait3A_47 = arith.constant 0 : i32
    %dma_wait3A_48 = tpu.memref_slice %arg9[%dma_wait3A_43, %dma_wait3A_44, %dma_wait3A_46, %dma_wait3A_47] : memref<2x2x64x128xi32, #tpu.memory_space<vmem>> -> memref<1x1x64x128xi32, #tpu.memory_space<vmem>>
    %dma_wait3A_49 = tpu.memref_squeeze %dma_wait3A_48 : memref<1x1x64x128xi32, #tpu.memory_space<vmem>> -> memref<64x128xi32, #tpu.memory_space<vmem>>
    %dma_wait3A_50 = arith.constant 0 : i32
    %dma_wait3A_51 = arith.constant 0 : i32
    %dma_wait3A_52 = tpu.memref_slice %arg5[%dma_wait3A_50, %dma_wait3A_51] : memref<36864x128xi32, #tpu.memory_space<hbm>> -> memref<64x128xi32, #tpu.memory_space<hbm>>
    %dma_wait3A_53 = tpu.memref_slice %arg11[%dma_wait3A_45] : memref<2x!tpu.dma_semaphore, #tpu.memory_space<semaphore_mem>> -> memref<1x!tpu.dma_semaphore, #tpu.memory_space<semaphore_mem>>
    %dma_wait3A_54 = tpu.memref_squeeze %dma_wait3A_53 : memref<1x!tpu.dma_semaphore, #tpu.memory_space<semaphore_mem>> -> memref<!tpu.dma_semaphore, #tpu.memory_space<semaphore_mem>>
    %dma_wait3A_55 = arith.constant 0 : i32
    %dma_wait3A_56 = arith.constant 0 : i32
    %dma_wait3A_57 = tpu.memref_slice %arg5[%dma_wait3A_55, %dma_wait3A_56] : memref<36864x128xi32, #tpu.memory_space<hbm>> -> memref<64x128xi32, #tpu.memory_space<hbm>>
    %dma_wait3A_58 = arith.constant 0 : i32
    %dma_wait3A_59 = arith.constant 0 : i32
    %dma_wait3A_60 = tpu.memref_slice %arg9[%dma_wait3A_43, %dma_wait3A_44, %dma_wait3A_58, %dma_wait3A_59] : memref<2x2x64x128xi32, #tpu.memory_space<vmem>> -> memref<1x1x64x128xi32, #tpu.memory_space<vmem>>
    %dma_wait3A_61 = tpu.memref_squeeze %dma_wait3A_60 : memref<1x1x64x128xi32, #tpu.memory_space<vmem>> -> memref<64x128xi32, #tpu.memory_space<vmem>>
    tpu.wait_dma2 semaphore(%dma_wait3A_54 : memref<!tpu.dma_semaphore, #tpu.memory_space<semaphore_mem>>) src(%dma_wait3A_61 : memref<64x128xi32, #tpu.memory_space<vmem>>) dst(%dma_wait3A_57 : memref<64x128xi32, #tpu.memory_space<hbm>>)
    %dma_wait3A_62 = arith.constant 1 : i32
    %dma_wait3A_63 = arith.constant 1 : i32
    %dma_wait3A_64 = arith.constant 1 : i32
    %dma_wait3A_65 = arith.constant 0 : i32
    %dma_wait3A_66 = arith.constant 0 : i32
    %dma_wait3A_67 = tpu.memref_slice %arg9[%dma_wait3A_62, %dma_wait3A_63, %dma_wait3A_65, %dma_wait3A_66] : memref<2x2x64x128xi32, #tpu.memory_space<vmem>> -> memref<1x1x64x128xi32, #tpu.memory_space<vmem>>
    %dma_wait3A_68 = tpu.memref_squeeze %dma_wait3A_67 : memref<1x1x64x128xi32, #tpu.memory_space<vmem>> -> memref<64x128xi32, #tpu.memory_space<vmem>>
    %dma_wait3A_69 = arith.constant 0 : i32
    %dma_wait3A_70 = arith.constant 0 : i32
    %dma_wait3A_71 = tpu.memref_slice %arg6[%dma_wait3A_69, %dma_wait3A_70] : memref<36864x128xi32, #tpu.memory_space<hbm>> -> memref<64x128xi32, #tpu.memory_space<hbm>>
    %dma_wait3A_72 = tpu.memref_slice %arg11[%dma_wait3A_64] : memref<2x!tpu.dma_semaphore, #tpu.memory_space<semaphore_mem>> -> memref<1x!tpu.dma_semaphore, #tpu.memory_space<semaphore_mem>>
    %dma_wait3A_73 = tpu.memref_squeeze %dma_wait3A_72 : memref<1x!tpu.dma_semaphore, #tpu.memory_space<semaphore_mem>> -> memref<!tpu.dma_semaphore, #tpu.memory_space<semaphore_mem>>
    %dma_wait3A_74 = arith.constant 0 : i32
    %dma_wait3A_75 = arith.constant 0 : i32
    %dma_wait3A_76 = tpu.memref_slice %arg6[%dma_wait3A_74, %dma_wait3A_75] : memref<36864x128xi32, #tpu.memory_space<hbm>> -> memref<64x128xi32, #tpu.memory_space<hbm>>
    %dma_wait3A_77 = arith.constant 0 : i32
    %dma_wait3A_78 = arith.constant 0 : i32
    %dma_wait3A_79 = tpu.memref_slice %arg9[%dma_wait3A_62, %dma_wait3A_63, %dma_wait3A_77, %dma_wait3A_78] : memref<2x2x64x128xi32, #tpu.memory_space<vmem>> -> memref<1x1x64x128xi32, #tpu.memory_space<vmem>>
    %dma_wait3A_80 = tpu.memref_squeeze %dma_wait3A_79 : memref<1x1x64x128xi32, #tpu.memory_space<vmem>> -> memref<64x128xi32, #tpu.memory_space<vmem>>
    tpu.wait_dma2 semaphore(%dma_wait3A_73 : memref<!tpu.dma_semaphore, #tpu.memory_space<semaphore_mem>>) src(%dma_wait3A_80 : memref<64x128xi32, #tpu.memory_space<vmem>>) dst(%dma_wait3A_76 : memref<64x128xi32, #tpu.memory_space<hbm>>)
    return
  }
}

#map = affine_map<(d0, d1) -> (0, 0)>
#map1 = affine_map<(d0, d1) -> (0, 0, 0)>
module attributes {stable_mosaic.version = 14 : i64} {
  func.func @body(%arg0: i32, %arg1: i32, %arg2: memref<100000x128xi32, #tpu.memory_space<hbm>>, %arg3: memref<32x8x64xi32, #tpu.memory_space<hbm>>, %arg4: memref<32x8x64xi32, #tpu.memory_space<hbm>>, %arg5: memref<16384x128xi32, #tpu.memory_space<hbm>>, %arg6: memref<16384x128xi32, #tpu.memory_space<hbm>>, %arg7: memref<8x64xi32, #tpu.memory_space<vmem>>, %arg8: memref<8x64xi32, #tpu.memory_space<vmem>>, %arg9: memref<2x2x64x128xi32, #tpu.memory_space<vmem>>, %arg10: memref<2x!tpu.dma_semaphore, #tpu.memory_space<semaphore_mem>>, %arg11: memref<2x!tpu.dma_semaphore, #tpu.memory_space<semaphore_mem>>) attributes {dimension_semantics = [#tpu.dimension_semantics<core_parallel>, #tpu.dimension_semantics<subcore_parallel>], iteration_bounds = array<i64: 2, 16>, scalar_prefetch = 0 : i64, scratch_operands = 5 : i64, tpu.core_type = #tpu.core_type<sc_vector_subcore>, window_params = [{transform_indices = #map}, {transform_indices = #map1}, {transform_indices = #map1}, {transform_indices = #map}, {transform_indices = #map}]} {
    %mul3A = arith.constant 2 : i32
    %mul3A_0 = arith.muli %arg1, %mul3A : i32
    %add3A = arith.addi %mul3A_0, %arg0 : i32
    "tpu.region"() ({
      %run_scoped3A = tpu.sem_alloc : memref<!tpu.dma_semaphore, #tpu.memory_space<semaphore_mem>>
      %dma_start3A = arith.constant 0 : i32
      %dma_start3A_81 = arith.constant 0 : i32
      %dma_start3A_82 = tpu.memref_slice %arg3[%add3A, %dma_start3A, %dma_start3A_81] : memref<32x8x64xi32, #tpu.memory_space<hbm>> -> memref<1x8x64xi32, #tpu.memory_space<hbm>>
      %dma_start3A_83 = tpu.memref_squeeze %dma_start3A_82 : memref<1x8x64xi32, #tpu.memory_space<hbm>> -> memref<8x64xi32, #tpu.memory_space<hbm>>
      %dma_start3A_84 = arith.constant 0 : i32
      %dma_start3A_85 = arith.constant 0 : i32
      %dma_start3A_86 = tpu.memref_slice %arg3[%add3A, %dma_start3A_84, %dma_start3A_85] : memref<32x8x64xi32, #tpu.memory_space<hbm>> -> memref<1x8x64xi32, #tpu.memory_space<hbm>>
      %dma_start3A_87 = tpu.memref_squeeze %dma_start3A_86 : memref<1x8x64xi32, #tpu.memory_space<hbm>> -> memref<8x64xi32, #tpu.memory_space<hbm>>
      tpu.enqueue_dma source(%dma_start3A_87 : memref<8x64xi32, #tpu.memory_space<hbm>>) target(%arg7 : memref<8x64xi32, #tpu.memory_space<vmem>>) target_semaphore(%run_scoped3A : memref<!tpu.dma_semaphore, #tpu.memory_space<semaphore_mem>>)
      %dma_wait3A_88 = arith.constant 0 : i32
      %dma_wait3A_89 = arith.constant 0 : i32
      %dma_wait3A_90 = tpu.memref_slice %arg3[%add3A, %dma_wait3A_88, %dma_wait3A_89] : memref<32x8x64xi32, #tpu.memory_space<hbm>> -> memref<1x8x64xi32, #tpu.memory_space<hbm>>
      %dma_wait3A_91 = tpu.memref_squeeze %dma_wait3A_90 : memref<1x8x64xi32, #tpu.memory_space<hbm>> -> memref<8x64xi32, #tpu.memory_space<hbm>>
      %dma_wait3A_92 = arith.constant 0 : i32
      %dma_wait3A_93 = arith.constant 0 : i32
      %dma_wait3A_94 = tpu.memref_slice %arg3[%add3A, %dma_wait3A_92, %dma_wait3A_93] : memref<32x8x64xi32, #tpu.memory_space<hbm>> -> memref<1x8x64xi32, #tpu.memory_space<hbm>>
      %dma_wait3A_95 = tpu.memref_squeeze %dma_wait3A_94 : memref<1x8x64xi32, #tpu.memory_space<hbm>> -> memref<8x64xi32, #tpu.memory_space<hbm>>
      tpu.wait_dma2 semaphore(%run_scoped3A : memref<!tpu.dma_semaphore, #tpu.memory_space<semaphore_mem>>) src(%dma_wait3A_95 : memref<8x64xi32, #tpu.memory_space<hbm>>) dst(%arg7 : memref<8x64xi32, #tpu.memory_space<vmem>>)
      tpu.yield
    }) : () -> ()
    "tpu.region"() ({
      %run_scoped3A = tpu.sem_alloc : memref<!tpu.dma_semaphore, #tpu.memory_space<semaphore_mem>>
      %dma_start3A = arith.constant 0 : i32
      %dma_start3A_81 = arith.constant 0 : i32
      %dma_start3A_82 = tpu.memref_slice %arg4[%add3A, %dma_start3A, %dma_start3A_81] : memref<32x8x64xi32, #tpu.memory_space<hbm>> -> memref<1x8x64xi32, #tpu.memory_space<hbm>>
      %dma_start3A_83 = tpu.memref_squeeze %dma_start3A_82 : memref<1x8x64xi32, #tpu.memory_space<hbm>> -> memref<8x64xi32, #tpu.memory_space<hbm>>
      %dma_start3A_84 = arith.constant 0 : i32
      %dma_start3A_85 = arith.constant 0 : i32
      %dma_start3A_86 = tpu.memref_slice %arg4[%add3A, %dma_start3A_84, %dma_start3A_85] : memref<32x8x64xi32, #tpu.memory_space<hbm>> -> memref<1x8x64xi32, #tpu.memory_space<hbm>>
      %dma_start3A_87 = tpu.memref_squeeze %dma_start3A_86 : memref<1x8x64xi32, #tpu.memory_space<hbm>> -> memref<8x64xi32, #tpu.memory_space<hbm>>
      tpu.enqueue_dma source(%dma_start3A_87 : memref<8x64xi32, #tpu.memory_space<hbm>>) target(%arg8 : memref<8x64xi32, #tpu.memory_space<vmem>>) target_semaphore(%run_scoped3A : memref<!tpu.dma_semaphore, #tpu.memory_space<semaphore_mem>>)
      %dma_wait3A_88 = arith.constant 0 : i32
      %dma_wait3A_89 = arith.constant 0 : i32
      %dma_wait3A_90 = tpu.memref_slice %arg4[%add3A, %dma_wait3A_88, %dma_wait3A_89] : memref<32x8x64xi32, #tpu.memory_space<hbm>> -> memref<1x8x64xi32, #tpu.memory_space<hbm>>
      %dma_wait3A_91 = tpu.memref_squeeze %dma_wait3A_90 : memref<1x8x64xi32, #tpu.memory_space<hbm>> -> memref<8x64xi32, #tpu.memory_space<hbm>>
      %dma_wait3A_92 = arith.constant 0 : i32
      %dma_wait3A_93 = arith.constant 0 : i32
      %dma_wait3A_94 = tpu.memref_slice %arg4[%add3A, %dma_wait3A_92, %dma_wait3A_93] : memref<32x8x64xi32, #tpu.memory_space<hbm>> -> memref<1x8x64xi32, #tpu.memory_space<hbm>>
      %dma_wait3A_95 = tpu.memref_squeeze %dma_wait3A_94 : memref<1x8x64xi32, #tpu.memory_space<hbm>> -> memref<8x64xi32, #tpu.memory_space<hbm>>
      tpu.wait_dma2 semaphore(%run_scoped3A : memref<!tpu.dma_semaphore, #tpu.memory_space<semaphore_mem>>) src(%dma_wait3A_95 : memref<8x64xi32, #tpu.memory_space<hbm>>) dst(%arg8 : memref<8x64xi32, #tpu.memory_space<vmem>>)
      tpu.yield
    }) : () -> ()
    %scan3A = arith.constant 0 : i32
    %scan3A_1 = arith.constant 0 : i32
    %scan3A_2 = arith.constant 4 : i32
    %scan3A_3 = arith.addi %scan3A_1, %scan3A_2 : i32
    %scan3A_4 = arith.constant 1 : i32
    scf.for %scan3A_81 = %scan3A_1 to %scan3A_3 step %scan3A_4  : i32 {
      %mul3A_82 = arith.constant 2 : i32
      %mul3A_83 = arith.muli %mul3A_82, %scan3A_81 : i32
      %add3A_84 = arith.constant 0 : i32
      %add3A_85 = arith.addi %mul3A_83, %add3A_84 : i32
      %gt3A = arith.constant 0 : i32
      %gt3A_86 = arith.cmpi sgt, %scan3A_81, %gt3A : i32
      %convert_element_type3A = arith.extui %gt3A_86 : i1 to i32
      %cond3A = arith.constant 0 : i32
      %cond3A_87 = arith.cmpi ne, %convert_element_type3A, %cond3A : i32
      scf.if %cond3A_87 {
        %dma_wait3A_302 = arith.constant 0 : i32
        %dma_wait3A_303 = arith.constant 0 : i32
        %dma_wait3A_304 = arith.constant 0 : i32
        %dma_wait3A_305 = arith.constant 0 : i32
        %dma_wait3A_306 = arith.constant 0 : i32
        %dma_wait3A_307 = tpu.memref_slice %arg9[%dma_wait3A_302, %dma_wait3A_303, %dma_wait3A_305, %dma_wait3A_306] : memref<2x2x64x128xi32, #tpu.memory_space<vmem>> -> memref<1x1x64x128xi32, #tpu.memory_space<vmem>>
        %dma_wait3A_308 = tpu.memref_squeeze %dma_wait3A_307 : memref<1x1x64x128xi32, #tpu.memory_space<vmem>> -> memref<64x128xi32, #tpu.memory_space<vmem>>
        %dma_wait3A_309 = arith.constant 0 : i32
        %dma_wait3A_310 = arith.constant 0 : i32
        %dma_wait3A_311 = tpu.memref_slice %arg5[%dma_wait3A_309, %dma_wait3A_310] : memref<16384x128xi32, #tpu.memory_space<hbm>> -> memref<64x128xi32, #tpu.memory_space<hbm>>
        %dma_wait3A_312 = tpu.memref_slice %arg11[%dma_wait3A_304] : memref<2x!tpu.dma_semaphore, #tpu.memory_space<semaphore_mem>> -> memref<1x!tpu.dma_semaphore, #tpu.memory_space<semaphore_mem>>
        %dma_wait3A_313 = tpu.memref_squeeze %dma_wait3A_312 : memref<1x!tpu.dma_semaphore, #tpu.memory_space<semaphore_mem>> -> memref<!tpu.dma_semaphore, #tpu.memory_space<semaphore_mem>>
        %dma_wait3A_314 = arith.constant 0 : i32
        %dma_wait3A_315 = arith.constant 0 : i32
        %dma_wait3A_316 = tpu.memref_slice %arg5[%dma_wait3A_314, %dma_wait3A_315] : memref<16384x128xi32, #tpu.memory_space<hbm>> -> memref<64x128xi32, #tpu.memory_space<hbm>>
        %dma_wait3A_317 = arith.constant 0 : i32
        %dma_wait3A_318 = arith.constant 0 : i32
        %dma_wait3A_319 = tpu.memref_slice %arg9[%dma_wait3A_302, %dma_wait3A_303, %dma_wait3A_317, %dma_wait3A_318] : memref<2x2x64x128xi32, #tpu.memory_space<vmem>> -> memref<1x1x64x128xi32, #tpu.memory_space<vmem>>
        %dma_wait3A_320 = tpu.memref_squeeze %dma_wait3A_319 : memref<1x1x64x128xi32, #tpu.memory_space<vmem>> -> memref<64x128xi32, #tpu.memory_space<vmem>>
        tpu.wait_dma2 semaphore(%dma_wait3A_313 : memref<!tpu.dma_semaphore, #tpu.memory_space<semaphore_mem>>) src(%dma_wait3A_320 : memref<64x128xi32, #tpu.memory_space<vmem>>) dst(%dma_wait3A_316 : memref<64x128xi32, #tpu.memory_space<hbm>>)
        %dma_wait3A_321 = arith.constant 0 : i32
        %dma_wait3A_322 = arith.constant 1 : i32
        %dma_wait3A_323 = arith.constant 0 : i32
        %dma_wait3A_324 = arith.constant 0 : i32
        %dma_wait3A_325 = arith.constant 0 : i32
        %dma_wait3A_326 = tpu.memref_slice %arg9[%dma_wait3A_321, %dma_wait3A_322, %dma_wait3A_324, %dma_wait3A_325] : memref<2x2x64x128xi32, #tpu.memory_space<vmem>> -> memref<1x1x64x128xi32, #tpu.memory_space<vmem>>
        %dma_wait3A_327 = tpu.memref_squeeze %dma_wait3A_326 : memref<1x1x64x128xi32, #tpu.memory_space<vmem>> -> memref<64x128xi32, #tpu.memory_space<vmem>>
        %dma_wait3A_328 = arith.constant 0 : i32
        %dma_wait3A_329 = arith.constant 0 : i32
        %dma_wait3A_330 = tpu.memref_slice %arg6[%dma_wait3A_328, %dma_wait3A_329] : memref<16384x128xi32, #tpu.memory_space<hbm>> -> memref<64x128xi32, #tpu.memory_space<hbm>>
        %dma_wait3A_331 = tpu.memref_slice %arg11[%dma_wait3A_323] : memref<2x!tpu.dma_semaphore, #tpu.memory_space<semaphore_mem>> -> memref<1x!tpu.dma_semaphore, #tpu.memory_space<semaphore_mem>>
        %dma_wait3A_332 = tpu.memref_squeeze %dma_wait3A_331 : memref<1x!tpu.dma_semaphore, #tpu.memory_space<semaphore_mem>> -> memref<!tpu.dma_semaphore, #tpu.memory_space<semaphore_mem>>
        %dma_wait3A_333 = arith.constant 0 : i32
        %dma_wait3A_334 = arith.constant 0 : i32
        %dma_wait3A_335 = tpu.memref_slice %arg6[%dma_wait3A_333, %dma_wait3A_334] : memref<16384x128xi32, #tpu.memory_space<hbm>> -> memref<64x128xi32, #tpu.memory_space<hbm>>
        %dma_wait3A_336 = arith.constant 0 : i32
        %dma_wait3A_337 = arith.constant 0 : i32
        %dma_wait3A_338 = tpu.memref_slice %arg9[%dma_wait3A_321, %dma_wait3A_322, %dma_wait3A_336, %dma_wait3A_337] : memref<2x2x64x128xi32, #tpu.memory_space<vmem>> -> memref<1x1x64x128xi32, #tpu.memory_space<vmem>>
        %dma_wait3A_339 = tpu.memref_squeeze %dma_wait3A_338 : memref<1x1x64x128xi32, #tpu.memory_space<vmem>> -> memref<64x128xi32, #tpu.memory_space<vmem>>
        tpu.wait_dma2 semaphore(%dma_wait3A_332 : memref<!tpu.dma_semaphore, #tpu.memory_space<semaphore_mem>>) src(%dma_wait3A_339 : memref<64x128xi32, #tpu.memory_space<vmem>>) dst(%dma_wait3A_335 : memref<64x128xi32, #tpu.memory_space<hbm>>)
      } else {
      }
      %dma_start3A = arith.constant 0 : i32
      %dma_start3A_88 = arith.constant 0 : i32
      %dma_start3A_89 = arith.constant 0 : i32
      %dma_start3A_90 = arith.constant 0 : i32
      %dma_start3A_91 = arith.constant 0 : i32
      %dma_start3A_92 = tpu.memref_slice %arg9[%dma_start3A, %dma_start3A_88, %dma_start3A_90, %dma_start3A_91] : memref<2x2x64x128xi32, #tpu.memory_space<vmem>> -> memref<1x1x64x128xi32, #tpu.memory_space<vmem>>
      %dma_start3A_93 = tpu.memref_squeeze %dma_start3A_92 : memref<1x1x64x128xi32, #tpu.memory_space<vmem>> -> memref<64x128xi32, #tpu.memory_space<vmem>>
      %dma_start3A_94 = arith.constant 0 : i32
      %dma_start3A_95 = tpu.memref_slice %arg7[%add3A_85, %dma_start3A_94] : memref<8x64xi32, #tpu.memory_space<vmem>> -> memref<1x64xi32, #tpu.memory_space<vmem>>
      %dma_start3A_96 = tpu.memref_squeeze %dma_start3A_95 : memref<1x64xi32, #tpu.memory_space<vmem>> -> memref<64xi32, #tpu.memory_space<vmem>>
      %dma_start3A_97 = arith.constant 0 : i32
      %dma_start3A_98 = arith.constant 0 : i32
      %dma_start3A_99 = tpu.memref_slice %arg2[%dma_start3A_97, %dma_start3A_98] : memref<100000x128xi32, #tpu.memory_space<hbm>> -> memref<100000x128xi32, #tpu.memory_space<hbm>>
      %dma_start3A_100 = tpu.memref_slice %arg10[%dma_start3A_89] : memref<2x!tpu.dma_semaphore, #tpu.memory_space<semaphore_mem>> -> memref<1x!tpu.dma_semaphore, #tpu.memory_space<semaphore_mem>>
      %dma_start3A_101 = tpu.memref_squeeze %dma_start3A_100 : memref<1x!tpu.dma_semaphore, #tpu.memory_space<semaphore_mem>> -> memref<!tpu.dma_semaphore, #tpu.memory_space<semaphore_mem>>
      tpu.enqueue_indirect_dma source(%dma_start3A_99 : memref<100000x128xi32, #tpu.memory_space<hbm>>) target(%dma_start3A_93 : memref<64x128xi32, #tpu.memory_space<vmem>>) offsets(%dma_start3A_96 : memref<64xi32, #tpu.memory_space<vmem>>) semaphore(%dma_start3A_101 : memref<!tpu.dma_semaphore, #tpu.memory_space<semaphore_mem>>)
      %dma_start3A_102 = arith.constant 0 : i32
      %dma_start3A_103 = arith.constant 1 : i32
      %dma_start3A_104 = arith.constant 0 : i32
      %dma_start3A_105 = arith.constant 0 : i32
      %dma_start3A_106 = arith.constant 0 : i32
      %dma_start3A_107 = tpu.memref_slice %arg9[%dma_start3A_102, %dma_start3A_103, %dma_start3A_105, %dma_start3A_106] : memref<2x2x64x128xi32, #tpu.memory_space<vmem>> -> memref<1x1x64x128xi32, #tpu.memory_space<vmem>>
      %dma_start3A_108 = tpu.memref_squeeze %dma_start3A_107 : memref<1x1x64x128xi32, #tpu.memory_space<vmem>> -> memref<64x128xi32, #tpu.memory_space<vmem>>
      %dma_start3A_109 = arith.constant 0 : i32
      %dma_start3A_110 = tpu.memref_slice %arg8[%add3A_85, %dma_start3A_109] : memref<8x64xi32, #tpu.memory_space<vmem>> -> memref<1x64xi32, #tpu.memory_space<vmem>>
      %dma_start3A_111 = tpu.memref_squeeze %dma_start3A_110 : memref<1x64xi32, #tpu.memory_space<vmem>> -> memref<64xi32, #tpu.memory_space<vmem>>
      %dma_start3A_112 = arith.constant 0 : i32
      %dma_start3A_113 = arith.constant 0 : i32
      %dma_start3A_114 = tpu.memref_slice %arg2[%dma_start3A_112, %dma_start3A_113] : memref<100000x128xi32, #tpu.memory_space<hbm>> -> memref<100000x128xi32, #tpu.memory_space<hbm>>
      %dma_start3A_115 = tpu.memref_slice %arg10[%dma_start3A_104] : memref<2x!tpu.dma_semaphore, #tpu.memory_space<semaphore_mem>> -> memref<1x!tpu.dma_semaphore, #tpu.memory_space<semaphore_mem>>
      %dma_start3A_116 = tpu.memref_squeeze %dma_start3A_115 : memref<1x!tpu.dma_semaphore, #tpu.memory_space<semaphore_mem>> -> memref<!tpu.dma_semaphore, #tpu.memory_space<semaphore_mem>>
      tpu.enqueue_indirect_dma source(%dma_start3A_114 : memref<100000x128xi32, #tpu.memory_space<hbm>>) target(%dma_start3A_108 : memref<64x128xi32, #tpu.memory_space<vmem>>) offsets(%dma_start3A_111 : memref<64xi32, #tpu.memory_space<vmem>>) semaphore(%dma_start3A_116 : memref<!tpu.dma_semaphore, #tpu.memory_space<semaphore_mem>>)
      %mul3A_117 = arith.constant 2 : i32
      %mul3A_118 = arith.muli %mul3A_117, %scan3A_81 : i32
      %add3A_119 = arith.constant 1 : i32
      %add3A_120 = arith.addi %mul3A_118, %add3A_119 : i32
      %gt3A_121 = arith.constant 0 : i32
      %gt3A_122 = arith.cmpi sgt, %scan3A_81, %gt3A_121 : i32
      %convert_element_type3A_123 = arith.extui %gt3A_122 : i1 to i32
      %cond3A_124 = arith.constant 0 : i32
      %cond3A_125 = arith.cmpi ne, %convert_element_type3A_123, %cond3A_124 : i32
      scf.if %cond3A_125 {
        %dma_wait3A_302 = arith.constant 1 : i32
        %dma_wait3A_303 = arith.constant 0 : i32
        %dma_wait3A_304 = arith.constant 1 : i32
        %dma_wait3A_305 = arith.constant 0 : i32
        %dma_wait3A_306 = arith.constant 0 : i32
        %dma_wait3A_307 = tpu.memref_slice %arg9[%dma_wait3A_302, %dma_wait3A_303, %dma_wait3A_305, %dma_wait3A_306] : memref<2x2x64x128xi32, #tpu.memory_space<vmem>> -> memref<1x1x64x128xi32, #tpu.memory_space<vmem>>
        %dma_wait3A_308 = tpu.memref_squeeze %dma_wait3A_307 : memref<1x1x64x128xi32, #tpu.memory_space<vmem>> -> memref<64x128xi32, #tpu.memory_space<vmem>>
        %dma_wait3A_309 = arith.constant 0 : i32
        %dma_wait3A_310 = arith.constant 0 : i32
        %dma_wait3A_311 = tpu.memref_slice %arg5[%dma_wait3A_309, %dma_wait3A_310] : memref<16384x128xi32, #tpu.memory_space<hbm>> -> memref<64x128xi32, #tpu.memory_space<hbm>>
        %dma_wait3A_312 = tpu.memref_slice %arg11[%dma_wait3A_304] : memref<2x!tpu.dma_semaphore, #tpu.memory_space<semaphore_mem>> -> memref<1x!tpu.dma_semaphore, #tpu.memory_space<semaphore_mem>>
        %dma_wait3A_313 = tpu.memref_squeeze %dma_wait3A_312 : memref<1x!tpu.dma_semaphore, #tpu.memory_space<semaphore_mem>> -> memref<!tpu.dma_semaphore, #tpu.memory_space<semaphore_mem>>
        %dma_wait3A_314 = arith.constant 0 : i32
        %dma_wait3A_315 = arith.constant 0 : i32
        %dma_wait3A_316 = tpu.memref_slice %arg5[%dma_wait3A_314, %dma_wait3A_315] : memref<16384x128xi32, #tpu.memory_space<hbm>> -> memref<64x128xi32, #tpu.memory_space<hbm>>
        %dma_wait3A_317 = arith.constant 0 : i32
        %dma_wait3A_318 = arith.constant 0 : i32
        %dma_wait3A_319 = tpu.memref_slice %arg9[%dma_wait3A_302, %dma_wait3A_303, %dma_wait3A_317, %dma_wait3A_318] : memref<2x2x64x128xi32, #tpu.memory_space<vmem>> -> memref<1x1x64x128xi32, #tpu.memory_space<vmem>>
        %dma_wait3A_320 = tpu.memref_squeeze %dma_wait3A_319 : memref<1x1x64x128xi32, #tpu.memory_space<vmem>> -> memref<64x128xi32, #tpu.memory_space<vmem>>
        tpu.wait_dma2 semaphore(%dma_wait3A_313 : memref<!tpu.dma_semaphore, #tpu.memory_space<semaphore_mem>>) src(%dma_wait3A_320 : memref<64x128xi32, #tpu.memory_space<vmem>>) dst(%dma_wait3A_316 : memref<64x128xi32, #tpu.memory_space<hbm>>)
        %dma_wait3A_321 = arith.constant 1 : i32
        %dma_wait3A_322 = arith.constant 1 : i32
        %dma_wait3A_323 = arith.constant 1 : i32
        %dma_wait3A_324 = arith.constant 0 : i32
        %dma_wait3A_325 = arith.constant 0 : i32
        %dma_wait3A_326 = tpu.memref_slice %arg9[%dma_wait3A_321, %dma_wait3A_322, %dma_wait3A_324, %dma_wait3A_325] : memref<2x2x64x128xi32, #tpu.memory_space<vmem>> -> memref<1x1x64x128xi32, #tpu.memory_space<vmem>>
        %dma_wait3A_327 = tpu.memref_squeeze %dma_wait3A_326 : memref<1x1x64x128xi32, #tpu.memory_space<vmem>> -> memref<64x128xi32, #tpu.memory_space<vmem>>
        %dma_wait3A_328 = arith.constant 0 : i32
        %dma_wait3A_329 = arith.constant 0 : i32
        %dma_wait3A_330 = tpu.memref_slice %arg6[%dma_wait3A_328, %dma_wait3A_329] : memref<16384x128xi32, #tpu.memory_space<hbm>> -> memref<64x128xi32, #tpu.memory_space<hbm>>
        %dma_wait3A_331 = tpu.memref_slice %arg11[%dma_wait3A_323] : memref<2x!tpu.dma_semaphore, #tpu.memory_space<semaphore_mem>> -> memref<1x!tpu.dma_semaphore, #tpu.memory_space<semaphore_mem>>
        %dma_wait3A_332 = tpu.memref_squeeze %dma_wait3A_331 : memref<1x!tpu.dma_semaphore, #tpu.memory_space<semaphore_mem>> -> memref<!tpu.dma_semaphore, #tpu.memory_space<semaphore_mem>>
        %dma_wait3A_333 = arith.constant 0 : i32
        %dma_wait3A_334 = arith.constant 0 : i32
        %dma_wait3A_335 = tpu.memref_slice %arg6[%dma_wait3A_333, %dma_wait3A_334] : memref<16384x128xi32, #tpu.memory_space<hbm>> -> memref<64x128xi32, #tpu.memory_space<hbm>>
        %dma_wait3A_336 = arith.constant 0 : i32
        %dma_wait3A_337 = arith.constant 0 : i32
        %dma_wait3A_338 = tpu.memref_slice %arg9[%dma_wait3A_321, %dma_wait3A_322, %dma_wait3A_336, %dma_wait3A_337] : memref<2x2x64x128xi32, #tpu.memory_space<vmem>> -> memref<1x1x64x128xi32, #tpu.memory_space<vmem>>
        %dma_wait3A_339 = tpu.memref_squeeze %dma_wait3A_338 : memref<1x1x64x128xi32, #tpu.memory_space<vmem>> -> memref<64x128xi32, #tpu.memory_space<vmem>>
        tpu.wait_dma2 semaphore(%dma_wait3A_332 : memref<!tpu.dma_semaphore, #tpu.memory_space<semaphore_mem>>) src(%dma_wait3A_339 : memref<64x128xi32, #tpu.memory_space<vmem>>) dst(%dma_wait3A_335 : memref<64x128xi32, #tpu.memory_space<hbm>>)
      } else {
      }
      %dma_start3A_126 = arith.constant 1 : i32
      %dma_start3A_127 = arith.constant 0 : i32
      %dma_start3A_128 = arith.constant 1 : i32
      %dma_start3A_129 = arith.constant 0 : i32
      %dma_start3A_130 = arith.constant 0 : i32
      %dma_start3A_131 = tpu.memref_slice %arg9[%dma_start3A_126, %dma_start3A_127, %dma_start3A_129, %dma_start3A_130] : memref<2x2x64x128xi32, #tpu.memory_space<vmem>> -> memref<1x1x64x128xi32, #tpu.memory_space<vmem>>
      %dma_start3A_132 = tpu.memref_squeeze %dma_start3A_131 : memref<1x1x64x128xi32, #tpu.memory_space<vmem>> -> memref<64x128xi32, #tpu.memory_space<vmem>>
      %dma_start3A_133 = arith.constant 0 : i32
      %dma_start3A_134 = tpu.memref_slice %arg7[%add3A_120, %dma_start3A_133] : memref<8x64xi32, #tpu.memory_space<vmem>> -> memref<1x64xi32, #tpu.memory_space<vmem>>
      %dma_start3A_135 = tpu.memref_squeeze %dma_start3A_134 : memref<1x64xi32, #tpu.memory_space<vmem>> -> memref<64xi32, #tpu.memory_space<vmem>>
      %dma_start3A_136 = arith.constant 0 : i32
      %dma_start3A_137 = arith.constant 0 : i32
      %dma_start3A_138 = tpu.memref_slice %arg2[%dma_start3A_136, %dma_start3A_137] : memref<100000x128xi32, #tpu.memory_space<hbm>> -> memref<100000x128xi32, #tpu.memory_space<hbm>>
      %dma_start3A_139 = tpu.memref_slice %arg10[%dma_start3A_128] : memref<2x!tpu.dma_semaphore, #tpu.memory_space<semaphore_mem>> -> memref<1x!tpu.dma_semaphore, #tpu.memory_space<semaphore_mem>>
      %dma_start3A_140 = tpu.memref_squeeze %dma_start3A_139 : memref<1x!tpu.dma_semaphore, #tpu.memory_space<semaphore_mem>> -> memref<!tpu.dma_semaphore, #tpu.memory_space<semaphore_mem>>
      tpu.enqueue_indirect_dma source(%dma_start3A_138 : memref<100000x128xi32, #tpu.memory_space<hbm>>) target(%dma_start3A_132 : memref<64x128xi32, #tpu.memory_space<vmem>>) offsets(%dma_start3A_135 : memref<64xi32, #tpu.memory_space<vmem>>) semaphore(%dma_start3A_140 : memref<!tpu.dma_semaphore, #tpu.memory_space<semaphore_mem>>)
      %dma_start3A_141 = arith.constant 1 : i32
      %dma_start3A_142 = arith.constant 1 : i32
      %dma_start3A_143 = arith.constant 1 : i32
      %dma_start3A_144 = arith.constant 0 : i32
      %dma_start3A_145 = arith.constant 0 : i32
      %dma_start3A_146 = tpu.memref_slice %arg9[%dma_start3A_141, %dma_start3A_142, %dma_start3A_144, %dma_start3A_145] : memref<2x2x64x128xi32, #tpu.memory_space<vmem>> -> memref<1x1x64x128xi32, #tpu.memory_space<vmem>>
      %dma_start3A_147 = tpu.memref_squeeze %dma_start3A_146 : memref<1x1x64x128xi32, #tpu.memory_space<vmem>> -> memref<64x128xi32, #tpu.memory_space<vmem>>
      %dma_start3A_148 = arith.constant 0 : i32
      %dma_start3A_149 = tpu.memref_slice %arg8[%add3A_120, %dma_start3A_148] : memref<8x64xi32, #tpu.memory_space<vmem>> -> memref<1x64xi32, #tpu.memory_space<vmem>>
      %dma_start3A_150 = tpu.memref_squeeze %dma_start3A_149 : memref<1x64xi32, #tpu.memory_space<vmem>> -> memref<64xi32, #tpu.memory_space<vmem>>
      %dma_start3A_151 = arith.constant 0 : i32
      %dma_start3A_152 = arith.constant 0 : i32
      %dma_start3A_153 = tpu.memref_slice %arg2[%dma_start3A_151, %dma_start3A_152] : memref<100000x128xi32, #tpu.memory_space<hbm>> -> memref<100000x128xi32, #tpu.memory_space<hbm>>
      %dma_start3A_154 = tpu.memref_slice %arg10[%dma_start3A_143] : memref<2x!tpu.dma_semaphore, #tpu.memory_space<semaphore_mem>> -> memref<1x!tpu.dma_semaphore, #tpu.memory_space<semaphore_mem>>
      %dma_start3A_155 = tpu.memref_squeeze %dma_start3A_154 : memref<1x!tpu.dma_semaphore, #tpu.memory_space<semaphore_mem>> -> memref<!tpu.dma_semaphore, #tpu.memory_space<semaphore_mem>>
      tpu.enqueue_indirect_dma source(%dma_start3A_153 : memref<100000x128xi32, #tpu.memory_space<hbm>>) target(%dma_start3A_147 : memref<64x128xi32, #tpu.memory_space<vmem>>) offsets(%dma_start3A_150 : memref<64xi32, #tpu.memory_space<vmem>>) semaphore(%dma_start3A_155 : memref<!tpu.dma_semaphore, #tpu.memory_space<semaphore_mem>>)
      %mul3A_156 = arith.constant 2 : i32
      %mul3A_157 = arith.muli %mul3A_156, %scan3A_81 : i32
      %add3A_158 = arith.constant 0 : i32
      %add3A_159 = arith.addi %mul3A_157, %add3A_158 : i32
      %dma_wait3A_160 = arith.constant 0 : i32
      %dma_wait3A_161 = arith.constant 0 : i32
      %dma_wait3A_162 = arith.constant 0 : i32
      %dma_wait3A_163 = arith.constant 0 : i32
      %dma_wait3A_164 = arith.constant 0 : i32
      %dma_wait3A_165 = tpu.memref_slice %arg9[%dma_wait3A_160, %dma_wait3A_161, %dma_wait3A_163, %dma_wait3A_164] : memref<2x2x64x128xi32, #tpu.memory_space<vmem>> -> memref<1x1x64x128xi32, #tpu.memory_space<vmem>>
      %dma_wait3A_166 = tpu.memref_squeeze %dma_wait3A_165 : memref<1x1x64x128xi32, #tpu.memory_space<vmem>> -> memref<64x128xi32, #tpu.memory_space<vmem>>
      %dma_wait3A_167 = arith.constant 0 : i32
      %dma_wait3A_168 = tpu.memref_slice %arg7[%add3A_85, %dma_wait3A_167] : memref<8x64xi32, #tpu.memory_space<vmem>> -> memref<1x64xi32, #tpu.memory_space<vmem>>
      %dma_wait3A_169 = tpu.memref_squeeze %dma_wait3A_168 : memref<1x64xi32, #tpu.memory_space<vmem>> -> memref<64xi32, #tpu.memory_space<vmem>>
      %dma_wait3A_170 = arith.constant 0 : i32
      %dma_wait3A_171 = arith.constant 0 : i32
      %dma_wait3A_172 = tpu.memref_slice %arg2[%dma_wait3A_170, %dma_wait3A_171] : memref<100000x128xi32, #tpu.memory_space<hbm>> -> memref<100000x128xi32, #tpu.memory_space<hbm>>
      %dma_wait3A_173 = tpu.memref_slice %arg10[%dma_wait3A_162] : memref<2x!tpu.dma_semaphore, #tpu.memory_space<semaphore_mem>> -> memref<1x!tpu.dma_semaphore, #tpu.memory_space<semaphore_mem>>
      %dma_wait3A_174 = tpu.memref_squeeze %dma_wait3A_173 : memref<1x!tpu.dma_semaphore, #tpu.memory_space<semaphore_mem>> -> memref<!tpu.dma_semaphore, #tpu.memory_space<semaphore_mem>>
      tpu.wait_indirect_dma semaphore(%dma_wait3A_174 : memref<!tpu.dma_semaphore, #tpu.memory_space<semaphore_mem>>) src(%dma_wait3A_172 : memref<100000x128xi32, #tpu.memory_space<hbm>>) dst(%dma_wait3A_166 : memref<64x128xi32, #tpu.memory_space<vmem>>)
      %dma_wait3A_175 = arith.constant 0 : i32
      %dma_wait3A_176 = arith.constant 1 : i32
      %dma_wait3A_177 = arith.constant 0 : i32
      %dma_wait3A_178 = arith.constant 0 : i32
      %dma_wait3A_179 = arith.constant 0 : i32
      %dma_wait3A_180 = tpu.memref_slice %arg9[%dma_wait3A_175, %dma_wait3A_176, %dma_wait3A_178, %dma_wait3A_179] : memref<2x2x64x128xi32, #tpu.memory_space<vmem>> -> memref<1x1x64x128xi32, #tpu.memory_space<vmem>>
      %dma_wait3A_181 = tpu.memref_squeeze %dma_wait3A_180 : memref<1x1x64x128xi32, #tpu.memory_space<vmem>> -> memref<64x128xi32, #tpu.memory_space<vmem>>
      %dma_wait3A_182 = arith.constant 0 : i32
      %dma_wait3A_183 = tpu.memref_slice %arg8[%add3A_85, %dma_wait3A_182] : memref<8x64xi32, #tpu.memory_space<vmem>> -> memref<1x64xi32, #tpu.memory_space<vmem>>
      %dma_wait3A_184 = tpu.memref_squeeze %dma_wait3A_183 : memref<1x64xi32, #tpu.memory_space<vmem>> -> memref<64xi32, #tpu.memory_space<vmem>>
      %dma_wait3A_185 = arith.constant 0 : i32
      %dma_wait3A_186 = arith.constant 0 : i32
      %dma_wait3A_187 = tpu.memref_slice %arg2[%dma_wait3A_185, %dma_wait3A_186] : memref<100000x128xi32, #tpu.memory_space<hbm>> -> memref<100000x128xi32, #tpu.memory_space<hbm>>
      %dma_wait3A_188 = tpu.memref_slice %arg10[%dma_wait3A_177] : memref<2x!tpu.dma_semaphore, #tpu.memory_space<semaphore_mem>> -> memref<1x!tpu.dma_semaphore, #tpu.memory_space<semaphore_mem>>
      %dma_wait3A_189 = tpu.memref_squeeze %dma_wait3A_188 : memref<1x!tpu.dma_semaphore, #tpu.memory_space<semaphore_mem>> -> memref<!tpu.dma_semaphore, #tpu.memory_space<semaphore_mem>>
      tpu.wait_indirect_dma semaphore(%dma_wait3A_189 : memref<!tpu.dma_semaphore, #tpu.memory_space<semaphore_mem>>) src(%dma_wait3A_187 : memref<100000x128xi32, #tpu.memory_space<hbm>>) dst(%dma_wait3A_181 : memref<64x128xi32, #tpu.memory_space<vmem>>)
      %mul3A_190 = arith.constant 8 : i32
      %mul3A_191 = arith.muli %add3A, %mul3A_190 : i32
      %add3A_192 = arith.addi %mul3A_191, %add3A_159 : i32
      %mul3A_193 = arith.constant 64 : i32
      %mul3A_194 = arith.muli %add3A_192, %mul3A_193 : i32
      %dma_start3A_195 = arith.constant 0 : i32
      %dma_start3A_196 = arith.constant 0 : i32
      %dma_start3A_197 = arith.constant 0 : i32
      %dma_start3A_198 = arith.constant 0 : i32
      %dma_start3A_199 = arith.constant 0 : i32
      %dma_start3A_200 = tpu.memref_slice %arg9[%dma_start3A_195, %dma_start3A_196, %dma_start3A_198, %dma_start3A_199] : memref<2x2x64x128xi32, #tpu.memory_space<vmem>> -> memref<1x1x64x128xi32, #tpu.memory_space<vmem>>
      %dma_start3A_201 = tpu.memref_squeeze %dma_start3A_200 : memref<1x1x64x128xi32, #tpu.memory_space<vmem>> -> memref<64x128xi32, #tpu.memory_space<vmem>>
      %dma_start3A_202 = arith.constant 0 : i32
      %dma_start3A_203 = tpu.memref_slice %arg5[%mul3A_194, %dma_start3A_202] : memref<16384x128xi32, #tpu.memory_space<hbm>> -> memref<64x128xi32, #tpu.memory_space<hbm>>
      %dma_start3A_204 = tpu.memref_slice %arg11[%dma_start3A_197] : memref<2x!tpu.dma_semaphore, #tpu.memory_space<semaphore_mem>> -> memref<1x!tpu.dma_semaphore, #tpu.memory_space<semaphore_mem>>
      %dma_start3A_205 = tpu.memref_squeeze %dma_start3A_204 : memref<1x!tpu.dma_semaphore, #tpu.memory_space<semaphore_mem>> -> memref<!tpu.dma_semaphore, #tpu.memory_space<semaphore_mem>>
      %dma_start3A_206 = arith.constant 0 : i32
      %dma_start3A_207 = tpu.memref_slice %arg5[%mul3A_194, %dma_start3A_206] : memref<16384x128xi32, #tpu.memory_space<hbm>> -> memref<64x128xi32, #tpu.memory_space<hbm>>
      %dma_start3A_208 = arith.constant 0 : i32
      %dma_start3A_209 = arith.constant 0 : i32
      %dma_start3A_210 = tpu.memref_slice %arg9[%dma_start3A_195, %dma_start3A_196, %dma_start3A_208, %dma_start3A_209] : memref<2x2x64x128xi32, #tpu.memory_space<vmem>> -> memref<1x1x64x128xi32, #tpu.memory_space<vmem>>
      %dma_start3A_211 = tpu.memref_squeeze %dma_start3A_210 : memref<1x1x64x128xi32, #tpu.memory_space<vmem>> -> memref<64x128xi32, #tpu.memory_space<vmem>>
      tpu.enqueue_dma source(%dma_start3A_211 : memref<64x128xi32, #tpu.memory_space<vmem>>) target(%dma_start3A_207 : memref<64x128xi32, #tpu.memory_space<hbm>>) target_semaphore(%dma_start3A_205 : memref<!tpu.dma_semaphore, #tpu.memory_space<semaphore_mem>>)
      %dma_start3A_212 = arith.constant 0 : i32
      %dma_start3A_213 = arith.constant 1 : i32
      %dma_start3A_214 = arith.constant 0 : i32
      %dma_start3A_215 = arith.constant 0 : i32
      %dma_start3A_216 = arith.constant 0 : i32
      %dma_start3A_217 = tpu.memref_slice %arg9[%dma_start3A_212, %dma_start3A_213, %dma_start3A_215, %dma_start3A_216] : memref<2x2x64x128xi32, #tpu.memory_space<vmem>> -> memref<1x1x64x128xi32, #tpu.memory_space<vmem>>
      %dma_start3A_218 = tpu.memref_squeeze %dma_start3A_217 : memref<1x1x64x128xi32, #tpu.memory_space<vmem>> -> memref<64x128xi32, #tpu.memory_space<vmem>>
      %dma_start3A_219 = arith.constant 0 : i32
      %dma_start3A_220 = tpu.memref_slice %arg6[%mul3A_194, %dma_start3A_219] : memref<16384x128xi32, #tpu.memory_space<hbm>> -> memref<64x128xi32, #tpu.memory_space<hbm>>
      %dma_start3A_221 = tpu.memref_slice %arg11[%dma_start3A_214] : memref<2x!tpu.dma_semaphore, #tpu.memory_space<semaphore_mem>> -> memref<1x!tpu.dma_semaphore, #tpu.memory_space<semaphore_mem>>
      %dma_start3A_222 = tpu.memref_squeeze %dma_start3A_221 : memref<1x!tpu.dma_semaphore, #tpu.memory_space<semaphore_mem>> -> memref<!tpu.dma_semaphore, #tpu.memory_space<semaphore_mem>>
      %dma_start3A_223 = arith.constant 0 : i32
      %dma_start3A_224 = tpu.memref_slice %arg6[%mul3A_194, %dma_start3A_223] : memref<16384x128xi32, #tpu.memory_space<hbm>> -> memref<64x128xi32, #tpu.memory_space<hbm>>
      %dma_start3A_225 = arith.constant 0 : i32
      %dma_start3A_226 = arith.constant 0 : i32
      %dma_start3A_227 = tpu.memref_slice %arg9[%dma_start3A_212, %dma_start3A_213, %dma_start3A_225, %dma_start3A_226] : memref<2x2x64x128xi32, #tpu.memory_space<vmem>> -> memref<1x1x64x128xi32, #tpu.memory_space<vmem>>
      %dma_start3A_228 = tpu.memref_squeeze %dma_start3A_227 : memref<1x1x64x128xi32, #tpu.memory_space<vmem>> -> memref<64x128xi32, #tpu.memory_space<vmem>>
      tpu.enqueue_dma source(%dma_start3A_228 : memref<64x128xi32, #tpu.memory_space<vmem>>) target(%dma_start3A_224 : memref<64x128xi32, #tpu.memory_space<hbm>>) target_semaphore(%dma_start3A_222 : memref<!tpu.dma_semaphore, #tpu.memory_space<semaphore_mem>>)
      %mul3A_229 = arith.constant 2 : i32
      %mul3A_230 = arith.muli %mul3A_229, %scan3A_81 : i32
      %add3A_231 = arith.constant 1 : i32
      %add3A_232 = arith.addi %mul3A_230, %add3A_231 : i32
      %dma_wait3A_233 = arith.constant 1 : i32
      %dma_wait3A_234 = arith.constant 0 : i32
      %dma_wait3A_235 = arith.constant 1 : i32
      %dma_wait3A_236 = arith.constant 0 : i32
      %dma_wait3A_237 = arith.constant 0 : i32
      %dma_wait3A_238 = tpu.memref_slice %arg9[%dma_wait3A_233, %dma_wait3A_234, %dma_wait3A_236, %dma_wait3A_237] : memref<2x2x64x128xi32, #tpu.memory_space<vmem>> -> memref<1x1x64x128xi32, #tpu.memory_space<vmem>>
      %dma_wait3A_239 = tpu.memref_squeeze %dma_wait3A_238 : memref<1x1x64x128xi32, #tpu.memory_space<vmem>> -> memref<64x128xi32, #tpu.memory_space<vmem>>
      %dma_wait3A_240 = arith.constant 0 : i32
      %dma_wait3A_241 = tpu.memref_slice %arg7[%add3A_120, %dma_wait3A_240] : memref<8x64xi32, #tpu.memory_space<vmem>> -> memref<1x64xi32, #tpu.memory_space<vmem>>
      %dma_wait3A_242 = tpu.memref_squeeze %dma_wait3A_241 : memref<1x64xi32, #tpu.memory_space<vmem>> -> memref<64xi32, #tpu.memory_space<vmem>>
      %dma_wait3A_243 = arith.constant 0 : i32
      %dma_wait3A_244 = arith.constant 0 : i32
      %dma_wait3A_245 = tpu.memref_slice %arg2[%dma_wait3A_243, %dma_wait3A_244] : memref<100000x128xi32, #tpu.memory_space<hbm>> -> memref<100000x128xi32, #tpu.memory_space<hbm>>
      %dma_wait3A_246 = tpu.memref_slice %arg10[%dma_wait3A_235] : memref<2x!tpu.dma_semaphore, #tpu.memory_space<semaphore_mem>> -> memref<1x!tpu.dma_semaphore, #tpu.memory_space<semaphore_mem>>
      %dma_wait3A_247 = tpu.memref_squeeze %dma_wait3A_246 : memref<1x!tpu.dma_semaphore, #tpu.memory_space<semaphore_mem>> -> memref<!tpu.dma_semaphore, #tpu.memory_space<semaphore_mem>>
      tpu.wait_indirect_dma semaphore(%dma_wait3A_247 : memref<!tpu.dma_semaphore, #tpu.memory_space<semaphore_mem>>) src(%dma_wait3A_245 : memref<100000x128xi32, #tpu.memory_space<hbm>>) dst(%dma_wait3A_239 : memref<64x128xi32, #tpu.memory_space<vmem>>)
      %dma_wait3A_248 = arith.constant 1 : i32
      %dma_wait3A_249 = arith.constant 1 : i32
      %dma_wait3A_250 = arith.constant 1 : i32
      %dma_wait3A_251 = arith.constant 0 : i32
      %dma_wait3A_252 = arith.constant 0 : i32
      %dma_wait3A_253 = tpu.memref_slice %arg9[%dma_wait3A_248, %dma_wait3A_249, %dma_wait3A_251, %dma_wait3A_252] : memref<2x2x64x128xi32, #tpu.memory_space<vmem>> -> memref<1x1x64x128xi32, #tpu.memory_space<vmem>>
      %dma_wait3A_254 = tpu.memref_squeeze %dma_wait3A_253 : memref<1x1x64x128xi32, #tpu.memory_space<vmem>> -> memref<64x128xi32, #tpu.memory_space<vmem>>
      %dma_wait3A_255 = arith.constant 0 : i32
      %dma_wait3A_256 = tpu.memref_slice %arg8[%add3A_120, %dma_wait3A_255] : memref<8x64xi32, #tpu.memory_space<vmem>> -> memref<1x64xi32, #tpu.memory_space<vmem>>
      %dma_wait3A_257 = tpu.memref_squeeze %dma_wait3A_256 : memref<1x64xi32, #tpu.memory_space<vmem>> -> memref<64xi32, #tpu.memory_space<vmem>>
      %dma_wait3A_258 = arith.constant 0 : i32
      %dma_wait3A_259 = arith.constant 0 : i32
      %dma_wait3A_260 = tpu.memref_slice %arg2[%dma_wait3A_258, %dma_wait3A_259] : memref<100000x128xi32, #tpu.memory_space<hbm>> -> memref<100000x128xi32, #tpu.memory_space<hbm>>
      %dma_wait3A_261 = tpu.memref_slice %arg10[%dma_wait3A_250] : memref<2x!tpu.dma_semaphore, #tpu.memory_space<semaphore_mem>> -> memref<1x!tpu.dma_semaphore, #tpu.memory_space<semaphore_mem>>
      %dma_wait3A_262 = tpu.memref_squeeze %dma_wait3A_261 : memref<1x!tpu.dma_semaphore, #tpu.memory_space<semaphore_mem>> -> memref<!tpu.dma_semaphore, #tpu.memory_space<semaphore_mem>>
      tpu.wait_indirect_dma semaphore(%dma_wait3A_262 : memref<!tpu.dma_semaphore, #tpu.memory_space<semaphore_mem>>) src(%dma_wait3A_260 : memref<100000x128xi32, #tpu.memory_space<hbm>>) dst(%dma_wait3A_254 : memref<64x128xi32, #tpu.memory_space<vmem>>)
      %mul3A_263 = arith.constant 8 : i32
      %mul3A_264 = arith.muli %add3A, %mul3A_263 : i32
      %add3A_265 = arith.addi %mul3A_264, %add3A_232 : i32
      %mul3A_266 = arith.constant 64 : i32
      %mul3A_267 = arith.muli %add3A_265, %mul3A_266 : i32
      %dma_start3A_268 = arith.constant 1 : i32
      %dma_start3A_269 = arith.constant 0 : i32
      %dma_start3A_270 = arith.constant 1 : i32
      %dma_start3A_271 = arith.constant 0 : i32
      %dma_start3A_272 = arith.constant 0 : i32
      %dma_start3A_273 = tpu.memref_slice %arg9[%dma_start3A_268, %dma_start3A_269, %dma_start3A_271, %dma_start3A_272] : memref<2x2x64x128xi32, #tpu.memory_space<vmem>> -> memref<1x1x64x128xi32, #tpu.memory_space<vmem>>
      %dma_start3A_274 = tpu.memref_squeeze %dma_start3A_273 : memref<1x1x64x128xi32, #tpu.memory_space<vmem>> -> memref<64x128xi32, #tpu.memory_space<vmem>>
      %dma_start3A_275 = arith.constant 0 : i32
      %dma_start3A_276 = tpu.memref_slice %arg5[%mul3A_267, %dma_start3A_275] : memref<16384x128xi32, #tpu.memory_space<hbm>> -> memref<64x128xi32, #tpu.memory_space<hbm>>
      %dma_start3A_277 = tpu.memref_slice %arg11[%dma_start3A_270] : memref<2x!tpu.dma_semaphore, #tpu.memory_space<semaphore_mem>> -> memref<1x!tpu.dma_semaphore, #tpu.memory_space<semaphore_mem>>
      %dma_start3A_278 = tpu.memref_squeeze %dma_start3A_277 : memref<1x!tpu.dma_semaphore, #tpu.memory_space<semaphore_mem>> -> memref<!tpu.dma_semaphore, #tpu.memory_space<semaphore_mem>>
      %dma_start3A_279 = arith.constant 0 : i32
      %dma_start3A_280 = tpu.memref_slice %arg5[%mul3A_267, %dma_start3A_279] : memref<16384x128xi32, #tpu.memory_space<hbm>> -> memref<64x128xi32, #tpu.memory_space<hbm>>
      %dma_start3A_281 = arith.constant 0 : i32
      %dma_start3A_282 = arith.constant 0 : i32
      %dma_start3A_283 = tpu.memref_slice %arg9[%dma_start3A_268, %dma_start3A_269, %dma_start3A_281, %dma_start3A_282] : memref<2x2x64x128xi32, #tpu.memory_space<vmem>> -> memref<1x1x64x128xi32, #tpu.memory_space<vmem>>
      %dma_start3A_284 = tpu.memref_squeeze %dma_start3A_283 : memref<1x1x64x128xi32, #tpu.memory_space<vmem>> -> memref<64x128xi32, #tpu.memory_space<vmem>>
      tpu.enqueue_dma source(%dma_start3A_284 : memref<64x128xi32, #tpu.memory_space<vmem>>) target(%dma_start3A_280 : memref<64x128xi32, #tpu.memory_space<hbm>>) target_semaphore(%dma_start3A_278 : memref<!tpu.dma_semaphore, #tpu.memory_space<semaphore_mem>>)
      %dma_start3A_285 = arith.constant 1 : i32
      %dma_start3A_286 = arith.constant 1 : i32
      %dma_start3A_287 = arith.constant 1 : i32
      %dma_start3A_288 = arith.constant 0 : i32
      %dma_start3A_289 = arith.constant 0 : i32
      %dma_start3A_290 = tpu.memref_slice %arg9[%dma_start3A_285, %dma_start3A_286, %dma_start3A_288, %dma_start3A_289] : memref<2x2x64x128xi32, #tpu.memory_space<vmem>> -> memref<1x1x64x128xi32, #tpu.memory_space<vmem>>
      %dma_start3A_291 = tpu.memref_squeeze %dma_start3A_290 : memref<1x1x64x128xi32, #tpu.memory_space<vmem>> -> memref<64x128xi32, #tpu.memory_space<vmem>>
      %dma_start3A_292 = arith.constant 0 : i32
      %dma_start3A_293 = tpu.memref_slice %arg6[%mul3A_267, %dma_start3A_292] : memref<16384x128xi32, #tpu.memory_space<hbm>> -> memref<64x128xi32, #tpu.memory_space<hbm>>
      %dma_start3A_294 = tpu.memref_slice %arg11[%dma_start3A_287] : memref<2x!tpu.dma_semaphore, #tpu.memory_space<semaphore_mem>> -> memref<1x!tpu.dma_semaphore, #tpu.memory_space<semaphore_mem>>
      %dma_start3A_295 = tpu.memref_squeeze %dma_start3A_294 : memref<1x!tpu.dma_semaphore, #tpu.memory_space<semaphore_mem>> -> memref<!tpu.dma_semaphore, #tpu.memory_space<semaphore_mem>>
      %dma_start3A_296 = arith.constant 0 : i32
      %dma_start3A_297 = tpu.memref_slice %arg6[%mul3A_267, %dma_start3A_296] : memref<16384x128xi32, #tpu.memory_space<hbm>> -> memref<64x128xi32, #tpu.memory_space<hbm>>
      %dma_start3A_298 = arith.constant 0 : i32
      %dma_start3A_299 = arith.constant 0 : i32
      %dma_start3A_300 = tpu.memref_slice %arg9[%dma_start3A_285, %dma_start3A_286, %dma_start3A_298, %dma_start3A_299] : memref<2x2x64x128xi32, #tpu.memory_space<vmem>> -> memref<1x1x64x128xi32, #tpu.memory_space<vmem>>
      %dma_start3A_301 = tpu.memref_squeeze %dma_start3A_300 : memref<1x1x64x128xi32, #tpu.memory_space<vmem>> -> memref<64x128xi32, #tpu.memory_space<vmem>>
      tpu.enqueue_dma source(%dma_start3A_301 : memref<64x128xi32, #tpu.memory_space<vmem>>) target(%dma_start3A_297 : memref<64x128xi32, #tpu.memory_space<hbm>>) target_semaphore(%dma_start3A_295 : memref<!tpu.dma_semaphore, #tpu.memory_space<semaphore_mem>>)
    }
    %scan3A_5 = arith.constant 4 : i32
    %dma_wait3A = arith.constant 0 : i32
    %dma_wait3A_6 = arith.constant 0 : i32
    %dma_wait3A_7 = arith.constant 0 : i32
    %dma_wait3A_8 = arith.constant 0 : i32
    %dma_wait3A_9 = arith.constant 0 : i32
    %dma_wait3A_10 = tpu.memref_slice %arg9[%dma_wait3A, %dma_wait3A_6, %dma_wait3A_8, %dma_wait3A_9] : memref<2x2x64x128xi32, #tpu.memory_space<vmem>> -> memref<1x1x64x128xi32, #tpu.memory_space<vmem>>
    %dma_wait3A_11 = tpu.memref_squeeze %dma_wait3A_10 : memref<1x1x64x128xi32, #tpu.memory_space<vmem>> -> memref<64x128xi32, #tpu.memory_space<vmem>>
    %dma_wait3A_12 = arith.constant 0 : i32
    %dma_wait3A_13 = arith.constant 0 : i32
    %dma_wait3A_14 = tpu.memref_slice %arg5[%dma_wait3A_12, %dma_wait3A_13] : memref<16384x128xi32, #tpu.memory_space<hbm>> -> memref<64x128xi32, #tpu.memory_space<hbm>>
    %dma_wait3A_15 = tpu.memref_slice %arg11[%dma_wait3A_7] : memref<2x!tpu.dma_semaphore, #tpu.memory_space<semaphore_mem>> -> memref<1x!tpu.dma_semaphore, #tpu.memory_space<semaphore_mem>>
    %dma_wait3A_16 = tpu.memref_squeeze %dma_wait3A_15 : memref<1x!tpu.dma_semaphore, #tpu.memory_space<semaphore_mem>> -> memref<!tpu.dma_semaphore, #tpu.memory_space<semaphore_mem>>
    %dma_wait3A_17 = arith.constant 0 : i32
    %dma_wait3A_18 = arith.constant 0 : i32
    %dma_wait3A_19 = tpu.memref_slice %arg5[%dma_wait3A_17, %dma_wait3A_18] : memref<16384x128xi32, #tpu.memory_space<hbm>> -> memref<64x128xi32, #tpu.memory_space<hbm>>
    %dma_wait3A_20 = arith.constant 0 : i32
    %dma_wait3A_21 = arith.constant 0 : i32
    %dma_wait3A_22 = tpu.memref_slice %arg9[%dma_wait3A, %dma_wait3A_6, %dma_wait3A_20, %dma_wait3A_21] : memref<2x2x64x128xi32, #tpu.memory_space<vmem>> -> memref<1x1x64x128xi32, #tpu.memory_space<vmem>>
    %dma_wait3A_23 = tpu.memref_squeeze %dma_wait3A_22 : memref<1x1x64x128xi32, #tpu.memory_space<vmem>> -> memref<64x128xi32, #tpu.memory_space<vmem>>
    tpu.wait_dma2 semaphore(%dma_wait3A_16 : memref<!tpu.dma_semaphore, #tpu.memory_space<semaphore_mem>>) src(%dma_wait3A_23 : memref<64x128xi32, #tpu.memory_space<vmem>>) dst(%dma_wait3A_19 : memref<64x128xi32, #tpu.memory_space<hbm>>)
    %dma_wait3A_24 = arith.constant 0 : i32
    %dma_wait3A_25 = arith.constant 1 : i32
    %dma_wait3A_26 = arith.constant 0 : i32
    %dma_wait3A_27 = arith.constant 0 : i32
    %dma_wait3A_28 = arith.constant 0 : i32
    %dma_wait3A_29 = tpu.memref_slice %arg9[%dma_wait3A_24, %dma_wait3A_25, %dma_wait3A_27, %dma_wait3A_28] : memref<2x2x64x128xi32, #tpu.memory_space<vmem>> -> memref<1x1x64x128xi32, #tpu.memory_space<vmem>>
    %dma_wait3A_30 = tpu.memref_squeeze %dma_wait3A_29 : memref<1x1x64x128xi32, #tpu.memory_space<vmem>> -> memref<64x128xi32, #tpu.memory_space<vmem>>
    %dma_wait3A_31 = arith.constant 0 : i32
    %dma_wait3A_32 = arith.constant 0 : i32
    %dma_wait3A_33 = tpu.memref_slice %arg6[%dma_wait3A_31, %dma_wait3A_32] : memref<16384x128xi32, #tpu.memory_space<hbm>> -> memref<64x128xi32, #tpu.memory_space<hbm>>
    %dma_wait3A_34 = tpu.memref_slice %arg11[%dma_wait3A_26] : memref<2x!tpu.dma_semaphore, #tpu.memory_space<semaphore_mem>> -> memref<1x!tpu.dma_semaphore, #tpu.memory_space<semaphore_mem>>
    %dma_wait3A_35 = tpu.memref_squeeze %dma_wait3A_34 : memref<1x!tpu.dma_semaphore, #tpu.memory_space<semaphore_mem>> -> memref<!tpu.dma_semaphore, #tpu.memory_space<semaphore_mem>>
    %dma_wait3A_36 = arith.constant 0 : i32
    %dma_wait3A_37 = arith.constant 0 : i32
    %dma_wait3A_38 = tpu.memref_slice %arg6[%dma_wait3A_36, %dma_wait3A_37] : memref<16384x128xi32, #tpu.memory_space<hbm>> -> memref<64x128xi32, #tpu.memory_space<hbm>>
    %dma_wait3A_39 = arith.constant 0 : i32
    %dma_wait3A_40 = arith.constant 0 : i32
    %dma_wait3A_41 = tpu.memref_slice %arg9[%dma_wait3A_24, %dma_wait3A_25, %dma_wait3A_39, %dma_wait3A_40] : memref<2x2x64x128xi32, #tpu.memory_space<vmem>> -> memref<1x1x64x128xi32, #tpu.memory_space<vmem>>
    %dma_wait3A_42 = tpu.memref_squeeze %dma_wait3A_41 : memref<1x1x64x128xi32, #tpu.memory_space<vmem>> -> memref<64x128xi32, #tpu.memory_space<vmem>>
    tpu.wait_dma2 semaphore(%dma_wait3A_35 : memref<!tpu.dma_semaphore, #tpu.memory_space<semaphore_mem>>) src(%dma_wait3A_42 : memref<64x128xi32, #tpu.memory_space<vmem>>) dst(%dma_wait3A_38 : memref<64x128xi32, #tpu.memory_space<hbm>>)
    %dma_wait3A_43 = arith.constant 1 : i32
    %dma_wait3A_44 = arith.constant 0 : i32
    %dma_wait3A_45 = arith.constant 1 : i32
    %dma_wait3A_46 = arith.constant 0 : i32
    %dma_wait3A_47 = arith.constant 0 : i32
    %dma_wait3A_48 = tpu.memref_slice %arg9[%dma_wait3A_43, %dma_wait3A_44, %dma_wait3A_46, %dma_wait3A_47] : memref<2x2x64x128xi32, #tpu.memory_space<vmem>> -> memref<1x1x64x128xi32, #tpu.memory_space<vmem>>
    %dma_wait3A_49 = tpu.memref_squeeze %dma_wait3A_48 : memref<1x1x64x128xi32, #tpu.memory_space<vmem>> -> memref<64x128xi32, #tpu.memory_space<vmem>>
    %dma_wait3A_50 = arith.constant 0 : i32
    %dma_wait3A_51 = arith.constant 0 : i32
    %dma_wait3A_52 = tpu.memref_slice %arg5[%dma_wait3A_50, %dma_wait3A_51] : memref<16384x128xi32, #tpu.memory_space<hbm>> -> memref<64x128xi32, #tpu.memory_space<hbm>>
    %dma_wait3A_53 = tpu.memref_slice %arg11[%dma_wait3A_45] : memref<2x!tpu.dma_semaphore, #tpu.memory_space<semaphore_mem>> -> memref<1x!tpu.dma_semaphore, #tpu.memory_space<semaphore_mem>>
    %dma_wait3A_54 = tpu.memref_squeeze %dma_wait3A_53 : memref<1x!tpu.dma_semaphore, #tpu.memory_space<semaphore_mem>> -> memref<!tpu.dma_semaphore, #tpu.memory_space<semaphore_mem>>
    %dma_wait3A_55 = arith.constant 0 : i32
    %dma_wait3A_56 = arith.constant 0 : i32
    %dma_wait3A_57 = tpu.memref_slice %arg5[%dma_wait3A_55, %dma_wait3A_56] : memref<16384x128xi32, #tpu.memory_space<hbm>> -> memref<64x128xi32, #tpu.memory_space<hbm>>
    %dma_wait3A_58 = arith.constant 0 : i32
    %dma_wait3A_59 = arith.constant 0 : i32
    %dma_wait3A_60 = tpu.memref_slice %arg9[%dma_wait3A_43, %dma_wait3A_44, %dma_wait3A_58, %dma_wait3A_59] : memref<2x2x64x128xi32, #tpu.memory_space<vmem>> -> memref<1x1x64x128xi32, #tpu.memory_space<vmem>>
    %dma_wait3A_61 = tpu.memref_squeeze %dma_wait3A_60 : memref<1x1x64x128xi32, #tpu.memory_space<vmem>> -> memref<64x128xi32, #tpu.memory_space<vmem>>
    tpu.wait_dma2 semaphore(%dma_wait3A_54 : memref<!tpu.dma_semaphore, #tpu.memory_space<semaphore_mem>>) src(%dma_wait3A_61 : memref<64x128xi32, #tpu.memory_space<vmem>>) dst(%dma_wait3A_57 : memref<64x128xi32, #tpu.memory_space<hbm>>)
    %dma_wait3A_62 = arith.constant 1 : i32
    %dma_wait3A_63 = arith.constant 1 : i32
    %dma_wait3A_64 = arith.constant 1 : i32
    %dma_wait3A_65 = arith.constant 0 : i32
    %dma_wait3A_66 = arith.constant 0 : i32
    %dma_wait3A_67 = tpu.memref_slice %arg9[%dma_wait3A_62, %dma_wait3A_63, %dma_wait3A_65, %dma_wait3A_66] : memref<2x2x64x128xi32, #tpu.memory_space<vmem>> -> memref<1x1x64x128xi32, #tpu.memory_space<vmem>>
    %dma_wait3A_68 = tpu.memref_squeeze %dma_wait3A_67 : memref<1x1x64x128xi32, #tpu.memory_space<vmem>> -> memref<64x128xi32, #tpu.memory_space<vmem>>
    %dma_wait3A_69 = arith.constant 0 : i32
    %dma_wait3A_70 = arith.constant 0 : i32
    %dma_wait3A_71 = tpu.memref_slice %arg6[%dma_wait3A_69, %dma_wait3A_70] : memref<16384x128xi32, #tpu.memory_space<hbm>> -> memref<64x128xi32, #tpu.memory_space<hbm>>
    %dma_wait3A_72 = tpu.memref_slice %arg11[%dma_wait3A_64] : memref<2x!tpu.dma_semaphore, #tpu.memory_space<semaphore_mem>> -> memref<1x!tpu.dma_semaphore, #tpu.memory_space<semaphore_mem>>
    %dma_wait3A_73 = tpu.memref_squeeze %dma_wait3A_72 : memref<1x!tpu.dma_semaphore, #tpu.memory_space<semaphore_mem>> -> memref<!tpu.dma_semaphore, #tpu.memory_space<semaphore_mem>>
    %dma_wait3A_74 = arith.constant 0 : i32
    %dma_wait3A_75 = arith.constant 0 : i32
    %dma_wait3A_76 = tpu.memref_slice %arg6[%dma_wait3A_74, %dma_wait3A_75] : memref<16384x128xi32, #tpu.memory_space<hbm>> -> memref<64x128xi32, #tpu.memory_space<hbm>>
    %dma_wait3A_77 = arith.constant 0 : i32
    %dma_wait3A_78 = arith.constant 0 : i32
    %dma_wait3A_79 = tpu.memref_slice %arg9[%dma_wait3A_62, %dma_wait3A_63, %dma_wait3A_77, %dma_wait3A_78] : memref<2x2x64x128xi32, #tpu.memory_space<vmem>> -> memref<1x1x64x128xi32, #tpu.memory_space<vmem>>
    %dma_wait3A_80 = tpu.memref_squeeze %dma_wait3A_79 : memref<1x1x64x128xi32, #tpu.memory_space<vmem>> -> memref<64x128xi32, #tpu.memory_space<vmem>>
    tpu.wait_dma2 semaphore(%dma_wait3A_73 : memref<!tpu.dma_semaphore, #tpu.memory_space<semaphore_mem>>) src(%dma_wait3A_80 : memref<64x128xi32, #tpu.memory_space<vmem>>) dst(%dma_wait3A_76 : memref<64x128xi32, #tpu.memory_space<hbm>>)
    return
  }
}

module attributes {stable_mosaic.version = 14 : i64} {
  func.func @_dense_body(%arg0: i32, %arg1: memref<1024x128xf32, #tpu.memory_space<vmem>>, %arg2: memref<1024x128xi32, #tpu.memory_space<vmem>>, %arg3: memref<1024x128xi32, #tpu.memory_space<vmem>>, %arg4: memref<128x384xf32, #tpu.memory_space<vmem>>, %arg5: memref<128x384xf32, #tpu.memory_space<vmem>>, %arg6: memref<128x384xf32, #tpu.memory_space<vmem>>, %arg7: memref<1x384xf32, #tpu.memory_space<vmem>>, %arg8: memref<128x256xf32, #tpu.memory_space<vmem>>, %arg9: memref<128x256xf32, #tpu.memory_space<vmem>>, %arg10: memref<1x256xf32, #tpu.memory_space<vmem>>, %arg11: memref<1024x128xf32, #tpu.memory_space<vmem>>, %arg12: memref<1024x128xf32, #tpu.memory_space<vmem>>) attributes {dimension_semantics = [#tpu.dimension_semantics<arbitrary>], iteration_bounds = array<i64: 36>, scalar_prefetch = 0 : i64, scratch_operands = 0 : i64, tpu.core_type = #tpu.core_type<tc>, window_params = [{transform_indices = @transform_0, window_bounds = array<i64: 1024, 128>}, {transform_indices = @transform_1, window_bounds = array<i64: 1024, 128>}, {transform_indices = @transform_2, window_bounds = array<i64: 1024, 128>}, {pipeline_mode = #tpu.pipeline_mode<synchronous>, transform_indices = @transform_3, window_bounds = array<i64: 128, 384>}, {pipeline_mode = #tpu.pipeline_mode<synchronous>, transform_indices = @transform_4, window_bounds = array<i64: 128, 384>}, {pipeline_mode = #tpu.pipeline_mode<synchronous>, transform_indices = @transform_5, window_bounds = array<i64: 128, 384>}, {pipeline_mode = #tpu.pipeline_mode<synchronous>, transform_indices = @transform_6, window_bounds = array<i64: 1, 384>}, {pipeline_mode = #tpu.pipeline_mode<synchronous>, transform_indices = @transform_7, window_bounds = array<i64: 128, 256>}, {pipeline_mode = #tpu.pipeline_mode<synchronous>, transform_indices = @transform_8, window_bounds = array<i64: 128, 256>}, {pipeline_mode = #tpu.pipeline_mode<synchronous>, transform_indices = @transform_9, window_bounds = array<i64: 1, 256>}, {transform_indices = @transform_10, window_bounds = array<i64: 1024, 128>}, {transform_indices = @transform_11, window_bounds = array<i64: 1024, 128>}]} {
    %get3A = arith.constant 0 : index
    %get3A_0 = arith.constant 0 : index
    %get3A_1 = vector.load %arg1[%get3A, %get3A_0] : memref<1024x128xf32, #tpu.memory_space<vmem>>, vector<1024x128xf32>
    %get3A_2 = arith.constant 0 : index
    %get3A_3 = arith.constant 0 : index
    %get3A_4 = vector.load %arg2[%get3A_2, %get3A_3] : memref<1024x128xi32, #tpu.memory_space<vmem>>, vector<1024x128xi32>
    %bitcast_convert_type3A = tpu.bitcast %get3A_4 : vector<1024x128xi32> -> vector<1024x128xi32>
    %slice3A = vector.extract_strided_slice %bitcast_convert_type3A {offsets = [0, 0], sizes = [1024, 64], strides = [1, 1]} : vector<1024x128xi32> to vector<1024x64xi32>
    %shift_left3A = arith.constant 16 : i32
    %shift_left3A_5 = vector.broadcast %shift_left3A : i32 to vector<1024x64xi32>
    %shift_left3A_6 = arith.shli %slice3A, %shift_left3A_5 : vector<1024x64xi32>
    %bitcast_convert_type3A_7 = tpu.bitcast %shift_left3A_6 : vector<1024x64xi32> -> vector<1024x64xf32>
    %and3A = arith.constant -65536 : i32
    %and3A_8 = vector.broadcast %and3A : i32 to vector<1024x64xi32>
    %and3A_9 = arith.andi %slice3A, %and3A_8 : vector<1024x64xi32>
    %bitcast_convert_type3A_10 = tpu.bitcast %and3A_9 : vector<1024x64xi32> -> vector<1024x64xf32>
    %concatenate3A = tpu.concatenate %bitcast_convert_type3A_7, %bitcast_convert_type3A_10 in 1 : vector<1024x64xf32>, vector<1024x64xf32> -> vector<1024x128xf32>
    %slice3A_11 = vector.extract_strided_slice %bitcast_convert_type3A {offsets = [0, 64], sizes = [1024, 64], strides = [1, 1]} : vector<1024x128xi32> to vector<1024x64xi32>
    %shift_left3A_12 = arith.constant 16 : i32
    %shift_left3A_13 = vector.broadcast %shift_left3A_12 : i32 to vector<1024x64xi32>
    %shift_left3A_14 = arith.shli %slice3A_11, %shift_left3A_13 : vector<1024x64xi32>
    %bitcast_convert_type3A_15 = tpu.bitcast %shift_left3A_14 : vector<1024x64xi32> -> vector<1024x64xf32>
    %and3A_16 = arith.constant -65536 : i32
    %and3A_17 = vector.broadcast %and3A_16 : i32 to vector<1024x64xi32>
    %and3A_18 = arith.andi %slice3A_11, %and3A_17 : vector<1024x64xi32>
    %bitcast_convert_type3A_19 = tpu.bitcast %and3A_18 : vector<1024x64xi32> -> vector<1024x64xf32>
    %concatenate3A_20 = tpu.concatenate %bitcast_convert_type3A_15, %bitcast_convert_type3A_19 in 1 : vector<1024x64xf32>, vector<1024x64xf32> -> vector<1024x128xf32>
    %get3A_21 = arith.constant 0 : index
    %get3A_22 = arith.constant 0 : index
    %get3A_23 = vector.load %arg3[%get3A_21, %get3A_22] : memref<1024x128xi32, #tpu.memory_space<vmem>>, vector<1024x128xi32>
    %bitcast_convert_type3A_24 = tpu.bitcast %get3A_23 : vector<1024x128xi32> -> vector<1024x128xi32>
    %slice3A_25 = vector.extract_strided_slice %bitcast_convert_type3A_24 {offsets = [0, 0], sizes = [1024, 64], strides = [1, 1]} : vector<1024x128xi32> to vector<1024x64xi32>
    %shift_left3A_26 = arith.constant 16 : i32
    %shift_left3A_27 = vector.broadcast %shift_left3A_26 : i32 to vector<1024x64xi32>
    %shift_left3A_28 = arith.shli %slice3A_25, %shift_left3A_27 : vector<1024x64xi32>
    %bitcast_convert_type3A_29 = tpu.bitcast %shift_left3A_28 : vector<1024x64xi32> -> vector<1024x64xf32>
    %and3A_30 = arith.constant -65536 : i32
    %and3A_31 = vector.broadcast %and3A_30 : i32 to vector<1024x64xi32>
    %and3A_32 = arith.andi %slice3A_25, %and3A_31 : vector<1024x64xi32>
    %bitcast_convert_type3A_33 = tpu.bitcast %and3A_32 : vector<1024x64xi32> -> vector<1024x64xf32>
    %concatenate3A_34 = tpu.concatenate %bitcast_convert_type3A_29, %bitcast_convert_type3A_33 in 1 : vector<1024x64xf32>, vector<1024x64xf32> -> vector<1024x128xf32>
    %slice3A_35 = vector.extract_strided_slice %bitcast_convert_type3A_24 {offsets = [0, 64], sizes = [1024, 64], strides = [1, 1]} : vector<1024x128xi32> to vector<1024x64xi32>
    %shift_left3A_36 = arith.constant 16 : i32
    %shift_left3A_37 = vector.broadcast %shift_left3A_36 : i32 to vector<1024x64xi32>
    %shift_left3A_38 = arith.shli %slice3A_35, %shift_left3A_37 : vector<1024x64xi32>
    %bitcast_convert_type3A_39 = tpu.bitcast %shift_left3A_38 : vector<1024x64xi32> -> vector<1024x64xf32>
    %and3A_40 = arith.constant -65536 : i32
    %and3A_41 = vector.broadcast %and3A_40 : i32 to vector<1024x64xi32>
    %and3A_42 = arith.andi %slice3A_35, %and3A_41 : vector<1024x64xi32>
    %bitcast_convert_type3A_43 = tpu.bitcast %and3A_42 : vector<1024x64xi32> -> vector<1024x64xf32>
    %concatenate3A_44 = tpu.concatenate %bitcast_convert_type3A_39, %bitcast_convert_type3A_43 in 1 : vector<1024x64xf32>, vector<1024x64xf32> -> vector<1024x128xf32>
    %get3A_45 = arith.constant 0 : index
    %get3A_46 = arith.constant 0 : index
    %get3A_47 = vector.load %arg4[%get3A_45, %get3A_46] : memref<128x384xf32, #tpu.memory_space<vmem>>, vector<128x384xf32>
    %dot_general3A = arith.constant dense<0.000000e+00> : vector<1024x384xf32>
    %dot_general3A_48 = tpu.matmul %get3A_1, %get3A_47, %dot_general3A {dimension_numbers = #tpu.dot_dimension_numbers<[1], [0], [0], [1], [0, 0, 1, 1], [], []>, transpose_lhs_hint = false} : vector<1024x128xf32>, vector<128x384xf32>, vector<1024x384xf32> -> vector<1024x384xf32>
    %get3A_49 = arith.constant 0 : index
    %get3A_50 = arith.constant 0 : index
    %get3A_51 = vector.load %arg5[%get3A_49, %get3A_50] : memref<128x384xf32, #tpu.memory_space<vmem>>, vector<128x384xf32>
    %dot_general3A_52 = arith.constant dense<0.000000e+00> : vector<1024x384xf32>
    %dot_general3A_53 = tpu.matmul %concatenate3A, %get3A_51, %dot_general3A_52 {dimension_numbers = #tpu.dot_dimension_numbers<[1], [0], [0], [1], [0, 0, 1, 1], [], []>, transpose_lhs_hint = false} : vector<1024x128xf32>, vector<128x384xf32>, vector<1024x384xf32> -> vector<1024x384xf32>
    %add3A = arith.addf %dot_general3A_48, %dot_general3A_53 : vector<1024x384xf32>
    %get3A_54 = arith.constant 0 : index
    %get3A_55 = arith.constant 0 : index
    %get3A_56 = vector.load %arg6[%get3A_54, %get3A_55] : memref<128x384xf32, #tpu.memory_space<vmem>>, vector<128x384xf32>
    %dot_general3A_57 = arith.constant dense<0.000000e+00> : vector<1024x384xf32>
    %dot_general3A_58 = tpu.matmul %concatenate3A_34, %get3A_56, %dot_general3A_57 {dimension_numbers = #tpu.dot_dimension_numbers<[1], [0], [0], [1], [0, 0, 1, 1], [], []>, transpose_lhs_hint = false} : vector<1024x128xf32>, vector<128x384xf32>, vector<1024x384xf32> -> vector<1024x384xf32>
    %add3A_59 = arith.addf %add3A, %dot_general3A_58 : vector<1024x384xf32>
    %get3A_60 = arith.constant 0 : index
    %get3A_61 = arith.constant 0 : index
    %get3A_62 = vector.load %arg7[%get3A_60, %get3A_61] : memref<1x384xf32, #tpu.memory_space<vmem>>, vector<1x384xf32>
    %add3A_63 = vector.broadcast %get3A_62 : vector<1x384xf32> to vector<1024x384xf32>
    %add3A_64 = arith.addf %add3A_59, %add3A_63 : vector<1024x384xf32>
    %get3A_65 = arith.constant 0 : index
    %get3A_66 = arith.constant 0 : index
    %get3A_67 = vector.load %arg8[%get3A_65, %get3A_66] : memref<128x256xf32, #tpu.memory_space<vmem>>, vector<128x256xf32>
    %dot_general3A_68 = arith.constant dense<0.000000e+00> : vector<1024x256xf32>
    %dot_general3A_69 = tpu.matmul %concatenate3A, %get3A_67, %dot_general3A_68 {dimension_numbers = #tpu.dot_dimension_numbers<[1], [0], [0], [1], [0, 0, 1, 1], [], []>, transpose_lhs_hint = false} : vector<1024x128xf32>, vector<128x256xf32>, vector<1024x256xf32> -> vector<1024x256xf32>
    %get3A_70 = arith.constant 0 : index
    %get3A_71 = arith.constant 0 : index
    %get3A_72 = vector.load %arg9[%get3A_70, %get3A_71] : memref<128x256xf32, #tpu.memory_space<vmem>>, vector<128x256xf32>
    %dot_general3A_73 = arith.constant dense<0.000000e+00> : vector<1024x256xf32>
    %dot_general3A_74 = tpu.matmul %concatenate3A_34, %get3A_72, %dot_general3A_73 {dimension_numbers = #tpu.dot_dimension_numbers<[1], [0], [0], [1], [0, 0, 1, 1], [], []>, transpose_lhs_hint = false} : vector<1024x128xf32>, vector<128x256xf32>, vector<1024x256xf32> -> vector<1024x256xf32>
    %add3A_75 = arith.addf %dot_general3A_69, %dot_general3A_74 : vector<1024x256xf32>
    %get3A_76 = arith.constant 0 : index
    %get3A_77 = arith.constant 0 : index
    %get3A_78 = vector.load %arg10[%get3A_76, %get3A_77] : memref<1x256xf32, #tpu.memory_space<vmem>>, vector<1x256xf32>
    %add3A_79 = vector.broadcast %get3A_78 : vector<1x256xf32> to vector<1024x256xf32>
    %add3A_80 = arith.addf %add3A_75, %add3A_79 : vector<1024x256xf32>
    %logistic3A = arith.negf %add3A_80 : vector<1024x256xf32>
    %logistic3A_81 = math.exp %logistic3A : vector<1024x256xf32>
    %logistic3A_82 = arith.constant 1.000000e+00 : f32
    %logistic3A_83 = vector.broadcast %logistic3A_82 : f32 to vector<1024x256xf32>
    %logistic3A_84 = arith.addf %logistic3A_83, %logistic3A_81 : vector<1024x256xf32>
    %logistic3A_85 = arith.divf %logistic3A_83, %logistic3A_84 : vector<1024x256xf32>
    %slice3A_86 = vector.extract_strided_slice %logistic3A_85 {offsets = [0, 0], sizes = [1024, 128], strides = [1, 1]} : vector<1024x256xf32> to vector<1024x128xf32>
    %mul3A = arith.mulf %slice3A_86, %concatenate3A_20 : vector<1024x128xf32>
    %slice3A_87 = vector.extract_strided_slice %logistic3A_85 {offsets = [0, 128], sizes = [1024, 128], strides = [1, 1]} : vector<1024x256xf32> to vector<1024x128xf32>
    %mul3A_88 = arith.mulf %slice3A_87, %concatenate3A_44 : vector<1024x128xf32>
    %add3A_89 = arith.addf %mul3A, %mul3A_88 : vector<1024x128xf32>
    %slice3A_90 = vector.extract_strided_slice %add3A_64 {offsets = [0, 0], sizes = [1024, 128], strides = [1, 1]} : vector<1024x384xf32> to vector<1024x128xf32>
    %logistic3A_91 = arith.negf %slice3A_90 : vector<1024x128xf32>
    %logistic3A_92 = math.exp %logistic3A_91 : vector<1024x128xf32>
    %logistic3A_93 = arith.constant 1.000000e+00 : f32
    %logistic3A_94 = vector.broadcast %logistic3A_93 : f32 to vector<1024x128xf32>
    %logistic3A_95 = arith.addf %logistic3A_94, %logistic3A_92 : vector<1024x128xf32>
    %logistic3A_96 = arith.divf %logistic3A_94, %logistic3A_95 : vector<1024x128xf32>
    %slice3A_97 = vector.extract_strided_slice %add3A_64 {offsets = [0, 128], sizes = [1024, 128], strides = [1, 1]} : vector<1024x384xf32> to vector<1024x128xf32>
    %logistic3A_98 = arith.negf %slice3A_97 : vector<1024x128xf32>
    %logistic3A_99 = math.exp %logistic3A_98 : vector<1024x128xf32>
    %logistic3A_100 = arith.constant 1.000000e+00 : f32
    %logistic3A_101 = vector.broadcast %logistic3A_100 : f32 to vector<1024x128xf32>
    %logistic3A_102 = arith.addf %logistic3A_101, %logistic3A_99 : vector<1024x128xf32>
    %logistic3A_103 = arith.divf %logistic3A_101, %logistic3A_102 : vector<1024x128xf32>
    %slice3A_104 = vector.extract_strided_slice %add3A_64 {offsets = [0, 256], sizes = [1024, 128], strides = [1, 1]} : vector<1024x384xf32> to vector<1024x128xf32>
    %tanh3A = math.tanh %slice3A_104 : vector<1024x128xf32>
    %mul3A_105 = arith.mulf %logistic3A_96, %tanh3A : vector<1024x128xf32>
    %add3A_106 = arith.addf %mul3A_105, %add3A_89 : vector<1024x128xf32>
    %tanh3A_107 = math.tanh %add3A_106 : vector<1024x128xf32>
    %mul3A_108 = arith.mulf %logistic3A_103, %tanh3A_107 : vector<1024x128xf32>
    %swap3A = arith.constant 0 : index
    %swap3A_109 = arith.constant 0 : index
    %swap3A_110 = vector.load %arg11[%swap3A, %swap3A_109] : memref<1024x128xf32, #tpu.memory_space<vmem>>, vector<1024x128xf32>
    tpu.vector_store %arg11[%swap3A, %swap3A_109], %mul3A_108 {strides = array<i32>} : memref<1024x128xf32, #tpu.memory_space<vmem>>, vector<1024x128xf32>,
    %swap3A_111 = arith.constant 0 : index
    %swap3A_112 = arith.constant 0 : index
    %swap3A_113 = vector.load %arg12[%swap3A_111, %swap3A_112] : memref<1024x128xf32, #tpu.memory_space<vmem>>, vector<1024x128xf32>
    tpu.vector_store %arg12[%swap3A_111, %swap3A_112], %add3A_106 {strides = array<i32>} : memref<1024x128xf32, #tpu.memory_space<vmem>>, vector<1024x128xf32>,
    return
  }
  func.func @transform_0(%arg0: i32) -> (i32, i32) {
    %add3A = arith.constant 0 : i32
    %add3A_0 = arith.addi %arg0, %add3A : i32
    %c0_i32 = arith.constant 0 : i32
    %c0_i32_1 = arith.constant 0 : i32
    return %add3A_0, %c0_i32 : i32, i32
  }
  func.func @transform_1(%arg0: i32) -> (i32, i32) {
    %c0_i32 = arith.constant 0 : i32
    %c0_i32_0 = arith.constant 0 : i32
    return %arg0, %c0_i32 : i32, i32
  }
  func.func @transform_2(%arg0: i32) -> (i32, i32) {
    %c0_i32 = arith.constant 0 : i32
    %c0_i32_0 = arith.constant 0 : i32
    return %arg0, %c0_i32 : i32, i32
  }
  func.func @transform_3(%arg0: i32) -> (i32, i32) {
    %c0_i32 = arith.constant 0 : i32
    %c0_i32_0 = arith.constant 0 : i32
    %c0_i32_1 = arith.constant 0 : i32
    return %c0_i32, %c0_i32_0 : i32, i32
  }
  func.func @transform_4(%arg0: i32) -> (i32, i32) {
    %c0_i32 = arith.constant 0 : i32
    %c0_i32_0 = arith.constant 0 : i32
    %c0_i32_1 = arith.constant 0 : i32
    return %c0_i32, %c0_i32_0 : i32, i32
  }
  func.func @transform_5(%arg0: i32) -> (i32, i32) {
    %c0_i32 = arith.constant 0 : i32
    %c0_i32_0 = arith.constant 0 : i32
    %c0_i32_1 = arith.constant 0 : i32
    return %c0_i32, %c0_i32_0 : i32, i32
  }
  func.func @transform_6(%arg0: i32) -> (i32, i32) {
    %c0_i32 = arith.constant 0 : i32
    %c0_i32_0 = arith.constant 0 : i32
    %c0_i32_1 = arith.constant 0 : i32
    return %c0_i32, %c0_i32_0 : i32, i32
  }
  func.func @transform_7(%arg0: i32) -> (i32, i32) {
    %c0_i32 = arith.constant 0 : i32
    %c0_i32_0 = arith.constant 0 : i32
    %c0_i32_1 = arith.constant 0 : i32
    return %c0_i32, %c0_i32_0 : i32, i32
  }
  func.func @transform_8(%arg0: i32) -> (i32, i32) {
    %c0_i32 = arith.constant 0 : i32
    %c0_i32_0 = arith.constant 0 : i32
    %c0_i32_1 = arith.constant 0 : i32
    return %c0_i32, %c0_i32_0 : i32, i32
  }
  func.func @transform_9(%arg0: i32) -> (i32, i32) {
    %c0_i32 = arith.constant 0 : i32
    %c0_i32_0 = arith.constant 0 : i32
    %c0_i32_1 = arith.constant 0 : i32
    return %c0_i32, %c0_i32_0 : i32, i32
  }
  func.func @transform_10(%arg0: i32) -> (i32, i32) {
    %add3A = arith.constant 0 : i32
    %add3A_0 = arith.addi %arg0, %add3A : i32
    %c0_i32 = arith.constant 0 : i32
    %c0_i32_1 = arith.constant 0 : i32
    return %add3A_0, %c0_i32 : i32, i32
  }
  func.func @transform_11(%arg0: i32) -> (i32, i32) {
    %add3A = arith.constant 0 : i32
    %add3A_0 = arith.addi %arg0, %add3A : i32
    %c0_i32 = arith.constant 0 : i32
    %c0_i32_1 = arith.constant 0 : i32
    return %add3A_0, %c0_i32 : i32, i32
  }
}

module attributes {stable_mosaic.version = 14 : i64} {
  func.func @_pack_body(%arg0: i32, %arg1: memref<2048x128xf32, #tpu.memory_space<vmem>>, %arg2: memref<2048x128xf32, #tpu.memory_space<vmem>>, %arg3: memref<2048x128xi32, #tpu.memory_space<vmem>>) attributes {dimension_semantics = [#tpu.dimension_semantics<arbitrary>], iteration_bounds = array<i64: 49>, scalar_prefetch = 0 : i64, scratch_operands = 0 : i64, tpu.core_type = #tpu.core_type<tc>, window_params = [{transform_indices = @transform_0, window_bounds = array<i64: 2048, 128>}, {transform_indices = @transform_1, window_bounds = array<i64: 2048, 128>}, {transform_indices = @transform_2, window_bounds = array<i64: 2048, 128>}]} {
    %get3A = arith.constant 0 : index
    %get3A_0 = arith.constant 0 : index
    %get3A_1 = vector.load %arg1[%get3A, %get3A_0] : memref<2048x128xf32, #tpu.memory_space<vmem>>, vector<2048x128xf32>
    %bitcast_convert_type3A = tpu.bitcast %get3A_1 : vector<2048x128xf32> -> vector<2048x128xi32>
    %get3A_2 = arith.constant 0 : index
    %get3A_3 = arith.constant 0 : index
    %get3A_4 = vector.load %arg2[%get3A_2, %get3A_3] : memref<2048x128xf32, #tpu.memory_space<vmem>>, vector<2048x128xf32>
    %bitcast_convert_type3A_5 = tpu.bitcast %get3A_4 : vector<2048x128xf32> -> vector<2048x128xi32>
    %slice3A = vector.extract_strided_slice %bitcast_convert_type3A {offsets = [0, 0], sizes = [2048, 64], strides = [1, 1]} : vector<2048x128xi32> to vector<2048x64xi32>
    %add3A = arith.constant 32767 : i32
    %add3A_6 = vector.broadcast %add3A : i32 to vector<2048x64xi32>
    %add3A_7 = arith.addi %slice3A, %add3A_6 : vector<2048x64xi32>
    %shift_right_logical3A = arith.constant 16 : i32
    %shift_right_logical3A_8 = vector.broadcast %shift_right_logical3A : i32 to vector<2048x64xi32>
    %shift_right_logical3A_9 = arith.shrui %slice3A, %shift_right_logical3A_8 : vector<2048x64xi32>
    %and3A = arith.constant 1 : i32
    %and3A_10 = vector.broadcast %and3A : i32 to vector<2048x64xi32>
    %and3A_11 = arith.andi %shift_right_logical3A_9, %and3A_10 : vector<2048x64xi32>
    %add3A_12 = arith.addi %add3A_7, %and3A_11 : vector<2048x64xi32>
    %shift_right_logical3A_13 = arith.constant 16 : i32
    %shift_right_logical3A_14 = vector.broadcast %shift_right_logical3A_13 : i32 to vector<2048x64xi32>
    %shift_right_logical3A_15 = arith.shrui %add3A_12, %shift_right_logical3A_14 : vector<2048x64xi32>
    %slice3A_16 = vector.extract_strided_slice %bitcast_convert_type3A {offsets = [0, 64], sizes = [2048, 64], strides = [1, 1]} : vector<2048x128xi32> to vector<2048x64xi32>
    %add3A_17 = arith.constant 32767 : i32
    %add3A_18 = vector.broadcast %add3A_17 : i32 to vector<2048x64xi32>
    %add3A_19 = arith.addi %slice3A_16, %add3A_18 : vector<2048x64xi32>
    %shift_right_logical3A_20 = arith.constant 16 : i32
    %shift_right_logical3A_21 = vector.broadcast %shift_right_logical3A_20 : i32 to vector<2048x64xi32>
    %shift_right_logical3A_22 = arith.shrui %slice3A_16, %shift_right_logical3A_21 : vector<2048x64xi32>
    %and3A_23 = arith.constant 1 : i32
    %and3A_24 = vector.broadcast %and3A_23 : i32 to vector<2048x64xi32>
    %and3A_25 = arith.andi %shift_right_logical3A_22, %and3A_24 : vector<2048x64xi32>
    %add3A_26 = arith.addi %add3A_19, %and3A_25 : vector<2048x64xi32>
    %shift_right_logical3A_27 = arith.constant 16 : i32
    %shift_right_logical3A_28 = vector.broadcast %shift_right_logical3A_27 : i32 to vector<2048x64xi32>
    %shift_right_logical3A_29 = arith.shrui %add3A_26, %shift_right_logical3A_28 : vector<2048x64xi32>
    %shift_left3A = arith.constant 16 : i32
    %shift_left3A_30 = vector.broadcast %shift_left3A : i32 to vector<2048x64xi32>
    %shift_left3A_31 = arith.shli %shift_right_logical3A_29, %shift_left3A_30 : vector<2048x64xi32>
    %or3A = arith.ori %shift_right_logical3A_15, %shift_left3A_31 : vector<2048x64xi32>
    %slice3A_32 = vector.extract_strided_slice %bitcast_convert_type3A_5 {offsets = [0, 0], sizes = [2048, 64], strides = [1, 1]} : vector<2048x128xi32> to vector<2048x64xi32>
    %add3A_33 = arith.constant 32767 : i32
    %add3A_34 = vector.broadcast %add3A_33 : i32 to vector<2048x64xi32>
    %add3A_35 = arith.addi %slice3A_32, %add3A_34 : vector<2048x64xi32>
    %shift_right_logical3A_36 = arith.constant 16 : i32
    %shift_right_logical3A_37 = vector.broadcast %shift_right_logical3A_36 : i32 to vector<2048x64xi32>
    %shift_right_logical3A_38 = arith.shrui %slice3A_32, %shift_right_logical3A_37 : vector<2048x64xi32>
    %and3A_39 = arith.constant 1 : i32
    %and3A_40 = vector.broadcast %and3A_39 : i32 to vector<2048x64xi32>
    %and3A_41 = arith.andi %shift_right_logical3A_38, %and3A_40 : vector<2048x64xi32>
    %add3A_42 = arith.addi %add3A_35, %and3A_41 : vector<2048x64xi32>
    %shift_right_logical3A_43 = arith.constant 16 : i32
    %shift_right_logical3A_44 = vector.broadcast %shift_right_logical3A_43 : i32 to vector<2048x64xi32>
    %shift_right_logical3A_45 = arith.shrui %add3A_42, %shift_right_logical3A_44 : vector<2048x64xi32>
    %slice3A_46 = vector.extract_strided_slice %bitcast_convert_type3A_5 {offsets = [0, 64], sizes = [2048, 64], strides = [1, 1]} : vector<2048x128xi32> to vector<2048x64xi32>
    %add3A_47 = arith.constant 32767 : i32
    %add3A_48 = vector.broadcast %add3A_47 : i32 to vector<2048x64xi32>
    %add3A_49 = arith.addi %slice3A_46, %add3A_48 : vector<2048x64xi32>
    %shift_right_logical3A_50 = arith.constant 16 : i32
    %shift_right_logical3A_51 = vector.broadcast %shift_right_logical3A_50 : i32 to vector<2048x64xi32>
    %shift_right_logical3A_52 = arith.shrui %slice3A_46, %shift_right_logical3A_51 : vector<2048x64xi32>
    %and3A_53 = arith.constant 1 : i32
    %and3A_54 = vector.broadcast %and3A_53 : i32 to vector<2048x64xi32>
    %and3A_55 = arith.andi %shift_right_logical3A_52, %and3A_54 : vector<2048x64xi32>
    %add3A_56 = arith.addi %add3A_49, %and3A_55 : vector<2048x64xi32>
    %shift_right_logical3A_57 = arith.constant 16 : i32
    %shift_right_logical3A_58 = vector.broadcast %shift_right_logical3A_57 : i32 to vector<2048x64xi32>
    %shift_right_logical3A_59 = arith.shrui %add3A_56, %shift_right_logical3A_58 : vector<2048x64xi32>
    %shift_left3A_60 = arith.constant 16 : i32
    %shift_left3A_61 = vector.broadcast %shift_left3A_60 : i32 to vector<2048x64xi32>
    %shift_left3A_62 = arith.shli %shift_right_logical3A_59, %shift_left3A_61 : vector<2048x64xi32>
    %or3A_63 = arith.ori %shift_right_logical3A_45, %shift_left3A_62 : vector<2048x64xi32>
    %concatenate3A = tpu.concatenate %or3A, %or3A_63 in 1 : vector<2048x64xi32>, vector<2048x64xi32> -> vector<2048x128xi32>
    %bitcast_convert_type3A_64 = tpu.bitcast %concatenate3A : vector<2048x128xi32> -> vector<2048x128xi32>
    %swap3A = arith.constant 0 : index
    %swap3A_65 = arith.constant 0 : index
    %swap3A_66 = vector.load %arg3[%swap3A, %swap3A_65] : memref<2048x128xi32, #tpu.memory_space<vmem>>, vector<2048x128xi32>
    tpu.vector_store %arg3[%swap3A, %swap3A_65], %bitcast_convert_type3A_64 {strides = array<i32>} : memref<2048x128xi32, #tpu.memory_space<vmem>>, vector<2048x128xi32>,
    return
  }
  func.func @transform_0(%arg0: i32) -> (i32, i32) {
    %c0_i32 = arith.constant 0 : i32
    %c0_i32_0 = arith.constant 0 : i32
    return %arg0, %c0_i32 : i32, i32
  }
  func.func @transform_1(%arg0: i32) -> (i32, i32) {
    %c0_i32 = arith.constant 0 : i32
    %c0_i32_0 = arith.constant 0 : i32
    return %arg0, %c0_i32 : i32, i32
  }
  func.func @transform_2(%arg0: i32) -> (i32, i32) {
    %c0_i32 = arith.constant 0 : i32
    %c0_i32_0 = arith.constant 0 : i32
    return %arg0, %c0_i32 : i32, i32
  }
}

module attributes {stable_mosaic.version = 14 : i64} {
  func.func @_dense_body(%arg0: i32, %arg1: memref<1024x128xf32, #tpu.memory_space<vmem>>, %arg2: memref<1024x128xi32, #tpu.memory_space<vmem>>, %arg3: memref<1024x128xi32, #tpu.memory_space<vmem>>, %arg4: memref<128x384xf32, #tpu.memory_space<vmem>>, %arg5: memref<128x384xf32, #tpu.memory_space<vmem>>, %arg6: memref<128x384xf32, #tpu.memory_space<vmem>>, %arg7: memref<1x384xf32, #tpu.memory_space<vmem>>, %arg8: memref<128x256xf32, #tpu.memory_space<vmem>>, %arg9: memref<128x256xf32, #tpu.memory_space<vmem>>, %arg10: memref<1x256xf32, #tpu.memory_space<vmem>>, %arg11: memref<100000x128xf32, #tpu.memory_space<hbm>>, %arg12: memref<100000x128xf32, #tpu.memory_space<hbm>>, %arg13: memref<1024x128xf32, #tpu.memory_space<vmem>>, %arg14: memref<1024x128xf32, #tpu.memory_space<vmem>>) attributes {dimension_semantics = [#tpu.dimension_semantics<arbitrary>], iteration_bounds = array<i64: 48>, scalar_prefetch = 0 : i64, scratch_operands = 0 : i64, tpu.core_type = #tpu.core_type<tc>, window_params = [{transform_indices = @transform_0, window_bounds = array<i64: 1024, 128>}, {transform_indices = @transform_1, window_bounds = array<i64: 1024, 128>}, {transform_indices = @transform_2, window_bounds = array<i64: 1024, 128>}, {pipeline_mode = #tpu.pipeline_mode<synchronous>, transform_indices = @transform_3, window_bounds = array<i64: 128, 384>}, {pipeline_mode = #tpu.pipeline_mode<synchronous>, transform_indices = @transform_4, window_bounds = array<i64: 128, 384>}, {pipeline_mode = #tpu.pipeline_mode<synchronous>, transform_indices = @transform_5, window_bounds = array<i64: 128, 384>}, {pipeline_mode = #tpu.pipeline_mode<synchronous>, transform_indices = @transform_6, window_bounds = array<i64: 1, 384>}, {pipeline_mode = #tpu.pipeline_mode<synchronous>, transform_indices = @transform_7, window_bounds = array<i64: 128, 256>}, {pipeline_mode = #tpu.pipeline_mode<synchronous>, transform_indices = @transform_8, window_bounds = array<i64: 128, 256>}, {pipeline_mode = #tpu.pipeline_mode<synchronous>, transform_indices = @transform_9, window_bounds = array<i64: 1, 256>}, {}, {}, {transform_indices = @transform_12, window_bounds = array<i64: 1024, 128>}, {transform_indices = @transform_13, window_bounds = array<i64: 1024, 128>}]} {
    %get3A = arith.constant 0 : index
    %get3A_0 = arith.constant 0 : index
    %get3A_1 = vector.load %arg1[%get3A, %get3A_0] : memref<1024x128xf32, #tpu.memory_space<vmem>>, vector<1024x128xf32>
    %get3A_2 = arith.constant 0 : index
    %get3A_3 = arith.constant 0 : index
    %get3A_4 = vector.load %arg2[%get3A_2, %get3A_3] : memref<1024x128xi32, #tpu.memory_space<vmem>>, vector<1024x128xi32>
    %bitcast_convert_type3A = tpu.bitcast %get3A_4 : vector<1024x128xi32> -> vector<1024x128xi32>
    %slice3A = vector.extract_strided_slice %bitcast_convert_type3A {offsets = [0, 0], sizes = [1024, 64], strides = [1, 1]} : vector<1024x128xi32> to vector<1024x64xi32>
    %shift_left3A = arith.constant 16 : i32
    %shift_left3A_5 = vector.broadcast %shift_left3A : i32 to vector<1024x64xi32>
    %shift_left3A_6 = arith.shli %slice3A, %shift_left3A_5 : vector<1024x64xi32>
    %bitcast_convert_type3A_7 = tpu.bitcast %shift_left3A_6 : vector<1024x64xi32> -> vector<1024x64xf32>
    %and3A = arith.constant -65536 : i32
    %and3A_8 = vector.broadcast %and3A : i32 to vector<1024x64xi32>
    %and3A_9 = arith.andi %slice3A, %and3A_8 : vector<1024x64xi32>
    %bitcast_convert_type3A_10 = tpu.bitcast %and3A_9 : vector<1024x64xi32> -> vector<1024x64xf32>
    %concatenate3A = tpu.concatenate %bitcast_convert_type3A_7, %bitcast_convert_type3A_10 in 1 : vector<1024x64xf32>, vector<1024x64xf32> -> vector<1024x128xf32>
    %slice3A_11 = vector.extract_strided_slice %bitcast_convert_type3A {offsets = [0, 64], sizes = [1024, 64], strides = [1, 1]} : vector<1024x128xi32> to vector<1024x64xi32>
    %shift_left3A_12 = arith.constant 16 : i32
    %shift_left3A_13 = vector.broadcast %shift_left3A_12 : i32 to vector<1024x64xi32>
    %shift_left3A_14 = arith.shli %slice3A_11, %shift_left3A_13 : vector<1024x64xi32>
    %bitcast_convert_type3A_15 = tpu.bitcast %shift_left3A_14 : vector<1024x64xi32> -> vector<1024x64xf32>
    %and3A_16 = arith.constant -65536 : i32
    %and3A_17 = vector.broadcast %and3A_16 : i32 to vector<1024x64xi32>
    %and3A_18 = arith.andi %slice3A_11, %and3A_17 : vector<1024x64xi32>
    %bitcast_convert_type3A_19 = tpu.bitcast %and3A_18 : vector<1024x64xi32> -> vector<1024x64xf32>
    %concatenate3A_20 = tpu.concatenate %bitcast_convert_type3A_15, %bitcast_convert_type3A_19 in 1 : vector<1024x64xf32>, vector<1024x64xf32> -> vector<1024x128xf32>
    %get3A_21 = arith.constant 0 : index
    %get3A_22 = arith.constant 0 : index
    %get3A_23 = vector.load %arg3[%get3A_21, %get3A_22] : memref<1024x128xi32, #tpu.memory_space<vmem>>, vector<1024x128xi32>
    %bitcast_convert_type3A_24 = tpu.bitcast %get3A_23 : vector<1024x128xi32> -> vector<1024x128xi32>
    %slice3A_25 = vector.extract_strided_slice %bitcast_convert_type3A_24 {offsets = [0, 0], sizes = [1024, 64], strides = [1, 1]} : vector<1024x128xi32> to vector<1024x64xi32>
    %shift_left3A_26 = arith.constant 16 : i32
    %shift_left3A_27 = vector.broadcast %shift_left3A_26 : i32 to vector<1024x64xi32>
    %shift_left3A_28 = arith.shli %slice3A_25, %shift_left3A_27 : vector<1024x64xi32>
    %bitcast_convert_type3A_29 = tpu.bitcast %shift_left3A_28 : vector<1024x64xi32> -> vector<1024x64xf32>
    %and3A_30 = arith.constant -65536 : i32
    %and3A_31 = vector.broadcast %and3A_30 : i32 to vector<1024x64xi32>
    %and3A_32 = arith.andi %slice3A_25, %and3A_31 : vector<1024x64xi32>
    %bitcast_convert_type3A_33 = tpu.bitcast %and3A_32 : vector<1024x64xi32> -> vector<1024x64xf32>
    %concatenate3A_34 = tpu.concatenate %bitcast_convert_type3A_29, %bitcast_convert_type3A_33 in 1 : vector<1024x64xf32>, vector<1024x64xf32> -> vector<1024x128xf32>
    %slice3A_35 = vector.extract_strided_slice %bitcast_convert_type3A_24 {offsets = [0, 64], sizes = [1024, 64], strides = [1, 1]} : vector<1024x128xi32> to vector<1024x64xi32>
    %shift_left3A_36 = arith.constant 16 : i32
    %shift_left3A_37 = vector.broadcast %shift_left3A_36 : i32 to vector<1024x64xi32>
    %shift_left3A_38 = arith.shli %slice3A_35, %shift_left3A_37 : vector<1024x64xi32>
    %bitcast_convert_type3A_39 = tpu.bitcast %shift_left3A_38 : vector<1024x64xi32> -> vector<1024x64xf32>
    %and3A_40 = arith.constant -65536 : i32
    %and3A_41 = vector.broadcast %and3A_40 : i32 to vector<1024x64xi32>
    %and3A_42 = arith.andi %slice3A_35, %and3A_41 : vector<1024x64xi32>
    %bitcast_convert_type3A_43 = tpu.bitcast %and3A_42 : vector<1024x64xi32> -> vector<1024x64xf32>
    %concatenate3A_44 = tpu.concatenate %bitcast_convert_type3A_39, %bitcast_convert_type3A_43 in 1 : vector<1024x64xf32>, vector<1024x64xf32> -> vector<1024x128xf32>
    %get3A_45 = arith.constant 0 : index
    %get3A_46 = arith.constant 0 : index
    %get3A_47 = vector.load %arg4[%get3A_45, %get3A_46] : memref<128x384xf32, #tpu.memory_space<vmem>>, vector<128x384xf32>
    %dot_general3A = arith.constant dense<0.000000e+00> : vector<1024x384xf32>
    %dot_general3A_48 = tpu.matmul %get3A_1, %get3A_47, %dot_general3A {dimension_numbers = #tpu.dot_dimension_numbers<[1], [0], [0], [1], [0, 0, 1, 1], [], []>, transpose_lhs_hint = false} : vector<1024x128xf32>, vector<128x384xf32>, vector<1024x384xf32> -> vector<1024x384xf32>
    %get3A_49 = arith.constant 0 : index
    %get3A_50 = arith.constant 0 : index
    %get3A_51 = vector.load %arg5[%get3A_49, %get3A_50] : memref<128x384xf32, #tpu.memory_space<vmem>>, vector<128x384xf32>
    %dot_general3A_52 = arith.constant dense<0.000000e+00> : vector<1024x384xf32>
    %dot_general3A_53 = tpu.matmul %concatenate3A, %get3A_51, %dot_general3A_52 {dimension_numbers = #tpu.dot_dimension_numbers<[1], [0], [0], [1], [0, 0, 1, 1], [], []>, transpose_lhs_hint = false} : vector<1024x128xf32>, vector<128x384xf32>, vector<1024x384xf32> -> vector<1024x384xf32>
    %add3A = arith.addf %dot_general3A_48, %dot_general3A_53 : vector<1024x384xf32>
    %get3A_54 = arith.constant 0 : index
    %get3A_55 = arith.constant 0 : index
    %get3A_56 = vector.load %arg6[%get3A_54, %get3A_55] : memref<128x384xf32, #tpu.memory_space<vmem>>, vector<128x384xf32>
    %dot_general3A_57 = arith.constant dense<0.000000e+00> : vector<1024x384xf32>
    %dot_general3A_58 = tpu.matmul %concatenate3A_34, %get3A_56, %dot_general3A_57 {dimension_numbers = #tpu.dot_dimension_numbers<[1], [0], [0], [1], [0, 0, 1, 1], [], []>, transpose_lhs_hint = false} : vector<1024x128xf32>, vector<128x384xf32>, vector<1024x384xf32> -> vector<1024x384xf32>
    %add3A_59 = arith.addf %add3A, %dot_general3A_58 : vector<1024x384xf32>
    %get3A_60 = arith.constant 0 : index
    %get3A_61 = arith.constant 0 : index
    %get3A_62 = vector.load %arg7[%get3A_60, %get3A_61] : memref<1x384xf32, #tpu.memory_space<vmem>>, vector<1x384xf32>
    %add3A_63 = vector.broadcast %get3A_62 : vector<1x384xf32> to vector<1024x384xf32>
    %add3A_64 = arith.addf %add3A_59, %add3A_63 : vector<1024x384xf32>
    %get3A_65 = arith.constant 0 : index
    %get3A_66 = arith.constant 0 : index
    %get3A_67 = vector.load %arg8[%get3A_65, %get3A_66] : memref<128x256xf32, #tpu.memory_space<vmem>>, vector<128x256xf32>
    %dot_general3A_68 = arith.constant dense<0.000000e+00> : vector<1024x256xf32>
    %dot_general3A_69 = tpu.matmul %concatenate3A, %get3A_67, %dot_general3A_68 {dimension_numbers = #tpu.dot_dimension_numbers<[1], [0], [0], [1], [0, 0, 1, 1], [], []>, transpose_lhs_hint = false} : vector<1024x128xf32>, vector<128x256xf32>, vector<1024x256xf32> -> vector<1024x256xf32>
    %get3A_70 = arith.constant 0 : index
    %get3A_71 = arith.constant 0 : index
    %get3A_72 = vector.load %arg9[%get3A_70, %get3A_71] : memref<128x256xf32, #tpu.memory_space<vmem>>, vector<128x256xf32>
    %dot_general3A_73 = arith.constant dense<0.000000e+00> : vector<1024x256xf32>
    %dot_general3A_74 = tpu.matmul %concatenate3A_34, %get3A_72, %dot_general3A_73 {dimension_numbers = #tpu.dot_dimension_numbers<[1], [0], [0], [1], [0, 0, 1, 1], [], []>, transpose_lhs_hint = false} : vector<1024x128xf32>, vector<128x256xf32>, vector<1024x256xf32> -> vector<1024x256xf32>
    %add3A_75 = arith.addf %dot_general3A_69, %dot_general3A_74 : vector<1024x256xf32>
    %get3A_76 = arith.constant 0 : index
    %get3A_77 = arith.constant 0 : index
    %get3A_78 = vector.load %arg10[%get3A_76, %get3A_77] : memref<1x256xf32, #tpu.memory_space<vmem>>, vector<1x256xf32>
    %add3A_79 = vector.broadcast %get3A_78 : vector<1x256xf32> to vector<1024x256xf32>
    %add3A_80 = arith.addf %add3A_75, %add3A_79 : vector<1024x256xf32>
    %logistic3A = arith.negf %add3A_80 : vector<1024x256xf32>
    %logistic3A_81 = math.exp %logistic3A : vector<1024x256xf32>
    %logistic3A_82 = arith.constant 1.000000e+00 : f32
    %logistic3A_83 = vector.broadcast %logistic3A_82 : f32 to vector<1024x256xf32>
    %logistic3A_84 = arith.addf %logistic3A_83, %logistic3A_81 : vector<1024x256xf32>
    %logistic3A_85 = arith.divf %logistic3A_83, %logistic3A_84 : vector<1024x256xf32>
    %slice3A_86 = vector.extract_strided_slice %logistic3A_85 {offsets = [0, 0], sizes = [1024, 128], strides = [1, 1]} : vector<1024x256xf32> to vector<1024x128xf32>
    %mul3A = arith.mulf %slice3A_86, %concatenate3A_20 : vector<1024x128xf32>
    %slice3A_87 = vector.extract_strided_slice %logistic3A_85 {offsets = [0, 128], sizes = [1024, 128], strides = [1, 1]} : vector<1024x256xf32> to vector<1024x128xf32>
    %mul3A_88 = arith.mulf %slice3A_87, %concatenate3A_44 : vector<1024x128xf32>
    %add3A_89 = arith.addf %mul3A, %mul3A_88 : vector<1024x128xf32>
    %slice3A_90 = vector.extract_strided_slice %add3A_64 {offsets = [0, 0], sizes = [1024, 128], strides = [1, 1]} : vector<1024x384xf32> to vector<1024x128xf32>
    %logistic3A_91 = arith.negf %slice3A_90 : vector<1024x128xf32>
    %logistic3A_92 = math.exp %logistic3A_91 : vector<1024x128xf32>
    %logistic3A_93 = arith.constant 1.000000e+00 : f32
    %logistic3A_94 = vector.broadcast %logistic3A_93 : f32 to vector<1024x128xf32>
    %logistic3A_95 = arith.addf %logistic3A_94, %logistic3A_92 : vector<1024x128xf32>
    %logistic3A_96 = arith.divf %logistic3A_94, %logistic3A_95 : vector<1024x128xf32>
    %slice3A_97 = vector.extract_strided_slice %add3A_64 {offsets = [0, 128], sizes = [1024, 128], strides = [1, 1]} : vector<1024x384xf32> to vector<1024x128xf32>
    %logistic3A_98 = arith.negf %slice3A_97 : vector<1024x128xf32>
    %logistic3A_99 = math.exp %logistic3A_98 : vector<1024x128xf32>
    %logistic3A_100 = arith.constant 1.000000e+00 : f32
    %logistic3A_101 = vector.broadcast %logistic3A_100 : f32 to vector<1024x128xf32>
    %logistic3A_102 = arith.addf %logistic3A_101, %logistic3A_99 : vector<1024x128xf32>
    %logistic3A_103 = arith.divf %logistic3A_101, %logistic3A_102 : vector<1024x128xf32>
    %slice3A_104 = vector.extract_strided_slice %add3A_64 {offsets = [0, 256], sizes = [1024, 128], strides = [1, 1]} : vector<1024x384xf32> to vector<1024x128xf32>
    %tanh3A = math.tanh %slice3A_104 : vector<1024x128xf32>
    %mul3A_105 = arith.mulf %logistic3A_96, %tanh3A : vector<1024x128xf32>
    %add3A_106 = arith.addf %mul3A_105, %add3A_89 : vector<1024x128xf32>
    %tanh3A_107 = math.tanh %add3A_106 : vector<1024x128xf32>
    %mul3A_108 = arith.mulf %logistic3A_103, %tanh3A_107 : vector<1024x128xf32>
    %swap3A = arith.constant 0 : index
    %swap3A_109 = arith.constant 0 : index
    %swap3A_110 = vector.load %arg13[%swap3A, %swap3A_109] : memref<1024x128xf32, #tpu.memory_space<vmem>>, vector<1024x128xf32>
    tpu.vector_store %arg13[%swap3A, %swap3A_109], %mul3A_108 {strides = array<i32>} : memref<1024x128xf32, #tpu.memory_space<vmem>>, vector<1024x128xf32>,
    %swap3A_111 = arith.constant 0 : index
    %swap3A_112 = arith.constant 0 : index
    %swap3A_113 = vector.load %arg14[%swap3A_111, %swap3A_112] : memref<1024x128xf32, #tpu.memory_space<vmem>>, vector<1024x128xf32>
    tpu.vector_store %arg14[%swap3A_111, %swap3A_112], %add3A_106 {strides = array<i32>} : memref<1024x128xf32, #tpu.memory_space<vmem>>, vector<1024x128xf32>,
    return
  }
  func.func @transform_0(%arg0: i32) -> (i32, i32) {
    %add3A = arith.constant 36 : i32
    %add3A_0 = arith.addi %arg0, %add3A : i32
    %c0_i32 = arith.constant 0 : i32
    %c0_i32_1 = arith.constant 0 : i32
    return %add3A_0, %c0_i32 : i32, i32
  }
  func.func @transform_1(%arg0: i32) -> (i32, i32) {
    %c0_i32 = arith.constant 0 : i32
    %c0_i32_0 = arith.constant 0 : i32
    return %arg0, %c0_i32 : i32, i32
  }
  func.func @transform_2(%arg0: i32) -> (i32, i32) {
    %c0_i32 = arith.constant 0 : i32
    %c0_i32_0 = arith.constant 0 : i32
    return %arg0, %c0_i32 : i32, i32
  }
  func.func @transform_3(%arg0: i32) -> (i32, i32) {
    %c0_i32 = arith.constant 0 : i32
    %c0_i32_0 = arith.constant 0 : i32
    %c0_i32_1 = arith.constant 0 : i32
    return %c0_i32, %c0_i32_0 : i32, i32
  }
  func.func @transform_4(%arg0: i32) -> (i32, i32) {
    %c0_i32 = arith.constant 0 : i32
    %c0_i32_0 = arith.constant 0 : i32
    %c0_i32_1 = arith.constant 0 : i32
    return %c0_i32, %c0_i32_0 : i32, i32
  }
  func.func @transform_5(%arg0: i32) -> (i32, i32) {
    %c0_i32 = arith.constant 0 : i32
    %c0_i32_0 = arith.constant 0 : i32
    %c0_i32_1 = arith.constant 0 : i32
    return %c0_i32, %c0_i32_0 : i32, i32
  }
  func.func @transform_6(%arg0: i32) -> (i32, i32) {
    %c0_i32 = arith.constant 0 : i32
    %c0_i32_0 = arith.constant 0 : i32
    %c0_i32_1 = arith.constant 0 : i32
    return %c0_i32, %c0_i32_0 : i32, i32
  }
  func.func @transform_7(%arg0: i32) -> (i32, i32) {
    %c0_i32 = arith.constant 0 : i32
    %c0_i32_0 = arith.constant 0 : i32
    %c0_i32_1 = arith.constant 0 : i32
    return %c0_i32, %c0_i32_0 : i32, i32
  }
  func.func @transform_8(%arg0: i32) -> (i32, i32) {
    %c0_i32 = arith.constant 0 : i32
    %c0_i32_0 = arith.constant 0 : i32
    %c0_i32_1 = arith.constant 0 : i32
    return %c0_i32, %c0_i32_0 : i32, i32
  }
  func.func @transform_9(%arg0: i32) -> (i32, i32) {
    %c0_i32 = arith.constant 0 : i32
    %c0_i32_0 = arith.constant 0 : i32
    %c0_i32_1 = arith.constant 0 : i32
    return %c0_i32, %c0_i32_0 : i32, i32
  }
  func.func @transform_12(%arg0: i32) -> (i32, i32) {
    %add3A = arith.constant 36 : i32
    %add3A_0 = arith.addi %arg0, %add3A : i32
    %c0_i32 = arith.constant 0 : i32
    %c0_i32_1 = arith.constant 0 : i32
    return %add3A_0, %c0_i32 : i32, i32
  }
  func.func @transform_13(%arg0: i32) -> (i32, i32) {
    %add3A = arith.constant 36 : i32
    %add3A_0 = arith.addi %arg0, %add3A : i32
    %c0_i32 = arith.constant 0 : i32
    %c0_i32_1 = arith.constant 0 : i32
    return %add3A_0, %c0_i32 : i32, i32
  }
}

module attributes {stable_mosaic.version = 14 : i64} {
  func.func @_dense_body(%arg0: i32, %arg1: memref<1024x128xf32, #tpu.memory_space<vmem>>, %arg2: memref<1024x128xi32, #tpu.memory_space<vmem>>, %arg3: memref<1024x128xi32, #tpu.memory_space<vmem>>, %arg4: memref<128x384xf32, #tpu.memory_space<vmem>>, %arg5: memref<128x384xf32, #tpu.memory_space<vmem>>, %arg6: memref<128x384xf32, #tpu.memory_space<vmem>>, %arg7: memref<1x384xf32, #tpu.memory_space<vmem>>, %arg8: memref<128x256xf32, #tpu.memory_space<vmem>>, %arg9: memref<128x256xf32, #tpu.memory_space<vmem>>, %arg10: memref<1x256xf32, #tpu.memory_space<vmem>>, %arg11: memref<100000x128xf32, #tpu.memory_space<hbm>>, %arg12: memref<100000x128xf32, #tpu.memory_space<hbm>>, %arg13: memref<1024x128xf32, #tpu.memory_space<vmem>>, %arg14: memref<1024x128xf32, #tpu.memory_space<vmem>>) attributes {dimension_semantics = [#tpu.dimension_semantics<arbitrary>], iteration_bounds = array<i64: 14>, scalar_prefetch = 0 : i64, scratch_operands = 0 : i64, tpu.core_type = #tpu.core_type<tc>, window_params = [{transform_indices = @transform_0, window_bounds = array<i64: 1024, 128>}, {transform_indices = @transform_1, window_bounds = array<i64: 1024, 128>}, {transform_indices = @transform_2, window_bounds = array<i64: 1024, 128>}, {pipeline_mode = #tpu.pipeline_mode<synchronous>, transform_indices = @transform_3, window_bounds = array<i64: 128, 384>}, {pipeline_mode = #tpu.pipeline_mode<synchronous>, transform_indices = @transform_4, window_bounds = array<i64: 128, 384>}, {pipeline_mode = #tpu.pipeline_mode<synchronous>, transform_indices = @transform_5, window_bounds = array<i64: 128, 384>}, {pipeline_mode = #tpu.pipeline_mode<synchronous>, transform_indices = @transform_6, window_bounds = array<i64: 1, 384>}, {pipeline_mode = #tpu.pipeline_mode<synchronous>, transform_indices = @transform_7, window_bounds = array<i64: 128, 256>}, {pipeline_mode = #tpu.pipeline_mode<synchronous>, transform_indices = @transform_8, window_bounds = array<i64: 128, 256>}, {pipeline_mode = #tpu.pipeline_mode<synchronous>, transform_indices = @transform_9, window_bounds = array<i64: 1, 256>}, {}, {}, {transform_indices = @transform_12, window_bounds = array<i64: 1024, 128>}, {transform_indices = @transform_13, window_bounds = array<i64: 1024, 128>}]} {
    %get3A = arith.constant 0 : index
    %get3A_0 = arith.constant 0 : index
    %get3A_1 = vector.load %arg1[%get3A, %get3A_0] : memref<1024x128xf32, #tpu.memory_space<vmem>>, vector<1024x128xf32>
    %get3A_2 = arith.constant 0 : index
    %get3A_3 = arith.constant 0 : index
    %get3A_4 = vector.load %arg2[%get3A_2, %get3A_3] : memref<1024x128xi32, #tpu.memory_space<vmem>>, vector<1024x128xi32>
    %bitcast_convert_type3A = tpu.bitcast %get3A_4 : vector<1024x128xi32> -> vector<1024x128xi32>
    %slice3A = vector.extract_strided_slice %bitcast_convert_type3A {offsets = [0, 0], sizes = [1024, 64], strides = [1, 1]} : vector<1024x128xi32> to vector<1024x64xi32>
    %shift_left3A = arith.constant 16 : i32
    %shift_left3A_5 = vector.broadcast %shift_left3A : i32 to vector<1024x64xi32>
    %shift_left3A_6 = arith.shli %slice3A, %shift_left3A_5 : vector<1024x64xi32>
    %bitcast_convert_type3A_7 = tpu.bitcast %shift_left3A_6 : vector<1024x64xi32> -> vector<1024x64xf32>
    %and3A = arith.constant -65536 : i32
    %and3A_8 = vector.broadcast %and3A : i32 to vector<1024x64xi32>
    %and3A_9 = arith.andi %slice3A, %and3A_8 : vector<1024x64xi32>
    %bitcast_convert_type3A_10 = tpu.bitcast %and3A_9 : vector<1024x64xi32> -> vector<1024x64xf32>
    %concatenate3A = tpu.concatenate %bitcast_convert_type3A_7, %bitcast_convert_type3A_10 in 1 : vector<1024x64xf32>, vector<1024x64xf32> -> vector<1024x128xf32>
    %slice3A_11 = vector.extract_strided_slice %bitcast_convert_type3A {offsets = [0, 64], sizes = [1024, 64], strides = [1, 1]} : vector<1024x128xi32> to vector<1024x64xi32>
    %shift_left3A_12 = arith.constant 16 : i32
    %shift_left3A_13 = vector.broadcast %shift_left3A_12 : i32 to vector<1024x64xi32>
    %shift_left3A_14 = arith.shli %slice3A_11, %shift_left3A_13 : vector<1024x64xi32>
    %bitcast_convert_type3A_15 = tpu.bitcast %shift_left3A_14 : vector<1024x64xi32> -> vector<1024x64xf32>
    %and3A_16 = arith.constant -65536 : i32
    %and3A_17 = vector.broadcast %and3A_16 : i32 to vector<1024x64xi32>
    %and3A_18 = arith.andi %slice3A_11, %and3A_17 : vector<1024x64xi32>
    %bitcast_convert_type3A_19 = tpu.bitcast %and3A_18 : vector<1024x64xi32> -> vector<1024x64xf32>
    %concatenate3A_20 = tpu.concatenate %bitcast_convert_type3A_15, %bitcast_convert_type3A_19 in 1 : vector<1024x64xf32>, vector<1024x64xf32> -> vector<1024x128xf32>
    %get3A_21 = arith.constant 0 : index
    %get3A_22 = arith.constant 0 : index
    %get3A_23 = vector.load %arg3[%get3A_21, %get3A_22] : memref<1024x128xi32, #tpu.memory_space<vmem>>, vector<1024x128xi32>
    %bitcast_convert_type3A_24 = tpu.bitcast %get3A_23 : vector<1024x128xi32> -> vector<1024x128xi32>
    %slice3A_25 = vector.extract_strided_slice %bitcast_convert_type3A_24 {offsets = [0, 0], sizes = [1024, 64], strides = [1, 1]} : vector<1024x128xi32> to vector<1024x64xi32>
    %shift_left3A_26 = arith.constant 16 : i32
    %shift_left3A_27 = vector.broadcast %shift_left3A_26 : i32 to vector<1024x64xi32>
    %shift_left3A_28 = arith.shli %slice3A_25, %shift_left3A_27 : vector<1024x64xi32>
    %bitcast_convert_type3A_29 = tpu.bitcast %shift_left3A_28 : vector<1024x64xi32> -> vector<1024x64xf32>
    %and3A_30 = arith.constant -65536 : i32
    %and3A_31 = vector.broadcast %and3A_30 : i32 to vector<1024x64xi32>
    %and3A_32 = arith.andi %slice3A_25, %and3A_31 : vector<1024x64xi32>
    %bitcast_convert_type3A_33 = tpu.bitcast %and3A_32 : vector<1024x64xi32> -> vector<1024x64xf32>
    %concatenate3A_34 = tpu.concatenate %bitcast_convert_type3A_29, %bitcast_convert_type3A_33 in 1 : vector<1024x64xf32>, vector<1024x64xf32> -> vector<1024x128xf32>
    %slice3A_35 = vector.extract_strided_slice %bitcast_convert_type3A_24 {offsets = [0, 64], sizes = [1024, 64], strides = [1, 1]} : vector<1024x128xi32> to vector<1024x64xi32>
    %shift_left3A_36 = arith.constant 16 : i32
    %shift_left3A_37 = vector.broadcast %shift_left3A_36 : i32 to vector<1024x64xi32>
    %shift_left3A_38 = arith.shli %slice3A_35, %shift_left3A_37 : vector<1024x64xi32>
    %bitcast_convert_type3A_39 = tpu.bitcast %shift_left3A_38 : vector<1024x64xi32> -> vector<1024x64xf32>
    %and3A_40 = arith.constant -65536 : i32
    %and3A_41 = vector.broadcast %and3A_40 : i32 to vector<1024x64xi32>
    %and3A_42 = arith.andi %slice3A_35, %and3A_41 : vector<1024x64xi32>
    %bitcast_convert_type3A_43 = tpu.bitcast %and3A_42 : vector<1024x64xi32> -> vector<1024x64xf32>
    %concatenate3A_44 = tpu.concatenate %bitcast_convert_type3A_39, %bitcast_convert_type3A_43 in 1 : vector<1024x64xf32>, vector<1024x64xf32> -> vector<1024x128xf32>
    %get3A_45 = arith.constant 0 : index
    %get3A_46 = arith.constant 0 : index
    %get3A_47 = vector.load %arg4[%get3A_45, %get3A_46] : memref<128x384xf32, #tpu.memory_space<vmem>>, vector<128x384xf32>
    %dot_general3A = arith.constant dense<0.000000e+00> : vector<1024x384xf32>
    %dot_general3A_48 = tpu.matmul %get3A_1, %get3A_47, %dot_general3A {dimension_numbers = #tpu.dot_dimension_numbers<[1], [0], [0], [1], [0, 0, 1, 1], [], []>, transpose_lhs_hint = false} : vector<1024x128xf32>, vector<128x384xf32>, vector<1024x384xf32> -> vector<1024x384xf32>
    %get3A_49 = arith.constant 0 : index
    %get3A_50 = arith.constant 0 : index
    %get3A_51 = vector.load %arg5[%get3A_49, %get3A_50] : memref<128x384xf32, #tpu.memory_space<vmem>>, vector<128x384xf32>
    %dot_general3A_52 = arith.constant dense<0.000000e+00> : vector<1024x384xf32>
    %dot_general3A_53 = tpu.matmul %concatenate3A, %get3A_51, %dot_general3A_52 {dimension_numbers = #tpu.dot_dimension_numbers<[1], [0], [0], [1], [0, 0, 1, 1], [], []>, transpose_lhs_hint = false} : vector<1024x128xf32>, vector<128x384xf32>, vector<1024x384xf32> -> vector<1024x384xf32>
    %add3A = arith.addf %dot_general3A_48, %dot_general3A_53 : vector<1024x384xf32>
    %get3A_54 = arith.constant 0 : index
    %get3A_55 = arith.constant 0 : index
    %get3A_56 = vector.load %arg6[%get3A_54, %get3A_55] : memref<128x384xf32, #tpu.memory_space<vmem>>, vector<128x384xf32>
    %dot_general3A_57 = arith.constant dense<0.000000e+00> : vector<1024x384xf32>
    %dot_general3A_58 = tpu.matmul %concatenate3A_34, %get3A_56, %dot_general3A_57 {dimension_numbers = #tpu.dot_dimension_numbers<[1], [0], [0], [1], [0, 0, 1, 1], [], []>, transpose_lhs_hint = false} : vector<1024x128xf32>, vector<128x384xf32>, vector<1024x384xf32> -> vector<1024x384xf32>
    %add3A_59 = arith.addf %add3A, %dot_general3A_58 : vector<1024x384xf32>
    %get3A_60 = arith.constant 0 : index
    %get3A_61 = arith.constant 0 : index
    %get3A_62 = vector.load %arg7[%get3A_60, %get3A_61] : memref<1x384xf32, #tpu.memory_space<vmem>>, vector<1x384xf32>
    %add3A_63 = vector.broadcast %get3A_62 : vector<1x384xf32> to vector<1024x384xf32>
    %add3A_64 = arith.addf %add3A_59, %add3A_63 : vector<1024x384xf32>
    %get3A_65 = arith.constant 0 : index
    %get3A_66 = arith.constant 0 : index
    %get3A_67 = vector.load %arg8[%get3A_65, %get3A_66] : memref<128x256xf32, #tpu.memory_space<vmem>>, vector<128x256xf32>
    %dot_general3A_68 = arith.constant dense<0.000000e+00> : vector<1024x256xf32>
    %dot_general3A_69 = tpu.matmul %concatenate3A, %get3A_67, %dot_general3A_68 {dimension_numbers = #tpu.dot_dimension_numbers<[1], [0], [0], [1], [0, 0, 1, 1], [], []>, transpose_lhs_hint = false} : vector<1024x128xf32>, vector<128x256xf32>, vector<1024x256xf32> -> vector<1024x256xf32>
    %get3A_70 = arith.constant 0 : index
    %get3A_71 = arith.constant 0 : index
    %get3A_72 = vector.load %arg9[%get3A_70, %get3A_71] : memref<128x256xf32, #tpu.memory_space<vmem>>, vector<128x256xf32>
    %dot_general3A_73 = arith.constant dense<0.000000e+00> : vector<1024x256xf32>
    %dot_general3A_74 = tpu.matmul %concatenate3A_34, %get3A_72, %dot_general3A_73 {dimension_numbers = #tpu.dot_dimension_numbers<[1], [0], [0], [1], [0, 0, 1, 1], [], []>, transpose_lhs_hint = false} : vector<1024x128xf32>, vector<128x256xf32>, vector<1024x256xf32> -> vector<1024x256xf32>
    %add3A_75 = arith.addf %dot_general3A_69, %dot_general3A_74 : vector<1024x256xf32>
    %get3A_76 = arith.constant 0 : index
    %get3A_77 = arith.constant 0 : index
    %get3A_78 = vector.load %arg10[%get3A_76, %get3A_77] : memref<1x256xf32, #tpu.memory_space<vmem>>, vector<1x256xf32>
    %add3A_79 = vector.broadcast %get3A_78 : vector<1x256xf32> to vector<1024x256xf32>
    %add3A_80 = arith.addf %add3A_75, %add3A_79 : vector<1024x256xf32>
    %logistic3A = arith.negf %add3A_80 : vector<1024x256xf32>
    %logistic3A_81 = math.exp %logistic3A : vector<1024x256xf32>
    %logistic3A_82 = arith.constant 1.000000e+00 : f32
    %logistic3A_83 = vector.broadcast %logistic3A_82 : f32 to vector<1024x256xf32>
    %logistic3A_84 = arith.addf %logistic3A_83, %logistic3A_81 : vector<1024x256xf32>
    %logistic3A_85 = arith.divf %logistic3A_83, %logistic3A_84 : vector<1024x256xf32>
    %slice3A_86 = vector.extract_strided_slice %logistic3A_85 {offsets = [0, 0], sizes = [1024, 128], strides = [1, 1]} : vector<1024x256xf32> to vector<1024x128xf32>
    %mul3A = arith.mulf %slice3A_86, %concatenate3A_20 : vector<1024x128xf32>
    %slice3A_87 = vector.extract_strided_slice %logistic3A_85 {offsets = [0, 128], sizes = [1024, 128], strides = [1, 1]} : vector<1024x256xf32> to vector<1024x128xf32>
    %mul3A_88 = arith.mulf %slice3A_87, %concatenate3A_44 : vector<1024x128xf32>
    %add3A_89 = arith.addf %mul3A, %mul3A_88 : vector<1024x128xf32>
    %slice3A_90 = vector.extract_strided_slice %add3A_64 {offsets = [0, 0], sizes = [1024, 128], strides = [1, 1]} : vector<1024x384xf32> to vector<1024x128xf32>
    %logistic3A_91 = arith.negf %slice3A_90 : vector<1024x128xf32>
    %logistic3A_92 = math.exp %logistic3A_91 : vector<1024x128xf32>
    %logistic3A_93 = arith.constant 1.000000e+00 : f32
    %logistic3A_94 = vector.broadcast %logistic3A_93 : f32 to vector<1024x128xf32>
    %logistic3A_95 = arith.addf %logistic3A_94, %logistic3A_92 : vector<1024x128xf32>
    %logistic3A_96 = arith.divf %logistic3A_94, %logistic3A_95 : vector<1024x128xf32>
    %slice3A_97 = vector.extract_strided_slice %add3A_64 {offsets = [0, 128], sizes = [1024, 128], strides = [1, 1]} : vector<1024x384xf32> to vector<1024x128xf32>
    %logistic3A_98 = arith.negf %slice3A_97 : vector<1024x128xf32>
    %logistic3A_99 = math.exp %logistic3A_98 : vector<1024x128xf32>
    %logistic3A_100 = arith.constant 1.000000e+00 : f32
    %logistic3A_101 = vector.broadcast %logistic3A_100 : f32 to vector<1024x128xf32>
    %logistic3A_102 = arith.addf %logistic3A_101, %logistic3A_99 : vector<1024x128xf32>
    %logistic3A_103 = arith.divf %logistic3A_101, %logistic3A_102 : vector<1024x128xf32>
    %slice3A_104 = vector.extract_strided_slice %add3A_64 {offsets = [0, 256], sizes = [1024, 128], strides = [1, 1]} : vector<1024x384xf32> to vector<1024x128xf32>
    %tanh3A = math.tanh %slice3A_104 : vector<1024x128xf32>
    %mul3A_105 = arith.mulf %logistic3A_96, %tanh3A : vector<1024x128xf32>
    %add3A_106 = arith.addf %mul3A_105, %add3A_89 : vector<1024x128xf32>
    %tanh3A_107 = math.tanh %add3A_106 : vector<1024x128xf32>
    %mul3A_108 = arith.mulf %logistic3A_103, %tanh3A_107 : vector<1024x128xf32>
    %swap3A = arith.constant 0 : index
    %swap3A_109 = arith.constant 0 : index
    %swap3A_110 = vector.load %arg13[%swap3A, %swap3A_109] : memref<1024x128xf32, #tpu.memory_space<vmem>>, vector<1024x128xf32>
    tpu.vector_store %arg13[%swap3A, %swap3A_109], %mul3A_108 {strides = array<i32>} : memref<1024x128xf32, #tpu.memory_space<vmem>>, vector<1024x128xf32>,
    %swap3A_111 = arith.constant 0 : index
    %swap3A_112 = arith.constant 0 : index
    %swap3A_113 = vector.load %arg14[%swap3A_111, %swap3A_112] : memref<1024x128xf32, #tpu.memory_space<vmem>>, vector<1024x128xf32>
    tpu.vector_store %arg14[%swap3A_111, %swap3A_112], %add3A_106 {strides = array<i32>} : memref<1024x128xf32, #tpu.memory_space<vmem>>, vector<1024x128xf32>,
    return
  }
  func.func @transform_0(%arg0: i32) -> (i32, i32) {
    %add3A = arith.constant 84 : i32
    %add3A_0 = arith.addi %arg0, %add3A : i32
    %c0_i32 = arith.constant 0 : i32
    %c0_i32_1 = arith.constant 0 : i32
    return %add3A_0, %c0_i32 : i32, i32
  }
  func.func @transform_1(%arg0: i32) -> (i32, i32) {
    %c0_i32 = arith.constant 0 : i32
    %c0_i32_0 = arith.constant 0 : i32
    return %arg0, %c0_i32 : i32, i32
  }
  func.func @transform_2(%arg0: i32) -> (i32, i32) {
    %c0_i32 = arith.constant 0 : i32
    %c0_i32_0 = arith.constant 0 : i32
    return %arg0, %c0_i32 : i32, i32
  }
  func.func @transform_3(%arg0: i32) -> (i32, i32) {
    %c0_i32 = arith.constant 0 : i32
    %c0_i32_0 = arith.constant 0 : i32
    %c0_i32_1 = arith.constant 0 : i32
    return %c0_i32, %c0_i32_0 : i32, i32
  }
  func.func @transform_4(%arg0: i32) -> (i32, i32) {
    %c0_i32 = arith.constant 0 : i32
    %c0_i32_0 = arith.constant 0 : i32
    %c0_i32_1 = arith.constant 0 : i32
    return %c0_i32, %c0_i32_0 : i32, i32
  }
  func.func @transform_5(%arg0: i32) -> (i32, i32) {
    %c0_i32 = arith.constant 0 : i32
    %c0_i32_0 = arith.constant 0 : i32
    %c0_i32_1 = arith.constant 0 : i32
    return %c0_i32, %c0_i32_0 : i32, i32
  }
  func.func @transform_6(%arg0: i32) -> (i32, i32) {
    %c0_i32 = arith.constant 0 : i32
    %c0_i32_0 = arith.constant 0 : i32
    %c0_i32_1 = arith.constant 0 : i32
    return %c0_i32, %c0_i32_0 : i32, i32
  }
  func.func @transform_7(%arg0: i32) -> (i32, i32) {
    %c0_i32 = arith.constant 0 : i32
    %c0_i32_0 = arith.constant 0 : i32
    %c0_i32_1 = arith.constant 0 : i32
    return %c0_i32, %c0_i32_0 : i32, i32
  }
  func.func @transform_8(%arg0: i32) -> (i32, i32) {
    %c0_i32 = arith.constant 0 : i32
    %c0_i32_0 = arith.constant 0 : i32
    %c0_i32_1 = arith.constant 0 : i32
    return %c0_i32, %c0_i32_0 : i32, i32
  }
  func.func @transform_9(%arg0: i32) -> (i32, i32) {
    %c0_i32 = arith.constant 0 : i32
    %c0_i32_0 = arith.constant 0 : i32
    %c0_i32_1 = arith.constant 0 : i32
    return %c0_i32, %c0_i32_0 : i32, i32
  }
  func.func @transform_12(%arg0: i32) -> (i32, i32) {
    %add3A = arith.constant 84 : i32
    %add3A_0 = arith.addi %arg0, %add3A : i32
    %c0_i32 = arith.constant 0 : i32
    %c0_i32_1 = arith.constant 0 : i32
    return %add3A_0, %c0_i32 : i32, i32
  }
  func.func @transform_13(%arg0: i32) -> (i32, i32) {
    %add3A = arith.constant 84 : i32
    %add3A_0 = arith.addi %arg0, %add3A : i32
    %c0_i32 = arith.constant 0 : i32
    %c0_i32_1 = arith.constant 0 : i32
    return %add3A_0, %c0_i32 : i32, i32
  }
}

</mosaic_0001>

<sc_bundles>
// kernel: _run.12.cloned.1.call-start
scs
__scs_entry_jumppad:
0x0: {  	(pc) =	sbr.rel $0x88, $3  }
0x1: {  	(tag) =	ssettag $0x0;
	lr =	simm.s32 $0x1  }
0x2: {  	[smem:$0x3F95] =	sst lr;
	_ =	strace $0xD0000000  }
0x3: {  	_ = 	snop  }
0x4: {  	_ = 	snop  }
0x5: {  	_ = 	snop  }
0x6: {  	_ = 	snop  }
0x7: {  	_ = 	snop  }
__scs_overlays_trampoline_lowered:
0x8: {  	[smem:$0x3FA4] =	sst s0  }
0x9: {  	[smem:$0x3FA5] =	sst s1  }
0xa: {  	[smem:$0x3FA6] =	sst s2  }
0xb: {  	[smem:$0x3FA7] =	sst s3  }
0xc: {  	[smem:$0x3FA8] =	sst s4  }
0xd: {  	[smem:$0x3FA9] =	sst s5  }
0xe: {  	[smem:$0x3FAA] =	sst s6  }
0xf: {  	[smem:$0x3FAB] =	sst s7  }
0x10: {  	[smem:$0x3FAC] =	sst s8  }
0x11: {  	[smem:$0x3FAD] =	sst s9;
	s0 =	simm.s32 @!p0 $0x0  }
0x12: {  	s1 =	sld [smem:$0x3F93];
	s0 =	simm.s32 @p0 $0x1  }
0x13: {  	[smem:$0x3FAE] =	sst s0;
	s0 =	simm.s32 @!p1 $0x0  }
0x14: {  	s2 =	sld [smem:$0x3F92];
	s0 =	simm.s32 @p1 $0x1  }
0x15: {  	[smem:$0x3FAF] =	sst s0;
	s0 =	simm.s32 @!p2 $0x0  }
0x16: {  	s3 =	sld [smem:$0x3FDB];
	s0 =	simm.s32 @p2 $0x1  }
0x17: {  	s4 =	simm.s32 $0x1BF5;
	[smem:$0x3FB1] =	sst s0  }
0x18: {  	s0 =	sld [smem:$0x3F94];
	_ =	swait.ge [sflag:s4], $0x0  }
0x19: {  	s7 =	sld [smem:$0x3F95]  }
0x1a: {  	s8 =	sadd.s32 $0xFFFFE003, lr  }
0x1b: {  	s9 =	sadd.s32 $0xFFFFFEF7, lr;
	s5 =	simm.s32 $0xFFFFFFFF;
	p2 =	slt.u32 s8, $0xFFFFF086  }
0x1c: {  	p1 =	slt.u32 s9, $0xF7A;
	s5 =	simm.s32 @!p2 $0x0  }
0x1d: {  	s5 =	simm.s32 @p1 $0x1;
	p0 =	seq.s32 s7, s2  }
0x1e: {  	s7 =	smul.u32 @!p0 $0xF7A, s2;
	p2 =	seq.s32 @!p0 s5, $0x0  }
0x1f: {  	s9 =	smul.u32 $0xF7A, s1;
	s8 =	simm.s32 @!p0 $0x1BF5;
	p2 =	por !p2, p0  }
0x20: {  	[sflag:s8] =	ssyncset.s32 @!p0 $0xFFFFF086;
	s6 =	sadd.s32 @!p0 s3, s7;
	s7 =	simm.s32 @!p0 $0x108  }
0x21: {  	s3 =	sadd.s32 s3, s9;
	s6 =	sadd.s32 @!p0 $0x88, s6;
	s7 =	simm.s32 @p2 $0x1082  }
0x22: {  	[simem:s7], [sflag:s8] =	dma.local @!p0 [hbm:s6], $0xF7A  }
0x23: {  	s9 =	sor.u32 $0xD0000000, s2;
	s6 =	simm.s32 $0x108;
	_ =	swait.ge @!p0 [sflag:s8], $0x0  }
0x24: {  	s3 =	sadd.s32 $0x88, s3;
	s6 =	simm.s32 @!p1 $0x1082;
	[sflag:s4] =	ssyncset.s32 $0xFFFFF086  }
0x25: {  	[simem:s6], [sflag:s4] =	dma.local [hbm:s3], $0xF7A  }
0x26: {  	[smem:$0x3F95] =	sst s1;
	(tag) =	ssettag s2;
	_ =	strace s9  }
0x27: {  	s1 =	sld [smem:$0x3FA5]  }
0x28: {  	s2 =	sld [smem:$0x3FA6]  }
0x29: {  	s4 =	sld [smem:$0x3FA8]  }
0x2a: {  	p0 =	seq.s32 s5, $0x0;
	s5 =	sld [smem:$0x3FA9]  }
0x2b: {  	s6 =	sld [smem:$0x3FAA]  }
0x2c: {  	s7 =	sld [smem:$0x3FAB]  }
0x2d: {  	s3 =	simm.s32 $0x108;
	s8 =	sld [smem:$0x3FAC]  }
0x2e: {  	s3 =	simm.s32 @!p0 $0x1082;
	s9 =	sld [smem:$0x3FAD]  }
0x2f: {  	lr =	sadd.s32 s0, s3;
	s0 =	sld [smem:$0x3FA4]  }
0x30: {  	s3 =	sld [smem:$0x3FA7]  }
0x31: {  	[smem:$0x3FB0] =	sst s10  }
0x32: {  	s10 =	sld [smem:$0x3FAE];
	_ =	sdelay $0x3  }
0x33: {  	p0 =	seq.s32 s10, $0x1;
	s10 =	sld [smem:$0x3FB0];
	_ =	sdelay $0x3  }
0x34: {  	[smem:$0x3FB0] =	sst s10  }
0x35: {  	s10 =	sld [smem:$0x3FAF];
	_ =	sdelay $0x3  }
0x36: {  	p1 =	seq.s32 s10, $0x1;
	s10 =	sld [smem:$0x3FB0];
	_ =	sdelay $0x3  }
0x37: {  	[smem:$0x3FB0] =	sst s10  }
0x38: {  	s10 =	sld [smem:$0x3FB1]  }
0x39: {  	_ = 	snop;
	(pc) =	sbr.ind lr, $3  }
0x3a: {  	_ = 	snop  }
0x3b: {  	_ = 	snop  }
0x3c: {  	p2 =	seq.s32 s10, $0x1;
	s10 =	sld [smem:$0x3FB0]  }
0x3d: {  	_ =	shalt  }
0x3e: {  	_ =	shalt  }
0x3f: {  	_ =	shalt  }
0x40: {  	_ =	shalt  }
0x41: {  	_ =	shalt  }
0x42: {  	_ =	shalt  }
0x43: {  	_ =	shalt  }
0x44: {  	_ =	shalt  }
0x45: {  	_ =	shalt  }
0x46: {  	_ =	shalt  }
0x47: {  	_ =	shalt  }
0x48: {  	_ =	shalt  }
0x49: {  	_ =	shalt  }
0x4a: {  	_ =	shalt  }
0x4b: {  	_ =	shalt  }
0x4c: {  	_ =	shalt  }
0x4d: {  	_ =	shalt  }
0x4e: {  	_ =	shalt  }
0x4f: {  	_ =	shalt  }
0x50: {  	_ =	shalt  }
0x51: {  	_ =	shalt  }
0x52: {  	_ =	shalt  }
0x53: {  	_ =	shalt  }
0x54: {  	_ =	shalt  }
0x55: {  	_ =	shalt  }
0x56: {  	_ =	shalt  }
0x57: {  	_ =	shalt  }
0x58: {  	_ =	shalt  }
0x59: {  	_ =	shalt  }
0x5a: {  	_ =	shalt  }
0x5b: {  	_ =	shalt  }
0x5c: {  	_ =	shalt  }
0x5d: {  	_ =	shalt  }
0x5e: {  	_ =	shalt  }
0x5f: {  	_ =	shalt  }
0x60: {  	_ =	shalt  }
0x61: {  	_ =	shalt  }
0x62: {  	_ =	shalt  }
0x63: {  	_ =	shalt  }
0x64: {  	_ =	shalt  }
0x65: {  	_ =	shalt  }
0x66: {  	_ =	shalt  }
0x67: {  	_ =	shalt  }
0x68: {  	_ =	shalt  }
0x69: {  	_ =	shalt  }
0x6a: {  	_ =	shalt  }
0x6b: {  	_ =	shalt  }
0x6c: {  	_ =	shalt  }
0x6d: {  	_ =	shalt  }
0x6e: {  	_ =	shalt  }
0x6f: {  	_ =	shalt  }
0x70: {  	_ =	shalt  }
0x71: {  	_ =	shalt  }
0x72: {  	_ =	shalt  }
0x73: {  	_ =	shalt  }
0x74: {  	_ =	shalt  }
0x75: {  	_ =	shalt  }
0x76: {  	_ =	shalt  }
0x77: {  	_ =	shalt  }
0x78: {  	_ =	shalt  }
0x79: {  	_ =	shalt  }
0x7a: {  	_ =	shalt  }
0x7b: {  	_ =	shalt  }
0x7c: {  	_ =	shalt  }
0x7d: {  	_ =	shalt  }
0x7e: {  	_ =	shalt  }
0x7f: {  	_ =	shalt  }
0x80: {  	_ =	shalt  }
0x81: {  	_ =	shalt  }
0x82: {  	_ =	shalt  }
0x83: {  	_ =	shalt  }
0x84: {  	_ =	shalt  }
0x85: {  	_ =	shalt  }
0x86: {  	_ =	shalt  }
0x87: {  	_ =	shalt  }
.Lfunc_end0:
.L_simem_size_0:
called_computation.1_lowered:
.L_overlay_start_0:
0x88: {  	s2 =	sld [smem:$0x3FD9]  }
0x89: {  	s3 =	sld [smem:$0x3FFE];
	_ =	sdelay $0x1  }
0x8a: {  	s1 =	srdreg.scid  }
0x8b: {  	s0 =	sand.u32 $0x1, s1  }
0x8c: {  	s17 =	sshll.u32 s0, $0xA;
	s2 =	sadd.s32 s3, s2  }
0x8d: {  	s2 =	sadd.s32 s2, s17  }
0x8e: {  	[smem:$0x3FBC] =	sst s2  }
0x8f: {  	_ = 	snop  }
0x90: {  	(tm) =	ssettm $0x1  }
0x91: {  	s18 =	sld [smem:$0x3FFB];
	_ =	sdelay $0x3  }
0x92: {  	_ =	strace s18  }
0x93: {  	s2 =	sld [smem:$0x3FFC];
	_ =	sdelay $0x3  }
0x94: {  	_ =	strace s2  }
0x95: {  	s2 =	sld [smem:$0x3FFD];
	_ =	sdelay $0x3  }
0x96: {  	_ =	strace s2  }
0x97: {  	_ =	strace $0x8FFFFFFF  }
0x98: {  	s19 =	sld [smem:$0x3FDB];
	_ =	sdelay $0x1  }
0x99: {  	s20 =	simm.s32 $_scs_section_size  }
0x9a: {  	s4 =	simm.s32 $_size__tile_overlayer_lowered;
	s5 =	simm.s32 $_tile_overlayer_lowered  }
0x9b: {  	s6 =	simm.s32 $0x1BFF;
	s21 =	sshll.u32 s5, $0x1;
	s3 =	sadd.s32 s20, s19  }
0x9c: {  	s22 =	simm.s32 $0x0;
	s4 =	sshll.u32 s4, $0x1;
	s5 =	sadd.s32 s21, s3  }
0x9d: {  	[timem:s22], [sflag:s6] =	dma.local [hbm:s5], s4  }
0x9e: {  	_ =	swait.ge [sflag:s6], s4  }
0x9f: {  	s4 =	ssub.s32 $0x0, s4;
	[sflag:s6] =	ssyncset.done $0x0  }
0xa0: {  	[sflag:s6] =	ssyncadd.s32 s4;
	_ =	sdelay $0x1  }
0xa1: {  	s23 =	simm.s32 $0x1B8B  }
0xa2: {  	_ =	swait.ge [sflag:s23], $0x1  }
0xa3: {  	[sflag:s23] =	ssyncset.done $0x0  }
0xa4: {  	[sflag:s23] =	ssyncadd.s32 $0xFFFFFFFF  }
0xa5: {  	s4 =	sld [smem:$0x0]  }
0xa6: {  	s5 =	sand.u32 $0xFFFFFFFE, s1  }
0xa7: {  	p0 =	sne.s32 s1, s5  }
0xa8: {  	s5 =	sshll.u32 @p0 s5, $0xE  }
0xa9: {  	s5 =	sadd.s32 @p0 $0x11B8D, s5;
	s6 =	sshll.u32 @p0 s4, $0x11  }
0xaa: {  	s5 =	sor.u32 @p0 s6, s5  }
0xab: {  	[sflag:s5] =	ssyncadd.remote.s32 @p0 $0x1;
	_ =	sdelay $0x1  }
0xac: {  	s5 =	simm.s32 @p0 $0x1B8D  }
0xad: {  	_ =	swait.eq @p0 [sflag:s5], $0x1  }
0xae: {  	[sflag:s5] =	ssyncadd.s32 @p0 $0xFFFFFFFF  }
0xaf: {  	s6 =	sshll.u32 @!p0 s1, $0xE  }
0xb0: {  	s6 =	sor.u32 @!p0 $0x4000, s6;
	s5 =	simm.s32 @!p0 $0x1B8D  }
0xb1: {  	s4 =	sshll.u32 @!p0 s4, $0x11;
	s6 =	sadd.s32 @!p0 $0x11B8D, s6;
	_ =	swait.eq @!p0 [sflag:s5], $0x1  }
0xb2: {  	s4 =	sor.u32 @!p0 s4, s6;
	[sflag:s5] =	ssyncadd.s32 @!p0 $0xFFFFFFFF  }
0xb3: {  	s25 =	simm.s32 $0x1B8E;
	s24 =	sld [smem:$0x3FFE];
	[sflag:s4] =	ssyncadd.remote.s32 @!p0 $0x1  }
0xb4: {  	s26 =	simm.s32 $execute0_lowered;
	[smem:$0x3FD2] =	sst s25  }
0xb5: {  	s5 =	sshll.u32 s26, $0x1;
	_ =	strace $0x80000049;
	[dreg:$0x1] =	wrdreg $0xFFFFFFFF  }
0xb6: {  	s28 =	simm.s32 $_size_execute0_lowered;
	s3 =	sadd.s32 s3, s5;
	[dreg:$0x0] =	wrdreg $0x0  }
0xb7: {  	s5 =	sshll.u32 s28, $0x1;
	[dreg:$0x2] =	wrdreg s3  }
0xb8: {  	[dreg:$0x3] =	wrdreg s5  }
0xb9: {  	[dreg:$0x4] =	wrdreg $0xC0  }
0xba: {  	_ =	task [dreg:s22], $0x5FFFF  }
0xbb: {  	[dreg:$0x1] =	wrdreg $0xFFFFFFFF  }
0xbc: {  	[dreg:$0x0] =	wrdreg $0x60  }
0xbd: {  	[dreg:$0x2] =	wrdreg s24  }
0xbe: {  	[dreg:$0x3] =	wrdreg $0xA  }
0xbf: {  	_ =	task.clear_ibuf [dreg:s22], $0x4FFFF;
	_ =	strace $0x90000049  }
0xc0: {  	s29 =	simm.s32 $0xA;
	_ =	strace $0x8000004B  }
0xc1: {  	_ =	swait.ge [sflag:s29], $0x1  }
0xc2: {  	[sflag:s29] =	ssyncadd.s32 $0xFFFFFFFF  }
0xc3: {  	_ =	strace $0x9000004B  }
0xc4: {  	_ =	sfence  }
0xc5: {  	s30 =	sld [smem:$0x0];
	_ =	sdelay $0x2  }
0xc6: {  	s31 =	sshll.u32 s1, $0xD;
	s1 =	sshrl.u32 s1, $0x2  }
0xc7: {  	s4 =	sand.u32 $0x4000, s31;
	s1 =	sadd.s32 s1, s30  }
0xc8: {  	s0 =	sor.u32 s4, s0;
	s1 =	sshll.u32 s1, $0x11  }
0xc9: {  	s0 =	sor.u32 s1, s0  }
0xca: {  	s0 =	sadd.s32 $0x8F2B, s0  }
0xcb: {  	[sflag:s0] =	ssyncadd.remote.s32 $0x1  }
0xcc: {  	_ =	sfence.sel $0xFFFF  }
0xcd: {  	[dreg:$0x0] =	wrdreg $0xFFFFFFFF;
	(pc) =	sbr.abs _section_cstart, $3  }
0xce: {  	[dreg:$0x1] =	wrdreg $0xFFFFFFFF  }
0xcf: {  	_ =	task.clear_ibuf [dreg:s22], $0x2FFFF;
	_ =	strace $0x9FFFFFFF  }
0xd0: {  	(tm) =	ssettm $0x7FFFFFFF  }
0xd1: {  	_ =	shalt  }
tec
execute0_lowered:
.L_overlay_start_1:
0x0: {  	(tag) =	ssettag $0x1  }
0x1: {  	s0 =	srdreg.scid  }
0x2: {  	s13 =	stileid.u32;
	s1 =	rddreg [dreg:$0x0]  }
0x3: {  	s2 =	simm.s32 $0x0;
	s15 =	simm.s32 $0x5;
	s16 =	simm.s32 $0xC00  }
0x4: {  	s17 =	simm.s32 $0x40;
	s18 =	simm.s32 $0x1800;
	s19 =	simm.s32 $0x3800  }
0x5: {  	s21 =	simm.s32 $0x5800;
	s22 =	simm.s32 $0xC80;
	s23 =	simm.s32 $0x7800  }
0x6: {  	s24 =	simm.s32 $0x1;
	s25 =	simm.s32 $0x2;
	s11 =	smul.u32 $0x30, s13  }
0x7: {  	s28 =	simm.s32 $0x4;
	s0 =	sand.u32 $0x1, s0;
	s30 =	smul.u32 $0xC000, s13  }
0x8: {  	s3 =	sshll.u32 s13, $0x1;
	[smem:$0x7FF] =	sst s2;
	s12 =	smul.u32 $0x18, s0  }
0x9: {  	s5 =	sor.u32 s0, s3;
	s6 =	ssub.s32 $0x2, s0;
	s0 =	smul.u32 $0x6000, s0  }
0xa: {  	s29 =	simm.s32 $0x0;
	_ =	strace $0x8000004A;
	s4 =	smul.u32 $0x180, s5  }
0xb: {  	s3 =	sadd.s32 $0x7000, s1;
	s8 =	sshrl.u32 s6, $0x1;
	s10 =	smul.u32 $0x6000, s5  }
0xc: {  	s5 =	sadd.s32 $0x2E3A00, s1;
	s26 =	ssub.s32 s6, s8;
	s12 =	sadd.s32 s12, s11  }
0xd: {  	s0 =	sadd.s32 s0, s30;
	s7 =	sadd.s32 s4, s1;
	s4 =	sadd.s32 $0x223A00, s1  }
0xe: {  	s8 =	smax.u32 s26, $0x1;
	s31 =	sor.u32 $0x400, s10;
	s14 =	sshll.u32 s12, $0xA  }
0xf: {  	s26 =	simm.s32 $0x3;
	s6 =	sadd.s32 $0x21DA00, s7;
	s7 =	sadd.s32 $0x220A00, s7  }
0x10: {  	s9 =	sadd.s32 s4, s10;
	s10 =	sadd.s32 s5, s10;
	s11 =	sadd.s32 s4, s31  }
0x11: {  	s12 =	sadd.s32 s5, s31;
	s13 =	sor.u32 $0xC00, s14;
	s14 =	sor.u32 $0x800, s0  }
.LBB2_1:
0x12: {  	[tilespmem:s2], [sflag:$0x5] =	stream.linear.gather [hbm4b:s6+s2], $0xC00, $0x38;
	[tilespmem:$0x9800] =	vst v63  }
0x13: {  	_ =	swait.ge [sflag:s15], $0xC00  }
0x14: {  	[sflag:s15] =	ssyncset.done $0x0  }
0x15: {  	[sflag:s15] =	ssyncadd.s32 $0xFFFFF400  }
0x16: {  	[tilespmem:s16], [sflag:$0x5] =	stream.linear.gather [hbm4b:s7+s2], $0xC00, $0x38;
	[tilespmem:$0x9800] =	vst v63  }
0x17: {  	_ =	swait.ge [sflag:s15], $0xC00  }
0x18: {  	[sflag:s15] =	ssyncset.done $0x0  }
0x19: {  	[sflag:s15] =	ssyncadd.s32 $0xFFFFF400  }
0x1a: {  	[tilespmem:s18], [sflag:$0x1] =	stream.indirect.gather [hbm4b:s3+s17], $0x80, s2, s17, $0xb8;
	[tilespmem:$0x9800] =	vst v63  }
0x1b: {  	_ = 	snop  }
0x1c: {  	[tilespmem:s19], [sflag:$0x1] =	stream.indirect.gather [hbm4b:s3+s17], $0x80, s16, s17, $0xb8;
	[tilespmem:$0x9800] =	vst v63  }
0x1d: {  	s0 =	simm.s32 $0x80  }
0x1e: {  	[tilespmem:s21], [sflag:$0x2] =	stream.indirect.gather [hbm4b:s3+s17], $0x80, s0, s17, $0xb8;
	[tilespmem:$0x9800] =	vst v63  }
0x1f: {  	_ = 	snop  }
0x20: {  	[tilespmem:s23], [sflag:$0x2] =	stream.indirect.gather [hbm4b:s3+s17], $0x80, s22, s17, $0xb8;
	[tilespmem:$0x9800] =	vst v63  }
0x21: {  	_ =	swait.ge [sflag:s24], $0x2000  }
0x22: {  	[sflag:s24] =	ssyncset.done $0x0  }
0x23: {  	[sflag:s24] =	ssyncadd.s32 $0xFFFFE000  }
0x24: {  	_ =	swait.ge [sflag:s24], $0x2000  }
0x25: {  	[sflag:s24] =	ssyncset.done $0x0  }
0x26: {  	[sflag:s24] =	ssyncadd.s32 $0xFFFFE000  }
0x27: {  	[hbm4b:s9+s2] =	stream.linear.scatter [tilespmem:s18], [sflag:$0x3], $0x2000, $0x38;
	[tilespmem:$0x9800] =	vst v63  }
0x28: {  	_ = 	snop  }
0x29: {  	[hbm4b:s10+s2] =	stream.linear.scatter [tilespmem:s19], [sflag:$0x3], $0x2000, $0x38;
	[tilespmem:$0x9800] =	vst v63  }
0x2a: {  	_ =	swait.ge [sflag:s25], $0x2000  }
0x2b: {  	[sflag:s25] =	ssyncset.done $0x0  }
0x2c: {  	[sflag:s25] =	ssyncadd.s32 $0xFFFFE000  }
0x2d: {  	_ =	swait.ge [sflag:s25], $0x2000  }
0x2e: {  	[sflag:s25] =	ssyncset.done $0x0  }
0x2f: {  	[sflag:s25] =	ssyncadd.s32 $0xFFFFE000  }
0x30: {  	[hbm4b:s11+s2] =	stream.linear.scatter [tilespmem:s21], [sflag:$0x4], $0x2000, $0x38;
	[tilespmem:$0x9800] =	vst v63  }
0x31: {  	_ = 	snop  }
0x32: {  	[hbm4b:s12+s2] =	stream.linear.scatter [tilespmem:s23], [sflag:$0x4], $0x2000, $0x38;
	[tilespmem:$0x9800] =	vst v63  }
0x33: {  	_ =	swait.ge [sflag:s26], $0x2000  }
0x34: {  	[sflag:s26] =	ssyncset.done $0x0  }
0x35: {  	[sflag:s26] =	ssyncadd.s32 $0xFFFFE000  }
0x36: {  	_ =	swait.ge [sflag:s26], $0x2000  }
0x37: {  	[sflag:s26] =	ssyncset.done $0x0  }
0x38: {  	s20 =	simm.s32 $0x100;
	[sflag:s26] =	ssyncadd.s32 $0xFFFFE000  }
0x39: {  	[tilespmem:s18], [sflag:$0x1] =	stream.indirect.gather [hbm4b:s3+s17], $0x80, s20, s17, $0xb8;
	[tilespmem:$0x9800] =	vst v63  }
0x3a: {  	s1 =	simm.s32 $0xD00  }
0x3b: {  	[tilespmem:s19], [sflag:$0x1] =	stream.indirect.gather [hbm4b:s3+s17], $0x80, s1, s17, $0xb8;
	[tilespmem:$0x9800] =	vst v63  }
0x3c: {  	_ =	swait.ge [sflag:s28], $0x2000  }
0x3d: {  	[sflag:s28] =	ssyncset.done $0x0  }
0x3e: {  	[sflag:s28] =	ssyncadd.s32 $0xFFFFE000  }
0x3f: {  	_ =	swait.ge [sflag:s28], $0x2000  }
0x40: {  	[sflag:s28] =	ssyncset.done $0x0  }
0x41: {  	s20 =	simm.s32 $0x180;
	[sflag:s28] =	ssyncadd.s32 $0xFFFFE000  }
0x42: {  	[tilespmem:s21], [sflag:$0x2] =	stream.indirect.gather [hbm4b:s3+s17], $0x80, s20, s17, $0xb8;
	[tilespmem:$0x9800] =	vst v63  }
0x43: {  	s1 =	simm.s32 $0xD80  }
0x44: {  	[tilespmem:s23], [sflag:$0x2] =	stream.indirect.gather [hbm4b:s3+s17], $0x80, s1, s17, $0xb8;
	[tilespmem:$0x9800] =	vst v63  }
0x45: {  	_ =	swait.ge [sflag:s24], $0x2000  }
0x46: {  	[sflag:s24] =	ssyncset.done $0x0  }
0x47: {  	[sflag:s24] =	ssyncadd.s32 $0xFFFFE000  }
0x48: {  	_ =	swait.ge [sflag:s24], $0x2000  }
0x49: {  	[sflag:s24] =	ssyncset.done $0x0  }
0x4a: {  	s20 =	sadd.s32 s14, s4;
	[sflag:s24] =	ssyncadd.s32 $0xFFFFE000  }
0x4b: {  	[hbm4b:s20+s2] =	stream.linear.scatter [tilespmem:s18], [sflag:$0x3], $0x2000, $0x38;
	[tilespmem:$0x9800] =	vst v63  }
0x4c: {  	s1 =	sadd.s32 s14, s5  }
0x4d: {  	[hbm4b:s1+s2] =	stream.linear.scatter [tilespmem:s19], [sflag:$0x3], $0x2000, $0x38;
	[tilespmem:$0x9800] =	vst v63  }
0x4e: {  	_ =	swait.ge [sflag:s25], $0x2000  }
0x4f: {  	[sflag:s25] =	ssyncset.done $0x0  }
0x50: {  	[sflag:s25] =	ssyncadd.s32 $0xFFFFE000  }
0x51: {  	s30 =	simm.s32 $0x400;
	_ =	swait.ge [sflag:s25], $0x2000  }
0x52: {  	s31 =	sadd.s32 $0x800, s13;
	s0 =	sadd.s32 s13, s5;
	[sflag:s25] =	ssyncset.done $0x0  }
0x53: {  	s20 =	sadd.s32 s13, s4;
	s1 =	sadd.s32 $0x800, s14;
	[sflag:s25] =	ssyncadd.s32 $0xFFFFE000  }
0x54: {  	[hbm4b:s20+s2] =	stream.linear.scatter [tilespmem:s21], [sflag:$0x4], $0x2000, $0x38;
	[tilespmem:$0x9800] =	vst v63  }
.LBB2_2:
0x55: {  	[hbm4b:s0+s2] =	stream.linear.scatter [tilespmem:s23], [sflag:$0x4], $0x2000, $0x38;
	[tilespmem:$0x9800] =	vst v63  }
0x56: {  	s0 =	smov.u32 s30  }
0x57: {  	p0 =	sne.s32 s30, $0x2800;
	s30 =	sadd.s32 $0x400, s30;
	_ =	swait.ge [sflag:s26], $0x2000  }
0x58: {  	[sflag:s26] =	ssyncset.done $0x0  }
0x59: {  	[sflag:s26] =	ssyncadd.s32 $0xFFFFE000  }
0x5a: {  	_ =	swait.ge [sflag:s26], $0x2000  }
0x5b: {  	s0 =	sshra.s32 s0, $0x2;
	[sflag:s26] =	ssyncset.done $0x0  }
0x5c: {  	s20 =	sadd.s32 $0x100, s0;
	[sflag:s26] =	ssyncadd.s32 $0xFFFFE000  }
0x5d: {  	[tilespmem:s18], [sflag:$0x1] =	stream.indirect.gather [hbm4b:s3+s17], $0x80, s20, s17, $0xb8;
	[tilespmem:$0x9800] =	vst v63  }
0x5e: {  	s20 =	sadd.s32 $0xD00, s0  }
0x5f: {  	[tilespmem:s19], [sflag:$0x1] =	stream.indirect.gather [hbm4b:s3+s17], $0x80, s20, s17, $0xb8;
	[tilespmem:$0x9800] =	vst v63  }
0x60: {  	_ =	swait.ge [sflag:s28], $0x2000  }
0x61: {  	[sflag:s28] =	ssyncset.done $0x0  }
0x62: {  	[sflag:s28] =	ssyncadd.s32 $0xFFFFE000  }
0x63: {  	_ =	swait.ge [sflag:s28], $0x2000  }
0x64: {  	[sflag:s28] =	ssyncset.done $0x0  }
0x65: {  	s20 =	sadd.s32 $0x180, s0;
	[sflag:s28] =	ssyncadd.s32 $0xFFFFE000  }
0x66: {  	[tilespmem:s21], [sflag:$0x2] =	stream.indirect.gather [hbm4b:s3+s17], $0x80, s20, s17, $0xb8;
	[tilespmem:$0x9800] =	vst v63  }
0x67: {  	s0 =	sadd.s32 $0xD80, s0  }
0x68: {  	[tilespmem:s23], [sflag:$0x2] =	stream.indirect.gather [hbm4b:s3+s17], $0x80, s0, s17, $0xb8;
	[tilespmem:$0x9800] =	vst v63  }
0x69: {  	_ =	swait.ge [sflag:s24], $0x2000  }
0x6a: {  	[sflag:s24] =	ssyncset.done $0x0  }
0x6b: {  	[sflag:s24] =	ssyncadd.s32 $0xFFFFE000  }
0x6c: {  	_ =	swait.ge [sflag:s24], $0x2000  }
0x6d: {  	[sflag:s24] =	ssyncset.done $0x0  }
0x6e: {  	s0 =	sadd.s32 s1, s4;
	[sflag:s24] =	ssyncadd.s32 $0xFFFFE000  }
0x6f: {  	[hbm4b:s0+s2] =	stream.linear.scatter [tilespmem:s18], [sflag:$0x3], $0x2000, $0x38;
	[tilespmem:$0x9800] =	vst v63  }
0x70: {  	s0 =	sadd.s32 s1, s5  }
0x71: {  	[hbm4b:s0+s2] =	stream.linear.scatter [tilespmem:s19], [sflag:$0x3], $0x2000, $0x38;
	[tilespmem:$0x9800] =	vst v63  }
0x72: {  	_ =	swait.ge [sflag:s25], $0x2000  }
0x73: {  	[sflag:s25] =	ssyncset.done $0x0  }
0x74: {  	[sflag:s25] =	ssyncadd.s32 $0xFFFFE000  }
.Ltmp0:
0x75: {  	_ =	swait.ge [sflag:s25], $0x2000;
	(pc) =	sbr.rel @p0 .LBB2_2-.Ltmp0, $4  }
0x76: {  	[sflag:s25] =	ssyncset.done $0x0  }
0x77: {  	s0 =	sadd.s32 s31, s4;
	[sflag:s25] =	ssyncadd.s32 $0xFFFFE000  }
0x78: {  	[hbm4b:s0+s2] =	stream.linear.scatter [tilespmem:s21], [sflag:$0x4], $0x2000, $0x38;
	[tilespmem:$0x9800] =	vst v63  }
0x79: {  	s1 =	sadd.s32 $0x800, s1;
	s0 =	sadd.s32 s31, s5;
	s31 =	sadd.s32 $0x800, s31  }
0x7a: {  	[hbm4b:s0+s2] =	stream.linear.scatter [tilespmem:s23], [sflag:$0x4], $0x2000, $0x38;
	[tilespmem:$0x9800] =	vst v63  }
0x7b: {  	_ =	swait.ge [sflag:s26], $0x2000  }
0x7c: {  	[sflag:s26] =	ssyncset.done $0x0  }
0x7d: {  	[sflag:s26] =	ssyncadd.s32 $0xFFFFE000  }
0x7e: {  	_ =	swait.ge [sflag:s26], $0x2000  }
0x7f: {  	[sflag:s26] =	ssyncset.done $0x0  }
0x80: {  	s29 =	sadd.s32 $0x1, s29;
	[sflag:s26] =	ssyncadd.s32 $0xFFFFE000  }
0x81: {  	p0 =	sne.s32 s29, s8;
	_ =	swait.ge [sflag:s28], $0x2000  }
.Ltmp1:
0x82: {  	[sflag:s28] =	ssyncset.done $0x0;
	(pc) =	sbr.rel @p0 .LBB2_1-.Ltmp1, $4  }
0x83: {  	[sflag:s28] =	ssyncadd.s32 $0xFFFFE000  }
0x84: {  	_ =	swait.ge [sflag:s28], $0x2000  }
0x85: {  	[sflag:s28] =	ssyncset.done $0x0  }
0x86: {  	[sflag:s28] =	ssyncadd.s32 $0xFFFFE000  }
0x87: {  	_ =	sfence.sel $0x180000  }
0x88: {  	[bflag:$0x0] =	sbarrier.arrive $0xFFFF  }
0x89: {  	_ =	strace $0x9000004A  }
0x8a: {  	s0 =	stileid.u32;
	[bflag:$0x2] =	sbarrier.arrive $0xFFFF  }
0x8b: {  	p0 =	sne.s32 s0, $0x0;
	s0 =	rddreg [dreg:$0x1]  }
0x8c: {  	s0 =	sadd.s32 @!p0 $0x100000, s0  }
0x8d: {  	[sflag:s0] =	ssyncadd.tile.s32 @!p0 $0x1;
	_ =	shalt  }
.Lfunc_end2:
_tile_overlayer_lowered:
.L_overlay_start_2:
0x8e: {  	(tag) =	ssettag $0x2  }
0x8f: {  	s0 =	rddreg [dreg:$0x0];
	s2 =	stileid.u32  }
0x90: {  	s1 =	rddreg [dreg:$0x1];
	p0 =	sne.s32 s2, $0x0  }
0x91: {  	s3 =	rddreg [dreg:$0x2];
	[bflag:$0x3] =	sbarrier.arrive $0xFFFF;
	s2 =	simm.s32 @!p0 $0x1C05  }
0x92: {  	[timem:s3], [sflag:s2] =	dma.local @!p0 [hbm:s0], s1  }
0x93: {  	s0 =	simm.s32 @!p0 $0x5  }
0x94: {  	_ =	swait.ge @!p0 [sflag:s0], s1  }
0x95: {  	s1 =	ssub.s32 @!p0 $0x0, s1;
	[sflag:s0] =	ssyncset.done @!p0 $0x0  }
0x96: {  	[sflag:s0] =	ssyncadd.s32 @!p0 s1  }
0x97: {  	[bflag:$0x3] =	sbarrier.arrive $0xFFFF  }
0x98: {  	_ =	shalt  }

// kernel: _run.15.cloned.1.call-start
scs
__scs_entry_jumppad:
0x0: {  	(pc) =	sbr.rel $0x88, $3  }
0x1: {  	(tag) =	ssettag $0x0;
	lr =	simm.s32 $0x1  }
0x2: {  	[smem:$0x3F95] =	sst lr;
	_ =	strace $0xD0000000  }
0x3: {  	_ = 	snop  }
0x4: {  	_ = 	snop  }
0x5: {  	_ = 	snop  }
0x6: {  	_ = 	snop  }
0x7: {  	_ = 	snop  }
__scs_overlays_trampoline_lowered:
0x8: {  	[smem:$0x3FA4] =	sst s0  }
0x9: {  	[smem:$0x3FA5] =	sst s1  }
0xa: {  	[smem:$0x3FA6] =	sst s2  }
0xb: {  	[smem:$0x3FA7] =	sst s3  }
0xc: {  	[smem:$0x3FA8] =	sst s4  }
0xd: {  	[smem:$0x3FA9] =	sst s5  }
0xe: {  	[smem:$0x3FAA] =	sst s6  }
0xf: {  	[smem:$0x3FAB] =	sst s7  }
0x10: {  	[smem:$0x3FAC] =	sst s8  }
0x11: {  	[smem:$0x3FAD] =	sst s9;
	s0 =	simm.s32 @!p0 $0x0  }
0x12: {  	s1 =	sld [smem:$0x3F93];
	s0 =	simm.s32 @p0 $0x1  }
0x13: {  	[smem:$0x3FAE] =	sst s0;
	s0 =	simm.s32 @!p1 $0x0  }
0x14: {  	s2 =	sld [smem:$0x3F92];
	s0 =	simm.s32 @p1 $0x1  }
0x15: {  	[smem:$0x3FAF] =	sst s0;
	s0 =	simm.s32 @!p2 $0x0  }
0x16: {  	s3 =	sld [smem:$0x3FDB];
	s0 =	simm.s32 @p2 $0x1  }
0x17: {  	s4 =	simm.s32 $0x1BF5;
	[smem:$0x3FB1] =	sst s0  }
0x18: {  	s0 =	sld [smem:$0x3F94];
	_ =	swait.ge [sflag:s4], $0x0  }
0x19: {  	s7 =	sld [smem:$0x3F95]  }
0x1a: {  	s8 =	sadd.s32 $0xFFFFE003, lr  }
0x1b: {  	s9 =	sadd.s32 $0xFFFFFEF7, lr;
	s5 =	simm.s32 $0xFFFFFFFF;
	p2 =	slt.u32 s8, $0xFFFFF086  }
0x1c: {  	p1 =	slt.u32 s9, $0xF7A;
	s5 =	simm.s32 @!p2 $0x0  }
0x1d: {  	s5 =	simm.s32 @p1 $0x1;
	p0 =	seq.s32 s7, s2  }
0x1e: {  	s7 =	smul.u32 @!p0 $0xF7A, s2;
	p2 =	seq.s32 @!p0 s5, $0x0  }
0x1f: {  	s9 =	smul.u32 $0xF7A, s1;
	s8 =	simm.s32 @!p0 $0x1BF5;
	p2 =	por !p2, p0  }
0x20: {  	[sflag:s8] =	ssyncset.s32 @!p0 $0xFFFFF086;
	s6 =	sadd.s32 @!p0 s3, s7;
	s7 =	simm.s32 @!p0 $0x108  }
0x21: {  	s3 =	sadd.s32 s3, s9;
	s6 =	sadd.s32 @!p0 $0x88, s6;
	s7 =	simm.s32 @p2 $0x1082  }
0x22: {  	[simem:s7], [sflag:s8] =	dma.local @!p0 [hbm:s6], $0xF7A  }
0x23: {  	s9 =	sor.u32 $0xD0000000, s2;
	s6 =	simm.s32 $0x108;
	_ =	swait.ge @!p0 [sflag:s8], $0x0  }
0x24: {  	s3 =	sadd.s32 $0x88, s3;
	s6 =	simm.s32 @!p1 $0x1082;
	[sflag:s4] =	ssyncset.s32 $0xFFFFF086  }
0x25: {  	[simem:s6], [sflag:s4] =	dma.local [hbm:s3], $0xF7A  }
0x26: {  	[smem:$0x3F95] =	sst s1;
	(tag) =	ssettag s2;
	_ =	strace s9  }
0x27: {  	s1 =	sld [smem:$0x3FA5]  }
0x28: {  	s2 =	sld [smem:$0x3FA6]  }
0x29: {  	s4 =	sld [smem:$0x3FA8]  }
0x2a: {  	p0 =	seq.s32 s5, $0x0;
	s5 =	sld [smem:$0x3FA9]  }
0x2b: {  	s6 =	sld [smem:$0x3FAA]  }
0x2c: {  	s7 =	sld [smem:$0x3FAB]  }
0x2d: {  	s3 =	simm.s32 $0x108;
	s8 =	sld [smem:$0x3FAC]  }
0x2e: {  	s3 =	simm.s32 @!p0 $0x1082;
	s9 =	sld [smem:$0x3FAD]  }
0x2f: {  	lr =	sadd.s32 s0, s3;
	s0 =	sld [smem:$0x3FA4]  }
0x30: {  	s3 =	sld [smem:$0x3FA7]  }
0x31: {  	[smem:$0x3FB0] =	sst s10  }
0x32: {  	s10 =	sld [smem:$0x3FAE];
	_ =	sdelay $0x3  }
0x33: {  	p0 =	seq.s32 s10, $0x1;
	s10 =	sld [smem:$0x3FB0];
	_ =	sdelay $0x3  }
0x34: {  	[smem:$0x3FB0] =	sst s10  }
0x35: {  	s10 =	sld [smem:$0x3FAF];
	_ =	sdelay $0x3  }
0x36: {  	p1 =	seq.s32 s10, $0x1;
	s10 =	sld [smem:$0x3FB0];
	_ =	sdelay $0x3  }
0x37: {  	[smem:$0x3FB0] =	sst s10  }
0x38: {  	s10 =	sld [smem:$0x3FB1]  }
0x39: {  	_ = 	snop;
	(pc) =	sbr.ind lr, $3  }
0x3a: {  	_ = 	snop  }
0x3b: {  	_ = 	snop  }
0x3c: {  	p2 =	seq.s32 s10, $0x1;
	s10 =	sld [smem:$0x3FB0]  }
0x3d: {  	_ =	shalt  }
0x3e: {  	_ =	shalt  }
0x3f: {  	_ =	shalt  }
0x40: {  	_ =	shalt  }
0x41: {  	_ =	shalt  }
0x42: {  	_ =	shalt  }
0x43: {  	_ =	shalt  }
0x44: {  	_ =	shalt  }
0x45: {  	_ =	shalt  }
0x46: {  	_ =	shalt  }
0x47: {  	_ =	shalt  }
0x48: {  	_ =	shalt  }
0x49: {  	_ =	shalt  }
0x4a: {  	_ =	shalt  }
0x4b: {  	_ =	shalt  }
0x4c: {  	_ =	shalt  }
0x4d: {  	_ =	shalt  }
0x4e: {  	_ =	shalt  }
0x4f: {  	_ =	shalt  }
0x50: {  	_ =	shalt  }
0x51: {  	_ =	shalt  }
0x52: {  	_ =	shalt  }
0x53: {  	_ =	shalt  }
0x54: {  	_ =	shalt  }
0x55: {  	_ =	shalt  }
0x56: {  	_ =	shalt  }
0x57: {  	_ =	shalt  }
0x58: {  	_ =	shalt  }
0x59: {  	_ =	shalt  }
0x5a: {  	_ =	shalt  }
0x5b: {  	_ =	shalt  }
0x5c: {  	_ =	shalt  }
0x5d: {  	_ =	shalt  }
0x5e: {  	_ =	shalt  }
0x5f: {  	_ =	shalt  }
0x60: {  	_ =	shalt  }
0x61: {  	_ =	shalt  }
0x62: {  	_ =	shalt  }
0x63: {  	_ =	shalt  }
0x64: {  	_ =	shalt  }
0x65: {  	_ =	shalt  }
0x66: {  	_ =	shalt  }
0x67: {  	_ =	shalt  }
0x68: {  	_ =	shalt  }
0x69: {  	_ =	shalt  }
0x6a: {  	_ =	shalt  }
0x6b: {  	_ =	shalt  }
0x6c: {  	_ =	shalt  }
0x6d: {  	_ =	shalt  }
0x6e: {  	_ =	shalt  }
0x6f: {  	_ =	shalt  }
0x70: {  	_ =	shalt  }
0x71: {  	_ =	shalt  }
0x72: {  	_ =	shalt  }
0x73: {  	_ =	shalt  }
0x74: {  	_ =	shalt  }
0x75: {  	_ =	shalt  }
0x76: {  	_ =	shalt  }
0x77: {  	_ =	shalt  }
0x78: {  	_ =	shalt  }
0x79: {  	_ =	shalt  }
0x7a: {  	_ =	shalt  }
0x7b: {  	_ =	shalt  }
0x7c: {  	_ =	shalt  }
0x7d: {  	_ =	shalt  }
0x7e: {  	_ =	shalt  }
0x7f: {  	_ =	shalt  }
0x80: {  	_ =	shalt  }
0x81: {  	_ =	shalt  }
0x82: {  	_ =	shalt  }
0x83: {  	_ =	shalt  }
0x84: {  	_ =	shalt  }
0x85: {  	_ =	shalt  }
0x86: {  	_ =	shalt  }
0x87: {  	_ =	shalt  }
.Lfunc_end0:
.L_simem_size_0:
called_computation.2_lowered:
.L_overlay_start_0:
0x88: {  	s2 =	sld [smem:$0x3FD9]  }
0x89: {  	s3 =	sld [smem:$0x3FFE];
	_ =	sdelay $0x1  }
0x8a: {  	s1 =	srdreg.scid  }
0x8b: {  	s0 =	sand.u32 $0x1, s1  }
0x8c: {  	s17 =	sshll.u32 s0, $0xA;
	s2 =	sadd.s32 s3, s2  }
0x8d: {  	s2 =	sadd.s32 s2, s17  }
0x8e: {  	[smem:$0x3FBC] =	sst s2  }
0x8f: {  	_ = 	snop  }
0x90: {  	(tm) =	ssettm $0x1  }
0x91: {  	s18 =	sld [smem:$0x3FFB];
	_ =	sdelay $0x3  }
0x92: {  	_ =	strace s18  }
0x93: {  	s2 =	sld [smem:$0x3FFC];
	_ =	sdelay $0x3  }
0x94: {  	_ =	strace s2  }
0x95: {  	s2 =	sld [smem:$0x3FFD];
	_ =	sdelay $0x3  }
0x96: {  	_ =	strace s2  }
0x97: {  	_ =	strace $0x8FFFFFFF  }
0x98: {  	s19 =	sld [smem:$0x3FDB];
	_ =	sdelay $0x1  }
0x99: {  	s20 =	simm.s32 $_scs_section_size  }
0x9a: {  	s4 =	simm.s32 $_size__tile_overlayer_lowered;
	s5 =	simm.s32 $_tile_overlayer_lowered  }
0x9b: {  	s6 =	simm.s32 $0x1BFF;
	s21 =	sshll.u32 s5, $0x1;
	s3 =	sadd.s32 s20, s19  }
0x9c: {  	s22 =	simm.s32 $0x0;
	s4 =	sshll.u32 s4, $0x1;
	s5 =	sadd.s32 s21, s3  }
0x9d: {  	[timem:s22], [sflag:s6] =	dma.local [hbm:s5], s4  }
0x9e: {  	_ =	swait.ge [sflag:s6], s4  }
0x9f: {  	s4 =	ssub.s32 $0x0, s4;
	[sflag:s6] =	ssyncset.done $0x0  }
0xa0: {  	[sflag:s6] =	ssyncadd.s32 s4;
	_ =	sdelay $0x1  }
0xa1: {  	s23 =	simm.s32 $0x1B8B  }
0xa2: {  	_ =	swait.ge [sflag:s23], $0x1  }
0xa3: {  	[sflag:s23] =	ssyncset.done $0x0  }
0xa4: {  	[sflag:s23] =	ssyncadd.s32 $0xFFFFFFFF  }
0xa5: {  	s4 =	sld [smem:$0x0]  }
0xa6: {  	s5 =	sand.u32 $0xFFFFFFFE, s1  }
0xa7: {  	p0 =	sne.s32 s1, s5  }
0xa8: {  	s5 =	sshll.u32 @p0 s5, $0xE  }
0xa9: {  	s5 =	sadd.s32 @p0 $0x11B8D, s5;
	s6 =	sshll.u32 @p0 s4, $0x11  }
0xaa: {  	s5 =	sor.u32 @p0 s6, s5  }
0xab: {  	[sflag:s5] =	ssyncadd.remote.s32 @p0 $0x1;
	_ =	sdelay $0x1  }
0xac: {  	s5 =	simm.s32 @p0 $0x1B8D  }
0xad: {  	_ =	swait.eq @p0 [sflag:s5], $0x1  }
0xae: {  	[sflag:s5] =	ssyncadd.s32 @p0 $0xFFFFFFFF  }
0xaf: {  	s6 =	sshll.u32 @!p0 s1, $0xE  }
0xb0: {  	s6 =	sor.u32 @!p0 $0x4000, s6;
	s5 =	simm.s32 @!p0 $0x1B8D  }
0xb1: {  	s4 =	sshll.u32 @!p0 s4, $0x11;
	s6 =	sadd.s32 @!p0 $0x11B8D, s6;
	_ =	swait.eq @!p0 [sflag:s5], $0x1  }
0xb2: {  	s4 =	sor.u32 @!p0 s4, s6;
	[sflag:s5] =	ssyncadd.s32 @!p0 $0xFFFFFFFF  }
0xb3: {  	s25 =	simm.s32 $0x1B8E;
	s24 =	sld [smem:$0x3FFE];
	[sflag:s4] =	ssyncadd.remote.s32 @!p0 $0x1  }
0xb4: {  	s26 =	simm.s32 $execute0_lowered;
	[smem:$0x3FD2] =	sst s25  }
0xb5: {  	s5 =	sshll.u32 s26, $0x1;
	_ =	strace $0x8000004C;
	[dreg:$0x1] =	wrdreg $0xFFFFFFFF  }
0xb6: {  	s28 =	simm.s32 $_size_execute0_lowered;
	s3 =	sadd.s32 s3, s5;
	[dreg:$0x0] =	wrdreg $0x0  }
0xb7: {  	s5 =	sshll.u32 s28, $0x1;
	[dreg:$0x2] =	wrdreg s3  }
0xb8: {  	[dreg:$0x3] =	wrdreg s5  }
0xb9: {  	[dreg:$0x4] =	wrdreg $0xC0  }
0xba: {  	_ =	task [dreg:s22], $0x5FFFF  }
0xbb: {  	[dreg:$0x1] =	wrdreg $0xFFFFFFFF  }
0xbc: {  	[dreg:$0x0] =	wrdreg $0x60  }
0xbd: {  	[dreg:$0x2] =	wrdreg s24  }
0xbe: {  	[dreg:$0x3] =	wrdreg $0xB  }
0xbf: {  	_ =	task.clear_ibuf [dreg:s22], $0x4FFFF;
	_ =	strace $0x9000004C  }
0xc0: {  	s29 =	simm.s32 $0xB;
	_ =	strace $0x8000004E  }
0xc1: {  	_ =	swait.ge [sflag:s29], $0x1  }
0xc2: {  	[sflag:s29] =	ssyncadd.s32 $0xFFFFFFFF  }
0xc3: {  	_ =	strace $0x9000004E  }
0xc4: {  	_ =	sfence  }
0xc5: {  	s30 =	sld [smem:$0x0];
	_ =	sdelay $0x2  }
0xc6: {  	s31 =	sshll.u32 s1, $0xD;
	s1 =	sshrl.u32 s1, $0x2  }
0xc7: {  	s4 =	sand.u32 $0x4000, s31;
	s1 =	sadd.s32 s1, s30  }
0xc8: {  	s0 =	sor.u32 s4, s0;
	s1 =	sshll.u32 s1, $0x11  }
0xc9: {  	s0 =	sor.u32 s1, s0  }
0xca: {  	s0 =	sadd.s32 $0x8F2B, s0  }
0xcb: {  	[sflag:s0] =	ssyncadd.remote.s32 $0x1  }
0xcc: {  	_ =	sfence.sel $0xFFFF  }
0xcd: {  	[dreg:$0x0] =	wrdreg $0xFFFFFFFF;
	(pc) =	sbr.abs _section_cstart, $3  }
0xce: {  	[dreg:$0x1] =	wrdreg $0xFFFFFFFF  }
0xcf: {  	_ =	task.clear_ibuf [dreg:s22], $0x2FFFF;
	_ =	strace $0x9FFFFFFF  }
0xd0: {  	(tm) =	ssettm $0x7FFFFFFF  }
0xd1: {  	_ =	shalt  }
tec
execute0_lowered:
.L_overlay_start_1:
0x0: {  	(tag) =	ssettag $0x1  }
0x1: {  	s0 =	srdreg.scid;
	s15 =	stileid.u32  }
0x2: {  	s1 =	rddreg [dreg:$0x0];
	s2 =	simm.s32 $0x0;
	s29 =	simm.s32 $0x5  }
0x3: {  	s28 =	simm.s32 $0x400;
	s31 =	simm.s32 $0x480;
	s30 =	simm.s32 $0x500  }
0x4: {  	p0 =	por $0x0, $0x0;
	s0 =	sand.u32 $0x1, s0;
	s3 =	sshll.u32 s15, $0x1  }
0x5: {  	[smem:$0x7FF] =	sst s2;
	s5 =	sadd.s32 $0x3A5A00, s1;
	s3 =	sor.u32 s0, s3  }
0x6: {  	s7 =	sadd.s32 $0x3E5A00, s1;
	s0 =	ssub.s32 $0x2, s0;
	s4 =	sshll.u32 s3, $0x7  }
0x7: {  	_ =	strace $0x8000004D;
	s21 =	sshrl.u32 s0, $0x1;
	s4 =	sadd.s32 s4, s1  }
0x8: {  	s0 =	ssub.s32 s0, s21;
	s21 =	simm.s32 $0x680;
	s6 =	sadd.s32 $0x3A3A00, s4  }
0x9: {  	s4 =	sadd.s32 $0x3A4A00, s4;
	s0 =	smax.u32 s0, $0x1;
	[dreg:$0x2] =	wrdreg s6  }
0xa: {  	s6 =	sshll.u32 s3, $0xD;
	[dreg:$0x3] =	wrdreg s4;
	p1 =	sne.s32 s0, $0x1  }
0xb: {  	s3 =	sadd.s32 s5, s6;
	s8 =	sadd.s32 s7, s6;
	s9 =	sor.u32 $0x400, s6  }
0xc: {  	s12 =	sor.u32 $0x800, s6;
	s17 =	sor.u32 $0x1000, s6;
	[dreg:$0x4] =	wrdreg s3  }
0xd: {  	s20 =	sor.u32 $0x1400, s6;
	s24 =	sor.u32 $0x1800, s6;
	[dreg:$0x5] =	wrdreg s8  }
0xe: {  	s10 =	sadd.s32 s5, s9;
	s11 =	sadd.s32 s7, s9;
	s13 =	sadd.s32 s5, s12  }
0xf: {  	s4 =	sadd.s32 s7, s12;
	s8 =	sor.u32 $0xC00, s6;
	[dreg:$0x6] =	wrdreg s10  }
0x10: {  	s3 =	sadd.s32 $0x7000, s1;
	s18 =	sadd.s32 s5, s17;
	[dreg:$0x7] =	wrdreg s11  }
0x11: {  	s19 =	sadd.s32 s7, s17;
	s22 =	sadd.s32 s5, s20;
	[dreg:$0x8] =	wrdreg s13  }
0x12: {  	s23 =	sadd.s32 s7, s20;
	s25 =	sadd.s32 s5, s24;
	[dreg:$0x9] =	wrdreg s4  }
0x13: {  	s26 =	sadd.s32 s7, s24;
	s6 =	sor.u32 $0x1C00, s6;
	[dreg:$0xc] =	wrdreg s18  }
0x14: {  	s1 =	simm.s32 $0x80;
	s9 =	simm.s32 $0x6800;
	[dreg:$0xd] =	wrdreg s19  }
0x15: {  	s12 =	simm.s32 $0x2;
	s24 =	simm.s32 $0x180;
	[dreg:$0xe] =	wrdreg s22  }
0x16: {  	s20 =	simm.s32 $0x280;
	s17 =	simm.s32 $0x780;
	[dreg:$0xf] =	wrdreg s23  }
0x17: {  	s14 =	sadd.s32 s5, s8;
	s16 =	sadd.s32 s7, s8;
	[dreg:$0x10] =	wrdreg s25  }
0x18: {  	[dreg:$0x11] =	wrdreg s26;
	s4 =	sadd.s32 s5, s6;
	s5 =	sadd.s32 s7, s6  }
0x19: {  	s13 =	simm.s32 $0x40;
	s10 =	simm.s32 $0x800;
	s11 =	simm.s32 $0x2800  }
.Ltmp0:
0x1a: {  	s8 =	simm.s32 $0x4800;
	s7 =	simm.s32 $0x3;
	(pc) =	sbr.rel @!p1 .LBB2_1-.Ltmp0, $4  }
0x1b: {  	s6 =	simm.s32 $0x4;
	s25 =	simm.s32 $0x580;
	s22 =	simm.s32 $0x200  }
0x1c: {  	s23 =	simm.s32 $0x600;
	s26 =	sadd.s32 $0xFFFFFFFF, s0;
	s0 =	rddreg [dreg:$0x2]  }
0x1d: {  	s18 =	simm.s32 $0x300;
	s19 =	simm.s32 $0x700;
	[dreg:$0xa] =	wrdreg s14  }
0x1e: {  	[dreg:$0xb] =	wrdreg s16;
	s14 =	simm.s32 $0x1;
	s16 =	simm.s32 $0x380  }
0x1f: {  	[tilespmem:s2], [sflag:$0x5] =	stream.linear.gather [hbm4b:s0+s2], $0x400, $0x38;
	[tilespmem:$0x8800] =	vst v63  }
0x20: {  	_ =	swait.ge [sflag:s29], $0x400  }
0x21: {  	[sflag:s29] =	ssyncset.done $0x0  }
0x22: {  	s15 =	rddreg [dreg:$0x3];
	[sflag:s29] =	ssyncadd.s32 $0xFFFFFC00  }
0x23: {  	[tilespmem:s28], [sflag:$0x5] =	stream.linear.gather [hbm4b:s15+s2], $0x400, $0x38;
	[tilespmem:$0x8800] =	vst v63  }
0x24: {  	_ =	swait.ge [sflag:s29], $0x400  }
0x25: {  	[sflag:s29] =	ssyncset.done $0x0  }
0x26: {  	[sflag:s29] =	ssyncadd.s32 $0xFFFFFC00  }
0x27: {  	[tilespmem:s10], [sflag:$0x1] =	stream.indirect.gather [hbm4b:s3+s13], $0x80, s2, s13, $0xb8;
	[tilespmem:$0x8800] =	vst v63  }
0x28: {  	_ = 	snop  }
0x29: {  	[tilespmem:s11], [sflag:$0x1] =	stream.indirect.gather [hbm4b:s3+s13], $0x80, s28, s13, $0xb8;
	[tilespmem:$0x8800] =	vst v63  }
0x2a: {  	_ = 	snop  }
0x2b: {  	[tilespmem:s8], [sflag:$0x2] =	stream.indirect.gather [hbm4b:s3+s13], $0x80, s1, s13, $0xb8;
	[tilespmem:$0x8800] =	vst v63  }
0x2c: {  	_ = 	snop  }
0x2d: {  	[tilespmem:s9], [sflag:$0x2] =	stream.indirect.gather [hbm4b:s3+s13], $0x80, s31, s13, $0xb8;
	[tilespmem:$0x8800] =	vst v63  }
0x2e: {  	_ =	swait.ge [sflag:s14], $0x2000  }
0x2f: {  	[sflag:s14] =	ssyncset.done $0x0  }
0x30: {  	[sflag:s14] =	ssyncadd.s32 $0xFFFFE000  }
0x31: {  	_ =	swait.ge [sflag:s14], $0x2000  }
0x32: {  	[sflag:s14] =	ssyncset.done $0x0  }
0x33: {  	s0 =	rddreg [dreg:$0x4];
	[sflag:s14] =	ssyncadd.s32 $0xFFFFE000  }
0x34: {  	[hbm4b:s0+s2] =	stream.linear.scatter [tilespmem:s10], [sflag:$0x3], $0x2000, $0x38;
	[tilespmem:$0x8800] =	vst v63  }
0x35: {  	s1 =	rddreg [dreg:$0x5]  }
0x36: {  	[hbm4b:s1+s2] =	stream.linear.scatter [tilespmem:s11], [sflag:$0x3], $0x2000, $0x38;
	[tilespmem:$0x8800] =	vst v63  }
0x37: {  	_ =	swait.ge [sflag:s12], $0x2000  }
0x38: {  	[sflag:s12] =	ssyncset.done $0x0  }
0x39: {  	[sflag:s12] =	ssyncadd.s32 $0xFFFFE000  }
0x3a: {  	_ =	swait.ge [sflag:s12], $0x2000  }
0x3b: {  	[sflag:s12] =	ssyncset.done $0x0  }
0x3c: {  	s0 =	rddreg [dreg:$0x6];
	[sflag:s12] =	ssyncadd.s32 $0xFFFFE000  }
0x3d: {  	[hbm4b:s0+s2] =	stream.linear.scatter [tilespmem:s8], [sflag:$0x4], $0x2000, $0x38;
	[tilespmem:$0x8800] =	vst v63  }
0x3e: {  	s1 =	rddreg [dreg:$0x7]  }
0x3f: {  	[hbm4b:s1+s2] =	stream.linear.scatter [tilespmem:s9], [sflag:$0x4], $0x2000, $0x38;
	[tilespmem:$0x8800] =	vst v63  }
0x40: {  	_ =	swait.ge [sflag:s7], $0x2000  }
0x41: {  	[sflag:s7] =	ssyncset.done $0x0  }
0x42: {  	[sflag:s7] =	ssyncadd.s32 $0xFFFFE000  }
0x43: {  	_ =	swait.ge [sflag:s7], $0x2000  }
0x44: {  	[sflag:s7] =	ssyncset.done $0x0  }
0x45: {  	s1 =	simm.s32 $0x100;
	[sflag:s7] =	ssyncadd.s32 $0xFFFFE000  }
0x46: {  	[tilespmem:s10], [sflag:$0x1] =	stream.indirect.gather [hbm4b:s3+s13], $0x80, s1, s13, $0xb8;
	[tilespmem:$0x8800] =	vst v63  }
0x47: {  	_ = 	snop  }
0x48: {  	[tilespmem:s11], [sflag:$0x1] =	stream.indirect.gather [hbm4b:s3+s13], $0x80, s30, s13, $0xb8;
	[tilespmem:$0x8800] =	vst v63  }
0x49: {  	_ =	swait.ge [sflag:s6], $0x2000  }
0x4a: {  	[sflag:s6] =	ssyncset.done $0x0  }
0x4b: {  	[sflag:s6] =	ssyncadd.s32 $0xFFFFE000  }
0x4c: {  	_ =	swait.ge [sflag:s6], $0x2000  }
0x4d: {  	[sflag:s6] =	ssyncset.done $0x0  }
0x4e: {  	[sflag:s6] =	ssyncadd.s32 $0xFFFFE000  }
0x4f: {  	[tilespmem:s8], [sflag:$0x2] =	stream.indirect.gather [hbm4b:s3+s13], $0x80, s24, s13, $0xb8;
	[tilespmem:$0x8800] =	vst v63  }
0x50: {  	_ = 	snop  }
0x51: {  	[tilespmem:s9], [sflag:$0x2] =	stream.indirect.gather [hbm4b:s3+s13], $0x80, s25, s13, $0xb8;
	[tilespmem:$0x8800] =	vst v63  }
0x52: {  	_ =	swait.ge [sflag:s14], $0x2000  }
0x53: {  	[sflag:s14] =	ssyncset.done $0x0  }
0x54: {  	[sflag:s14] =	ssyncadd.s32 $0xFFFFE000  }
0x55: {  	_ =	swait.ge [sflag:s14], $0x2000  }
0x56: {  	[sflag:s14] =	ssyncset.done $0x0  }
0x57: {  	s0 =	rddreg [dreg:$0x8];
	[sflag:s14] =	ssyncadd.s32 $0xFFFFE000  }
0x58: {  	[hbm4b:s0+s2] =	stream.linear.scatter [tilespmem:s10], [sflag:$0x3], $0x2000, $0x38;
	[tilespmem:$0x8800] =	vst v63  }
0x59: {  	s1 =	rddreg [dreg:$0x9]  }
0x5a: {  	[hbm4b:s1+s2] =	stream.linear.scatter [tilespmem:s11], [sflag:$0x3], $0x2000, $0x38;
	[tilespmem:$0x8800] =	vst v63  }
0x5b: {  	_ =	swait.ge [sflag:s12], $0x2000  }
0x5c: {  	[sflag:s12] =	ssyncset.done $0x0  }
0x5d: {  	[sflag:s12] =	ssyncadd.s32 $0xFFFFE000  }
0x5e: {  	_ =	swait.ge [sflag:s12], $0x2000  }
0x5f: {  	[sflag:s12] =	ssyncset.done $0x0  }
0x60: {  	s0 =	rddreg [dreg:$0xa];
	[sflag:s12] =	ssyncadd.s32 $0xFFFFE000  }
0x61: {  	[hbm4b:s0+s2] =	stream.linear.scatter [tilespmem:s8], [sflag:$0x4], $0x2000, $0x38;
	[tilespmem:$0x8800] =	vst v63  }
0x62: {  	s1 =	rddreg [dreg:$0xb]  }
0x63: {  	[hbm4b:s1+s2] =	stream.linear.scatter [tilespmem:s9], [sflag:$0x4], $0x2000, $0x38;
	[tilespmem:$0x8800] =	vst v63  }
0x64: {  	_ =	swait.ge [sflag:s7], $0x2000  }
0x65: {  	[sflag:s7] =	ssyncset.done $0x0  }
0x66: {  	[sflag:s7] =	ssyncadd.s32 $0xFFFFE000  }
0x67: {  	_ =	swait.ge [sflag:s7], $0x2000  }
0x68: {  	[sflag:s7] =	ssyncset.done $0x0  }
0x69: {  	[sflag:s7] =	ssyncadd.s32 $0xFFFFE000  }
0x6a: {  	[tilespmem:s10], [sflag:$0x1] =	stream.indirect.gather [hbm4b:s3+s13], $0x80, s22, s13, $0xb8;
	[tilespmem:$0x8800] =	vst v63  }
0x6b: {  	_ = 	snop  }
0x6c: {  	[tilespmem:s11], [sflag:$0x1] =	stream.indirect.gather [hbm4b:s3+s13], $0x80, s23, s13, $0xb8;
	[tilespmem:$0x8800] =	vst v63  }
0x6d: {  	_ =	swait.ge [sflag:s6], $0x2000  }
0x6e: {  	[sflag:s6] =	ssyncset.done $0x0  }
0x6f: {  	[sflag:s6] =	ssyncadd.s32 $0xFFFFE000  }
0x70: {  	_ =	swait.ge [sflag:s6], $0x2000  }
0x71: {  	[sflag:s6] =	ssyncset.done $0x0  }
0x72: {  	[sflag:s6] =	ssyncadd.s32 $0xFFFFE000  }
0x73: {  	[tilespmem:s8], [sflag:$0x2] =	stream.indirect.gather [hbm4b:s3+s13], $0x80, s20, s13, $0xb8;
	[tilespmem:$0x8800] =	vst v63  }
0x74: {  	_ = 	snop  }
0x75: {  	[tilespmem:s9], [sflag:$0x2] =	stream.indirect.gather [hbm4b:s3+s13], $0x80, s21, s13, $0xb8;
	[tilespmem:$0x8800] =	vst v63  }
0x76: {  	_ =	swait.ge [sflag:s14], $0x2000  }
0x77: {  	[sflag:s14] =	ssyncset.done $0x0  }
0x78: {  	[sflag:s14] =	ssyncadd.s32 $0xFFFFE000  }
0x79: {  	_ =	swait.ge [sflag:s14], $0x2000  }
0x7a: {  	[sflag:s14] =	ssyncset.done $0x0  }
0x7b: {  	s0 =	rddreg [dreg:$0xc];
	[sflag:s14] =	ssyncadd.s32 $0xFFFFE000  }
0x7c: {  	[hbm4b:s0+s2] =	stream.linear.scatter [tilespmem:s10], [sflag:$0x3], $0x2000, $0x38;
	[tilespmem:$0x8800] =	vst v63  }
0x7d: {  	s1 =	rddreg [dreg:$0xd]  }
0x7e: {  	[hbm4b:s1+s2] =	stream.linear.scatter [tilespmem:s11], [sflag:$0x3], $0x2000, $0x38;
	[tilespmem:$0x8800] =	vst v63  }
0x7f: {  	_ =	swait.ge [sflag:s12], $0x2000  }
0x80: {  	[sflag:s12] =	ssyncset.done $0x0  }
0x81: {  	[sflag:s12] =	ssyncadd.s32 $0xFFFFE000  }
0x82: {  	_ =	swait.ge [sflag:s12], $0x2000  }
0x83: {  	[sflag:s12] =	ssyncset.done $0x0  }
0x84: {  	s0 =	rddreg [dreg:$0xe];
	[sflag:s12] =	ssyncadd.s32 $0xFFFFE000  }
0x85: {  	[hbm4b:s0+s2] =	stream.linear.scatter [tilespmem:s8], [sflag:$0x4], $0x2000, $0x38;
	[tilespmem:$0x8800] =	vst v63  }
0x86: {  	s1 =	rddreg [dreg:$0xf]  }
0x87: {  	[hbm4b:s1+s2] =	stream.linear.scatter [tilespmem:s9], [sflag:$0x4], $0x2000, $0x38;
	[tilespmem:$0x8800] =	vst v63  }
0x88: {  	_ =	swait.ge [sflag:s7], $0x2000  }
0x89: {  	[sflag:s7] =	ssyncset.done $0x0  }
0x8a: {  	[sflag:s7] =	ssyncadd.s32 $0xFFFFE000  }
0x8b: {  	_ =	swait.ge [sflag:s7], $0x2000  }
0x8c: {  	[sflag:s7] =	ssyncset.done $0x0  }
0x8d: {  	[sflag:s7] =	ssyncadd.s32 $0xFFFFE000  }
0x8e: {  	[tilespmem:s10], [sflag:$0x1] =	stream.indirect.gather [hbm4b:s3+s13], $0x80, s18, s13, $0xb8;
	[tilespmem:$0x8800] =	vst v63  }
0x8f: {  	_ = 	snop  }
0x90: {  	[tilespmem:s11], [sflag:$0x1] =	stream.indirect.gather [hbm4b:s3+s13], $0x80, s19, s13, $0xb8;
	[tilespmem:$0x8800] =	vst v63  }
0x91: {  	_ =	swait.ge [sflag:s6], $0x2000  }
0x92: {  	[sflag:s6] =	ssyncset.done $0x0  }
0x93: {  	[sflag:s6] =	ssyncadd.s32 $0xFFFFE000  }
0x94: {  	_ =	swait.ge [sflag:s6], $0x2000  }
0x95: {  	[sflag:s6] =	ssyncset.done $0x0  }
0x96: {  	[sflag:s6] =	ssyncadd.s32 $0xFFFFE000  }
0x97: {  	[tilespmem:s8], [sflag:$0x2] =	stream.indirect.gather [hbm4b:s3+s13], $0x80, s16, s13, $0xb8;
	[tilespmem:$0x8800] =	vst v63  }
0x98: {  	_ = 	snop  }
0x99: {  	[tilespmem:s9], [sflag:$0x2] =	stream.indirect.gather [hbm4b:s3+s13], $0x80, s17, s13, $0xb8;
	[tilespmem:$0x8800] =	vst v63  }
0x9a: {  	_ =	swait.ge [sflag:s14], $0x2000  }
0x9b: {  	[sflag:s14] =	ssyncset.done $0x0  }
0x9c: {  	[sflag:s14] =	ssyncadd.s32 $0xFFFFE000  }
0x9d: {  	_ =	swait.ge [sflag:s14], $0x2000  }
0x9e: {  	[sflag:s14] =	ssyncset.done $0x0  }
0x9f: {  	s0 =	rddreg [dreg:$0x10];
	[sflag:s14] =	ssyncadd.s32 $0xFFFFE000  }
0xa0: {  	[hbm4b:s0+s2] =	stream.linear.scatter [tilespmem:s10], [sflag:$0x3], $0x2000, $0x38;
	[tilespmem:$0x8800] =	vst v63  }
0xa1: {  	s1 =	rddreg [dreg:$0x11]  }
0xa2: {  	[hbm4b:s1+s2] =	stream.linear.scatter [tilespmem:s11], [sflag:$0x3], $0x2000, $0x38;
	[tilespmem:$0x8800] =	vst v63  }
0xa3: {  	_ =	swait.ge [sflag:s12], $0x2000  }
0xa4: {  	[sflag:s12] =	ssyncset.done $0x0  }
0xa5: {  	[sflag:s12] =	ssyncadd.s32 $0xFFFFE000  }
0xa6: {  	_ =	swait.ge [sflag:s12], $0x2000  }
0xa7: {  	[sflag:s12] =	ssyncset.done $0x0  }
0xa8: {  	[sflag:s12] =	ssyncadd.s32 $0xFFFFE000  }
0xa9: {  	[hbm4b:s4+s2] =	stream.linear.scatter [tilespmem:s8], [sflag:$0x4], $0x2000, $0x38;
	[tilespmem:$0x8800] =	vst v63  }
0xaa: {  	_ = 	snop  }
0xab: {  	[hbm4b:s5+s2] =	stream.linear.scatter [tilespmem:s9], [sflag:$0x4], $0x2000, $0x38;
	[tilespmem:$0x8800] =	vst v63  }
0xac: {  	_ =	swait.ge [sflag:s7], $0x2000  }
0xad: {  	[sflag:s7] =	ssyncset.done $0x0  }
0xae: {  	[sflag:s7] =	ssyncadd.s32 $0xFFFFE000  }
0xaf: {  	_ =	swait.ge [sflag:s7], $0x2000  }
0xb0: {  	s15 =	smov.u32 s26;
	[sflag:s7] =	ssyncset.done $0x0  }
0xb1: {  	p1 =	sne.s32 s15, $0x1;
	[sflag:s7] =	ssyncadd.s32 $0xFFFFE000  }
.Ltmp1:
0xb2: {  	_ =	swait.ge [sflag:s6], $0x2000;
	(pc) =	sbr.rel @!p1 .LBB2_3-.Ltmp1, $4  }
0xb3: {  	[sflag:s6] =	ssyncset.done $0x0  }
0xb4: {  	p0 =	por $0x1, $0x1;
	[sflag:s6] =	ssyncadd.s32 $0xFFFFE000  }
0xb5: {  	s26 =	simm.s32 $0x480;
	s31 =	simm.s32 $0x80;
	_ =	swait.ge [sflag:s6], $0x2000  }
0xb6: {  	s1 =	sadd.s32 $0xFFFFFFFF, s15;
	s0 =	rddreg [dreg:$0x2];
	[sflag:s6] =	ssyncset.done $0x0  }
.LBB2_4:
0xb7: {  	[sflag:s6] =	ssyncadd.s32 $0xFFFFE000  }
0xb8: {  	[tilespmem:s2], [sflag:$0x5] =	stream.linear.gather [hbm4b:s0+s2], $0x400, $0x38;
	[tilespmem:$0x8800] =	vst v63  }
0xb9: {  	_ =	swait.ge [sflag:s29], $0x400  }
0xba: {  	[sflag:s29] =	ssyncset.done $0x0  }
0xbb: {  	s15 =	rddreg [dreg:$0x3];
	[sflag:s29] =	ssyncadd.s32 $0xFFFFFC00  }
0xbc: {  	[tilespmem:s28], [sflag:$0x5] =	stream.linear.gather [hbm4b:s15+s2], $0x400, $0x38;
	[tilespmem:$0x8800] =	vst v63  }
0xbd: {  	_ =	swait.ge [sflag:s29], $0x400  }
0xbe: {  	[sflag:s29] =	ssyncset.done $0x0  }
0xbf: {  	[sflag:s29] =	ssyncadd.s32 $0xFFFFFC00  }
0xc0: {  	[tilespmem:s10], [sflag:$0x1] =	stream.indirect.gather [hbm4b:s3+s13], $0x80, s2, s13, $0xb8;
	[tilespmem:$0x8800] =	vst v63  }
0xc1: {  	_ = 	snop  }
0xc2: {  	[tilespmem:s11], [sflag:$0x1] =	stream.indirect.gather [hbm4b:s3+s13], $0x80, s28, s13, $0xb8;
	[tilespmem:$0x8800] =	vst v63  }
0xc3: {  	_ = 	snop  }
0xc4: {  	[tilespmem:s8], [sflag:$0x2] =	stream.indirect.gather [hbm4b:s3+s13], $0x80, s31, s13, $0xb8;
	[tilespmem:$0x8800] =	vst v63  }
0xc5: {  	_ = 	snop  }
0xc6: {  	[tilespmem:s9], [sflag:$0x2] =	stream.indirect.gather [hbm4b:s3+s13], $0x80, s26, s13, $0xb8;
	[tilespmem:$0x8800] =	vst v63  }
0xc7: {  	_ =	swait.ge [sflag:s14], $0x2000  }
0xc8: {  	[sflag:s14] =	ssyncset.done $0x0  }
0xc9: {  	[sflag:s14] =	ssyncadd.s32 $0xFFFFE000  }
0xca: {  	_ =	swait.ge [sflag:s14], $0x2000  }
0xcb: {  	[sflag:s14] =	ssyncset.done $0x0  }
0xcc: {  	s0 =	rddreg [dreg:$0x4];
	[sflag:s14] =	ssyncadd.s32 $0xFFFFE000  }
0xcd: {  	[hbm4b:s0+s2] =	stream.linear.scatter [tilespmem:s10], [sflag:$0x3], $0x2000, $0x38;
	[tilespmem:$0x8800] =	vst v63  }
0xce: {  	s15 =	rddreg [dreg:$0x5]  }
0xcf: {  	[hbm4b:s15+s2] =	stream.linear.scatter [tilespmem:s11], [sflag:$0x3], $0x2000, $0x38;
	[tilespmem:$0x8800] =	vst v63  }
0xd0: {  	_ =	swait.ge [sflag:s12], $0x2000  }
0xd1: {  	[sflag:s12] =	ssyncset.done $0x0  }
0xd2: {  	[sflag:s12] =	ssyncadd.s32 $0xFFFFE000  }
0xd3: {  	_ =	swait.ge [sflag:s12], $0x2000  }
0xd4: {  	[sflag:s12] =	ssyncset.done $0x0  }
0xd5: {  	s0 =	rddreg [dreg:$0x6];
	[sflag:s12] =	ssyncadd.s32 $0xFFFFE000  }
0xd6: {  	[hbm4b:s0+s2] =	stream.linear.scatter [tilespmem:s8], [sflag:$0x4], $0x2000, $0x38;
	[tilespmem:$0x8800] =	vst v63  }
0xd7: {  	s15 =	rddreg [dreg:$0x7]  }
0xd8: {  	[hbm4b:s15+s2] =	stream.linear.scatter [tilespmem:s9], [sflag:$0x4], $0x2000, $0x38;
	[tilespmem:$0x8800] =	vst v63  }
0xd9: {  	_ =	swait.ge [sflag:s7], $0x2000  }
0xda: {  	[sflag:s7] =	ssyncset.done $0x0  }
0xdb: {  	[sflag:s7] =	ssyncadd.s32 $0xFFFFE000  }
0xdc: {  	_ =	swait.ge [sflag:s7], $0x2000  }
0xdd: {  	[sflag:s7] =	ssyncset.done $0x0  }
0xde: {  	s15 =	simm.s32 $0x100;
	[sflag:s7] =	ssyncadd.s32 $0xFFFFE000  }
0xdf: {  	[tilespmem:s10], [sflag:$0x1] =	stream.indirect.gather [hbm4b:s3+s13], $0x80, s15, s13, $0xb8;
	[tilespmem:$0x8800] =	vst v63  }
0xe0: {  	_ = 	snop  }
0xe1: {  	[tilespmem:s11], [sflag:$0x1] =	stream.indirect.gather [hbm4b:s3+s13], $0x80, s30, s13, $0xb8;
	[tilespmem:$0x8800] =	vst v63  }
0xe2: {  	_ =	swait.ge [sflag:s6], $0x2000  }
0xe3: {  	[sflag:s6] =	ssyncset.done $0x0  }
0xe4: {  	[sflag:s6] =	ssyncadd.s32 $0xFFFFE000  }
0xe5: {  	_ =	swait.ge [sflag:s6], $0x2000  }
0xe6: {  	[sflag:s6] =	ssyncset.done $0x0  }
0xe7: {  	[sflag:s6] =	ssyncadd.s32 $0xFFFFE000  }
0xe8: {  	[tilespmem:s8], [sflag:$0x2] =	stream.indirect.gather [hbm4b:s3+s13], $0x80, s24, s13, $0xb8;
	[tilespmem:$0x8800] =	vst v63  }
0xe9: {  	_ = 	snop  }
0xea: {  	[tilespmem:s9], [sflag:$0x2] =	stream.indirect.gather [hbm4b:s3+s13], $0x80, s25, s13, $0xb8;
	[tilespmem:$0x8800] =	vst v63  }
0xeb: {  	_ =	swait.ge [sflag:s14], $0x2000  }
0xec: {  	[sflag:s14] =	ssyncset.done $0x0  }
0xed: {  	[sflag:s14] =	ssyncadd.s32 $0xFFFFE000  }
0xee: {  	_ =	swait.ge [sflag:s14], $0x2000  }
0xef: {  	[sflag:s14] =	ssyncset.done $0x0  }
0xf0: {  	s0 =	rddreg [dreg:$0x8];
	[sflag:s14] =	ssyncadd.s32 $0xFFFFE000  }
0xf1: {  	[hbm4b:s0+s2] =	stream.linear.scatter [tilespmem:s10], [sflag:$0x3], $0x2000, $0x38;
	[tilespmem:$0x8800] =	vst v63  }
0xf2: {  	s15 =	rddreg [dreg:$0x9]  }
0xf3: {  	[hbm4b:s15+s2] =	stream.linear.scatter [tilespmem:s11], [sflag:$0x3], $0x2000, $0x38;
	[tilespmem:$0x8800] =	vst v63  }
0xf4: {  	_ =	swait.ge [sflag:s12], $0x2000  }
0xf5: {  	[sflag:s12] =	ssyncset.done $0x0  }
0xf6: {  	[sflag:s12] =	ssyncadd.s32 $0xFFFFE000  }
0xf7: {  	_ =	swait.ge [sflag:s12], $0x2000  }
0xf8: {  	[sflag:s12] =	ssyncset.done $0x0  }
0xf9: {  	s0 =	rddreg [dreg:$0xa];
	[sflag:s12] =	ssyncadd.s32 $0xFFFFE000  }
0xfa: {  	[hbm4b:s0+s2] =	stream.linear.scatter [tilespmem:s8], [sflag:$0x4], $0x2000, $0x38;
	[tilespmem:$0x8800] =	vst v63  }
0xfb: {  	s15 =	rddreg [dreg:$0xb]  }
0xfc: {  	[hbm4b:s15+s2] =	stream.linear.scatter [tilespmem:s9], [sflag:$0x4], $0x2000, $0x38;
	[tilespmem:$0x8800] =	vst v63  }
0xfd: {  	_ =	swait.ge [sflag:s7], $0x2000  }
0xfe: {  	[sflag:s7] =	ssyncset.done $0x0  }
0xff: {  	[sflag:s7] =	ssyncadd.s32 $0xFFFFE000  }
0x100: {  	_ =	swait.ge [sflag:s7], $0x2000  }
0x101: {  	[sflag:s7] =	ssyncset.done $0x0  }
0x102: {  	[sflag:s7] =	ssyncadd.s32 $0xFFFFE000  }
0x103: {  	[tilespmem:s10], [sflag:$0x1] =	stream.indirect.gather [hbm4b:s3+s13], $0x80, s22, s13, $0xb8;
	[tilespmem:$0x8800] =	vst v63  }
0x104: {  	_ = 	snop  }
0x105: {  	[tilespmem:s11], [sflag:$0x1] =	stream.indirect.gather [hbm4b:s3+s13], $0x80, s23, s13, $0xb8;
	[tilespmem:$0x8800] =	vst v63  }
0x106: {  	_ =	swait.ge [sflag:s6], $0x2000  }
0x107: {  	[sflag:s6] =	ssyncset.done $0x0  }
0x108: {  	[sflag:s6] =	ssyncadd.s32 $0xFFFFE000  }
0x109: {  	_ =	swait.ge [sflag:s6], $0x2000  }
0x10a: {  	[sflag:s6] =	ssyncset.done $0x0  }
0x10b: {  	[sflag:s6] =	ssyncadd.s32 $0xFFFFE000  }
0x10c: {  	[tilespmem:s8], [sflag:$0x2] =	stream.indirect.gather [hbm4b:s3+s13], $0x80, s20, s13, $0xb8;
	[tilespmem:$0x8800] =	vst v63  }
0x10d: {  	_ = 	snop  }
0x10e: {  	[tilespmem:s9], [sflag:$0x2] =	stream.indirect.gather [hbm4b:s3+s13], $0x80, s21, s13, $0xb8;
	[tilespmem:$0x8800] =	vst v63  }
0x10f: {  	_ =	swait.ge [sflag:s14], $0x2000  }
0x110: {  	[sflag:s14] =	ssyncset.done $0x0  }
0x111: {  	[sflag:s14] =	ssyncadd.s32 $0xFFFFE000  }
0x112: {  	_ =	swait.ge [sflag:s14], $0x2000  }
0x113: {  	[sflag:s14] =	ssyncset.done $0x0  }
0x114: {  	s0 =	rddreg [dreg:$0xc];
	[sflag:s14] =	ssyncadd.s32 $0xFFFFE000  }
0x115: {  	[hbm4b:s0+s2] =	stream.linear.scatter [tilespmem:s10], [sflag:$0x3], $0x2000, $0x38;
	[tilespmem:$0x8800] =	vst v63  }
0x116: {  	s15 =	rddreg [dreg:$0xd]  }
0x117: {  	[hbm4b:s15+s2] =	stream.linear.scatter [tilespmem:s11], [sflag:$0x3], $0x2000, $0x38;
	[tilespmem:$0x8800] =	vst v63  }
0x118: {  	_ =	swait.ge [sflag:s12], $0x2000  }
0x119: {  	[sflag:s12] =	ssyncset.done $0x0  }
0x11a: {  	[sflag:s12] =	ssyncadd.s32 $0xFFFFE000  }
0x11b: {  	_ =	swait.ge [sflag:s12], $0x2000  }
0x11c: {  	[sflag:s12] =	ssyncset.done $0x0  }
0x11d: {  	s0 =	rddreg [dreg:$0xe];
	[sflag:s12] =	ssyncadd.s32 $0xFFFFE000  }
0x11e: {  	[hbm4b:s0+s2] =	stream.linear.scatter [tilespmem:s8], [sflag:$0x4], $0x2000, $0x38;
	[tilespmem:$0x8800] =	vst v63  }
0x11f: {  	s15 =	rddreg [dreg:$0xf]  }
0x120: {  	[hbm4b:s15+s2] =	stream.linear.scatter [tilespmem:s9], [sflag:$0x4], $0x2000, $0x38;
	[tilespmem:$0x8800] =	vst v63  }
0x121: {  	_ =	swait.ge [sflag:s7], $0x2000  }
0x122: {  	[sflag:s7] =	ssyncset.done $0x0  }
0x123: {  	[sflag:s7] =	ssyncadd.s32 $0xFFFFE000  }
0x124: {  	_ =	swait.ge [sflag:s7], $0x2000  }
0x125: {  	[sflag:s7] =	ssyncset.done $0x0  }
0x126: {  	[sflag:s7] =	ssyncadd.s32 $0xFFFFE000  }
0x127: {  	[tilespmem:s10], [sflag:$0x1] =	stream.indirect.gather [hbm4b:s3+s13], $0x80, s18, s13, $0xb8;
	[tilespmem:$0x8800] =	vst v63  }
0x128: {  	_ = 	snop  }
0x129: {  	[tilespmem:s11], [sflag:$0x1] =	stream.indirect.gather [hbm4b:s3+s13], $0x80, s19, s13, $0xb8;
	[tilespmem:$0x8800] =	vst v63  }
0x12a: {  	_ =	swait.ge [sflag:s6], $0x2000  }
0x12b: {  	[sflag:s6] =	ssyncset.done $0x0  }
0x12c: {  	[sflag:s6] =	ssyncadd.s32 $0xFFFFE000  }
0x12d: {  	_ =	swait.ge [sflag:s6], $0x2000  }
0x12e: {  	[sflag:s6] =	ssyncset.done $0x0  }
0x12f: {  	[sflag:s6] =	ssyncadd.s32 $0xFFFFE000  }
0x130: {  	[tilespmem:s8], [sflag:$0x2] =	stream.indirect.gather [hbm4b:s3+s13], $0x80, s16, s13, $0xb8;
	[tilespmem:$0x8800] =	vst v63  }
0x131: {  	_ = 	snop  }
0x132: {  	[tilespmem:s9], [sflag:$0x2] =	stream.indirect.gather [hbm4b:s3+s13], $0x80, s17, s13, $0xb8;
	[tilespmem:$0x8800] =	vst v63  }
0x133: {  	_ =	swait.ge [sflag:s14], $0x2000  }
0x134: {  	[sflag:s14] =	ssyncset.done $0x0  }
0x135: {  	[sflag:s14] =	ssyncadd.s32 $0xFFFFE000  }
0x136: {  	_ =	swait.ge [sflag:s14], $0x2000  }
0x137: {  	[sflag:s14] =	ssyncset.done $0x0  }
0x138: {  	s0 =	rddreg [dreg:$0x10];
	[sflag:s14] =	ssyncadd.s32 $0xFFFFE000  }
0x139: {  	[hbm4b:s0+s2] =	stream.linear.scatter [tilespmem:s10], [sflag:$0x3], $0x2000, $0x38;
	[tilespmem:$0x8800] =	vst v63  }
0x13a: {  	s15 =	rddreg [dreg:$0x11]  }
0x13b: {  	[hbm4b:s15+s2] =	stream.linear.scatter [tilespmem:s11], [sflag:$0x3], $0x2000, $0x38;
	[tilespmem:$0x8800] =	vst v63  }
0x13c: {  	_ =	swait.ge [sflag:s12], $0x2000  }
0x13d: {  	[sflag:s12] =	ssyncset.done $0x0  }
0x13e: {  	[sflag:s12] =	ssyncadd.s32 $0xFFFFE000  }
0x13f: {  	_ =	swait.ge [sflag:s12], $0x2000  }
0x140: {  	[sflag:s12] =	ssyncset.done $0x0  }
0x141: {  	[sflag:s12] =	ssyncadd.s32 $0xFFFFE000  }
0x142: {  	[hbm4b:s4+s2] =	stream.linear.scatter [tilespmem:s8], [sflag:$0x4], $0x2000, $0x38;
	[tilespmem:$0x8800] =	vst v63  }
0x143: {  	_ = 	snop  }
0x144: {  	[hbm4b:s5+s2] =	stream.linear.scatter [tilespmem:s9], [sflag:$0x4], $0x2000, $0x38;
	[tilespmem:$0x8800] =	vst v63  }
0x145: {  	_ =	swait.ge [sflag:s7], $0x2000  }
0x146: {  	[sflag:s7] =	ssyncset.done $0x0  }
0x147: {  	[sflag:s7] =	ssyncadd.s32 $0xFFFFE000  }
0x148: {  	_ =	swait.ge [sflag:s7], $0x2000  }
0x149: {  	[sflag:s7] =	ssyncset.done $0x0  }
0x14a: {  	p1 =	sne.s32 s1, $0x1;
	[sflag:s7] =	ssyncadd.s32 $0xFFFFE000  }
.Ltmp2:
0x14b: {  	_ =	swait.ge [sflag:s6], $0x2000;
	(pc) =	sbr.rel @p1 .LBB2_4-.Ltmp2, $4  }
0x14c: {  	[sflag:s6] =	ssyncset.done $0x0  }
0x14d: {  	[sflag:s6] =	ssyncadd.s32 $0xFFFFE000  }
0x14e: {  	_ =	swait.ge [sflag:s6], $0x2000  }
0x14f: {  	s1 =	sadd.s32 $0xFFFFFFFF, s1;
	s0 =	rddreg [dreg:$0x2];
	[sflag:s6] =	ssyncset.done $0x0  }
0x150: {  	s30 =	simm.s32 $0x500;
	s26 =	simm.s32 $0x100;
	s25 =	simm.s32 $0x580  }
0x151: {  	s24 =	simm.s32 $0x180;
	s23 =	simm.s32 $0x600;
	s22 =	simm.s32 $0x200  }
0x152: {  	s21 =	simm.s32 $0x680;
	s20 =	simm.s32 $0x280;
	s19 =	simm.s32 $0x700  }
0x153: {  	s18 =	simm.s32 $0x300;
	s17 =	simm.s32 $0x780;
	s16 =	simm.s32 $0x380  }
0x154: {  	s15 =	stileid.u32;
	s1 =	simm.s32 $0x80;
	s31 =	simm.s32 $0x480  }
.LBB2_6:
0x155: {  	[sflag:s6] =	ssyncadd.s32 @p0 $0xFFFFE000  }
0x156: {  	[tilespmem:s2], [sflag:$0x5] =	stream.linear.gather [hbm4b:s0+s2], $0x400, $0x38;
	[tilespmem:$0x8800] =	vst v63  }
0x157: {  	_ =	swait.ge [sflag:s29], $0x400  }
0x158: {  	[sflag:s29] =	ssyncset.done $0x0  }
0x159: {  	s0 =	rddreg [dreg:$0x3];
	[sflag:s29] =	ssyncadd.s32 $0xFFFFFC00  }
0x15a: {  	[tilespmem:s28], [sflag:$0x5] =	stream.linear.gather [hbm4b:s0+s2], $0x400, $0x38;
	[tilespmem:$0x8800] =	vst v63  }
0x15b: {  	_ =	swait.ge [sflag:s29], $0x400  }
0x15c: {  	[sflag:s29] =	ssyncset.done $0x0  }
0x15d: {  	[sflag:s29] =	ssyncadd.s32 $0xFFFFFC00  }
0x15e: {  	[tilespmem:s10], [sflag:$0x1] =	stream.indirect.gather [hbm4b:s3+s13], $0x80, s2, s13, $0xb8;
	[tilespmem:$0x8800] =	vst v63  }
0x15f: {  	_ = 	snop  }
0x160: {  	[tilespmem:s11], [sflag:$0x1] =	stream.indirect.gather [hbm4b:s3+s13], $0x80, s28, s13, $0xb8;
	[tilespmem:$0x8800] =	vst v63  }
0x161: {  	_ = 	snop  }
0x162: {  	[tilespmem:s8], [sflag:$0x2] =	stream.indirect.gather [hbm4b:s3+s13], $0x80, s1, s13, $0xb8;
	[tilespmem:$0x8800] =	vst v63  }
0x163: {  	_ = 	snop  }
0x164: {  	[tilespmem:s9], [sflag:$0x2] =	stream.indirect.gather [hbm4b:s3+s13], $0x80, s31, s13, $0xb8;
	[tilespmem:$0x8800] =	vst v63  }
0x165: {  	_ =	swait.ge [sflag:s14], $0x2000  }
0x166: {  	[sflag:s14] =	ssyncset.done $0x0  }
0x167: {  	[sflag:s14] =	ssyncadd.s32 $0xFFFFE000  }
0x168: {  	_ =	swait.ge [sflag:s14], $0x2000  }
0x169: {  	[sflag:s14] =	ssyncset.done $0x0  }
0x16a: {  	s29 =	rddreg [dreg:$0x4];
	[sflag:s14] =	ssyncadd.s32 $0xFFFFE000  }
0x16b: {  	[hbm4b:s29+s2] =	stream.linear.scatter [tilespmem:s10], [sflag:$0x3], $0x2000, $0x38;
	[tilespmem:$0x8800] =	vst v63  }
0x16c: {  	s31 =	rddreg [dreg:$0x5]  }
0x16d: {  	[hbm4b:s31+s2] =	stream.linear.scatter [tilespmem:s11], [sflag:$0x3], $0x2000, $0x38;
	[tilespmem:$0x8800] =	vst v63  }
0x16e: {  	_ =	swait.ge [sflag:s12], $0x2000  }
0x16f: {  	[sflag:s12] =	ssyncset.done $0x0  }
0x170: {  	[sflag:s12] =	ssyncadd.s32 $0xFFFFE000  }
0x171: {  	_ =	swait.ge [sflag:s12], $0x2000  }
0x172: {  	[sflag:s12] =	ssyncset.done $0x0  }
0x173: {  	s28 =	rddreg [dreg:$0x6];
	[sflag:s12] =	ssyncadd.s32 $0xFFFFE000  }
0x174: {  	[hbm4b:s28+s2] =	stream.linear.scatter [tilespmem:s8], [sflag:$0x4], $0x2000, $0x38;
	[tilespmem:$0x8800] =	vst v63  }
0x175: {  	s29 =	rddreg [dreg:$0x7]  }
0x176: {  	[hbm4b:s29+s2] =	stream.linear.scatter [tilespmem:s9], [sflag:$0x4], $0x2000, $0x38;
	[tilespmem:$0x8800] =	vst v63  }
0x177: {  	_ =	swait.ge [sflag:s7], $0x2000  }
0x178: {  	[sflag:s7] =	ssyncset.done $0x0  }
0x179: {  	[sflag:s7] =	ssyncadd.s32 $0xFFFFE000  }
0x17a: {  	_ =	swait.ge [sflag:s7], $0x2000  }
0x17b: {  	[sflag:s7] =	ssyncset.done $0x0  }
0x17c: {  	[sflag:s7] =	ssyncadd.s32 $0xFFFFE000  }
0x17d: {  	[tilespmem:s10], [sflag:$0x1] =	stream.indirect.gather [hbm4b:s3+s13], $0x80, s26, s13, $0xb8;
	[tilespmem:$0x8800] =	vst v63  }
0x17e: {  	_ = 	snop  }
0x17f: {  	[tilespmem:s11], [sflag:$0x1] =	stream.indirect.gather [hbm4b:s3+s13], $0x80, s30, s13, $0xb8;
	[tilespmem:$0x8800] =	vst v63  }
0x180: {  	_ =	swait.ge [sflag:s6], $0x2000  }
0x181: {  	[sflag:s6] =	ssyncset.done $0x0  }
0x182: {  	[sflag:s6] =	ssyncadd.s32 $0xFFFFE000  }
0x183: {  	_ =	swait.ge [sflag:s6], $0x2000  }
0x184: {  	[sflag:s6] =	ssyncset.done $0x0  }
0x185: {  	[sflag:s6] =	ssyncadd.s32 $0xFFFFE000  }
0x186: {  	[tilespmem:s8], [sflag:$0x2] =	stream.indirect.gather [hbm4b:s3+s13], $0x80, s24, s13, $0xb8;
	[tilespmem:$0x8800] =	vst v63  }
0x187: {  	_ = 	snop  }
0x188: {  	[tilespmem:s9], [sflag:$0x2] =	stream.indirect.gather [hbm4b:s3+s13], $0x80, s25, s13, $0xb8;
	[tilespmem:$0x8800] =	vst v63  }
0x189: {  	_ =	swait.ge [sflag:s14], $0x2000  }
0x18a: {  	[sflag:s14] =	ssyncset.done $0x0  }
0x18b: {  	[sflag:s14] =	ssyncadd.s32 $0xFFFFE000  }
0x18c: {  	_ =	swait.ge [sflag:s14], $0x2000  }
0x18d: {  	[sflag:s14] =	ssyncset.done $0x0  }
0x18e: {  	s30 =	rddreg [dreg:$0x8];
	[sflag:s14] =	ssyncadd.s32 $0xFFFFE000  }
0x18f: {  	[hbm4b:s30+s2] =	stream.linear.scatter [tilespmem:s10], [sflag:$0x3], $0x2000, $0x38;
	[tilespmem:$0x8800] =	vst v63  }
0x190: {  	s31 =	rddreg [dreg:$0x9]  }
0x191: {  	[hbm4b:s31+s2] =	stream.linear.scatter [tilespmem:s11], [sflag:$0x3], $0x2000, $0x38;
	[tilespmem:$0x8800] =	vst v63  }
0x192: {  	_ =	swait.ge [sflag:s12], $0x2000  }
0x193: {  	[sflag:s12] =	ssyncset.done $0x0  }
0x194: {  	[sflag:s12] =	ssyncadd.s32 $0xFFFFE000  }
0x195: {  	_ =	swait.ge [sflag:s12], $0x2000  }
0x196: {  	[sflag:s12] =	ssyncset.done $0x0  }
0x197: {  	s1 =	rddreg [dreg:$0xa];
	[sflag:s12] =	ssyncadd.s32 $0xFFFFE000  }
0x198: {  	[hbm4b:s1+s2] =	stream.linear.scatter [tilespmem:s8], [sflag:$0x4], $0x2000, $0x38;
	[tilespmem:$0x8800] =	vst v63  }
0x199: {  	s24 =	rddreg [dreg:$0xb]  }
0x19a: {  	[hbm4b:s24+s2] =	stream.linear.scatter [tilespmem:s9], [sflag:$0x4], $0x2000, $0x38;
	[tilespmem:$0x8800] =	vst v63  }
0x19b: {  	_ =	swait.ge [sflag:s7], $0x2000  }
0x19c: {  	[sflag:s7] =	ssyncset.done $0x0  }
0x19d: {  	[sflag:s7] =	ssyncadd.s32 $0xFFFFE000  }
0x19e: {  	_ =	swait.ge [sflag:s7], $0x2000  }
0x19f: {  	[sflag:s7] =	ssyncset.done $0x0  }
0x1a0: {  	[sflag:s7] =	ssyncadd.s32 $0xFFFFE000  }
0x1a1: {  	[tilespmem:s10], [sflag:$0x1] =	stream.indirect.gather [hbm4b:s3+s13], $0x80, s22, s13, $0xb8;
	[tilespmem:$0x8800] =	vst v63  }
0x1a2: {  	_ = 	snop  }
0x1a3: {  	[tilespmem:s11], [sflag:$0x1] =	stream.indirect.gather [hbm4b:s3+s13], $0x80, s23, s13, $0xb8;
	[tilespmem:$0x8800] =	vst v63  }
0x1a4: {  	_ =	swait.ge [sflag:s6], $0x2000  }
0x1a5: {  	[sflag:s6] =	ssyncset.done $0x0  }
0x1a6: {  	[sflag:s6] =	ssyncadd.s32 $0xFFFFE000  }
0x1a7: {  	_ =	swait.ge [sflag:s6], $0x2000  }
0x1a8: {  	[sflag:s6] =	ssyncset.done $0x0  }
0x1a9: {  	[sflag:s6] =	ssyncadd.s32 $0xFFFFE000  }
0x1aa: {  	[tilespmem:s8], [sflag:$0x2] =	stream.indirect.gather [hbm4b:s3+s13], $0x80, s20, s13, $0xb8;
	[tilespmem:$0x8800] =	vst v63  }
0x1ab: {  	_ = 	snop  }
0x1ac: {  	[tilespmem:s9], [sflag:$0x2] =	stream.indirect.gather [hbm4b:s3+s13], $0x80, s21, s13, $0xb8;
	[tilespmem:$0x8800] =	vst v63  }
0x1ad: {  	_ =	swait.ge [sflag:s14], $0x2000  }
0x1ae: {  	[sflag:s14] =	ssyncset.done $0x0  }
0x1af: {  	[sflag:s14] =	ssyncadd.s32 $0xFFFFE000  }
0x1b0: {  	_ =	swait.ge [sflag:s14], $0x2000  }
0x1b1: {  	[sflag:s14] =	ssyncset.done $0x0  }
0x1b2: {  	s25 =	rddreg [dreg:$0xc];
	[sflag:s14] =	ssyncadd.s32 $0xFFFFE000  }
0x1b3: {  	[hbm4b:s25+s2] =	stream.linear.scatter [tilespmem:s10], [sflag:$0x3], $0x2000, $0x38;
	[tilespmem:$0x8800] =	vst v63  }
0x1b4: {  	s26 =	rddreg [dreg:$0xd]  }
0x1b5: {  	[hbm4b:s26+s2] =	stream.linear.scatter [tilespmem:s11], [sflag:$0x3], $0x2000, $0x38;
	[tilespmem:$0x8800] =	vst v63  }
0x1b6: {  	_ =	swait.ge [sflag:s12], $0x2000  }
0x1b7: {  	[sflag:s12] =	ssyncset.done $0x0  }
0x1b8: {  	[sflag:s12] =	ssyncadd.s32 $0xFFFFE000  }
0x1b9: {  	_ =	swait.ge [sflag:s12], $0x2000  }
0x1ba: {  	[sflag:s12] =	ssyncset.done $0x0  }
0x1bb: {  	s28 =	rddreg [dreg:$0xe];
	[sflag:s12] =	ssyncadd.s32 $0xFFFFE000  }
0x1bc: {  	[hbm4b:s28+s2] =	stream.linear.scatter [tilespmem:s8], [sflag:$0x4], $0x2000, $0x38;
	[tilespmem:$0x8800] =	vst v63  }
0x1bd: {  	s29 =	rddreg [dreg:$0xf]  }
0x1be: {  	[hbm4b:s29+s2] =	stream.linear.scatter [tilespmem:s9], [sflag:$0x4], $0x2000, $0x38;
	[tilespmem:$0x8800] =	vst v63  }
0x1bf: {  	_ =	swait.ge [sflag:s7], $0x2000  }
0x1c0: {  	[sflag:s7] =	ssyncset.done $0x0  }
0x1c1: {  	[sflag:s7] =	ssyncadd.s32 $0xFFFFE000  }
0x1c2: {  	_ =	swait.ge [sflag:s7], $0x2000  }
0x1c3: {  	[sflag:s7] =	ssyncset.done $0x0  }
0x1c4: {  	[sflag:s7] =	ssyncadd.s32 $0xFFFFE000  }
0x1c5: {  	[tilespmem:s10], [sflag:$0x1] =	stream.indirect.gather [hbm4b:s3+s13], $0x80, s18, s13, $0xb8;
	[tilespmem:$0x8800] =	vst v63  }
0x1c6: {  	_ = 	snop  }
0x1c7: {  	[tilespmem:s11], [sflag:$0x1] =	stream.indirect.gather [hbm4b:s3+s13], $0x80, s19, s13, $0xb8;
	[tilespmem:$0x8800] =	vst v63  }
0x1c8: {  	_ =	swait.ge [sflag:s6], $0x2000  }
0x1c9: {  	[sflag:s6] =	ssyncset.done $0x0  }
0x1ca: {  	[sflag:s6] =	ssyncadd.s32 $0xFFFFE000  }
0x1cb: {  	_ =	swait.ge [sflag:s6], $0x2000  }
0x1cc: {  	[sflag:s6] =	ssyncset.done $0x0  }
0x1cd: {  	[sflag:s6] =	ssyncadd.s32 $0xFFFFE000  }
0x1ce: {  	[tilespmem:s8], [sflag:$0x2] =	stream.indirect.gather [hbm4b:s3+s13], $0x80, s16, s13, $0xb8;
	[tilespmem:$0x8800] =	vst v63  }
0x1cf: {  	_ = 	snop  }
0x1d0: {  	[tilespmem:s9], [sflag:$0x2] =	stream.indirect.gather [hbm4b:s3+s13], $0x80, s17, s13, $0xb8;
	[tilespmem:$0x8800] =	vst v63  }
0x1d1: {  	_ =	swait.ge [sflag:s14], $0x2000  }
0x1d2: {  	[sflag:s14] =	ssyncset.done $0x0  }
0x1d3: {  	[sflag:s14] =	ssyncadd.s32 $0xFFFFE000  }
0x1d4: {  	_ =	swait.ge [sflag:s14], $0x2000  }
0x1d5: {  	[sflag:s14] =	ssyncset.done $0x0  }
0x1d6: {  	s30 =	rddreg [dreg:$0x10];
	[sflag:s14] =	ssyncadd.s32 $0xFFFFE000  }
0x1d7: {  	[hbm4b:s30+s2] =	stream.linear.scatter [tilespmem:s10], [sflag:$0x3], $0x2000, $0x38;
	[tilespmem:$0x8800] =	vst v63  }
0x1d8: {  	s31 =	rddreg [dreg:$0x11]  }
0x1d9: {  	[hbm4b:s31+s2] =	stream.linear.scatter [tilespmem:s11], [sflag:$0x3], $0x2000, $0x38;
	[tilespmem:$0x8800] =	vst v63  }
0x1da: {  	_ =	swait.ge [sflag:s12], $0x2000  }
0x1db: {  	[sflag:s12] =	ssyncset.done $0x0  }
0x1dc: {  	[sflag:s12] =	ssyncadd.s32 $0xFFFFE000  }
0x1dd: {  	_ =	swait.ge [sflag:s12], $0x2000  }
0x1de: {  	[sflag:s12] =	ssyncset.done $0x0  }
0x1df: {  	[sflag:s12] =	ssyncadd.s32 $0xFFFFE000  }
0x1e0: {  	[hbm4b:s4+s2] =	stream.linear.scatter [tilespmem:s8], [sflag:$0x4], $0x2000, $0x38;
	[tilespmem:$0x8800] =	vst v63  }
0x1e1: {  	_ = 	snop  }
0x1e2: {  	[hbm4b:s5+s2] =	stream.linear.scatter [tilespmem:s9], [sflag:$0x4], $0x2000, $0x38;
	[tilespmem:$0x8800] =	vst v63  }
0x1e3: {  	_ =	swait.ge [sflag:s7], $0x2000  }
0x1e4: {  	[sflag:s7] =	ssyncset.done $0x0  }
0x1e5: {  	[sflag:s7] =	ssyncadd.s32 $0xFFFFE000  }
0x1e6: {  	_ =	swait.ge [sflag:s7], $0x2000  }
0x1e7: {  	[sflag:s7] =	ssyncset.done $0x0  }
0x1e8: {  	[sflag:s7] =	ssyncadd.s32 $0xFFFFE000  }
0x1e9: {  	_ =	swait.ge [sflag:s6], $0x2000  }
0x1ea: {  	[sflag:s6] =	ssyncset.done $0x0  }
0x1eb: {  	[sflag:s6] =	ssyncadd.s32 $0xFFFFE000  }
0x1ec: {  	_ =	swait.ge [sflag:s6], $0x2000  }
0x1ed: {  	[sflag:s6] =	ssyncset.done $0x0  }
0x1ee: {  	[sflag:s6] =	ssyncadd.s32 $0xFFFFE000  }
0x1ef: {  	_ =	sfence.sel $0x180000  }
0x1f0: {  	[bflag:$0x0] =	sbarrier.arrive $0xFFFF  }
0x1f1: {  	_ =	strace $0x9000004D  }
0x1f2: {  	[bflag:$0x2] =	sbarrier.arrive $0xFFFF  }
0x1f3: {  	p0 =	sne.s32 s15, $0x0;
	s0 =	rddreg [dreg:$0x1]  }
0x1f4: {  	s0 =	sadd.s32 @!p0 $0x100000, s0  }
0x1f5: {  	[sflag:s0] =	ssyncadd.tile.s32 @!p0 $0x1;
	_ =	shalt  }
.LBB2_1:
.Ltmp3:
0x1f6: {  	(pc) =	sbr.rel .LBB2_6-.Ltmp3, $4  }
0x1f7: {  	s30 =	simm.s32 $0x500;
	s26 =	simm.s32 $0x100;
	s25 =	simm.s32 $0x580  }
0x1f8: {  	s24 =	simm.s32 $0x180;
	s23 =	simm.s32 $0x600;
	s22 =	simm.s32 $0x200  }
0x1f9: {  	s21 =	simm.s32 $0x680;
	s20 =	simm.s32 $0x280;
	s19 =	simm.s32 $0x700  }
0x1fa: {  	s18 =	simm.s32 $0x300;
	s17 =	simm.s32 $0x780;
	s16 =	simm.s32 $0x380  }
.LBB2_3:
0x1fb: {  	s30 =	simm.s32 $0x500  }
.Ltmp4:
0x1fc: {  	s26 =	simm.s32 $0x100;
	s25 =	simm.s32 $0x580;
	(pc) =	sbr.rel .LBB2_6-.Ltmp4, $4  }
0x1fd: {  	s24 =	simm.s32 $0x180;
	s23 =	simm.s32 $0x600;
	s22 =	simm.s32 $0x200  }
0x1fe: {  	s21 =	simm.s32 $0x680;
	s20 =	simm.s32 $0x280;
	s19 =	simm.s32 $0x700  }
0x1ff: {  	s18 =	simm.s32 $0x300;
	s17 =	simm.s32 $0x780;
	s16 =	simm.s32 $0x380  }
0x200: {  	s15 =	stileid.u32;
	s1 =	simm.s32 $0x80;
	s31 =	simm.s32 $0x480  }
.Lfunc_end2:
_tile_overlayer_lowered:
.L_overlay_start_2:
0x201: {  	(tag) =	ssettag $0x2  }
0x202: {  	s0 =	rddreg [dreg:$0x0];
	s2 =	stileid.u32  }
0x203: {  	s1 =	rddreg [dreg:$0x1];
	p0 =	sne.s32 s2, $0x0  }
0x204: {  	s3 =	rddreg [dreg:$0x2];
	[bflag:$0x3] =	sbarrier.arrive $0xFFFF;
	s2 =	simm.s32 @!p0 $0x1C05  }
0x205: {  	[timem:s3], [sflag:s2] =	dma.local @!p0 [hbm:s0], s1  }
0x206: {  	s0 =	simm.s32 @!p0 $0x5  }
0x207: {  	_ =	swait.ge @!p0 [sflag:s0], s1  }
0x208: {  	s1 =	ssub.s32 @!p0 $0x0, s1;
	[sflag:s0] =	ssyncset.done @!p0 $0x0  }
0x209: {  	[sflag:s0] =	ssyncadd.s32 @!p0 s1  }
0x20a: {  	[bflag:$0x3] =	sbarrier.arrive $0xFFFF  }
0x20b: {  	_ =	shalt  }

// kernel: _run.9.cloned.1.call-start
scs
__scs_entry_jumppad:
0x0: {  	(pc) =	sbr.rel $0x88, $3  }
0x1: {  	(tag) =	ssettag $0x0;
	lr =	simm.s32 $0x1  }
0x2: {  	[smem:$0x3F95] =	sst lr;
	_ =	strace $0xD0000000  }
0x3: {  	_ = 	snop  }
0x4: {  	_ = 	snop  }
0x5: {  	_ = 	snop  }
0x6: {  	_ = 	snop  }
0x7: {  	_ = 	snop  }
__scs_overlays_trampoline_lowered:
0x8: {  	[smem:$0x3FA4] =	sst s0  }
0x9: {  	[smem:$0x3FA5] =	sst s1  }
0xa: {  	[smem:$0x3FA6] =	sst s2  }
0xb: {  	[smem:$0x3FA7] =	sst s3  }
0xc: {  	[smem:$0x3FA8] =	sst s4  }
0xd: {  	[smem:$0x3FA9] =	sst s5  }
0xe: {  	[smem:$0x3FAA] =	sst s6  }
0xf: {  	[smem:$0x3FAB] =	sst s7  }
0x10: {  	[smem:$0x3FAC] =	sst s8  }
0x11: {  	[smem:$0x3FAD] =	sst s9;
	s0 =	simm.s32 @!p0 $0x0  }
0x12: {  	s1 =	sld [smem:$0x3F93];
	s0 =	simm.s32 @p0 $0x1  }
0x13: {  	[smem:$0x3FAE] =	sst s0;
	s0 =	simm.s32 @!p1 $0x0  }
0x14: {  	s2 =	sld [smem:$0x3F92];
	s0 =	simm.s32 @p1 $0x1  }
0x15: {  	[smem:$0x3FAF] =	sst s0;
	s0 =	simm.s32 @!p2 $0x0  }
0x16: {  	s3 =	sld [smem:$0x3FDB];
	s0 =	simm.s32 @p2 $0x1  }
0x17: {  	s4 =	simm.s32 $0x1BF5;
	[smem:$0x3FB1] =	sst s0  }
0x18: {  	s0 =	sld [smem:$0x3F94];
	_ =	swait.ge [sflag:s4], $0x0  }
0x19: {  	s7 =	sld [smem:$0x3F95]  }
0x1a: {  	s8 =	sadd.s32 $0xFFFFE003, lr  }
0x1b: {  	s9 =	sadd.s32 $0xFFFFFEF7, lr;
	s5 =	simm.s32 $0xFFFFFFFF;
	p2 =	slt.u32 s8, $0xFFFFF086  }
0x1c: {  	p1 =	slt.u32 s9, $0xF7A;
	s5 =	simm.s32 @!p2 $0x0  }
0x1d: {  	s5 =	simm.s32 @p1 $0x1;
	p0 =	seq.s32 s7, s2  }
0x1e: {  	s7 =	smul.u32 @!p0 $0xF7A, s2;
	p2 =	seq.s32 @!p0 s5, $0x0  }
0x1f: {  	s9 =	smul.u32 $0xF7A, s1;
	s8 =	simm.s32 @!p0 $0x1BF5;
	p2 =	por !p2, p0  }
0x20: {  	[sflag:s8] =	ssyncset.s32 @!p0 $0xFFFFF086;
	s6 =	sadd.s32 @!p0 s3, s7;
	s7 =	simm.s32 @!p0 $0x108  }
0x21: {  	s3 =	sadd.s32 s3, s9;
	s6 =	sadd.s32 @!p0 $0x88, s6;
	s7 =	simm.s32 @p2 $0x1082  }
0x22: {  	[simem:s7], [sflag:s8] =	dma.local @!p0 [hbm:s6], $0xF7A  }
0x23: {  	s9 =	sor.u32 $0xD0000000, s2;
	s6 =	simm.s32 $0x108;
	_ =	swait.ge @!p0 [sflag:s8], $0x0  }
0x24: {  	s3 =	sadd.s32 $0x88, s3;
	s6 =	simm.s32 @!p1 $0x1082;
	[sflag:s4] =	ssyncset.s32 $0xFFFFF086  }
0x25: {  	[simem:s6], [sflag:s4] =	dma.local [hbm:s3], $0xF7A  }
0x26: {  	[smem:$0x3F95] =	sst s1;
	(tag) =	ssettag s2;
	_ =	strace s9  }
0x27: {  	s1 =	sld [smem:$0x3FA5]  }
0x28: {  	s2 =	sld [smem:$0x3FA6]  }
0x29: {  	s4 =	sld [smem:$0x3FA8]  }
0x2a: {  	p0 =	seq.s32 s5, $0x0;
	s5 =	sld [smem:$0x3FA9]  }
0x2b: {  	s6 =	sld [smem:$0x3FAA]  }
0x2c: {  	s7 =	sld [smem:$0x3FAB]  }
0x2d: {  	s3 =	simm.s32 $0x108;
	s8 =	sld [smem:$0x3FAC]  }
0x2e: {  	s3 =	simm.s32 @!p0 $0x1082;
	s9 =	sld [smem:$0x3FAD]  }
0x2f: {  	lr =	sadd.s32 s0, s3;
	s0 =	sld [smem:$0x3FA4]  }
0x30: {  	s3 =	sld [smem:$0x3FA7]  }
0x31: {  	[smem:$0x3FB0] =	sst s10  }
0x32: {  	s10 =	sld [smem:$0x3FAE];
	_ =	sdelay $0x3  }
0x33: {  	p0 =	seq.s32 s10, $0x1;
	s10 =	sld [smem:$0x3FB0];
	_ =	sdelay $0x3  }
0x34: {  	[smem:$0x3FB0] =	sst s10  }
0x35: {  	s10 =	sld [smem:$0x3FAF];
	_ =	sdelay $0x3  }
0x36: {  	p1 =	seq.s32 s10, $0x1;
	s10 =	sld [smem:$0x3FB0];
	_ =	sdelay $0x3  }
0x37: {  	[smem:$0x3FB0] =	sst s10  }
0x38: {  	s10 =	sld [smem:$0x3FB1]  }
0x39: {  	_ = 	snop;
	(pc) =	sbr.ind lr, $3  }
0x3a: {  	_ = 	snop  }
0x3b: {  	_ = 	snop  }
0x3c: {  	p2 =	seq.s32 s10, $0x1;
	s10 =	sld [smem:$0x3FB0]  }
0x3d: {  	_ =	shalt  }
0x3e: {  	_ =	shalt  }
0x3f: {  	_ =	shalt  }
0x40: {  	_ =	shalt  }
0x41: {  	_ =	shalt  }
0x42: {  	_ =	shalt  }
0x43: {  	_ =	shalt  }
0x44: {  	_ =	shalt  }
0x45: {  	_ =	shalt  }
0x46: {  	_ =	shalt  }
0x47: {  	_ =	shalt  }
0x48: {  	_ =	shalt  }
0x49: {  	_ =	shalt  }
0x4a: {  	_ =	shalt  }
0x4b: {  	_ =	shalt  }
0x4c: {  	_ =	shalt  }
0x4d: {  	_ =	shalt  }
0x4e: {  	_ =	shalt  }
0x4f: {  	_ =	shalt  }
0x50: {  	_ =	shalt  }
0x51: {  	_ =	shalt  }
0x52: {  	_ =	shalt  }
0x53: {  	_ =	shalt  }
0x54: {  	_ =	shalt  }
0x55: {  	_ =	shalt  }
0x56: {  	_ =	shalt  }
0x57: {  	_ =	shalt  }
0x58: {  	_ =	shalt  }
0x59: {  	_ =	shalt  }
0x5a: {  	_ =	shalt  }
0x5b: {  	_ =	shalt  }
0x5c: {  	_ =	shalt  }
0x5d: {  	_ =	shalt  }
0x5e: {  	_ =	shalt  }
0x5f: {  	_ =	shalt  }
0x60: {  	_ =	shalt  }
0x61: {  	_ =	shalt  }
0x62: {  	_ =	shalt  }
0x63: {  	_ =	shalt  }
0x64: {  	_ =	shalt  }
0x65: {  	_ =	shalt  }
0x66: {  	_ =	shalt  }
0x67: {  	_ =	shalt  }
0x68: {  	_ =	shalt  }
0x69: {  	_ =	shalt  }
0x6a: {  	_ =	shalt  }
0x6b: {  	_ =	shalt  }
0x6c: {  	_ =	shalt  }
0x6d: {  	_ =	shalt  }
0x6e: {  	_ =	shalt  }
0x6f: {  	_ =	shalt  }
0x70: {  	_ =	shalt  }
0x71: {  	_ =	shalt  }
0x72: {  	_ =	shalt  }
0x73: {  	_ =	shalt  }
0x74: {  	_ =	shalt  }
0x75: {  	_ =	shalt  }
0x76: {  	_ =	shalt  }
0x77: {  	_ =	shalt  }
0x78: {  	_ =	shalt  }
0x79: {  	_ =	shalt  }
0x7a: {  	_ =	shalt  }
0x7b: {  	_ =	shalt  }
0x7c: {  	_ =	shalt  }
0x7d: {  	_ =	shalt  }
0x7e: {  	_ =	shalt  }
0x7f: {  	_ =	shalt  }
0x80: {  	_ =	shalt  }
0x81: {  	_ =	shalt  }
0x82: {  	_ =	shalt  }
0x83: {  	_ =	shalt  }
0x84: {  	_ =	shalt  }
0x85: {  	_ =	shalt  }
0x86: {  	_ =	shalt  }
0x87: {  	_ =	shalt  }
.Lfunc_end0:
.L_simem_size_0:
called_computation_lowered:
.L_overlay_start_0:
0x88: {  	s2 =	sld [smem:$0x3FD9]  }
0x89: {  	s3 =	sld [smem:$0x3FFE];
	_ =	sdelay $0x1  }
0x8a: {  	s1 =	srdreg.scid  }
0x8b: {  	s0 =	sand.u32 $0x1, s1  }
0x8c: {  	s14 =	sshll.u32 s0, $0xA;
	s2 =	sadd.s32 s3, s2  }
0x8d: {  	s2 =	sadd.s32 s2, s14  }
0x8e: {  	[smem:$0x3FBC] =	sst s2  }
0x8f: {  	_ = 	snop  }
0x90: {  	s2 =	sld [smem:$0x3FD0];
	_ =	sdelay $0x2  }
0x91: {  	s15 =	simm.s32 $0xC;
	s4 =	simm.s32 $0x10  }
0x92: {  	[smem:s4], [sflag:s15] =	dma.local [hbm:s2], $0x1  }
0x93: {  	_ =	swait.eq [sflag:s15], $0x1  }
0x94: {  	[sflag:s15] =	ssyncset.done $0x0  }
0x95: {  	s16 =	sld [smem:$0x10];
	[sflag:s15] =	ssyncadd.s32 $0xFFFFFFFF  }
0x96: {  	s17 =	sld [smem:$0x11];
	(tm) =	ssettm $0x1  }
0x97: {  	s18 =	sld [smem:$0x3FFB];
	_ =	sdelay $0x3  }
0x98: {  	_ =	strace s18  }
0x99: {  	s4 =	sld [smem:$0x3FFC];
	_ =	sdelay $0x3  }
0x9a: {  	_ =	strace s4  }
0x9b: {  	s4 =	sld [smem:$0x3FFD];
	_ =	sdelay $0x3  }
0x9c: {  	_ =	strace s4  }
0x9d: {  	_ =	strace $0x8FFFFFFF  }
0x9e: {  	s19 =	sld [smem:$0x3FDB];
	_ =	sdelay $0x1  }
0x9f: {  	s5 =	simm.s32 $_scs_section_size  }
0xa0: {  	s6 =	simm.s32 $_size__tile_overlayer_lowered;
	s7 =	simm.s32 $_tile_overlayer_lowered  }
0xa1: {  	s22 =	simm.s32 $0x1BFF;
	s21 =	sshll.u32 s7, $0x1;
	s4 =	sadd.s32 s5, s19  }
0xa2: {  	s8 =	simm.s32 $0x0;
	s20 =	sshll.u32 s6, $0x1;
	s6 =	sadd.s32 s21, s4  }
0xa3: {  	[timem:s8], [sflag:s22] =	dma.local [hbm:s6], s20  }
0xa4: {  	_ =	swait.ge [sflag:s22], s20  }
0xa5: {  	s5 =	ssub.s32 $0x0, s20;
	[sflag:s22] =	ssyncset.done $0x0  }
0xa6: {  	[sflag:s22] =	ssyncadd.s32 s5;
	_ =	sdelay $0x1  }
0xa7: {  	s23 =	simm.s32 $0x1B8B  }
0xa8: {  	_ =	swait.ge [sflag:s23], $0x1  }
0xa9: {  	[sflag:s23] =	ssyncset.done $0x0  }
0xaa: {  	s25 =	simm.s32 $0x1B8E;
	s24 =	sld [smem:$0x3FFE];
	[sflag:s23] =	ssyncadd.s32 $0xFFFFFFFF  }
0xab: {  	s26 =	simm.s32 $execute0_lowered;
	[smem:$0x3FD2] =	sst s25  }
0xac: {  	s6 =	sshll.u32 s26, $0x1;
	_ =	strace $0x80000046;
	[dreg:$0x1] =	wrdreg $0xFFFFFFFF  }
0xad: {  	s28 =	simm.s32 $_size_execute0_lowered;
	s4 =	sadd.s32 s4, s6;
	[dreg:$0x0] =	wrdreg $0x0  }
0xae: {  	s6 =	sshll.u32 s28, $0x1;
	[dreg:$0x2] =	wrdreg s4  }
0xaf: {  	[dreg:$0x3] =	wrdreg s6  }
0xb0: {  	[dreg:$0x4] =	wrdreg $0xC0  }
0xb1: {  	_ =	task [dreg:s8], $0x5FFFF  }
0xb2: {  	[dreg:$0x1] =	wrdreg $0xFFFFFFFF  }
0xb3: {  	[dreg:$0x0] =	wrdreg $0x60  }
0xb4: {  	[dreg:$0x2] =	wrdreg s24  }
0xb5: {  	[dreg:$0x3] =	wrdreg s16  }
0xb6: {  	[dreg:$0x4] =	wrdreg s17  }
0xb7: {  	[dreg:$0x5] =	wrdreg $0x9  }
0xb8: {  	_ =	task.clear_ibuf [dreg:s8], $0x6FFFF;
	_ =	strace $0x90000046  }
0xb9: {  	s29 =	simm.s32 $0x9;
	_ =	strace $0x80000048  }
0xba: {  	_ =	swait.ge [sflag:s29], $0x1  }
0xbb: {  	[sflag:s29] =	ssyncadd.s32 $0xFFFFFFFF  }
0xbc: {  	_ =	strace $0x90000048  }
0xbd: {  	_ =	sfence  }
0xbe: {  	s30 =	sld [smem:$0x0];
	_ =	sdelay $0x2  }
0xbf: {  	s31 =	sshll.u32 s1, $0xD;
	s1 =	sshrl.u32 s1, $0x2  }
0xc0: {  	s3 =	sand.u32 $0x4000, s31;
	s1 =	sadd.s32 s1, s30  }
0xc1: {  	s0 =	sor.u32 s3, s0;
	s1 =	sshll.u32 s1, $0x11  }
0xc2: {  	s0 =	sor.u32 s1, s0  }
0xc3: {  	s0 =	sadd.s32 $0x8F2B, s0  }
0xc4: {  	[sflag:s0] =	ssyncadd.remote.s32 $0x1  }
0xc5: {  	_ =	sfence.sel $0xFFFF  }
0xc6: {  	[dreg:$0x0] =	wrdreg $0xFFFFFFFF;
	(pc) =	sbr.abs _section_cstart, $3  }
0xc7: {  	[dreg:$0x1] =	wrdreg $0xFFFFFFFF  }
0xc8: {  	_ =	task.clear_ibuf [dreg:s8], $0x2FFFF;
	_ =	strace $0x9FFFFFFF  }
0xc9: {  	(tm) =	ssettm $0x7FFFFFFF  }
tec
execute0_lowered:
.L_overlay_start_1:
0x0: {  	(tag) =	ssettag $0x1  }
0x1: {  	s0 =	rddreg [dreg:$0x0]  }
0x2: {  	s1 =	rddreg [dreg:$0x1]  }
0x3: {  	s3 =	srdreg.scid;
	s13 =	stileid.u32  }
0x4: {  	s2 =	rddreg [dreg:$0x2];
	s15 =	simm.s32 $0x5;
	s16 =	simm.s32 $0xC00  }
0x5: {  	s17 =	simm.s32 $0x40;
	s18 =	simm.s32 $0x1800;
	s19 =	simm.s32 $0x3800  }
0x6: {  	s21 =	simm.s32 $0x5800;
	s22 =	simm.s32 $0xC80;
	s23 =	simm.s32 $0x7800  }
0x7: {  	s24 =	simm.s32 $0x1;
	s28 =	simm.s32 $0x4;
	s12 =	smul.u32 $0x24, s13  }
0x8: {  	s29 =	simm.s32 $0x0;
	s10 =	sand.u32 $0x1, s3;
	s30 =	smul.u32 $0x9000, s13  }
0x9: {  	s4 =	sshll.u32 s13, $0x1;
	s3 =	simm.s32 $0x0;
	s26 =	smul.u32 $0x12, s10  }
0xa: {  	s5 =	sor.u32 s10, s4;
	[smem:$0x7FF] =	sst s3;
	s14 =	smul.u32 $0x4800, s10  }
0xb: {  	s4 =	sadd.s32 $0x7000, s0;
	s7 =	ssub.s32 $0x2, s10;
	s6 =	smul.u32 $0x180, s5  }
0xc: {  	_ =	strace $0x80000047;
	s9 =	sshrl.u32 s7, $0x1;
	s11 =	smul.u32 $0x4800, s5  }
0xd: {  	s5 =	sadd.s32 $0x18DA00, s0;
	s25 =	ssub.s32 s7, s9;
	s8 =	sadd.s32 s6, s0  }
0xe: {  	s6 =	sadd.s32 s1, s6;
	s9 =	sadd.s32 s2, s11;
	s31 =	sor.u32 $0x400, s11  }
0xf: {  	s1 =	sadd.s32 s26, s12;
	s10 =	sadd.s32 s5, s11;
	s0 =	sadd.s32 s14, s30  }
0x10: {  	s26 =	simm.s32 $0x3;
	s7 =	sadd.s32 $0x4000, s8;
	s8 =	smax.u32 s25, $0x1  }
0x11: {  	s11 =	sadd.s32 s2, s31;
	s1 =	sshll.u32 s1, $0xA;
	s12 =	sadd.s32 s5, s31  }
0x12: {  	s14 =	sadd.s32 $0x800, s0;
	s25 =	simm.s32 $0x2;
	s13 =	sadd.s32 $0xC00, s1  }
.LBB2_1:
0x13: {  	[tilespmem:s3], [sflag:$0x5] =	stream.linear.gather [hbm4b:s6+s3], $0x900, $0x38;
	[tilespmem:$0x9800] =	vst v63  }
0x14: {  	_ =	swait.ge [sflag:s15], $0x900  }
0x15: {  	[sflag:s15] =	ssyncset.done $0x0  }
0x16: {  	[sflag:s15] =	ssyncadd.s32 $0xFFFFF700  }
0x17: {  	[tilespmem:s16], [sflag:$0x5] =	stream.linear.gather [hbm4b:s7+s3], $0x900, $0x38;
	[tilespmem:$0x9800] =	vst v63  }
0x18: {  	_ =	swait.ge [sflag:s15], $0x900  }
0x19: {  	[sflag:s15] =	ssyncset.done $0x0  }
0x1a: {  	[sflag:s15] =	ssyncadd.s32 $0xFFFFF700  }
0x1b: {  	[tilespmem:s18], [sflag:$0x1] =	stream.indirect.gather [hbm4b:s4+s17], $0x80, s3, s17, $0xb8;
	[tilespmem:$0x9800] =	vst v63  }
0x1c: {  	_ = 	snop  }
0x1d: {  	[tilespmem:s19], [sflag:$0x1] =	stream.indirect.gather [hbm4b:s4+s17], $0x80, s16, s17, $0xb8;
	[tilespmem:$0x9800] =	vst v63  }
0x1e: {  	s0 =	simm.s32 $0x80  }
0x1f: {  	[tilespmem:s21], [sflag:$0x2] =	stream.indirect.gather [hbm4b:s4+s17], $0x80, s0, s17, $0xb8;
	[tilespmem:$0x9800] =	vst v63  }
0x20: {  	_ = 	snop  }
0x21: {  	[tilespmem:s23], [sflag:$0x2] =	stream.indirect.gather [hbm4b:s4+s17], $0x80, s22, s17, $0xb8;
	[tilespmem:$0x9800] =	vst v63  }
0x22: {  	_ =	swait.ge [sflag:s24], $0x2000  }
0x23: {  	[sflag:s24] =	ssyncset.done $0x0  }
0x24: {  	[sflag:s24] =	ssyncadd.s32 $0xFFFFE000  }
0x25: {  	_ =	swait.ge [sflag:s24], $0x2000  }
0x26: {  	[sflag:s24] =	ssyncset.done $0x0  }
0x27: {  	[sflag:s24] =	ssyncadd.s32 $0xFFFFE000  }
0x28: {  	[hbm4b:s9+s3] =	stream.linear.scatter [tilespmem:s18], [sflag:$0x3], $0x2000, $0x38;
	[tilespmem:$0x9800] =	vst v63  }
0x29: {  	_ = 	snop  }
0x2a: {  	[hbm4b:s10+s3] =	stream.linear.scatter [tilespmem:s19], [sflag:$0x3], $0x2000, $0x38;
	[tilespmem:$0x9800] =	vst v63  }
0x2b: {  	_ =	swait.ge [sflag:s25], $0x2000  }
0x2c: {  	[sflag:s25] =	ssyncset.done $0x0  }
0x2d: {  	[sflag:s25] =	ssyncadd.s32 $0xFFFFE000  }
0x2e: {  	_ =	swait.ge [sflag:s25], $0x2000  }
0x2f: {  	[sflag:s25] =	ssyncset.done $0x0  }
0x30: {  	[sflag:s25] =	ssyncadd.s32 $0xFFFFE000  }
0x31: {  	[hbm4b:s11+s3] =	stream.linear.scatter [tilespmem:s21], [sflag:$0x4], $0x2000, $0x38;
	[tilespmem:$0x9800] =	vst v63  }
0x32: {  	_ = 	snop  }
0x33: {  	[hbm4b:s12+s3] =	stream.linear.scatter [tilespmem:s23], [sflag:$0x4], $0x2000, $0x38;
	[tilespmem:$0x9800] =	vst v63  }
0x34: {  	_ =	swait.ge [sflag:s26], $0x2000  }
0x35: {  	[sflag:s26] =	ssyncset.done $0x0  }
0x36: {  	[sflag:s26] =	ssyncadd.s32 $0xFFFFE000  }
0x37: {  	_ =	swait.ge [sflag:s26], $0x2000  }
0x38: {  	[sflag:s26] =	ssyncset.done $0x0  }
0x39: {  	s20 =	simm.s32 $0x100;
	[sflag:s26] =	ssyncadd.s32 $0xFFFFE000  }
0x3a: {  	[tilespmem:s18], [sflag:$0x1] =	stream.indirect.gather [hbm4b:s4+s17], $0x80, s20, s17, $0xb8;
	[tilespmem:$0x9800] =	vst v63  }
0x3b: {  	s1 =	simm.s32 $0xD00  }
0x3c: {  	[tilespmem:s19], [sflag:$0x1] =	stream.indirect.gather [hbm4b:s4+s17], $0x80, s1, s17, $0xb8;
	[tilespmem:$0x9800] =	vst v63  }
0x3d: {  	_ =	swait.ge [sflag:s28], $0x2000  }
0x3e: {  	[sflag:s28] =	ssyncset.done $0x0  }
0x3f: {  	[sflag:s28] =	ssyncadd.s32 $0xFFFFE000  }
0x40: {  	_ =	swait.ge [sflag:s28], $0x2000  }
0x41: {  	[sflag:s28] =	ssyncset.done $0x0  }
0x42: {  	s20 =	simm.s32 $0x180;
	[sflag:s28] =	ssyncadd.s32 $0xFFFFE000  }
0x43: {  	[tilespmem:s21], [sflag:$0x2] =	stream.indirect.gather [hbm4b:s4+s17], $0x80, s20, s17, $0xb8;
	[tilespmem:$0x9800] =	vst v63  }
0x44: {  	s1 =	simm.s32 $0xD80  }
0x45: {  	[tilespmem:s23], [sflag:$0x2] =	stream.indirect.gather [hbm4b:s4+s17], $0x80, s1, s17, $0xb8;
	[tilespmem:$0x9800] =	vst v63  }
0x46: {  	_ =	swait.ge [sflag:s24], $0x2000  }
0x47: {  	[sflag:s24] =	ssyncset.done $0x0  }
0x48: {  	[sflag:s24] =	ssyncadd.s32 $0xFFFFE000  }
0x49: {  	_ =	swait.ge [sflag:s24], $0x2000  }
0x4a: {  	[sflag:s24] =	ssyncset.done $0x0  }
0x4b: {  	s20 =	sadd.s32 s14, s2;
	[sflag:s24] =	ssyncadd.s32 $0xFFFFE000  }
0x4c: {  	[hbm4b:s20+s3] =	stream.linear.scatter [tilespmem:s18], [sflag:$0x3], $0x2000, $0x38;
	[tilespmem:$0x9800] =	vst v63  }
0x4d: {  	s1 =	sadd.s32 s14, s5  }
0x4e: {  	[hbm4b:s1+s3] =	stream.linear.scatter [tilespmem:s19], [sflag:$0x3], $0x2000, $0x38;
	[tilespmem:$0x9800] =	vst v63  }
0x4f: {  	_ =	swait.ge [sflag:s25], $0x2000  }
0x50: {  	[sflag:s25] =	ssyncset.done $0x0  }
0x51: {  	[sflag:s25] =	ssyncadd.s32 $0xFFFFE000  }
0x52: {  	s30 =	simm.s32 $0x400;
	_ =	swait.ge [sflag:s25], $0x2000  }
0x53: {  	s31 =	sadd.s32 $0x800, s13;
	s0 =	sadd.s32 s13, s5;
	[sflag:s25] =	ssyncset.done $0x0  }
0x54: {  	s20 =	sadd.s32 s13, s2;
	s1 =	sadd.s32 $0x800, s14;
	[sflag:s25] =	ssyncadd.s32 $0xFFFFE000  }
0x55: {  	[hbm4b:s20+s3] =	stream.linear.scatter [tilespmem:s21], [sflag:$0x4], $0x2000, $0x38;
	[tilespmem:$0x9800] =	vst v63  }
.LBB2_2:
0x56: {  	[hbm4b:s0+s3] =	stream.linear.scatter [tilespmem:s23], [sflag:$0x4], $0x2000, $0x38;
	[tilespmem:$0x9800] =	vst v63  }
0x57: {  	s0 =	smov.u32 s30  }
0x58: {  	p0 =	sne.s32 s30, $0x1C00;
	s30 =	sadd.s32 $0x400, s30;
	_ =	swait.ge [sflag:s26], $0x2000  }
0x59: {  	[sflag:s26] =	ssyncset.done $0x0  }
0x5a: {  	[sflag:s26] =	ssyncadd.s32 $0xFFFFE000  }
0x5b: {  	_ =	swait.ge [sflag:s26], $0x2000  }
0x5c: {  	s0 =	sshra.s32 s0, $0x2;
	[sflag:s26] =	ssyncset.done $0x0  }
0x5d: {  	s20 =	sadd.s32 $0x100, s0;
	[sflag:s26] =	ssyncadd.s32 $0xFFFFE000  }
0x5e: {  	[tilespmem:s18], [sflag:$0x1] =	stream.indirect.gather [hbm4b:s4+s17], $0x80, s20, s17, $0xb8;
	[tilespmem:$0x9800] =	vst v63  }
0x5f: {  	s20 =	sadd.s32 $0xD00, s0  }
0x60: {  	[tilespmem:s19], [sflag:$0x1] =	stream.indirect.gather [hbm4b:s4+s17], $0x80, s20, s17, $0xb8;
	[tilespmem:$0x9800] =	vst v63  }
0x61: {  	_ =	swait.ge [sflag:s28], $0x2000  }
0x62: {  	[sflag:s28] =	ssyncset.done $0x0  }
0x63: {  	[sflag:s28] =	ssyncadd.s32 $0xFFFFE000  }
0x64: {  	_ =	swait.ge [sflag:s28], $0x2000  }
0x65: {  	[sflag:s28] =	ssyncset.done $0x0  }
0x66: {  	s20 =	sadd.s32 $0x180, s0;
	[sflag:s28] =	ssyncadd.s32 $0xFFFFE000  }
0x67: {  	[tilespmem:s21], [sflag:$0x2] =	stream.indirect.gather [hbm4b:s4+s17], $0x80, s20, s17, $0xb8;
	[tilespmem:$0x9800] =	vst v63  }
0x68: {  	s0 =	sadd.s32 $0xD80, s0  }
0x69: {  	[tilespmem:s23], [sflag:$0x2] =	stream.indirect.gather [hbm4b:s4+s17], $0x80, s0, s17, $0xb8;
	[tilespmem:$0x9800] =	vst v63  }
0x6a: {  	_ =	swait.ge [sflag:s24], $0x2000  }
0x6b: {  	[sflag:s24] =	ssyncset.done $0x0  }
0x6c: {  	[sflag:s24] =	ssyncadd.s32 $0xFFFFE000  }
0x6d: {  	_ =	swait.ge [sflag:s24], $0x2000  }
0x6e: {  	[sflag:s24] =	ssyncset.done $0x0  }
0x6f: {  	s0 =	sadd.s32 s1, s2;
	[sflag:s24] =	ssyncadd.s32 $0xFFFFE000  }
0x70: {  	[hbm4b:s0+s3] =	stream.linear.scatter [tilespmem:s18], [sflag:$0x3], $0x2000, $0x38;
	[tilespmem:$0x9800] =	vst v63  }
0x71: {  	s0 =	sadd.s32 s1, s5  }
0x72: {  	[hbm4b:s0+s3] =	stream.linear.scatter [tilespmem:s19], [sflag:$0x3], $0x2000, $0x38;
	[tilespmem:$0x9800] =	vst v63  }
0x73: {  	_ =	swait.ge [sflag:s25], $0x2000  }
0x74: {  	[sflag:s25] =	ssyncset.done $0x0  }
0x75: {  	[sflag:s25] =	ssyncadd.s32 $0xFFFFE000  }
.Ltmp0:
0x76: {  	_ =	swait.ge [sflag:s25], $0x2000;
	(pc) =	sbr.rel @p0 .LBB2_2-.Ltmp0, $4  }
0x77: {  	[sflag:s25] =	ssyncset.done $0x0  }
0x78: {  	s0 =	sadd.s32 s31, s2;
	[sflag:s25] =	ssyncadd.s32 $0xFFFFE000  }
0x79: {  	[hbm4b:s0+s3] =	stream.linear.scatter [tilespmem:s21], [sflag:$0x4], $0x2000, $0x38;
	[tilespmem:$0x9800] =	vst v63  }
0x7a: {  	s1 =	sadd.s32 $0x800, s1;
	s0 =	sadd.s32 s31, s5;
	s31 =	sadd.s32 $0x800, s31  }
0x7b: {  	[hbm4b:s0+s3] =	stream.linear.scatter [tilespmem:s23], [sflag:$0x4], $0x2000, $0x38;
	[tilespmem:$0x9800] =	vst v63  }
0x7c: {  	_ =	swait.ge [sflag:s26], $0x2000  }
0x7d: {  	[sflag:s26] =	ssyncset.done $0x0  }
0x7e: {  	[sflag:s26] =	ssyncadd.s32 $0xFFFFE000  }
0x7f: {  	_ =	swait.ge [sflag:s26], $0x2000  }
0x80: {  	[sflag:s26] =	ssyncset.done $0x0  }
0x81: {  	s29 =	sadd.s32 $0x1, s29;
	[sflag:s26] =	ssyncadd.s32 $0xFFFFE000  }
0x82: {  	p0 =	sne.s32 s29, s8;
	_ =	swait.ge [sflag:s28], $0x2000  }
.Ltmp1:
0x83: {  	[sflag:s28] =	ssyncset.done $0x0;
	(pc) =	sbr.rel @p0 .LBB2_1-.Ltmp1, $4  }
0x84: {  	[sflag:s28] =	ssyncadd.s32 $0xFFFFE000  }
0x85: {  	_ =	swait.ge [sflag:s28], $0x2000  }
0x86: {  	[sflag:s28] =	ssyncset.done $0x0  }
0x87: {  	[sflag:s28] =	ssyncadd.s32 $0xFFFFE000  }
0x88: {  	_ =	sfence.sel $0x180000  }
0x89: {  	[bflag:$0x0] =	sbarrier.arrive $0xFFFF  }
0x8a: {  	_ =	strace $0x90000047  }
0x8b: {  	s0 =	stileid.u32;
	[bflag:$0x2] =	sbarrier.arrive $0xFFFF  }
0x8c: {  	p0 =	sne.s32 s0, $0x0;
	s0 =	rddreg [dreg:$0x3]  }
0x8d: {  	s0 =	sadd.s32 @!p0 $0x100000, s0  }
0x8e: {  	[sflag:s0] =	ssyncadd.tile.s32 @!p0 $0x1;
	_ =	shalt  }
.Lfunc_end2:
_tile_overlayer_lowered:
.L_overlay_start_2:
0x8f: {  	(tag) =	ssettag $0x2  }
0x90: {  	s0 =	rddreg [dreg:$0x0];
	s2 =	stileid.u32  }
0x91: {  	s1 =	rddreg [dreg:$0x1];
	p0 =	sne.s32 s2, $0x0  }
0x92: {  	s3 =	rddreg [dreg:$0x2];
	[bflag:$0x3] =	sbarrier.arrive $0xFFFF;
	s2 =	simm.s32 @!p0 $0x1C05  }
0x93: {  	[timem:s3], [sflag:s2] =	dma.local @!p0 [hbm:s0], s1  }
0x94: {  	s0 =	simm.s32 @!p0 $0x5  }
0x95: {  	_ =	swait.ge @!p0 [sflag:s0], s1  }
0x96: {  	s1 =	ssub.s32 @!p0 $0x0, s1;
	[sflag:s0] =	ssyncset.done @!p0 $0x0  }
0x97: {  	[sflag:s0] =	ssyncadd.s32 @!p0 s1  }
0x98: {  	[bflag:$0x3] =	sbarrier.arrive $0xFFFF  }
0x99: {  	_ =	shalt  }

</sc_bundles>
